<compile_context>
chip_gen: v7x
topology: tpu7x:2x2x1
jax: 0.10.2.dev20260603
libtpu: 0.0.44.dev20260713+nightly
codegen_flags: <defaults>
</compile_context>

<pallas_src>
import functools

import jax
import jax.numpy as jnp
import numpy as np
from jax import lax
from jax.experimental import pallas as pl
from jax.experimental.pallas import tpu as pltpu
from jax.experimental.pallas import tpu_sc as plsc

B = 128
N = 32768
L = 16
NC = 2
NS = 16
NW = NC * NS
RPW = B // NW
NV = N // L
NB12 = 4096
NB8 = 256
UNROLL = 8

_I32_MIN = np.int32(-(2 ** 31))


def _bkey(v):
    b = lax.bitcast_convert_type(v, jnp.int32)
    m = lax.shift_right_arithmetic(b, 31)
    return lax.bitwise_xor(b, lax.bitwise_or(m, _I32_MIN))


def _lo16(x):
    return lax.bitwise_and(x, jnp.int32(0xFFFF))


def _hi16(x):
    return lax.shift_right_logical(x, 16)


def _body(scores_hbm, params_hbm, out_hbm,
          buf0, buf1, keys, hist, cumbuf, tots, params_v,
          isem0, isem1, osem0, osem1):
    wid = lax.axis_index("s") * NC + lax.axis_index("c")
    row0 = wid * RPW

    pltpu.sync_copy(params_hbm, params_v)
    k_lo = params_v[pl.ds(0, L)]
    k_hi = params_v[pl.ds(L, L)]

    zeros = jnp.zeros((L,), jnp.int32)
    lanes = lax.iota(jnp.int32, L)
    idx15 = jnp.full((L,), L - 1, jnp.int32)
    lane0 = lanes == 0
    r1_val = jnp.full((L,), 65537, jnp.int32)

    @plsc.parallel_loop(0, NB12 // L, unroll=4)
    def _(i):
        hist[pl.ds(i * L, L)] = zeros

    def big_scan(kres_lo, kres_hi):
        @plsc.parallel_loop(0, NB12 // L, unroll=4)
        def _(v):
            acc = hist[pl.ds(v * L, L)]
            hist[pl.ds(v * L, L)] = zeros
            cum = plsc.cumsum(acc)
            cumbuf[pl.ds(v * L, L)] = cum
            plsc.store_compressed(tots.at[pl.ds(v, L)], cum[idx15],
                                  mask=lane0)

        def b_body(w, c):
            carry, nv_lo, nv_hi, evm_lo, evm_hi = c
            tv = tots[pl.ds(w * L, L)]
            ctv = plsc.cumsum(tv) + carry
            c_lo = _lo16(ctv)
            c_hi = _hi16(ctv)
            m_lo = c_lo < kres_lo
            m_hi = c_hi < kres_hi
            nv_lo = nv_lo + plsc.all_reduce_population_count(m_lo)
            nv_hi = nv_hi + plsc.all_reduce_population_count(m_hi)
            evm_lo = jnp.maximum(evm_lo, jnp.where(m_lo, c_lo, 0))
            evm_hi = jnp.maximum(evm_hi, jnp.where(m_hi, c_hi, 0))
            carry = ctv[idx15]
            return carry, nv_lo, nv_hi, evm_lo, evm_hi

        _, vs_lo, vs_hi, evm_lo, evm_hi = lax.fori_loop(
            0, NB12 // L // L, b_body, (zeros, zeros, zeros, zeros, zeros))

        def boundary(vstar, kres, unpack, evm):
            ev = jnp.broadcast_to(jnp.max(evm), (L,))
            cumv = unpack(plsc.load_gather(cumbuf, [vstar * L + lanes]))
            c = cumv + ev
            m = c < kres
            d = vstar * L + plsc.all_reduce_population_count(m)
            cb_in = jnp.broadcast_to(jnp.max(jnp.where(m, c, 0)), (L,))
            return d, jnp.maximum(ev, cb_in)

        d_lo, cb_lo = boundary(vs_lo, kres_lo, _lo16, evm_lo)
        d_hi, cb_hi = boundary(vs_hi, kres_hi, _hi16, evm_hi)
        return d_lo, cb_lo, d_hi, cb_hi

    def small_scan(kres_lo, kres_hi):
        def v_body(v, c):
            carry_lo, nd_lo, rm_lo, carry_hi, nd_hi, rm_hi = c
            acc = hist[pl.ds(v * L, L)]
            hist[pl.ds(v * L, L)] = zeros
            cum_lo = plsc.cumsum(_lo16(acc)) + carry_lo
            cum_hi = plsc.cumsum(_hi16(acc)) + carry_hi
            m_lo = cum_lo < kres_lo
            m_hi = cum_hi < kres_hi
            nd_lo = nd_lo + plsc.all_reduce_population_count(m_lo)
            nd_hi = nd_hi + plsc.all_reduce_population_count(m_hi)
            rm_lo = jnp.maximum(rm_lo, jnp.where(m_lo, cum_lo, 0))
            rm_hi = jnp.maximum(rm_hi, jnp.where(m_hi, cum_hi, 0))
            carry_lo = cum_lo[idx15]
            carry_hi = cum_hi[idx15]
            return carry_lo, nd_lo, rm_lo, carry_hi, nd_hi, rm_hi

        init = (zeros, zeros, zeros, zeros, zeros, zeros)
        _, nd_lo, rm_lo, _, nd_hi, rm_hi = plsc.parallel_loop(
            0, NB8 // L, unroll=4, carry=init)(v_body)
        cb_lo = jnp.broadcast_to(jnp.max(rm_lo), (L,))
        cb_hi = jnp.broadcast_to(jnp.max(rm_hi), (L,))
        return nd_lo, cb_lo, nd_hi, cb_hi

    def process(buf):
        @plsc.parallel_loop(0, NV, unroll=UNROLL)
        def _(j):
            off = j * L
            key = _bkey(buf[pl.ds(off, L)])
            keys[pl.ds(off, L)] = key
            addr = lax.shift_right_logical(key, 20)
            plsc.addupdate_scatter(hist, [addr], r1_val)

        d_lo, cb_lo, d_hi, cb_hi = big_scan(k_lo, k_hi)
        pref_lo = d_lo
        pref_hi = d_hi
        kres_lo = k_lo - cb_lo
        kres_hi = k_hi - cb_hi

        @plsc.parallel_loop(0, NV, unroll=UNROLL)
        def _(j, pl_v=pref_lo, ph_v=pref_hi):
            off = j * L
            key = keys[pl.ds(off, L)]
            pre = lax.shift_right_logical(key, 20)
            dig = lax.bitwise_and(lax.shift_right_logical(key, 8),
                                  jnp.int32(0xFFF))
            val = (jnp.where(pre == pl_v, jnp.int32(1), jnp.int32(0))
                   + jnp.where(pre == ph_v, jnp.int32(65536), jnp.int32(0)))
            plsc.addupdate_scatter(hist, [dig], val)

        d_lo, cb_lo, d_hi, cb_hi = big_scan(kres_lo, kres_hi)
        pref_lo = lax.shift_left(pref_lo, 12) + d_lo
        pref_hi = lax.shift_left(pref_hi, 12) + d_hi
        kres_lo = kres_lo - cb_lo
        kres_hi = kres_hi - cb_hi

        @plsc.parallel_loop(0, NV, unroll=UNROLL)
        def _(j, pl_v=pref_lo, ph_v=pref_hi):
            off = j * L
            key = keys[pl.ds(off, L)]
            pre = lax.shift_right_logical(key, 8)
            dig = lax.bitwise_and(key, jnp.int32(0xFF))
            val = (jnp.where(pre == pl_v, jnp.int32(1), jnp.int32(0))
                   + jnp.where(pre == ph_v, jnp.int32(65536), jnp.int32(0)))
            plsc.addupdate_scatter(hist, [dig], val)

        d_lo, cb_lo, d_hi, cb_hi = small_scan(kres_lo, kres_hi)
        pref_lo = lax.shift_left(pref_lo, 8) + d_lo
        pref_hi = lax.shift_left(pref_hi, 8) + d_hi

        thr_lo = lax.bitwise_xor(pref_lo, _I32_MIN)
        thr_hi = lax.bitwise_xor(pref_hi, _I32_MIN)

        @plsc.parallel_loop(0, NV, unroll=UNROLL)
        def _(j):
            off = j * L
            v = buf[pl.ds(off, L)]
            skey = lax.bitwise_xor(keys[pl.ds(off, L)], _I32_MIN)
            o = jnp.where(skey >= thr_hi, jnp.float32(1.0),
                          jnp.where(skey <= thr_lo, jnp.float32(0.0), v))
            buf[pl.ds(off, L)] = o

    bufs = (buf0, buf1)
    isems = (isem0, isem1)
    osems = (osem0, osem1)

    def in_copy(r):
        return pltpu.make_async_copy(
            scores_hbm.at[row0 + r], bufs[r % 2], isems[r % 2])

    def out_copy(r):
        return pltpu.make_async_copy(
            bufs[r % 2], out_hbm.at[row0 + r], osems[r % 2])

    in_copy(0).start()
    for r in range(RPW):
        in_copy(r).wait()
        if r + 1 < RPW:
            if r >= 1:
                out_copy(r - 1).wait()
            in_copy(r + 1).start()
        process(bufs[r % 2])
        out_copy(r).start()
    out_copy(RPW - 2).wait()
    out_copy(RPW - 1).wait()


@functools.partial(jax.jit, static_argnames=())
def _run(scores, params):
    mesh = plsc.VectorSubcoreMesh(
        core_axis_name="c", subcore_axis_name="s",
        num_cores=NC, num_subcores=NS)
    fn = pl.kernel(
        _body,
        out_type=jax.ShapeDtypeStruct((B, N), jnp.float32),
        mesh=mesh,
        compiler_params=pltpu.CompilerParams(needs_layout_passes=False),
        scratch_types=[
            pltpu.VMEM((N,), jnp.float32),
            pltpu.VMEM((N,), jnp.float32),
            pltpu.VMEM((N,), jnp.int32),
            pltpu.VMEM((NB12,), jnp.int32),
            pltpu.VMEM((NB12,), jnp.int32),
            pltpu.VMEM((NB12 // L + L,), jnp.int32),
            pltpu.VMEM((2 * L,), jnp.int32),
            pltpu.SemaphoreType.DMA,
            pltpu.SemaphoreType.DMA,
            pltpu.SemaphoreType.DMA,
            pltpu.SemaphoreType.DMA,
        ],
    )
    return fn(scores, params)


def kernel(scores, k_remove, k_insert):
    k_lo = jnp.full((L,), k_remove, jnp.int32)
    k_hi = jnp.full((L,), N - jnp.asarray(k_insert, jnp.int32) + 1, jnp.int32)
    params = jnp.concatenate([k_lo, k_hi])
    return _run(scores, params)

# --- scband reference (transcript-rebuilt; emitter-appended) ---
"""Pipeline reference for scband-groc-loss-78348793414186 (READ-ONLY COPY).

The authoritative reference and input builder live on the scoring server;
editing this copy changes nothing except your own understanding.
"""

import jax, jax.numpy as jnp
import numpy as np

B = 128
N = 32768
K_REMOVE = 1024
K_INSERT = 1024


def setup_inputs(seed: int = 0) -> dict:
    key = jax.random.key(seed)
    scores = jax.random.normal(key, (B, N), dtype=jnp.float32)
    return {"scores": scores, "k_remove": K_REMOVE, "k_insert": K_INSERT}


def reference(scores, k_remove, k_insert):
    # Faithful batched translation of the GROC gradient-based edge insert/remove
    # topk masking (get_modified_adj_with_insert_and_remove_by_gradient):
    #   1) torch.topk(edge_gradient, k_remove, largest=False) -> mask those
    #      entries out (edge removal, value forced to 0)
    #   2) torch.topk(edge_gradient, k_insert, largest=True)  -> set those
    #      entries to 1.0 (edge insertion)
    b, n = scores.shape
    rows = jnp.arange(b)[:, None]
    # bottom-k via top_k on negated scores (torch largest=False)
    _, ind_rm = jax.lax.top_k(-scores, K_REMOVE)
    valid_rm = jnp.arange(K_REMOVE) < k_remove
    mask_rm = jnp.ones((b, n), dtype=bool)
    mask_rm = mask_rm.at[rows, ind_rm].set(~valid_rm[None, :])
    out = jnp.where(mask_rm, scores, jnp.zeros((), dtype=scores.dtype))
    # top-k insertion: overwrite with 1.0
    _, ind_ir = jax.lax.top_k(scores, K_INSERT)
    valid_ir = jnp.arange(K_INSERT) < k_insert
    out = out.at[rows, ind_ir].set(
        jnp.where(valid_ir[None, :], jnp.ones((), dtype=out.dtype), out[rows, ind_ir])
    )
    return out

if __name__ == "__main__":
    import jax
    _d = setup_inputs()
    print(jax.jit(kernel)(*tuple(_d.values())))

</pallas_src>

<mosaic_0001>
#map = affine_map<(d0, d1) -> (0, 0)>
#map1 = affine_map<(d0, d1) -> (0)>
module attributes {stable_mosaic.version = 14 : i64} {
  func.func @_body(%arg0: i32, %arg1: i32, %arg2: memref<128x32768xf32, #tpu.memory_space<hbm>>, %arg3: memref<32xi32, #tpu.memory_space<hbm>>, %arg4: memref<128x32768xf32, #tpu.memory_space<hbm>>, %arg5: memref<32768xf32, #tpu.memory_space<vmem>>, %arg6: memref<32768xf32, #tpu.memory_space<vmem>>, %arg7: memref<32768xi32, #tpu.memory_space<vmem>>, %arg8: memref<4096xi32, #tpu.memory_space<vmem>>, %arg9: memref<4096xi32, #tpu.memory_space<vmem>>, %arg10: memref<272xi32, #tpu.memory_space<vmem>>, %arg11: memref<32xi32, #tpu.memory_space<vmem>>, %arg12: memref<!tpu.dma_semaphore, #tpu.memory_space<semaphore_mem>>, %arg13: memref<!tpu.dma_semaphore, #tpu.memory_space<semaphore_mem>>, %arg14: memref<!tpu.dma_semaphore, #tpu.memory_space<semaphore_mem>>, %arg15: memref<!tpu.dma_semaphore, #tpu.memory_space<semaphore_mem>>) attributes {dimension_semantics = [#tpu.dimension_semantics<core_parallel>, #tpu.dimension_semantics<subcore_parallel>], iteration_bounds = array<i64: 2, 16>, scalar_prefetch = 0 : i64, scratch_operands = 11 : i64, tpu.core_type = #tpu.core_type<sc_vector_subcore>, window_params = [{transform_indices = #map}, {transform_indices = #map1}, {transform_indices = #map}]} {
    %mul3A = arith.constant 2 : i32
    %mul3A_0 = arith.muli %arg1, %mul3A : i32
    %add3A = arith.addi %mul3A_0, %arg0 : i32
    %mul3A_1 = arith.constant 4 : i32
    %mul3A_2 = arith.muli %add3A, %mul3A_1 : i32
    "tpu.region"() ({
      %run_scoped3A = tpu.sem_alloc : memref<!tpu.dma_semaphore, #tpu.memory_space<semaphore_mem>>
      tpu.enqueue_dma source(%arg3 : memref<32xi32, #tpu.memory_space<hbm>>) target(%arg11 : memref<32xi32, #tpu.memory_space<vmem>>) target_semaphore(%run_scoped3A : memref<!tpu.dma_semaphore, #tpu.memory_space<semaphore_mem>>)
      tpu.wait_dma2 semaphore(%run_scoped3A : memref<!tpu.dma_semaphore, #tpu.memory_space<semaphore_mem>>) src(%arg3 : memref<32xi32, #tpu.memory_space<hbm>>) dst(%arg11 : memref<32xi32, #tpu.memory_space<vmem>>)
      tpu.yield
    }) : () -> ()
    %get3A = arith.constant 0 : index
    %get3A_3 = tpu.vector_load %arg11[%get3A] {strides = array<i32>} : memref<32xi32, #tpu.memory_space<vmem>>, vector<16xi32>,
    %get3A_4 = arith.constant 16 : index
    %get3A_5 = tpu.vector_load %arg11[%get3A_4] {strides = array<i32>} : memref<32xi32, #tpu.memory_space<vmem>>, vector<16xi32>,
    %broadcast_in_dim3A = arith.constant 0 : i32
    %broadcast_in_dim3A_6 = vector.broadcast %broadcast_in_dim3A : i32 to vector<16xi32>
    %iota3A = tpu.iota {dimensions = array<i32: 0>} : vector<16xi32>
    %broadcast_in_dim3A_7 = arith.constant 15 : i32
    %broadcast_in_dim3A_8 = vector.broadcast %broadcast_in_dim3A_7 : i32 to vector<16xi32>
    %eq3A = arith.constant 0 : i32
    %eq3A_9 = vector.broadcast %eq3A : i32 to vector<16xi32>
    %eq3A_10 = arith.cmpi eq, %iota3A, %eq3A_9 : vector<16xi32>
    %broadcast_in_dim3A_11 = arith.constant 65537 : i32
    %broadcast_in_dim3A_12 = vector.broadcast %broadcast_in_dim3A_11 : i32 to vector<16xi32>
    %parallel_loop3A = arith.constant 0 : i32
    %parallel_loop3A_13 = arith.constant 256 : i32
    %parallel_loop3A_14 = arith.constant 1 : i32
    scf.for %parallel_loop3A_1032 = %parallel_loop3A to %parallel_loop3A_13 step %parallel_loop3A_14  : i32 {
      %parallel_loop3A_1033 = arith.constant 16 : i32
      %parallel_loop3A_1034 = arith.muli %parallel_loop3A_1032, %parallel_loop3A_1033 : i32
      %parallel_loop3A_1035 = arith.index_cast %parallel_loop3A_1034 : i32 to index
      %parallel_loop3A_1036 = tpu.vector_load %arg8[%parallel_loop3A_1035] {strides = array<i32>} : memref<4096xi32, #tpu.memory_space<vmem>>, vector<16xi32>,
      tpu.vector_store %arg8[%parallel_loop3A_1035], %broadcast_in_dim3A_6 {strides = array<i32>} : memref<4096xi32, #tpu.memory_space<vmem>>, vector<16xi32>,
    } {sc.loop_unroll_factor = 4 : i64, sc.parallel_access}
    %add3A_15 = arith.constant 0 : i32
    %add3A_16 = arith.addi %mul3A_2, %add3A_15 : i32
    %dma_start3A = arith.constant 0 : i32
    %dma_start3A_17 = tpu.memref_slice %arg2[%add3A_16, %dma_start3A] : memref<128x32768xf32, #tpu.memory_space<hbm>> -> memref<1x32768xf32, #tpu.memory_space<hbm>>
    %dma_start3A_18 = tpu.memref_squeeze %dma_start3A_17 : memref<1x32768xf32, #tpu.memory_space<hbm>> -> memref<32768xf32, #tpu.memory_space<hbm>>
    %dma_start3A_19 = arith.constant 0 : i32
    %dma_start3A_20 = tpu.memref_slice %arg2[%add3A_16, %dma_start3A_19] : memref<128x32768xf32, #tpu.memory_space<hbm>> -> memref<1x32768xf32, #tpu.memory_space<hbm>>
    %dma_start3A_21 = tpu.memref_squeeze %dma_start3A_20 : memref<1x32768xf32, #tpu.memory_space<hbm>> -> memref<32768xf32, #tpu.memory_space<hbm>>
    tpu.enqueue_dma source(%dma_start3A_21 : memref<32768xf32, #tpu.memory_space<hbm>>) target(%arg5 : memref<32768xf32, #tpu.memory_space<vmem>>) target_semaphore(%arg12 : memref<!tpu.dma_semaphore, #tpu.memory_space<semaphore_mem>>)
    %add3A_22 = arith.constant 0 : i32
    %add3A_23 = arith.addi %mul3A_2, %add3A_22 : i32
    %dma_wait3A = arith.constant 0 : i32
    %dma_wait3A_24 = tpu.memref_slice %arg2[%add3A_23, %dma_wait3A] : memref<128x32768xf32, #tpu.memory_space<hbm>> -> memref<1x32768xf32, #tpu.memory_space<hbm>>
    %dma_wait3A_25 = tpu.memref_squeeze %dma_wait3A_24 : memref<1x32768xf32, #tpu.memory_space<hbm>> -> memref<32768xf32, #tpu.memory_space<hbm>>
    %dma_wait3A_26 = arith.constant 0 : i32
    %dma_wait3A_27 = tpu.memref_slice %arg2[%add3A_23, %dma_wait3A_26] : memref<128x32768xf32, #tpu.memory_space<hbm>> -> memref<1x32768xf32, #tpu.memory_space<hbm>>
    %dma_wait3A_28 = tpu.memref_squeeze %dma_wait3A_27 : memref<1x32768xf32, #tpu.memory_space<hbm>> -> memref<32768xf32, #tpu.memory_space<hbm>>
    tpu.wait_dma2 semaphore(%arg12 : memref<!tpu.dma_semaphore, #tpu.memory_space<semaphore_mem>>) src(%dma_wait3A_28 : memref<32768xf32, #tpu.memory_space<hbm>>) dst(%arg5 : memref<32768xf32, #tpu.memory_space<vmem>>)
    %add3A_29 = arith.constant 1 : i32
    %add3A_30 = arith.addi %mul3A_2, %add3A_29 : i32
    %dma_start3A_31 = arith.constant 0 : i32
    %dma_start3A_32 = tpu.memref_slice %arg2[%add3A_30, %dma_start3A_31] : memref<128x32768xf32, #tpu.memory_space<hbm>> -> memref<1x32768xf32, #tpu.memory_space<hbm>>
    %dma_start3A_33 = tpu.memref_squeeze %dma_start3A_32 : memref<1x32768xf32, #tpu.memory_space<hbm>> -> memref<32768xf32, #tpu.memory_space<hbm>>
    %dma_start3A_34 = arith.constant 0 : i32
    %dma_start3A_35 = tpu.memref_slice %arg2[%add3A_30, %dma_start3A_34] : memref<128x32768xf32, #tpu.memory_space<hbm>> -> memref<1x32768xf32, #tpu.memory_space<hbm>>
    %dma_start3A_36 = tpu.memref_squeeze %dma_start3A_35 : memref<1x32768xf32, #tpu.memory_space<hbm>> -> memref<32768xf32, #tpu.memory_space<hbm>>
    tpu.enqueue_dma source(%dma_start3A_36 : memref<32768xf32, #tpu.memory_space<hbm>>) target(%arg6 : memref<32768xf32, #tpu.memory_space<vmem>>) target_semaphore(%arg13 : memref<!tpu.dma_semaphore, #tpu.memory_space<semaphore_mem>>)
    %parallel_loop3A_37 = arith.constant 0 : i32
    %parallel_loop3A_38 = arith.constant 2048 : i32
    %parallel_loop3A_39 = arith.constant 1 : i32
    scf.for %parallel_loop3A_1032 = %parallel_loop3A_37 to %parallel_loop3A_38 step %parallel_loop3A_39  : i32 {
      %parallel_loop3A_1033 = arith.constant 16 : i32
      %parallel_loop3A_1034 = arith.muli %parallel_loop3A_1032, %parallel_loop3A_1033 : i32
      %parallel_loop3A_1035 = arith.index_cast %parallel_loop3A_1034 : i32 to index
      %parallel_loop3A_1036 = tpu.vector_load %arg5[%parallel_loop3A_1035] {strides = array<i32>} : memref<32768xf32, #tpu.memory_space<vmem>>, vector<16xf32>,
      %parallel_loop3A_1037 = tpu.bitcast %parallel_loop3A_1036 : vector<16xf32> -> vector<16xi32>
      %parallel_loop3A_1038 = arith.constant 31 : i32
      %parallel_loop3A_1039 = vector.broadcast %parallel_loop3A_1038 : i32 to vector<16xi32>
      %parallel_loop3A_1040 = arith.shrsi %parallel_loop3A_1037, %parallel_loop3A_1039 : vector<16xi32>
      %parallel_loop3A_1041 = arith.constant -2147483648 : i32
      %parallel_loop3A_1042 = vector.broadcast %parallel_loop3A_1041 : i32 to vector<16xi32>
      %parallel_loop3A_1043 = arith.ori %parallel_loop3A_1040, %parallel_loop3A_1042 : vector<16xi32>
      %parallel_loop3A_1044 = arith.xori %parallel_loop3A_1037, %parallel_loop3A_1043 : vector<16xi32>
      %parallel_loop3A_1045 = arith.index_cast %parallel_loop3A_1034 : i32 to index
      %parallel_loop3A_1046 = tpu.vector_load %arg7[%parallel_loop3A_1045] {strides = array<i32>} : memref<32768xi32, #tpu.memory_space<vmem>>, vector<16xi32>,
      tpu.vector_store %arg7[%parallel_loop3A_1045], %parallel_loop3A_1044 {strides = array<i32>} : memref<32768xi32, #tpu.memory_space<vmem>>, vector<16xi32>,
      %parallel_loop3A_1047 = arith.constant 20 : i32
      %parallel_loop3A_1048 = vector.broadcast %parallel_loop3A_1047 : i32 to vector<16xi32>
      %parallel_loop3A_1049 = arith.shrui %parallel_loop3A_1044, %parallel_loop3A_1048 : vector<16xi32>
      tpu.vector_store_idx %arg8[%parallel_loop3A_1049], %broadcast_in_dim3A_12 {add = true} : memref<4096xi32, #tpu.memory_space<vmem>>[vector<16xi32>], vector<16xi32>,
    } {sc.loop_unroll_factor = 8 : i64, sc.parallel_access}
    %parallel_loop3A_40 = arith.constant 0 : i32
    %parallel_loop3A_41 = arith.constant 256 : i32
    %parallel_loop3A_42 = arith.constant 1 : i32
    scf.for %parallel_loop3A_1032 = %parallel_loop3A_40 to %parallel_loop3A_41 step %parallel_loop3A_42  : i32 {
      %parallel_loop3A_1033 = arith.constant 16 : i32
      %parallel_loop3A_1034 = arith.muli %parallel_loop3A_1032, %parallel_loop3A_1033 : i32
      %parallel_loop3A_1035 = arith.index_cast %parallel_loop3A_1034 : i32 to index
      %parallel_loop3A_1036 = tpu.vector_load %arg8[%parallel_loop3A_1035] {strides = array<i32>} : memref<4096xi32, #tpu.memory_space<vmem>>, vector<16xi32>,
      %parallel_loop3A_1037 = arith.constant 16 : i32
      %parallel_loop3A_1038 = arith.muli %parallel_loop3A_1032, %parallel_loop3A_1037 : i32
      %parallel_loop3A_1039 = arith.index_cast %parallel_loop3A_1038 : i32 to index
      %parallel_loop3A_1040 = tpu.vector_load %arg8[%parallel_loop3A_1039] {strides = array<i32>} : memref<4096xi32, #tpu.memory_space<vmem>>, vector<16xi32>,
      tpu.vector_store %arg8[%parallel_loop3A_1039], %broadcast_in_dim3A_6 {strides = array<i32>} : memref<4096xi32, #tpu.memory_space<vmem>>, vector<16xi32>,
      %parallel_loop3A_1041 = arith.constant true
      %parallel_loop3A_1042 = vector.broadcast %parallel_loop3A_1041 : i1 to vector<16xi1>
      %parallel_loop3A_1043 = tpu.scan <sum>, %parallel_loop3A_1036 masked %parallel_loop3A_1042 : vector<16xi32>, vector<16xi1> -> vector<16xi32>
      %parallel_loop3A_1044 = arith.constant 16 : i32
      %parallel_loop3A_1045 = arith.muli %parallel_loop3A_1032, %parallel_loop3A_1044 : i32
      %parallel_loop3A_1046 = arith.index_cast %parallel_loop3A_1045 : i32 to index
      %parallel_loop3A_1047 = tpu.vector_load %arg9[%parallel_loop3A_1046] {strides = array<i32>} : memref<4096xi32, #tpu.memory_space<vmem>>, vector<16xi32>,
      tpu.vector_store %arg9[%parallel_loop3A_1046], %parallel_loop3A_1043 {strides = array<i32>} : memref<4096xi32, #tpu.memory_space<vmem>>, vector<16xi32>,
      %parallel_loop3A_1048 = arith.constant 0 : i32
      %parallel_loop3A_1049 = vector.broadcast %parallel_loop3A_1048 : i32 to vector<16xi32>
      %parallel_loop3A_1050 = arith.cmpi slt, %broadcast_in_dim3A_8, %parallel_loop3A_1049 : vector<16xi32>
      %parallel_loop3A_1051 = arith.constant 16 : i32
      %parallel_loop3A_1052 = vector.broadcast %parallel_loop3A_1051 : i32 to vector<16xi32>
      %parallel_loop3A_1053 = arith.addi %broadcast_in_dim3A_8, %parallel_loop3A_1052 : vector<16xi32>
      %parallel_loop3A_1054 = arith.select %parallel_loop3A_1050, %parallel_loop3A_1053, %broadcast_in_dim3A_8 : vector<16xi1>, vector<16xi32>
      %parallel_loop3A_1055 = vector.shape_cast %parallel_loop3A_1054 : vector<16xi32> to vector<16x1xi32>
      %parallel_loop3A_1056 = vector.shape_cast %parallel_loop3A_1055 : vector<16x1xi32> to vector<16xi32>
      %parallel_loop3A_1057 = tpu.dynamic_gather %parallel_loop3A_1043[%parallel_loop3A_1056] in [0] : vector<16xi32>, vector<16xi32> -> vector<16xi32>
      %parallel_loop3A_1058 = arith.index_cast %parallel_loop3A_1032 : i32 to index
      %parallel_loop3A_1059 = tpu.vector_load %arg10[%parallel_loop3A_1058] masked %eq3A_10 {strides = array<i32>} : memref<272xi32, #tpu.memory_space<vmem>>, vector<16xi32>, vector<16xi1>
      tpu.vector_store %arg10[%parallel_loop3A_1058], %parallel_loop3A_1057 masked %eq3A_10 {strides = array<i32>} : memref<272xi32, #tpu.memory_space<vmem>>, vector<16xi32>, vector<16xi1>
    } {sc.loop_unroll_factor = 4 : i64, sc.parallel_access}
    %scan3A = arith.constant 0 : i32
    %scan3A_43 = arith.constant 16 : i32
    %scan3A_44 = arith.addi %scan3A, %scan3A_43 : i32
    %scan3A_45 = arith.constant 1 : i32
    %scan3A_46:5 = scf.for %scan3A_1032 = %scan3A to %scan3A_44 step %scan3A_45 iter_args(%scan3A_1033 = %broadcast_in_dim3A_6, %scan3A_1034 = %broadcast_in_dim3A_6, %scan3A_1035 = %broadcast_in_dim3A_6, %scan3A_1036 = %broadcast_in_dim3A_6, %scan3A_1037 = %broadcast_in_dim3A_6) -> (vector<16xi32>, vector<16xi32>, vector<16xi32>, vector<16xi32>, vector<16xi32>)  : i32 {
      %mul3A_1038 = arith.constant 16 : i32
      %mul3A_1039 = arith.muli %scan3A_1032, %mul3A_1038 : i32
      %get3A_1040 = arith.index_cast %mul3A_1039 : i32 to index
      %get3A_1041 = tpu.vector_load %arg10[%get3A_1040] {strides = array<i32>} : memref<272xi32, #tpu.memory_space<vmem>>, vector<16xi32>,
      %broadcast_in_dim3A_1042 = arith.constant true
      %broadcast_in_dim3A_1043 = vector.broadcast %broadcast_in_dim3A_1042 : i1 to vector<16xi1>
      %masked_cumsum3A = tpu.scan <sum>, %get3A_1041 masked %broadcast_in_dim3A_1043 : vector<16xi32>, vector<16xi1> -> vector<16xi32>
      %add3A_1044 = arith.addi %masked_cumsum3A, %scan3A_1033 : vector<16xi32>
      %and3A_1045 = arith.constant 65535 : i32
      %and3A_1046 = vector.broadcast %and3A_1045 : i32 to vector<16xi32>
      %and3A_1047 = arith.andi %add3A_1044, %and3A_1046 : vector<16xi32>
      %shift_right_logical3A_1048 = arith.constant 16 : i32
      %shift_right_logical3A_1049 = vector.broadcast %shift_right_logical3A_1048 : i32 to vector<16xi32>
      %shift_right_logical3A_1050 = arith.shrui %add3A_1044, %shift_right_logical3A_1049 : vector<16xi32>
      %lt3A_1051 = arith.cmpi slt, %and3A_1047, %get3A_3 : vector<16xi32>
      %lt3A_1052 = arith.cmpi slt, %shift_right_logical3A_1050, %get3A_5 : vector<16xi32>
      %all_reduce_population_count3A_1053 = tpu.all_reduce %lt3A_1051 {dim = 0 : i64, kind = #tpu.reduction_kind<sum>} : vector<16xi1> -> vector<16xi32>
      %add3A_1054 = arith.addi %scan3A_1034, %all_reduce_population_count3A_1053 : vector<16xi32>
      %all_reduce_population_count3A_1055 = tpu.all_reduce %lt3A_1052 {dim = 0 : i64, kind = #tpu.reduction_kind<sum>} : vector<16xi1> -> vector<16xi32>
      %add3A_1056 = arith.addi %scan3A_1035, %all_reduce_population_count3A_1055 : vector<16xi32>
      %jit3A_1057 = arith.constant 0 : i32
      %broadcast_in_dim3A_1058 = vector.broadcast %jit3A_1057 : i32 to vector<16xi32>
      %select_n3A_1059 = arith.select %lt3A_1051, %and3A_1047, %broadcast_in_dim3A_1058 : vector<16xi1>, vector<16xi32>
      %max3A_1060 = arith.maxsi %scan3A_1036, %select_n3A_1059 : vector<16xi32>
      %jit3A_1061 = arith.constant 0 : i32
      %broadcast_in_dim3A_1062 = vector.broadcast %jit3A_1061 : i32 to vector<16xi32>
      %select_n3A_1063 = arith.select %lt3A_1052, %shift_right_logical3A_1050, %broadcast_in_dim3A_1062 : vector<16xi1>, vector<16xi32>
      %max3A_1064 = arith.maxsi %scan3A_1037, %select_n3A_1063 : vector<16xi32>
      %lt3A_1065 = arith.constant 0 : i32
      %lt3A_1066 = vector.broadcast %lt3A_1065 : i32 to vector<16xi32>
      %lt3A_1067 = arith.cmpi slt, %broadcast_in_dim3A_8, %lt3A_1066 : vector<16xi32>
      %add3A_1068 = arith.constant 16 : i32
      %add3A_1069 = vector.broadcast %add3A_1068 : i32 to vector<16xi32>
      %add3A_1070 = arith.addi %broadcast_in_dim3A_8, %add3A_1069 : vector<16xi32>
      %select_n3A_1071 = arith.select %lt3A_1067, %add3A_1070, %broadcast_in_dim3A_8 : vector<16xi1>, vector<16xi32>
      %broadcast_in_dim3A_1072 = vector.shape_cast %select_n3A_1071 : vector<16xi32> to vector<16x1xi32>
      %gather3A_1073 = vector.shape_cast %broadcast_in_dim3A_1072 : vector<16x1xi32> to vector<16xi32>
      %gather3A_1074 = tpu.dynamic_gather %add3A_1044[%gather3A_1073] in [0] : vector<16xi32>, vector<16xi32> -> vector<16xi32>
      scf.yield %gather3A_1074, %add3A_1054, %add3A_1056, %max3A_1060, %max3A_1064 : vector<16xi32>, vector<16xi32>, vector<16xi32>, vector<16xi32>, vector<16xi32>
    }
    %scan3A_47 = arith.constant 16 : i32
    %reduce_max3A = arith.constant true
    %reduce_max3A_48 = vector.broadcast %reduce_max3A : i1 to vector<16xi1>
    %reduce_max3A_49 = arith.constant -2147483648 : i32
    %reduce_max3A_50 = vector.broadcast %reduce_max3A_49 : i32 to vector<16xi32>
    %reduce_max3A_51 = arith.xori %scan3A_46#3, %reduce_max3A_50 : vector<16xi32>
    %reduce_max3A_52 = tpu.scan <max>, %reduce_max3A_51 masked %reduce_max3A_48 : vector<16xi32>, vector<16xi1> -> vector<16xi32>
    %reduce_max3A_53 = arith.xori %reduce_max3A_52, %reduce_max3A_50 : vector<16xi32>
    %reduce_max3A_54 = vector.extract %reduce_max3A_53[15] : i32 from vector<16xi32>
    %broadcast_in_dim3A_55 = vector.broadcast %reduce_max3A_54 : i32 to vector<16xi32>
    %mul3A_56 = arith.constant 16 : i32
    %mul3A_57 = vector.broadcast %mul3A_56 : i32 to vector<16xi32>
    %mul3A_58 = arith.muli %scan3A_46#1, %mul3A_57 : vector<16xi32>
    %add3A_59 = arith.addi %mul3A_58, %iota3A : vector<16xi32>
    %gather3A = tpu.vector_load_idx %arg9[%add3A_59] : memref<4096xi32, #tpu.memory_space<vmem>>[vector<16xi32>], vector<16xi32>,
    %and3A = arith.constant 65535 : i32
    %and3A_60 = vector.broadcast %and3A : i32 to vector<16xi32>
    %and3A_61 = arith.andi %gather3A, %and3A_60 : vector<16xi32>
    %add3A_62 = arith.addi %and3A_61, %broadcast_in_dim3A_55 : vector<16xi32>
    %lt3A = arith.cmpi slt, %add3A_62, %get3A_3 : vector<16xi32>
    %mul3A_63 = arith.constant 16 : i32
    %mul3A_64 = vector.broadcast %mul3A_63 : i32 to vector<16xi32>
    %mul3A_65 = arith.muli %scan3A_46#1, %mul3A_64 : vector<16xi32>
    %all_reduce_population_count3A = tpu.all_reduce %lt3A {dim = 0 : i64, kind = #tpu.reduction_kind<sum>} : vector<16xi1> -> vector<16xi32>
    %add3A_66 = arith.addi %mul3A_65, %all_reduce_population_count3A : vector<16xi32>
    %jit3A = arith.constant 0 : i32
    %broadcast_in_dim3A_67 = vector.broadcast %jit3A : i32 to vector<16xi32>
    %select_n3A = arith.select %lt3A, %add3A_62, %broadcast_in_dim3A_67 : vector<16xi1>, vector<16xi32>
    %reduce_max3A_68 = arith.constant true
    %reduce_max3A_69 = vector.broadcast %reduce_max3A_68 : i1 to vector<16xi1>
    %reduce_max3A_70 = arith.constant -2147483648 : i32
    %reduce_max3A_71 = vector.broadcast %reduce_max3A_70 : i32 to vector<16xi32>
    %reduce_max3A_72 = arith.xori %select_n3A, %reduce_max3A_71 : vector<16xi32>
    %reduce_max3A_73 = tpu.scan <max>, %reduce_max3A_72 masked %reduce_max3A_69 : vector<16xi32>, vector<16xi1> -> vector<16xi32>
    %reduce_max3A_74 = arith.xori %reduce_max3A_73, %reduce_max3A_71 : vector<16xi32>
    %reduce_max3A_75 = vector.extract %reduce_max3A_74[15] : i32 from vector<16xi32>
    %broadcast_in_dim3A_76 = vector.broadcast %reduce_max3A_75 : i32 to vector<16xi32>
    %max3A = arith.maxsi %broadcast_in_dim3A_55, %broadcast_in_dim3A_76 : vector<16xi32>
    %reduce_max3A_77 = arith.constant true
    %reduce_max3A_78 = vector.broadcast %reduce_max3A_77 : i1 to vector<16xi1>
    %reduce_max3A_79 = arith.constant -2147483648 : i32
    %reduce_max3A_80 = vector.broadcast %reduce_max3A_79 : i32 to vector<16xi32>
    %reduce_max3A_81 = arith.xori %scan3A_46#4, %reduce_max3A_80 : vector<16xi32>
    %reduce_max3A_82 = tpu.scan <max>, %reduce_max3A_81 masked %reduce_max3A_78 : vector<16xi32>, vector<16xi1> -> vector<16xi32>
    %reduce_max3A_83 = arith.xori %reduce_max3A_82, %reduce_max3A_80 : vector<16xi32>
    %reduce_max3A_84 = vector.extract %reduce_max3A_83[15] : i32 from vector<16xi32>
    %broadcast_in_dim3A_85 = vector.broadcast %reduce_max3A_84 : i32 to vector<16xi32>
    %mul3A_86 = arith.constant 16 : i32
    %mul3A_87 = vector.broadcast %mul3A_86 : i32 to vector<16xi32>
    %mul3A_88 = arith.muli %scan3A_46#2, %mul3A_87 : vector<16xi32>
    %add3A_89 = arith.addi %mul3A_88, %iota3A : vector<16xi32>
    %gather3A_90 = tpu.vector_load_idx %arg9[%add3A_89] : memref<4096xi32, #tpu.memory_space<vmem>>[vector<16xi32>], vector<16xi32>,
    %shift_right_logical3A = arith.constant 16 : i32
    %shift_right_logical3A_91 = vector.broadcast %shift_right_logical3A : i32 to vector<16xi32>
    %shift_right_logical3A_92 = arith.shrui %gather3A_90, %shift_right_logical3A_91 : vector<16xi32>
    %add3A_93 = arith.addi %shift_right_logical3A_92, %broadcast_in_dim3A_85 : vector<16xi32>
    %lt3A_94 = arith.cmpi slt, %add3A_93, %get3A_5 : vector<16xi32>
    %mul3A_95 = arith.constant 16 : i32
    %mul3A_96 = vector.broadcast %mul3A_95 : i32 to vector<16xi32>
    %mul3A_97 = arith.muli %scan3A_46#2, %mul3A_96 : vector<16xi32>
    %all_reduce_population_count3A_98 = tpu.all_reduce %lt3A_94 {dim = 0 : i64, kind = #tpu.reduction_kind<sum>} : vector<16xi1> -> vector<16xi32>
    %add3A_99 = arith.addi %mul3A_97, %all_reduce_population_count3A_98 : vector<16xi32>
    %jit3A_100 = arith.constant 0 : i32
    %broadcast_in_dim3A_101 = vector.broadcast %jit3A_100 : i32 to vector<16xi32>
    %select_n3A_102 = arith.select %lt3A_94, %add3A_93, %broadcast_in_dim3A_101 : vector<16xi1>, vector<16xi32>
    %reduce_max3A_103 = arith.constant true
    %reduce_max3A_104 = vector.broadcast %reduce_max3A_103 : i1 to vector<16xi1>
    %reduce_max3A_105 = arith.constant -2147483648 : i32
    %reduce_max3A_106 = vector.broadcast %reduce_max3A_105 : i32 to vector<16xi32>
    %reduce_max3A_107 = arith.xori %select_n3A_102, %reduce_max3A_106 : vector<16xi32>
    %reduce_max3A_108 = tpu.scan <max>, %reduce_max3A_107 masked %reduce_max3A_104 : vector<16xi32>, vector<16xi1> -> vector<16xi32>
    %reduce_max3A_109 = arith.xori %reduce_max3A_108, %reduce_max3A_106 : vector<16xi32>
    %reduce_max3A_110 = vector.extract %reduce_max3A_109[15] : i32 from vector<16xi32>
    %broadcast_in_dim3A_111 = vector.broadcast %reduce_max3A_110 : i32 to vector<16xi32>
    %max3A_112 = arith.maxsi %broadcast_in_dim3A_85, %broadcast_in_dim3A_111 : vector<16xi32>
    %sub3A = arith.subi %get3A_3, %max3A : vector<16xi32>
    %sub3A_113 = arith.subi %get3A_5, %max3A_112 : vector<16xi32>
    %parallel_loop3A_114 = arith.constant 0 : i32
    %parallel_loop3A_115 = arith.constant 2048 : i32
    %parallel_loop3A_116 = arith.constant 1 : i32
    scf.for %parallel_loop3A_1032 = %parallel_loop3A_114 to %parallel_loop3A_115 step %parallel_loop3A_116  : i32 {
      %parallel_loop3A_1033 = arith.constant 16 : i32
      %parallel_loop3A_1034 = arith.muli %parallel_loop3A_1032, %parallel_loop3A_1033 : i32
      %parallel_loop3A_1035 = arith.index_cast %parallel_loop3A_1034 : i32 to index
      %parallel_loop3A_1036 = tpu.vector_load %arg7[%parallel_loop3A_1035] {strides = array<i32>} : memref<32768xi32, #tpu.memory_space<vmem>>, vector<16xi32>,
      %parallel_loop3A_1037 = arith.constant 20 : i32
      %parallel_loop3A_1038 = vector.broadcast %parallel_loop3A_1037 : i32 to vector<16xi32>
      %parallel_loop3A_1039 = arith.shrui %parallel_loop3A_1036, %parallel_loop3A_1038 : vector<16xi32>
      %parallel_loop3A_1040 = arith.constant 8 : i32
      %parallel_loop3A_1041 = vector.broadcast %parallel_loop3A_1040 : i32 to vector<16xi32>
      %parallel_loop3A_1042 = arith.shrui %parallel_loop3A_1036, %parallel_loop3A_1041 : vector<16xi32>
      %parallel_loop3A_1043 = arith.constant 4095 : i32
      %parallel_loop3A_1044 = vector.broadcast %parallel_loop3A_1043 : i32 to vector<16xi32>
      %parallel_loop3A_1045 = arith.andi %parallel_loop3A_1042, %parallel_loop3A_1044 : vector<16xi32>
      %parallel_loop3A_1046 = arith.cmpi eq, %parallel_loop3A_1039, %add3A_66 : vector<16xi32>
      %parallel_loop3A_1047 = arith.constant 1 : i32
      %parallel_loop3A_1048 = arith.constant 0 : i32
      %parallel_loop3A_1049 = vector.broadcast %parallel_loop3A_1047 : i32 to vector<16xi32>
      %parallel_loop3A_1050 = vector.broadcast %parallel_loop3A_1048 : i32 to vector<16xi32>
      %parallel_loop3A_1051 = arith.select %parallel_loop3A_1046, %parallel_loop3A_1049, %parallel_loop3A_1050 : vector<16xi1>, vector<16xi32>
      %parallel_loop3A_1052 = arith.cmpi eq, %parallel_loop3A_1039, %add3A_99 : vector<16xi32>
      %parallel_loop3A_1053 = arith.constant 65536 : i32
      %parallel_loop3A_1054 = arith.constant 0 : i32
      %parallel_loop3A_1055 = vector.broadcast %parallel_loop3A_1053 : i32 to vector<16xi32>
      %parallel_loop3A_1056 = vector.broadcast %parallel_loop3A_1054 : i32 to vector<16xi32>
      %parallel_loop3A_1057 = arith.select %parallel_loop3A_1052, %parallel_loop3A_1055, %parallel_loop3A_1056 : vector<16xi1>, vector<16xi32>
      %parallel_loop3A_1058 = arith.addi %parallel_loop3A_1051, %parallel_loop3A_1057 : vector<16xi32>
      tpu.vector_store_idx %arg8[%parallel_loop3A_1045], %parallel_loop3A_1058 {add = true} : memref<4096xi32, #tpu.memory_space<vmem>>[vector<16xi32>], vector<16xi32>,
    } {sc.loop_unroll_factor = 8 : i64, sc.parallel_access}
    %parallel_loop3A_117 = arith.constant 0 : i32
    %parallel_loop3A_118 = arith.constant 256 : i32
    %parallel_loop3A_119 = arith.constant 1 : i32
    scf.for %parallel_loop3A_1032 = %parallel_loop3A_117 to %parallel_loop3A_118 step %parallel_loop3A_119  : i32 {
      %parallel_loop3A_1033 = arith.constant 16 : i32
      %parallel_loop3A_1034 = arith.muli %parallel_loop3A_1032, %parallel_loop3A_1033 : i32
      %parallel_loop3A_1035 = arith.index_cast %parallel_loop3A_1034 : i32 to index
      %parallel_loop3A_1036 = tpu.vector_load %arg8[%parallel_loop3A_1035] {strides = array<i32>} : memref<4096xi32, #tpu.memory_space<vmem>>, vector<16xi32>,
      %parallel_loop3A_1037 = arith.constant 16 : i32
      %parallel_loop3A_1038 = arith.muli %parallel_loop3A_1032, %parallel_loop3A_1037 : i32
      %parallel_loop3A_1039 = arith.index_cast %parallel_loop3A_1038 : i32 to index
      %parallel_loop3A_1040 = tpu.vector_load %arg8[%parallel_loop3A_1039] {strides = array<i32>} : memref<4096xi32, #tpu.memory_space<vmem>>, vector<16xi32>,
      tpu.vector_store %arg8[%parallel_loop3A_1039], %broadcast_in_dim3A_6 {strides = array<i32>} : memref<4096xi32, #tpu.memory_space<vmem>>, vector<16xi32>,
      %parallel_loop3A_1041 = arith.constant true
      %parallel_loop3A_1042 = vector.broadcast %parallel_loop3A_1041 : i1 to vector<16xi1>
      %parallel_loop3A_1043 = tpu.scan <sum>, %parallel_loop3A_1036 masked %parallel_loop3A_1042 : vector<16xi32>, vector<16xi1> -> vector<16xi32>
      %parallel_loop3A_1044 = arith.constant 16 : i32
      %parallel_loop3A_1045 = arith.muli %parallel_loop3A_1032, %parallel_loop3A_1044 : i32
      %parallel_loop3A_1046 = arith.index_cast %parallel_loop3A_1045 : i32 to index
      %parallel_loop3A_1047 = tpu.vector_load %arg9[%parallel_loop3A_1046] {strides = array<i32>} : memref<4096xi32, #tpu.memory_space<vmem>>, vector<16xi32>,
      tpu.vector_store %arg9[%parallel_loop3A_1046], %parallel_loop3A_1043 {strides = array<i32>} : memref<4096xi32, #tpu.memory_space<vmem>>, vector<16xi32>,
      %parallel_loop3A_1048 = arith.constant 0 : i32
      %parallel_loop3A_1049 = vector.broadcast %parallel_loop3A_1048 : i32 to vector<16xi32>
      %parallel_loop3A_1050 = arith.cmpi slt, %broadcast_in_dim3A_8, %parallel_loop3A_1049 : vector<16xi32>
      %parallel_loop3A_1051 = arith.constant 16 : i32
      %parallel_loop3A_1052 = vector.broadcast %parallel_loop3A_1051 : i32 to vector<16xi32>
      %parallel_loop3A_1053 = arith.addi %broadcast_in_dim3A_8, %parallel_loop3A_1052 : vector<16xi32>
      %parallel_loop3A_1054 = arith.select %parallel_loop3A_1050, %parallel_loop3A_1053, %broadcast_in_dim3A_8 : vector<16xi1>, vector<16xi32>
      %parallel_loop3A_1055 = vector.shape_cast %parallel_loop3A_1054 : vector<16xi32> to vector<16x1xi32>
      %parallel_loop3A_1056 = vector.shape_cast %parallel_loop3A_1055 : vector<16x1xi32> to vector<16xi32>
      %parallel_loop3A_1057 = tpu.dynamic_gather %parallel_loop3A_1043[%parallel_loop3A_1056] in [0] : vector<16xi32>, vector<16xi32> -> vector<16xi32>
      %parallel_loop3A_1058 = arith.index_cast %parallel_loop3A_1032 : i32 to index
      %parallel_loop3A_1059 = tpu.vector_load %arg10[%parallel_loop3A_1058] masked %eq3A_10 {strides = array<i32>} : memref<272xi32, #tpu.memory_space<vmem>>, vector<16xi32>, vector<16xi1>
      tpu.vector_store %arg10[%parallel_loop3A_1058], %parallel_loop3A_1057 masked %eq3A_10 {strides = array<i32>} : memref<272xi32, #tpu.memory_space<vmem>>, vector<16xi32>, vector<16xi1>
    } {sc.loop_unroll_factor = 4 : i64, sc.parallel_access}
    %scan3A_120 = arith.constant 0 : i32
    %scan3A_121 = arith.constant 16 : i32
    %scan3A_122 = arith.addi %scan3A_120, %scan3A_121 : i32
    %scan3A_123 = arith.constant 1 : i32
    %scan3A_124:5 = scf.for %scan3A_1032 = %scan3A_120 to %scan3A_122 step %scan3A_123 iter_args(%scan3A_1033 = %broadcast_in_dim3A_6, %scan3A_1034 = %broadcast_in_dim3A_6, %scan3A_1035 = %broadcast_in_dim3A_6, %scan3A_1036 = %broadcast_in_dim3A_6, %scan3A_1037 = %broadcast_in_dim3A_6) -> (vector<16xi32>, vector<16xi32>, vector<16xi32>, vector<16xi32>, vector<16xi32>)  : i32 {
      %mul3A_1038 = arith.constant 16 : i32
      %mul3A_1039 = arith.muli %scan3A_1032, %mul3A_1038 : i32
      %get3A_1040 = arith.index_cast %mul3A_1039 : i32 to index
      %get3A_1041 = tpu.vector_load %arg10[%get3A_1040] {strides = array<i32>} : memref<272xi32, #tpu.memory_space<vmem>>, vector<16xi32>,
      %broadcast_in_dim3A_1042 = arith.constant true
      %broadcast_in_dim3A_1043 = vector.broadcast %broadcast_in_dim3A_1042 : i1 to vector<16xi1>
      %masked_cumsum3A = tpu.scan <sum>, %get3A_1041 masked %broadcast_in_dim3A_1043 : vector<16xi32>, vector<16xi1> -> vector<16xi32>
      %add3A_1044 = arith.addi %masked_cumsum3A, %scan3A_1033 : vector<16xi32>
      %and3A_1045 = arith.constant 65535 : i32
      %and3A_1046 = vector.broadcast %and3A_1045 : i32 to vector<16xi32>
      %and3A_1047 = arith.andi %add3A_1044, %and3A_1046 : vector<16xi32>
      %shift_right_logical3A_1048 = arith.constant 16 : i32
      %shift_right_logical3A_1049 = vector.broadcast %shift_right_logical3A_1048 : i32 to vector<16xi32>
      %shift_right_logical3A_1050 = arith.shrui %add3A_1044, %shift_right_logical3A_1049 : vector<16xi32>
      %lt3A_1051 = arith.cmpi slt, %and3A_1047, %sub3A : vector<16xi32>
      %lt3A_1052 = arith.cmpi slt, %shift_right_logical3A_1050, %sub3A_113 : vector<16xi32>
      %all_reduce_population_count3A_1053 = tpu.all_reduce %lt3A_1051 {dim = 0 : i64, kind = #tpu.reduction_kind<sum>} : vector<16xi1> -> vector<16xi32>
      %add3A_1054 = arith.addi %scan3A_1034, %all_reduce_population_count3A_1053 : vector<16xi32>
      %all_reduce_population_count3A_1055 = tpu.all_reduce %lt3A_1052 {dim = 0 : i64, kind = #tpu.reduction_kind<sum>} : vector<16xi1> -> vector<16xi32>
      %add3A_1056 = arith.addi %scan3A_1035, %all_reduce_population_count3A_1055 : vector<16xi32>
      %jit3A_1057 = arith.constant 0 : i32
      %broadcast_in_dim3A_1058 = vector.broadcast %jit3A_1057 : i32 to vector<16xi32>
      %select_n3A_1059 = arith.select %lt3A_1051, %and3A_1047, %broadcast_in_dim3A_1058 : vector<16xi1>, vector<16xi32>
      %max3A_1060 = arith.maxsi %scan3A_1036, %select_n3A_1059 : vector<16xi32>
      %jit3A_1061 = arith.constant 0 : i32
      %broadcast_in_dim3A_1062 = vector.broadcast %jit3A_1061 : i32 to vector<16xi32>
      %select_n3A_1063 = arith.select %lt3A_1052, %shift_right_logical3A_1050, %broadcast_in_dim3A_1062 : vector<16xi1>, vector<16xi32>
      %max3A_1064 = arith.maxsi %scan3A_1037, %select_n3A_1063 : vector<16xi32>
      %lt3A_1065 = arith.constant 0 : i32
      %lt3A_1066 = vector.broadcast %lt3A_1065 : i32 to vector<16xi32>
      %lt3A_1067 = arith.cmpi slt, %broadcast_in_dim3A_8, %lt3A_1066 : vector<16xi32>
      %add3A_1068 = arith.constant 16 : i32
      %add3A_1069 = vector.broadcast %add3A_1068 : i32 to vector<16xi32>
      %add3A_1070 = arith.addi %broadcast_in_dim3A_8, %add3A_1069 : vector<16xi32>
      %select_n3A_1071 = arith.select %lt3A_1067, %add3A_1070, %broadcast_in_dim3A_8 : vector<16xi1>, vector<16xi32>
      %broadcast_in_dim3A_1072 = vector.shape_cast %select_n3A_1071 : vector<16xi32> to vector<16x1xi32>
      %gather3A_1073 = vector.shape_cast %broadcast_in_dim3A_1072 : vector<16x1xi32> to vector<16xi32>
      %gather3A_1074 = tpu.dynamic_gather %add3A_1044[%gather3A_1073] in [0] : vector<16xi32>, vector<16xi32> -> vector<16xi32>
      scf.yield %gather3A_1074, %add3A_1054, %add3A_1056, %max3A_1060, %max3A_1064 : vector<16xi32>, vector<16xi32>, vector<16xi32>, vector<16xi32>, vector<16xi32>
    }
    %scan3A_125 = arith.constant 16 : i32
    %reduce_max3A_126 = arith.constant true
    %reduce_max3A_127 = vector.broadcast %reduce_max3A_126 : i1 to vector<16xi1>
    %reduce_max3A_128 = arith.constant -2147483648 : i32
    %reduce_max3A_129 = vector.broadcast %reduce_max3A_128 : i32 to vector<16xi32>
    %reduce_max3A_130 = arith.xori %scan3A_124#3, %reduce_max3A_129 : vector<16xi32>
    %reduce_max3A_131 = tpu.scan <max>, %reduce_max3A_130 masked %reduce_max3A_127 : vector<16xi32>, vector<16xi1> -> vector<16xi32>
    %reduce_max3A_132 = arith.xori %reduce_max3A_131, %reduce_max3A_129 : vector<16xi32>
    %reduce_max3A_133 = vector.extract %reduce_max3A_132[15] : i32 from vector<16xi32>
    %broadcast_in_dim3A_134 = vector.broadcast %reduce_max3A_133 : i32 to vector<16xi32>
    %mul3A_135 = arith.constant 16 : i32
    %mul3A_136 = vector.broadcast %mul3A_135 : i32 to vector<16xi32>
    %mul3A_137 = arith.muli %scan3A_124#1, %mul3A_136 : vector<16xi32>
    %add3A_138 = arith.addi %mul3A_137, %iota3A : vector<16xi32>
    %gather3A_139 = tpu.vector_load_idx %arg9[%add3A_138] : memref<4096xi32, #tpu.memory_space<vmem>>[vector<16xi32>], vector<16xi32>,
    %and3A_140 = arith.constant 65535 : i32
    %and3A_141 = vector.broadcast %and3A_140 : i32 to vector<16xi32>
    %and3A_142 = arith.andi %gather3A_139, %and3A_141 : vector<16xi32>
    %add3A_143 = arith.addi %and3A_142, %broadcast_in_dim3A_134 : vector<16xi32>
    %lt3A_144 = arith.cmpi slt, %add3A_143, %sub3A : vector<16xi32>
    %mul3A_145 = arith.constant 16 : i32
    %mul3A_146 = vector.broadcast %mul3A_145 : i32 to vector<16xi32>
    %mul3A_147 = arith.muli %scan3A_124#1, %mul3A_146 : vector<16xi32>
    %all_reduce_population_count3A_148 = tpu.all_reduce %lt3A_144 {dim = 0 : i64, kind = #tpu.reduction_kind<sum>} : vector<16xi1> -> vector<16xi32>
    %add3A_149 = arith.addi %mul3A_147, %all_reduce_population_count3A_148 : vector<16xi32>
    %jit3A_150 = arith.constant 0 : i32
    %broadcast_in_dim3A_151 = vector.broadcast %jit3A_150 : i32 to vector<16xi32>
    %select_n3A_152 = arith.select %lt3A_144, %add3A_143, %broadcast_in_dim3A_151 : vector<16xi1>, vector<16xi32>
    %reduce_max3A_153 = arith.constant true
    %reduce_max3A_154 = vector.broadcast %reduce_max3A_153 : i1 to vector<16xi1>
    %reduce_max3A_155 = arith.constant -2147483648 : i32
    %reduce_max3A_156 = vector.broadcast %reduce_max3A_155 : i32 to vector<16xi32>
    %reduce_max3A_157 = arith.xori %select_n3A_152, %reduce_max3A_156 : vector<16xi32>
    %reduce_max3A_158 = tpu.scan <max>, %reduce_max3A_157 masked %reduce_max3A_154 : vector<16xi32>, vector<16xi1> -> vector<16xi32>
    %reduce_max3A_159 = arith.xori %reduce_max3A_158, %reduce_max3A_156 : vector<16xi32>
    %reduce_max3A_160 = vector.extract %reduce_max3A_159[15] : i32 from vector<16xi32>
    %broadcast_in_dim3A_161 = vector.broadcast %reduce_max3A_160 : i32 to vector<16xi32>
    %max3A_162 = arith.maxsi %broadcast_in_dim3A_134, %broadcast_in_dim3A_161 : vector<16xi32>
    %reduce_max3A_163 = arith.constant true
    %reduce_max3A_164 = vector.broadcast %reduce_max3A_163 : i1 to vector<16xi1>
    %reduce_max3A_165 = arith.constant -2147483648 : i32
    %reduce_max3A_166 = vector.broadcast %reduce_max3A_165 : i32 to vector<16xi32>
    %reduce_max3A_167 = arith.xori %scan3A_124#4, %reduce_max3A_166 : vector<16xi32>
    %reduce_max3A_168 = tpu.scan <max>, %reduce_max3A_167 masked %reduce_max3A_164 : vector<16xi32>, vector<16xi1> -> vector<16xi32>
    %reduce_max3A_169 = arith.xori %reduce_max3A_168, %reduce_max3A_166 : vector<16xi32>
    %reduce_max3A_170 = vector.extract %reduce_max3A_169[15] : i32 from vector<16xi32>
    %broadcast_in_dim3A_171 = vector.broadcast %reduce_max3A_170 : i32 to vector<16xi32>
    %mul3A_172 = arith.constant 16 : i32
    %mul3A_173 = vector.broadcast %mul3A_172 : i32 to vector<16xi32>
    %mul3A_174 = arith.muli %scan3A_124#2, %mul3A_173 : vector<16xi32>
    %add3A_175 = arith.addi %mul3A_174, %iota3A : vector<16xi32>
    %gather3A_176 = tpu.vector_load_idx %arg9[%add3A_175] : memref<4096xi32, #tpu.memory_space<vmem>>[vector<16xi32>], vector<16xi32>,
    %shift_right_logical3A_177 = arith.constant 16 : i32
    %shift_right_logical3A_178 = vector.broadcast %shift_right_logical3A_177 : i32 to vector<16xi32>
    %shift_right_logical3A_179 = arith.shrui %gather3A_176, %shift_right_logical3A_178 : vector<16xi32>
    %add3A_180 = arith.addi %shift_right_logical3A_179, %broadcast_in_dim3A_171 : vector<16xi32>
    %lt3A_181 = arith.cmpi slt, %add3A_180, %sub3A_113 : vector<16xi32>
    %mul3A_182 = arith.constant 16 : i32
    %mul3A_183 = vector.broadcast %mul3A_182 : i32 to vector<16xi32>
    %mul3A_184 = arith.muli %scan3A_124#2, %mul3A_183 : vector<16xi32>
    %all_reduce_population_count3A_185 = tpu.all_reduce %lt3A_181 {dim = 0 : i64, kind = #tpu.reduction_kind<sum>} : vector<16xi1> -> vector<16xi32>
    %add3A_186 = arith.addi %mul3A_184, %all_reduce_population_count3A_185 : vector<16xi32>
    %jit3A_187 = arith.constant 0 : i32
    %broadcast_in_dim3A_188 = vector.broadcast %jit3A_187 : i32 to vector<16xi32>
    %select_n3A_189 = arith.select %lt3A_181, %add3A_180, %broadcast_in_dim3A_188 : vector<16xi1>, vector<16xi32>
    %reduce_max3A_190 = arith.constant true
    %reduce_max3A_191 = vector.broadcast %reduce_max3A_190 : i1 to vector<16xi1>
    %reduce_max3A_192 = arith.constant -2147483648 : i32
    %reduce_max3A_193 = vector.broadcast %reduce_max3A_192 : i32 to vector<16xi32>
    %reduce_max3A_194 = arith.xori %select_n3A_189, %reduce_max3A_193 : vector<16xi32>
    %reduce_max3A_195 = tpu.scan <max>, %reduce_max3A_194 masked %reduce_max3A_191 : vector<16xi32>, vector<16xi1> -> vector<16xi32>
    %reduce_max3A_196 = arith.xori %reduce_max3A_195, %reduce_max3A_193 : vector<16xi32>
    %reduce_max3A_197 = vector.extract %reduce_max3A_196[15] : i32 from vector<16xi32>
    %broadcast_in_dim3A_198 = vector.broadcast %reduce_max3A_197 : i32 to vector<16xi32>
    %max3A_199 = arith.maxsi %broadcast_in_dim3A_171, %broadcast_in_dim3A_198 : vector<16xi32>
    %shift_left3A = arith.constant 12 : i32
    %shift_left3A_200 = vector.broadcast %shift_left3A : i32 to vector<16xi32>
    %shift_left3A_201 = arith.shli %add3A_66, %shift_left3A_200 : vector<16xi32>
    %add3A_202 = arith.addi %shift_left3A_201, %add3A_149 : vector<16xi32>
    %shift_left3A_203 = arith.constant 12 : i32
    %shift_left3A_204 = vector.broadcast %shift_left3A_203 : i32 to vector<16xi32>
    %shift_left3A_205 = arith.shli %add3A_99, %shift_left3A_204 : vector<16xi32>
    %add3A_206 = arith.addi %shift_left3A_205, %add3A_186 : vector<16xi32>
    %sub3A_207 = arith.subi %sub3A, %max3A_162 : vector<16xi32>
    %sub3A_208 = arith.subi %sub3A_113, %max3A_199 : vector<16xi32>
    %parallel_loop3A_209 = arith.constant 0 : i32
    %parallel_loop3A_210 = arith.constant 2048 : i32
    %parallel_loop3A_211 = arith.constant 1 : i32
    scf.for %parallel_loop3A_1032 = %parallel_loop3A_209 to %parallel_loop3A_210 step %parallel_loop3A_211  : i32 {
      %parallel_loop3A_1033 = arith.constant 16 : i32
      %parallel_loop3A_1034 = arith.muli %parallel_loop3A_1032, %parallel_loop3A_1033 : i32
      %parallel_loop3A_1035 = arith.index_cast %parallel_loop3A_1034 : i32 to index
      %parallel_loop3A_1036 = tpu.vector_load %arg7[%parallel_loop3A_1035] {strides = array<i32>} : memref<32768xi32, #tpu.memory_space<vmem>>, vector<16xi32>,
      %parallel_loop3A_1037 = arith.constant 8 : i32
      %parallel_loop3A_1038 = vector.broadcast %parallel_loop3A_1037 : i32 to vector<16xi32>
      %parallel_loop3A_1039 = arith.shrui %parallel_loop3A_1036, %parallel_loop3A_1038 : vector<16xi32>
      %parallel_loop3A_1040 = arith.constant 255 : i32
      %parallel_loop3A_1041 = vector.broadcast %parallel_loop3A_1040 : i32 to vector<16xi32>
      %parallel_loop3A_1042 = arith.andi %parallel_loop3A_1036, %parallel_loop3A_1041 : vector<16xi32>
      %parallel_loop3A_1043 = arith.cmpi eq, %parallel_loop3A_1039, %add3A_202 : vector<16xi32>
      %parallel_loop3A_1044 = arith.constant 1 : i32
      %parallel_loop3A_1045 = arith.constant 0 : i32
      %parallel_loop3A_1046 = vector.broadcast %parallel_loop3A_1044 : i32 to vector<16xi32>
      %parallel_loop3A_1047 = vector.broadcast %parallel_loop3A_1045 : i32 to vector<16xi32>
      %parallel_loop3A_1048 = arith.select %parallel_loop3A_1043, %parallel_loop3A_1046, %parallel_loop3A_1047 : vector<16xi1>, vector<16xi32>
      %parallel_loop3A_1049 = arith.cmpi eq, %parallel_loop3A_1039, %add3A_206 : vector<16xi32>
      %parallel_loop3A_1050 = arith.constant 65536 : i32
      %parallel_loop3A_1051 = arith.constant 0 : i32
      %parallel_loop3A_1052 = vector.broadcast %parallel_loop3A_1050 : i32 to vector<16xi32>
      %parallel_loop3A_1053 = vector.broadcast %parallel_loop3A_1051 : i32 to vector<16xi32>
      %parallel_loop3A_1054 = arith.select %parallel_loop3A_1049, %parallel_loop3A_1052, %parallel_loop3A_1053 : vector<16xi1>, vector<16xi32>
      %parallel_loop3A_1055 = arith.addi %parallel_loop3A_1048, %parallel_loop3A_1054 : vector<16xi32>
      tpu.vector_store_idx %arg8[%parallel_loop3A_1042], %parallel_loop3A_1055 {add = true} : memref<4096xi32, #tpu.memory_space<vmem>>[vector<16xi32>], vector<16xi32>,
    } {sc.loop_unroll_factor = 8 : i64, sc.parallel_access}
    %parallel_loop3A_212 = arith.constant 0 : i32
    %parallel_loop3A_213 = arith.constant 16 : i32
    %parallel_loop3A_214 = arith.constant 1 : i32
    %parallel_loop3A_215:6 = scf.for %parallel_loop3A_1032 = %parallel_loop3A_212 to %parallel_loop3A_213 step %parallel_loop3A_214 iter_args(%parallel_loop3A_1033 = %broadcast_in_dim3A_6, %parallel_loop3A_1034 = %broadcast_in_dim3A_6, %parallel_loop3A_1035 = %broadcast_in_dim3A_6, %parallel_loop3A_1036 = %broadcast_in_dim3A_6, %parallel_loop3A_1037 = %broadcast_in_dim3A_6, %parallel_loop3A_1038 = %broadcast_in_dim3A_6) -> (vector<16xi32>, vector<16xi32>, vector<16xi32>, vector<16xi32>, vector<16xi32>, vector<16xi32>)  : i32 {
      %parallel_loop3A_1039 = arith.constant 16 : i32
      %parallel_loop3A_1040 = arith.muli %parallel_loop3A_1032, %parallel_loop3A_1039 : i32
      %parallel_loop3A_1041 = arith.index_cast %parallel_loop3A_1040 : i32 to index
      %parallel_loop3A_1042 = tpu.vector_load %arg8[%parallel_loop3A_1041] {strides = array<i32>} : memref<4096xi32, #tpu.memory_space<vmem>>, vector<16xi32>,
      %parallel_loop3A_1043 = arith.constant 16 : i32
      %parallel_loop3A_1044 = arith.muli %parallel_loop3A_1032, %parallel_loop3A_1043 : i32
      %parallel_loop3A_1045 = arith.index_cast %parallel_loop3A_1044 : i32 to index
      %parallel_loop3A_1046 = tpu.vector_load %arg8[%parallel_loop3A_1045] {strides = array<i32>} : memref<4096xi32, #tpu.memory_space<vmem>>, vector<16xi32>,
      tpu.vector_store %arg8[%parallel_loop3A_1045], %broadcast_in_dim3A_6 {strides = array<i32>} : memref<4096xi32, #tpu.memory_space<vmem>>, vector<16xi32>,
      %parallel_loop3A_1047 = arith.constant 65535 : i32
      %parallel_loop3A_1048 = vector.broadcast %parallel_loop3A_1047 : i32 to vector<16xi32>
      %parallel_loop3A_1049 = arith.andi %parallel_loop3A_1042, %parallel_loop3A_1048 : vector<16xi32>
      %parallel_loop3A_1050 = arith.constant true
      %parallel_loop3A_1051 = vector.broadcast %parallel_loop3A_1050 : i1 to vector<16xi1>
      %parallel_loop3A_1052 = tpu.scan <sum>, %parallel_loop3A_1049 masked %parallel_loop3A_1051 : vector<16xi32>, vector<16xi1> -> vector<16xi32>
      %parallel_loop3A_1053 = arith.addi %parallel_loop3A_1052, %parallel_loop3A_1033 : vector<16xi32>
      %parallel_loop3A_1054 = arith.constant 16 : i32
      %parallel_loop3A_1055 = vector.broadcast %parallel_loop3A_1054 : i32 to vector<16xi32>
      %parallel_loop3A_1056 = arith.shrui %parallel_loop3A_1042, %parallel_loop3A_1055 : vector<16xi32>
      %parallel_loop3A_1057 = arith.constant true
      %parallel_loop3A_1058 = vector.broadcast %parallel_loop3A_1057 : i1 to vector<16xi1>
      %parallel_loop3A_1059 = tpu.scan <sum>, %parallel_loop3A_1056 masked %parallel_loop3A_1058 : vector<16xi32>, vector<16xi1> -> vector<16xi32>
      %parallel_loop3A_1060 = arith.addi %parallel_loop3A_1059, %parallel_loop3A_1036 : vector<16xi32>
      %parallel_loop3A_1061 = arith.cmpi slt, %parallel_loop3A_1053, %sub3A_207 : vector<16xi32>
      %parallel_loop3A_1062 = arith.cmpi slt, %parallel_loop3A_1060, %sub3A_208 : vector<16xi32>
      %parallel_loop3A_1063 = tpu.all_reduce %parallel_loop3A_1061 {dim = 0 : i64, kind = #tpu.reduction_kind<sum>} : vector<16xi1> -> vector<16xi32>
      %parallel_loop3A_1064 = arith.addi %parallel_loop3A_1034, %parallel_loop3A_1063 : vector<16xi32>
      %parallel_loop3A_1065 = tpu.all_reduce %parallel_loop3A_1062 {dim = 0 : i64, kind = #tpu.reduction_kind<sum>} : vector<16xi1> -> vector<16xi32>
      %parallel_loop3A_1066 = arith.addi %parallel_loop3A_1037, %parallel_loop3A_1065 : vector<16xi32>
      %parallel_loop3A_1067 = arith.constant 0 : i32
      %parallel_loop3A_1068 = vector.broadcast %parallel_loop3A_1067 : i32 to vector<16xi32>
      %parallel_loop3A_1069 = arith.select %parallel_loop3A_1061, %parallel_loop3A_1053, %parallel_loop3A_1068 : vector<16xi1>, vector<16xi32>
      %parallel_loop3A_1070 = arith.maxsi %parallel_loop3A_1035, %parallel_loop3A_1069 : vector<16xi32>
      %parallel_loop3A_1071 = arith.constant 0 : i32
      %parallel_loop3A_1072 = vector.broadcast %parallel_loop3A_1071 : i32 to vector<16xi32>
      %parallel_loop3A_1073 = arith.select %parallel_loop3A_1062, %parallel_loop3A_1060, %parallel_loop3A_1072 : vector<16xi1>, vector<16xi32>
      %parallel_loop3A_1074 = arith.maxsi %parallel_loop3A_1038, %parallel_loop3A_1073 : vector<16xi32>
      %parallel_loop3A_1075 = arith.constant 0 : i32
      %parallel_loop3A_1076 = vector.broadcast %parallel_loop3A_1075 : i32 to vector<16xi32>
      %parallel_loop3A_1077 = arith.cmpi slt, %broadcast_in_dim3A_8, %parallel_loop3A_1076 : vector<16xi32>
      %parallel_loop3A_1078 = arith.constant 16 : i32
      %parallel_loop3A_1079 = vector.broadcast %parallel_loop3A_1078 : i32 to vector<16xi32>
      %parallel_loop3A_1080 = arith.addi %broadcast_in_dim3A_8, %parallel_loop3A_1079 : vector<16xi32>
      %parallel_loop3A_1081 = arith.select %parallel_loop3A_1077, %parallel_loop3A_1080, %broadcast_in_dim3A_8 : vector<16xi1>, vector<16xi32>
      %parallel_loop3A_1082 = vector.shape_cast %parallel_loop3A_1081 : vector<16xi32> to vector<16x1xi32>
      %parallel_loop3A_1083 = vector.shape_cast %parallel_loop3A_1082 : vector<16x1xi32> to vector<16xi32>
      %parallel_loop3A_1084 = tpu.dynamic_gather %parallel_loop3A_1053[%parallel_loop3A_1083] in [0] : vector<16xi32>, vector<16xi32> -> vector<16xi32>
      %parallel_loop3A_1085 = arith.constant 0 : i32
      %parallel_loop3A_1086 = vector.broadcast %parallel_loop3A_1085 : i32 to vector<16xi32>
      %parallel_loop3A_1087 = arith.cmpi slt, %broadcast_in_dim3A_8, %parallel_loop3A_1086 : vector<16xi32>
      %parallel_loop3A_1088 = arith.constant 16 : i32
      %parallel_loop3A_1089 = vector.broadcast %parallel_loop3A_1088 : i32 to vector<16xi32>
      %parallel_loop3A_1090 = arith.addi %broadcast_in_dim3A_8, %parallel_loop3A_1089 : vector<16xi32>
      %parallel_loop3A_1091 = arith.select %parallel_loop3A_1087, %parallel_loop3A_1090, %broadcast_in_dim3A_8 : vector<16xi1>, vector<16xi32>
      %parallel_loop3A_1092 = vector.shape_cast %parallel_loop3A_1091 : vector<16xi32> to vector<16x1xi32>
      %parallel_loop3A_1093 = vector.shape_cast %parallel_loop3A_1092 : vector<16x1xi32> to vector<16xi32>
      %parallel_loop3A_1094 = tpu.dynamic_gather %parallel_loop3A_1060[%parallel_loop3A_1093] in [0] : vector<16xi32>, vector<16xi32> -> vector<16xi32>
      scf.yield %parallel_loop3A_1084, %parallel_loop3A_1064, %parallel_loop3A_1070, %parallel_loop3A_1094, %parallel_loop3A_1066, %parallel_loop3A_1074 : vector<16xi32>, vector<16xi32>, vector<16xi32>, vector<16xi32>, vector<16xi32>, vector<16xi32>
    } {sc.loop_unroll_factor = 4 : i64, sc.parallel_access}
    %reduce_max3A_216 = arith.constant true
    %reduce_max3A_217 = vector.broadcast %reduce_max3A_216 : i1 to vector<16xi1>
    %reduce_max3A_218 = arith.constant -2147483648 : i32
    %reduce_max3A_219 = vector.broadcast %reduce_max3A_218 : i32 to vector<16xi32>
    %reduce_max3A_220 = arith.xori %parallel_loop3A_215#2, %reduce_max3A_219 : vector<16xi32>
    %reduce_max3A_221 = tpu.scan <max>, %reduce_max3A_220 masked %reduce_max3A_217 : vector<16xi32>, vector<16xi1> -> vector<16xi32>
    %reduce_max3A_222 = arith.xori %reduce_max3A_221, %reduce_max3A_219 : vector<16xi32>
    %reduce_max3A_223 = vector.extract %reduce_max3A_222[15] : i32 from vector<16xi32>
    %broadcast_in_dim3A_224 = vector.broadcast %reduce_max3A_223 : i32 to vector<16xi32>
    %reduce_max3A_225 = arith.constant true
    %reduce_max3A_226 = vector.broadcast %reduce_max3A_225 : i1 to vector<16xi1>
    %reduce_max3A_227 = arith.constant -2147483648 : i32
    %reduce_max3A_228 = vector.broadcast %reduce_max3A_227 : i32 to vector<16xi32>
    %reduce_max3A_229 = arith.xori %parallel_loop3A_215#5, %reduce_max3A_228 : vector<16xi32>
    %reduce_max3A_230 = tpu.scan <max>, %reduce_max3A_229 masked %reduce_max3A_226 : vector<16xi32>, vector<16xi1> -> vector<16xi32>
    %reduce_max3A_231 = arith.xori %reduce_max3A_230, %reduce_max3A_228 : vector<16xi32>
    %reduce_max3A_232 = vector.extract %reduce_max3A_231[15] : i32 from vector<16xi32>
    %broadcast_in_dim3A_233 = vector.broadcast %reduce_max3A_232 : i32 to vector<16xi32>
    %shift_left3A_234 = arith.constant 8 : i32
    %shift_left3A_235 = vector.broadcast %shift_left3A_234 : i32 to vector<16xi32>
    %shift_left3A_236 = arith.shli %add3A_202, %shift_left3A_235 : vector<16xi32>
    %add3A_237 = arith.addi %shift_left3A_236, %parallel_loop3A_215#1 : vector<16xi32>
    %shift_left3A_238 = arith.constant 8 : i32
    %shift_left3A_239 = vector.broadcast %shift_left3A_238 : i32 to vector<16xi32>
    %shift_left3A_240 = arith.shli %add3A_206, %shift_left3A_239 : vector<16xi32>
    %add3A_241 = arith.addi %shift_left3A_240, %parallel_loop3A_215#4 : vector<16xi32>
    %xor3A = arith.constant -2147483648 : i32
    %xor3A_242 = vector.broadcast %xor3A : i32 to vector<16xi32>
    %xor3A_243 = arith.xori %add3A_237, %xor3A_242 : vector<16xi32>
    %xor3A_244 = arith.constant -2147483648 : i32
    %xor3A_245 = vector.broadcast %xor3A_244 : i32 to vector<16xi32>
    %xor3A_246 = arith.xori %add3A_241, %xor3A_245 : vector<16xi32>
    %parallel_loop3A_247 = arith.constant 0 : i32
    %parallel_loop3A_248 = arith.constant 2048 : i32
    %parallel_loop3A_249 = arith.constant 1 : i32
    scf.for %parallel_loop3A_1032 = %parallel_loop3A_247 to %parallel_loop3A_248 step %parallel_loop3A_249  : i32 {
      %parallel_loop3A_1033 = arith.constant 16 : i32
      %parallel_loop3A_1034 = arith.muli %parallel_loop3A_1032, %parallel_loop3A_1033 : i32
      %parallel_loop3A_1035 = arith.index_cast %parallel_loop3A_1034 : i32 to index
      %parallel_loop3A_1036 = tpu.vector_load %arg5[%parallel_loop3A_1035] {strides = array<i32>} : memref<32768xf32, #tpu.memory_space<vmem>>, vector<16xf32>,
      %parallel_loop3A_1037 = arith.index_cast %parallel_loop3A_1034 : i32 to index
      %parallel_loop3A_1038 = tpu.vector_load %arg7[%parallel_loop3A_1037] {strides = array<i32>} : memref<32768xi32, #tpu.memory_space<vmem>>, vector<16xi32>,
      %parallel_loop3A_1039 = arith.constant -2147483648 : i32
      %parallel_loop3A_1040 = vector.broadcast %parallel_loop3A_1039 : i32 to vector<16xi32>
      %parallel_loop3A_1041 = arith.xori %parallel_loop3A_1038, %parallel_loop3A_1040 : vector<16xi32>
      %parallel_loop3A_1042 = arith.cmpi sge, %parallel_loop3A_1041, %xor3A_246 : vector<16xi32>
      %parallel_loop3A_1043 = arith.cmpi sle, %parallel_loop3A_1041, %xor3A_243 : vector<16xi32>
      %parallel_loop3A_1044 = arith.constant 0.000000e+00 : f32
      %parallel_loop3A_1045 = vector.broadcast %parallel_loop3A_1044 : f32 to vector<16xf32>
      %parallel_loop3A_1046 = arith.select %parallel_loop3A_1043, %parallel_loop3A_1045, %parallel_loop3A_1036 : vector<16xi1>, vector<16xf32>
      %parallel_loop3A_1047 = arith.constant 1.000000e+00 : f32
      %parallel_loop3A_1048 = vector.broadcast %parallel_loop3A_1047 : f32 to vector<16xf32>
      %parallel_loop3A_1049 = arith.select %parallel_loop3A_1042, %parallel_loop3A_1048, %parallel_loop3A_1046 : vector<16xi1>, vector<16xf32>
      %parallel_loop3A_1050 = arith.index_cast %parallel_loop3A_1034 : i32 to index
      %parallel_loop3A_1051 = tpu.vector_load %arg5[%parallel_loop3A_1050] {strides = array<i32>} : memref<32768xf32, #tpu.memory_space<vmem>>, vector<16xf32>,
      tpu.vector_store %arg5[%parallel_loop3A_1050], %parallel_loop3A_1049 {strides = array<i32>} : memref<32768xf32, #tpu.memory_space<vmem>>, vector<16xf32>,
    } {sc.loop_unroll_factor = 8 : i64, sc.parallel_access}
    %add3A_250 = arith.constant 0 : i32
    %add3A_251 = arith.addi %mul3A_2, %add3A_250 : i32
    %dma_start3A_252 = arith.constant 0 : i32
    %dma_start3A_253 = tpu.memref_slice %arg4[%add3A_251, %dma_start3A_252] : memref<128x32768xf32, #tpu.memory_space<hbm>> -> memref<1x32768xf32, #tpu.memory_space<hbm>>
    %dma_start3A_254 = tpu.memref_squeeze %dma_start3A_253 : memref<1x32768xf32, #tpu.memory_space<hbm>> -> memref<32768xf32, #tpu.memory_space<hbm>>
    %dma_start3A_255 = arith.constant 0 : i32
    %dma_start3A_256 = tpu.memref_slice %arg4[%add3A_251, %dma_start3A_255] : memref<128x32768xf32, #tpu.memory_space<hbm>> -> memref<1x32768xf32, #tpu.memory_space<hbm>>
    %dma_start3A_257 = tpu.memref_squeeze %dma_start3A_256 : memref<1x32768xf32, #tpu.memory_space<hbm>> -> memref<32768xf32, #tpu.memory_space<hbm>>
    tpu.enqueue_dma source(%arg5 : memref<32768xf32, #tpu.memory_space<vmem>>) target(%dma_start3A_257 : memref<32768xf32, #tpu.memory_space<hbm>>) target_semaphore(%arg14 : memref<!tpu.dma_semaphore, #tpu.memory_space<semaphore_mem>>)
    %add3A_258 = arith.constant 1 : i32
    %add3A_259 = arith.addi %mul3A_2, %add3A_258 : i32
    %dma_wait3A_260 = arith.constant 0 : i32
    %dma_wait3A_261 = tpu.memref_slice %arg2[%add3A_259, %dma_wait3A_260] : memref<128x32768xf32, #tpu.memory_space<hbm>> -> memref<1x32768xf32, #tpu.memory_space<hbm>>
    %dma_wait3A_262 = tpu.memref_squeeze %dma_wait3A_261 : memref<1x32768xf32, #tpu.memory_space<hbm>> -> memref<32768xf32, #tpu.memory_space<hbm>>
    %dma_wait3A_263 = arith.constant 0 : i32
    %dma_wait3A_264 = tpu.memref_slice %arg2[%add3A_259, %dma_wait3A_263] : memref<128x32768xf32, #tpu.memory_space<hbm>> -> memref<1x32768xf32, #tpu.memory_space<hbm>>
    %dma_wait3A_265 = tpu.memref_squeeze %dma_wait3A_264 : memref<1x32768xf32, #tpu.memory_space<hbm>> -> memref<32768xf32, #tpu.memory_space<hbm>>
    tpu.wait_dma2 semaphore(%arg13 : memref<!tpu.dma_semaphore, #tpu.memory_space<semaphore_mem>>) src(%dma_wait3A_265 : memref<32768xf32, #tpu.memory_space<hbm>>) dst(%arg6 : memref<32768xf32, #tpu.memory_space<vmem>>)
    %add3A_266 = arith.constant 0 : i32
    %add3A_267 = arith.addi %mul3A_2, %add3A_266 : i32
    %dma_wait3A_268 = arith.constant 0 : i32
    %dma_wait3A_269 = tpu.memref_slice %arg4[%add3A_267, %dma_wait3A_268] : memref<128x32768xf32, #tpu.memory_space<hbm>> -> memref<1x32768xf32, #tpu.memory_space<hbm>>
    %dma_wait3A_270 = tpu.memref_squeeze %dma_wait3A_269 : memref<1x32768xf32, #tpu.memory_space<hbm>> -> memref<32768xf32, #tpu.memory_space<hbm>>
    %dma_wait3A_271 = arith.constant 0 : i32
    %dma_wait3A_272 = tpu.memref_slice %arg4[%add3A_267, %dma_wait3A_271] : memref<128x32768xf32, #tpu.memory_space<hbm>> -> memref<1x32768xf32, #tpu.memory_space<hbm>>
    %dma_wait3A_273 = tpu.memref_squeeze %dma_wait3A_272 : memref<1x32768xf32, #tpu.memory_space<hbm>> -> memref<32768xf32, #tpu.memory_space<hbm>>
    tpu.wait_dma2 semaphore(%arg14 : memref<!tpu.dma_semaphore, #tpu.memory_space<semaphore_mem>>) src(%arg5 : memref<32768xf32, #tpu.memory_space<vmem>>) dst(%dma_wait3A_273 : memref<32768xf32, #tpu.memory_space<hbm>>)
    %add3A_274 = arith.constant 2 : i32
    %add3A_275 = arith.addi %mul3A_2, %add3A_274 : i32
    %dma_start3A_276 = arith.constant 0 : i32
    %dma_start3A_277 = tpu.memref_slice %arg2[%add3A_275, %dma_start3A_276] : memref<128x32768xf32, #tpu.memory_space<hbm>> -> memref<1x32768xf32, #tpu.memory_space<hbm>>
    %dma_start3A_278 = tpu.memref_squeeze %dma_start3A_277 : memref<1x32768xf32, #tpu.memory_space<hbm>> -> memref<32768xf32, #tpu.memory_space<hbm>>
    %dma_start3A_279 = arith.constant 0 : i32
    %dma_start3A_280 = tpu.memref_slice %arg2[%add3A_275, %dma_start3A_279] : memref<128x32768xf32, #tpu.memory_space<hbm>> -> memref<1x32768xf32, #tpu.memory_space<hbm>>
    %dma_start3A_281 = tpu.memref_squeeze %dma_start3A_280 : memref<1x32768xf32, #tpu.memory_space<hbm>> -> memref<32768xf32, #tpu.memory_space<hbm>>
    tpu.enqueue_dma source(%dma_start3A_281 : memref<32768xf32, #tpu.memory_space<hbm>>) target(%arg5 : memref<32768xf32, #tpu.memory_space<vmem>>) target_semaphore(%arg12 : memref<!tpu.dma_semaphore, #tpu.memory_space<semaphore_mem>>)
    %parallel_loop3A_282 = arith.constant 0 : i32
    %parallel_loop3A_283 = arith.constant 2048 : i32
    %parallel_loop3A_284 = arith.constant 1 : i32
    scf.for %parallel_loop3A_1032 = %parallel_loop3A_282 to %parallel_loop3A_283 step %parallel_loop3A_284  : i32 {
      %parallel_loop3A_1033 = arith.constant 16 : i32
      %parallel_loop3A_1034 = arith.muli %parallel_loop3A_1032, %parallel_loop3A_1033 : i32
      %parallel_loop3A_1035 = arith.index_cast %parallel_loop3A_1034 : i32 to index
      %parallel_loop3A_1036 = tpu.vector_load %arg6[%parallel_loop3A_1035] {strides = array<i32>} : memref<32768xf32, #tpu.memory_space<vmem>>, vector<16xf32>,
      %parallel_loop3A_1037 = tpu.bitcast %parallel_loop3A_1036 : vector<16xf32> -> vector<16xi32>
      %parallel_loop3A_1038 = arith.constant 31 : i32
      %parallel_loop3A_1039 = vector.broadcast %parallel_loop3A_1038 : i32 to vector<16xi32>
      %parallel_loop3A_1040 = arith.shrsi %parallel_loop3A_1037, %parallel_loop3A_1039 : vector<16xi32>
      %parallel_loop3A_1041 = arith.constant -2147483648 : i32
      %parallel_loop3A_1042 = vector.broadcast %parallel_loop3A_1041 : i32 to vector<16xi32>
      %parallel_loop3A_1043 = arith.ori %parallel_loop3A_1040, %parallel_loop3A_1042 : vector<16xi32>
      %parallel_loop3A_1044 = arith.xori %parallel_loop3A_1037, %parallel_loop3A_1043 : vector<16xi32>
      %parallel_loop3A_1045 = arith.index_cast %parallel_loop3A_1034 : i32 to index
      %parallel_loop3A_1046 = tpu.vector_load %arg7[%parallel_loop3A_1045] {strides = array<i32>} : memref<32768xi32, #tpu.memory_space<vmem>>, vector<16xi32>,
      tpu.vector_store %arg7[%parallel_loop3A_1045], %parallel_loop3A_1044 {strides = array<i32>} : memref<32768xi32, #tpu.memory_space<vmem>>, vector<16xi32>,
      %parallel_loop3A_1047 = arith.constant 20 : i32
      %parallel_loop3A_1048 = vector.broadcast %parallel_loop3A_1047 : i32 to vector<16xi32>
      %parallel_loop3A_1049 = arith.shrui %parallel_loop3A_1044, %parallel_loop3A_1048 : vector<16xi32>
      tpu.vector_store_idx %arg8[%parallel_loop3A_1049], %broadcast_in_dim3A_12 {add = true} : memref<4096xi32, #tpu.memory_space<vmem>>[vector<16xi32>], vector<16xi32>,
    } {sc.loop_unroll_factor = 8 : i64, sc.parallel_access}
    %parallel_loop3A_285 = arith.constant 0 : i32
    %parallel_loop3A_286 = arith.constant 256 : i32
    %parallel_loop3A_287 = arith.constant 1 : i32
    scf.for %parallel_loop3A_1032 = %parallel_loop3A_285 to %parallel_loop3A_286 step %parallel_loop3A_287  : i32 {
      %parallel_loop3A_1033 = arith.constant 16 : i32
      %parallel_loop3A_1034 = arith.muli %parallel_loop3A_1032, %parallel_loop3A_1033 : i32
      %parallel_loop3A_1035 = arith.index_cast %parallel_loop3A_1034 : i32 to index
      %parallel_loop3A_1036 = tpu.vector_load %arg8[%parallel_loop3A_1035] {strides = array<i32>} : memref<4096xi32, #tpu.memory_space<vmem>>, vector<16xi32>,
      %parallel_loop3A_1037 = arith.constant 16 : i32
      %parallel_loop3A_1038 = arith.muli %parallel_loop3A_1032, %parallel_loop3A_1037 : i32
      %parallel_loop3A_1039 = arith.index_cast %parallel_loop3A_1038 : i32 to index
      %parallel_loop3A_1040 = tpu.vector_load %arg8[%parallel_loop3A_1039] {strides = array<i32>} : memref<4096xi32, #tpu.memory_space<vmem>>, vector<16xi32>,
      tpu.vector_store %arg8[%parallel_loop3A_1039], %broadcast_in_dim3A_6 {strides = array<i32>} : memref<4096xi32, #tpu.memory_space<vmem>>, vector<16xi32>,
      %parallel_loop3A_1041 = arith.constant true
      %parallel_loop3A_1042 = vector.broadcast %parallel_loop3A_1041 : i1 to vector<16xi1>
      %parallel_loop3A_1043 = tpu.scan <sum>, %parallel_loop3A_1036 masked %parallel_loop3A_1042 : vector<16xi32>, vector<16xi1> -> vector<16xi32>
      %parallel_loop3A_1044 = arith.constant 16 : i32
      %parallel_loop3A_1045 = arith.muli %parallel_loop3A_1032, %parallel_loop3A_1044 : i32
      %parallel_loop3A_1046 = arith.index_cast %parallel_loop3A_1045 : i32 to index
      %parallel_loop3A_1047 = tpu.vector_load %arg9[%parallel_loop3A_1046] {strides = array<i32>} : memref<4096xi32, #tpu.memory_space<vmem>>, vector<16xi32>,
      tpu.vector_store %arg9[%parallel_loop3A_1046], %parallel_loop3A_1043 {strides = array<i32>} : memref<4096xi32, #tpu.memory_space<vmem>>, vector<16xi32>,
      %parallel_loop3A_1048 = arith.constant 0 : i32
      %parallel_loop3A_1049 = vector.broadcast %parallel_loop3A_1048 : i32 to vector<16xi32>
      %parallel_loop3A_1050 = arith.cmpi slt, %broadcast_in_dim3A_8, %parallel_loop3A_1049 : vector<16xi32>
      %parallel_loop3A_1051 = arith.constant 16 : i32
      %parallel_loop3A_1052 = vector.broadcast %parallel_loop3A_1051 : i32 to vector<16xi32>
      %parallel_loop3A_1053 = arith.addi %broadcast_in_dim3A_8, %parallel_loop3A_1052 : vector<16xi32>
      %parallel_loop3A_1054 = arith.select %parallel_loop3A_1050, %parallel_loop3A_1053, %broadcast_in_dim3A_8 : vector<16xi1>, vector<16xi32>
      %parallel_loop3A_1055 = vector.shape_cast %parallel_loop3A_1054 : vector<16xi32> to vector<16x1xi32>
      %parallel_loop3A_1056 = vector.shape_cast %parallel_loop3A_1055 : vector<16x1xi32> to vector<16xi32>
      %parallel_loop3A_1057 = tpu.dynamic_gather %parallel_loop3A_1043[%parallel_loop3A_1056] in [0] : vector<16xi32>, vector<16xi32> -> vector<16xi32>
      %parallel_loop3A_1058 = arith.index_cast %parallel_loop3A_1032 : i32 to index
      %parallel_loop3A_1059 = tpu.vector_load %arg10[%parallel_loop3A_1058] masked %eq3A_10 {strides = array<i32>} : memref<272xi32, #tpu.memory_space<vmem>>, vector<16xi32>, vector<16xi1>
      tpu.vector_store %arg10[%parallel_loop3A_1058], %parallel_loop3A_1057 masked %eq3A_10 {strides = array<i32>} : memref<272xi32, #tpu.memory_space<vmem>>, vector<16xi32>, vector<16xi1>
    } {sc.loop_unroll_factor = 4 : i64, sc.parallel_access}
    %scan3A_288 = arith.constant 0 : i32
    %scan3A_289 = arith.constant 16 : i32
    %scan3A_290 = arith.addi %scan3A_288, %scan3A_289 : i32
    %scan3A_291 = arith.constant 1 : i32
    %scan3A_292:5 = scf.for %scan3A_1032 = %scan3A_288 to %scan3A_290 step %scan3A_291 iter_args(%scan3A_1033 = %broadcast_in_dim3A_6, %scan3A_1034 = %broadcast_in_dim3A_6, %scan3A_1035 = %broadcast_in_dim3A_6, %scan3A_1036 = %broadcast_in_dim3A_6, %scan3A_1037 = %broadcast_in_dim3A_6) -> (vector<16xi32>, vector<16xi32>, vector<16xi32>, vector<16xi32>, vector<16xi32>)  : i32 {
      %mul3A_1038 = arith.constant 16 : i32
      %mul3A_1039 = arith.muli %scan3A_1032, %mul3A_1038 : i32
      %get3A_1040 = arith.index_cast %mul3A_1039 : i32 to index
      %get3A_1041 = tpu.vector_load %arg10[%get3A_1040] {strides = array<i32>} : memref<272xi32, #tpu.memory_space<vmem>>, vector<16xi32>,
      %broadcast_in_dim3A_1042 = arith.constant true
      %broadcast_in_dim3A_1043 = vector.broadcast %broadcast_in_dim3A_1042 : i1 to vector<16xi1>
      %masked_cumsum3A = tpu.scan <sum>, %get3A_1041 masked %broadcast_in_dim3A_1043 : vector<16xi32>, vector<16xi1> -> vector<16xi32>
      %add3A_1044 = arith.addi %masked_cumsum3A, %scan3A_1033 : vector<16xi32>
      %and3A_1045 = arith.constant 65535 : i32
      %and3A_1046 = vector.broadcast %and3A_1045 : i32 to vector<16xi32>
      %and3A_1047 = arith.andi %add3A_1044, %and3A_1046 : vector<16xi32>
      %shift_right_logical3A_1048 = arith.constant 16 : i32
      %shift_right_logical3A_1049 = vector.broadcast %shift_right_logical3A_1048 : i32 to vector<16xi32>
      %shift_right_logical3A_1050 = arith.shrui %add3A_1044, %shift_right_logical3A_1049 : vector<16xi32>
      %lt3A_1051 = arith.cmpi slt, %and3A_1047, %get3A_3 : vector<16xi32>
      %lt3A_1052 = arith.cmpi slt, %shift_right_logical3A_1050, %get3A_5 : vector<16xi32>
      %all_reduce_population_count3A_1053 = tpu.all_reduce %lt3A_1051 {dim = 0 : i64, kind = #tpu.reduction_kind<sum>} : vector<16xi1> -> vector<16xi32>
      %add3A_1054 = arith.addi %scan3A_1034, %all_reduce_population_count3A_1053 : vector<16xi32>
      %all_reduce_population_count3A_1055 = tpu.all_reduce %lt3A_1052 {dim = 0 : i64, kind = #tpu.reduction_kind<sum>} : vector<16xi1> -> vector<16xi32>
      %add3A_1056 = arith.addi %scan3A_1035, %all_reduce_population_count3A_1055 : vector<16xi32>
      %jit3A_1057 = arith.constant 0 : i32
      %broadcast_in_dim3A_1058 = vector.broadcast %jit3A_1057 : i32 to vector<16xi32>
      %select_n3A_1059 = arith.select %lt3A_1051, %and3A_1047, %broadcast_in_dim3A_1058 : vector<16xi1>, vector<16xi32>
      %max3A_1060 = arith.maxsi %scan3A_1036, %select_n3A_1059 : vector<16xi32>
      %jit3A_1061 = arith.constant 0 : i32
      %broadcast_in_dim3A_1062 = vector.broadcast %jit3A_1061 : i32 to vector<16xi32>
      %select_n3A_1063 = arith.select %lt3A_1052, %shift_right_logical3A_1050, %broadcast_in_dim3A_1062 : vector<16xi1>, vector<16xi32>
      %max3A_1064 = arith.maxsi %scan3A_1037, %select_n3A_1063 : vector<16xi32>
      %lt3A_1065 = arith.constant 0 : i32
      %lt3A_1066 = vector.broadcast %lt3A_1065 : i32 to vector<16xi32>
      %lt3A_1067 = arith.cmpi slt, %broadcast_in_dim3A_8, %lt3A_1066 : vector<16xi32>
      %add3A_1068 = arith.constant 16 : i32
      %add3A_1069 = vector.broadcast %add3A_1068 : i32 to vector<16xi32>
      %add3A_1070 = arith.addi %broadcast_in_dim3A_8, %add3A_1069 : vector<16xi32>
      %select_n3A_1071 = arith.select %lt3A_1067, %add3A_1070, %broadcast_in_dim3A_8 : vector<16xi1>, vector<16xi32>
      %broadcast_in_dim3A_1072 = vector.shape_cast %select_n3A_1071 : vector<16xi32> to vector<16x1xi32>
      %gather3A_1073 = vector.shape_cast %broadcast_in_dim3A_1072 : vector<16x1xi32> to vector<16xi32>
      %gather3A_1074 = tpu.dynamic_gather %add3A_1044[%gather3A_1073] in [0] : vector<16xi32>, vector<16xi32> -> vector<16xi32>
      scf.yield %gather3A_1074, %add3A_1054, %add3A_1056, %max3A_1060, %max3A_1064 : vector<16xi32>, vector<16xi32>, vector<16xi32>, vector<16xi32>, vector<16xi32>
    }
    %scan3A_293 = arith.constant 16 : i32
    %reduce_max3A_294 = arith.constant true
    %reduce_max3A_295 = vector.broadcast %reduce_max3A_294 : i1 to vector<16xi1>
    %reduce_max3A_296 = arith.constant -2147483648 : i32
    %reduce_max3A_297 = vector.broadcast %reduce_max3A_296 : i32 to vector<16xi32>
    %reduce_max3A_298 = arith.xori %scan3A_292#3, %reduce_max3A_297 : vector<16xi32>
    %reduce_max3A_299 = tpu.scan <max>, %reduce_max3A_298 masked %reduce_max3A_295 : vector<16xi32>, vector<16xi1> -> vector<16xi32>
    %reduce_max3A_300 = arith.xori %reduce_max3A_299, %reduce_max3A_297 : vector<16xi32>
    %reduce_max3A_301 = vector.extract %reduce_max3A_300[15] : i32 from vector<16xi32>
    %broadcast_in_dim3A_302 = vector.broadcast %reduce_max3A_301 : i32 to vector<16xi32>
    %mul3A_303 = arith.constant 16 : i32
    %mul3A_304 = vector.broadcast %mul3A_303 : i32 to vector<16xi32>
    %mul3A_305 = arith.muli %scan3A_292#1, %mul3A_304 : vector<16xi32>
    %add3A_306 = arith.addi %mul3A_305, %iota3A : vector<16xi32>
    %gather3A_307 = tpu.vector_load_idx %arg9[%add3A_306] : memref<4096xi32, #tpu.memory_space<vmem>>[vector<16xi32>], vector<16xi32>,
    %and3A_308 = arith.constant 65535 : i32
    %and3A_309 = vector.broadcast %and3A_308 : i32 to vector<16xi32>
    %and3A_310 = arith.andi %gather3A_307, %and3A_309 : vector<16xi32>
    %add3A_311 = arith.addi %and3A_310, %broadcast_in_dim3A_302 : vector<16xi32>
    %lt3A_312 = arith.cmpi slt, %add3A_311, %get3A_3 : vector<16xi32>
    %mul3A_313 = arith.constant 16 : i32
    %mul3A_314 = vector.broadcast %mul3A_313 : i32 to vector<16xi32>
    %mul3A_315 = arith.muli %scan3A_292#1, %mul3A_314 : vector<16xi32>
    %all_reduce_population_count3A_316 = tpu.all_reduce %lt3A_312 {dim = 0 : i64, kind = #tpu.reduction_kind<sum>} : vector<16xi1> -> vector<16xi32>
    %add3A_317 = arith.addi %mul3A_315, %all_reduce_population_count3A_316 : vector<16xi32>
    %jit3A_318 = arith.constant 0 : i32
    %broadcast_in_dim3A_319 = vector.broadcast %jit3A_318 : i32 to vector<16xi32>
    %select_n3A_320 = arith.select %lt3A_312, %add3A_311, %broadcast_in_dim3A_319 : vector<16xi1>, vector<16xi32>
    %reduce_max3A_321 = arith.constant true
    %reduce_max3A_322 = vector.broadcast %reduce_max3A_321 : i1 to vector<16xi1>
    %reduce_max3A_323 = arith.constant -2147483648 : i32
    %reduce_max3A_324 = vector.broadcast %reduce_max3A_323 : i32 to vector<16xi32>
    %reduce_max3A_325 = arith.xori %select_n3A_320, %reduce_max3A_324 : vector<16xi32>
    %reduce_max3A_326 = tpu.scan <max>, %reduce_max3A_325 masked %reduce_max3A_322 : vector<16xi32>, vector<16xi1> -> vector<16xi32>
    %reduce_max3A_327 = arith.xori %reduce_max3A_326, %reduce_max3A_324 : vector<16xi32>
    %reduce_max3A_328 = vector.extract %reduce_max3A_327[15] : i32 from vector<16xi32>
    %broadcast_in_dim3A_329 = vector.broadcast %reduce_max3A_328 : i32 to vector<16xi32>
    %max3A_330 = arith.maxsi %broadcast_in_dim3A_302, %broadcast_in_dim3A_329 : vector<16xi32>
    %reduce_max3A_331 = arith.constant true
    %reduce_max3A_332 = vector.broadcast %reduce_max3A_331 : i1 to vector<16xi1>
    %reduce_max3A_333 = arith.constant -2147483648 : i32
    %reduce_max3A_334 = vector.broadcast %reduce_max3A_333 : i32 to vector<16xi32>
    %reduce_max3A_335 = arith.xori %scan3A_292#4, %reduce_max3A_334 : vector<16xi32>
    %reduce_max3A_336 = tpu.scan <max>, %reduce_max3A_335 masked %reduce_max3A_332 : vector<16xi32>, vector<16xi1> -> vector<16xi32>
    %reduce_max3A_337 = arith.xori %reduce_max3A_336, %reduce_max3A_334 : vector<16xi32>
    %reduce_max3A_338 = vector.extract %reduce_max3A_337[15] : i32 from vector<16xi32>
    %broadcast_in_dim3A_339 = vector.broadcast %reduce_max3A_338 : i32 to vector<16xi32>
    %mul3A_340 = arith.constant 16 : i32
    %mul3A_341 = vector.broadcast %mul3A_340 : i32 to vector<16xi32>
    %mul3A_342 = arith.muli %scan3A_292#2, %mul3A_341 : vector<16xi32>
    %add3A_343 = arith.addi %mul3A_342, %iota3A : vector<16xi32>
    %gather3A_344 = tpu.vector_load_idx %arg9[%add3A_343] : memref<4096xi32, #tpu.memory_space<vmem>>[vector<16xi32>], vector<16xi32>,
    %shift_right_logical3A_345 = arith.constant 16 : i32
    %shift_right_logical3A_346 = vector.broadcast %shift_right_logical3A_345 : i32 to vector<16xi32>
    %shift_right_logical3A_347 = arith.shrui %gather3A_344, %shift_right_logical3A_346 : vector<16xi32>
    %add3A_348 = arith.addi %shift_right_logical3A_347, %broadcast_in_dim3A_339 : vector<16xi32>
    %lt3A_349 = arith.cmpi slt, %add3A_348, %get3A_5 : vector<16xi32>
    %mul3A_350 = arith.constant 16 : i32
    %mul3A_351 = vector.broadcast %mul3A_350 : i32 to vector<16xi32>
    %mul3A_352 = arith.muli %scan3A_292#2, %mul3A_351 : vector<16xi32>
    %all_reduce_population_count3A_353 = tpu.all_reduce %lt3A_349 {dim = 0 : i64, kind = #tpu.reduction_kind<sum>} : vector<16xi1> -> vector<16xi32>
    %add3A_354 = arith.addi %mul3A_352, %all_reduce_population_count3A_353 : vector<16xi32>
    %jit3A_355 = arith.constant 0 : i32
    %broadcast_in_dim3A_356 = vector.broadcast %jit3A_355 : i32 to vector<16xi32>
    %select_n3A_357 = arith.select %lt3A_349, %add3A_348, %broadcast_in_dim3A_356 : vector<16xi1>, vector<16xi32>
    %reduce_max3A_358 = arith.constant true
    %reduce_max3A_359 = vector.broadcast %reduce_max3A_358 : i1 to vector<16xi1>
    %reduce_max3A_360 = arith.constant -2147483648 : i32
    %reduce_max3A_361 = vector.broadcast %reduce_max3A_360 : i32 to vector<16xi32>
    %reduce_max3A_362 = arith.xori %select_n3A_357, %reduce_max3A_361 : vector<16xi32>
    %reduce_max3A_363 = tpu.scan <max>, %reduce_max3A_362 masked %reduce_max3A_359 : vector<16xi32>, vector<16xi1> -> vector<16xi32>
    %reduce_max3A_364 = arith.xori %reduce_max3A_363, %reduce_max3A_361 : vector<16xi32>
    %reduce_max3A_365 = vector.extract %reduce_max3A_364[15] : i32 from vector<16xi32>
    %broadcast_in_dim3A_366 = vector.broadcast %reduce_max3A_365 : i32 to vector<16xi32>
    %max3A_367 = arith.maxsi %broadcast_in_dim3A_339, %broadcast_in_dim3A_366 : vector<16xi32>
    %sub3A_368 = arith.subi %get3A_3, %max3A_330 : vector<16xi32>
    %sub3A_369 = arith.subi %get3A_5, %max3A_367 : vector<16xi32>
    %parallel_loop3A_370 = arith.constant 0 : i32
    %parallel_loop3A_371 = arith.constant 2048 : i32
    %parallel_loop3A_372 = arith.constant 1 : i32
    scf.for %parallel_loop3A_1032 = %parallel_loop3A_370 to %parallel_loop3A_371 step %parallel_loop3A_372  : i32 {
      %parallel_loop3A_1033 = arith.constant 16 : i32
      %parallel_loop3A_1034 = arith.muli %parallel_loop3A_1032, %parallel_loop3A_1033 : i32
      %parallel_loop3A_1035 = arith.index_cast %parallel_loop3A_1034 : i32 to index
      %parallel_loop3A_1036 = tpu.vector_load %arg7[%parallel_loop3A_1035] {strides = array<i32>} : memref<32768xi32, #tpu.memory_space<vmem>>, vector<16xi32>,
      %parallel_loop3A_1037 = arith.constant 20 : i32
      %parallel_loop3A_1038 = vector.broadcast %parallel_loop3A_1037 : i32 to vector<16xi32>
      %parallel_loop3A_1039 = arith.shrui %parallel_loop3A_1036, %parallel_loop3A_1038 : vector<16xi32>
      %parallel_loop3A_1040 = arith.constant 8 : i32
      %parallel_loop3A_1041 = vector.broadcast %parallel_loop3A_1040 : i32 to vector<16xi32>
      %parallel_loop3A_1042 = arith.shrui %parallel_loop3A_1036, %parallel_loop3A_1041 : vector<16xi32>
      %parallel_loop3A_1043 = arith.constant 4095 : i32
      %parallel_loop3A_1044 = vector.broadcast %parallel_loop3A_1043 : i32 to vector<16xi32>
      %parallel_loop3A_1045 = arith.andi %parallel_loop3A_1042, %parallel_loop3A_1044 : vector<16xi32>
      %parallel_loop3A_1046 = arith.cmpi eq, %parallel_loop3A_1039, %add3A_317 : vector<16xi32>
      %parallel_loop3A_1047 = arith.constant 1 : i32
      %parallel_loop3A_1048 = arith.constant 0 : i32
      %parallel_loop3A_1049 = vector.broadcast %parallel_loop3A_1047 : i32 to vector<16xi32>
      %parallel_loop3A_1050 = vector.broadcast %parallel_loop3A_1048 : i32 to vector<16xi32>
      %parallel_loop3A_1051 = arith.select %parallel_loop3A_1046, %parallel_loop3A_1049, %parallel_loop3A_1050 : vector<16xi1>, vector<16xi32>
      %parallel_loop3A_1052 = arith.cmpi eq, %parallel_loop3A_1039, %add3A_354 : vector<16xi32>
      %parallel_loop3A_1053 = arith.constant 65536 : i32
      %parallel_loop3A_1054 = arith.constant 0 : i32
      %parallel_loop3A_1055 = vector.broadcast %parallel_loop3A_1053 : i32 to vector<16xi32>
      %parallel_loop3A_1056 = vector.broadcast %parallel_loop3A_1054 : i32 to vector<16xi32>
      %parallel_loop3A_1057 = arith.select %parallel_loop3A_1052, %parallel_loop3A_1055, %parallel_loop3A_1056 : vector<16xi1>, vector<16xi32>
      %parallel_loop3A_1058 = arith.addi %parallel_loop3A_1051, %parallel_loop3A_1057 : vector<16xi32>
      tpu.vector_store_idx %arg8[%parallel_loop3A_1045], %parallel_loop3A_1058 {add = true} : memref<4096xi32, #tpu.memory_space<vmem>>[vector<16xi32>], vector<16xi32>,
    } {sc.loop_unroll_factor = 8 : i64, sc.parallel_access}
    %parallel_loop3A_373 = arith.constant 0 : i32
    %parallel_loop3A_374 = arith.constant 256 : i32
    %parallel_loop3A_375 = arith.constant 1 : i32
    scf.for %parallel_loop3A_1032 = %parallel_loop3A_373 to %parallel_loop3A_374 step %parallel_loop3A_375  : i32 {
      %parallel_loop3A_1033 = arith.constant 16 : i32
      %parallel_loop3A_1034 = arith.muli %parallel_loop3A_1032, %parallel_loop3A_1033 : i32
      %parallel_loop3A_1035 = arith.index_cast %parallel_loop3A_1034 : i32 to index
      %parallel_loop3A_1036 = tpu.vector_load %arg8[%parallel_loop3A_1035] {strides = array<i32>} : memref<4096xi32, #tpu.memory_space<vmem>>, vector<16xi32>,
      %parallel_loop3A_1037 = arith.constant 16 : i32
      %parallel_loop3A_1038 = arith.muli %parallel_loop3A_1032, %parallel_loop3A_1037 : i32
      %parallel_loop3A_1039 = arith.index_cast %parallel_loop3A_1038 : i32 to index
      %parallel_loop3A_1040 = tpu.vector_load %arg8[%parallel_loop3A_1039] {strides = array<i32>} : memref<4096xi32, #tpu.memory_space<vmem>>, vector<16xi32>,
      tpu.vector_store %arg8[%parallel_loop3A_1039], %broadcast_in_dim3A_6 {strides = array<i32>} : memref<4096xi32, #tpu.memory_space<vmem>>, vector<16xi32>,
      %parallel_loop3A_1041 = arith.constant true
      %parallel_loop3A_1042 = vector.broadcast %parallel_loop3A_1041 : i1 to vector<16xi1>
      %parallel_loop3A_1043 = tpu.scan <sum>, %parallel_loop3A_1036 masked %parallel_loop3A_1042 : vector<16xi32>, vector<16xi1> -> vector<16xi32>
      %parallel_loop3A_1044 = arith.constant 16 : i32
      %parallel_loop3A_1045 = arith.muli %parallel_loop3A_1032, %parallel_loop3A_1044 : i32
      %parallel_loop3A_1046 = arith.index_cast %parallel_loop3A_1045 : i32 to index
      %parallel_loop3A_1047 = tpu.vector_load %arg9[%parallel_loop3A_1046] {strides = array<i32>} : memref<4096xi32, #tpu.memory_space<vmem>>, vector<16xi32>,
      tpu.vector_store %arg9[%parallel_loop3A_1046], %parallel_loop3A_1043 {strides = array<i32>} : memref<4096xi32, #tpu.memory_space<vmem>>, vector<16xi32>,
      %parallel_loop3A_1048 = arith.constant 0 : i32
      %parallel_loop3A_1049 = vector.broadcast %parallel_loop3A_1048 : i32 to vector<16xi32>
      %parallel_loop3A_1050 = arith.cmpi slt, %broadcast_in_dim3A_8, %parallel_loop3A_1049 : vector<16xi32>
      %parallel_loop3A_1051 = arith.constant 16 : i32
      %parallel_loop3A_1052 = vector.broadcast %parallel_loop3A_1051 : i32 to vector<16xi32>
      %parallel_loop3A_1053 = arith.addi %broadcast_in_dim3A_8, %parallel_loop3A_1052 : vector<16xi32>
      %parallel_loop3A_1054 = arith.select %parallel_loop3A_1050, %parallel_loop3A_1053, %broadcast_in_dim3A_8 : vector<16xi1>, vector<16xi32>
      %parallel_loop3A_1055 = vector.shape_cast %parallel_loop3A_1054 : vector<16xi32> to vector<16x1xi32>
      %parallel_loop3A_1056 = vector.shape_cast %parallel_loop3A_1055 : vector<16x1xi32> to vector<16xi32>
      %parallel_loop3A_1057 = tpu.dynamic_gather %parallel_loop3A_1043[%parallel_loop3A_1056] in [0] : vector<16xi32>, vector<16xi32> -> vector<16xi32>
      %parallel_loop3A_1058 = arith.index_cast %parallel_loop3A_1032 : i32 to index
      %parallel_loop3A_1059 = tpu.vector_load %arg10[%parallel_loop3A_1058] masked %eq3A_10 {strides = array<i32>} : memref<272xi32, #tpu.memory_space<vmem>>, vector<16xi32>, vector<16xi1>
      tpu.vector_store %arg10[%parallel_loop3A_1058], %parallel_loop3A_1057 masked %eq3A_10 {strides = array<i32>} : memref<272xi32, #tpu.memory_space<vmem>>, vector<16xi32>, vector<16xi1>
    } {sc.loop_unroll_factor = 4 : i64, sc.parallel_access}
    %scan3A_376 = arith.constant 0 : i32
    %scan3A_377 = arith.constant 16 : i32
    %scan3A_378 = arith.addi %scan3A_376, %scan3A_377 : i32
    %scan3A_379 = arith.constant 1 : i32
    %scan3A_380:5 = scf.for %scan3A_1032 = %scan3A_376 to %scan3A_378 step %scan3A_379 iter_args(%scan3A_1033 = %broadcast_in_dim3A_6, %scan3A_1034 = %broadcast_in_dim3A_6, %scan3A_1035 = %broadcast_in_dim3A_6, %scan3A_1036 = %broadcast_in_dim3A_6, %scan3A_1037 = %broadcast_in_dim3A_6) -> (vector<16xi32>, vector<16xi32>, vector<16xi32>, vector<16xi32>, vector<16xi32>)  : i32 {
      %mul3A_1038 = arith.constant 16 : i32
      %mul3A_1039 = arith.muli %scan3A_1032, %mul3A_1038 : i32
      %get3A_1040 = arith.index_cast %mul3A_1039 : i32 to index
      %get3A_1041 = tpu.vector_load %arg10[%get3A_1040] {strides = array<i32>} : memref<272xi32, #tpu.memory_space<vmem>>, vector<16xi32>,
      %broadcast_in_dim3A_1042 = arith.constant true
      %broadcast_in_dim3A_1043 = vector.broadcast %broadcast_in_dim3A_1042 : i1 to vector<16xi1>
      %masked_cumsum3A = tpu.scan <sum>, %get3A_1041 masked %broadcast_in_dim3A_1043 : vector<16xi32>, vector<16xi1> -> vector<16xi32>
      %add3A_1044 = arith.addi %masked_cumsum3A, %scan3A_1033 : vector<16xi32>
      %and3A_1045 = arith.constant 65535 : i32
      %and3A_1046 = vector.broadcast %and3A_1045 : i32 to vector<16xi32>
      %and3A_1047 = arith.andi %add3A_1044, %and3A_1046 : vector<16xi32>
      %shift_right_logical3A_1048 = arith.constant 16 : i32
      %shift_right_logical3A_1049 = vector.broadcast %shift_right_logical3A_1048 : i32 to vector<16xi32>
      %shift_right_logical3A_1050 = arith.shrui %add3A_1044, %shift_right_logical3A_1049 : vector<16xi32>
      %lt3A_1051 = arith.cmpi slt, %and3A_1047, %sub3A_368 : vector<16xi32>
      %lt3A_1052 = arith.cmpi slt, %shift_right_logical3A_1050, %sub3A_369 : vector<16xi32>
      %all_reduce_population_count3A_1053 = tpu.all_reduce %lt3A_1051 {dim = 0 : i64, kind = #tpu.reduction_kind<sum>} : vector<16xi1> -> vector<16xi32>
      %add3A_1054 = arith.addi %scan3A_1034, %all_reduce_population_count3A_1053 : vector<16xi32>
      %all_reduce_population_count3A_1055 = tpu.all_reduce %lt3A_1052 {dim = 0 : i64, kind = #tpu.reduction_kind<sum>} : vector<16xi1> -> vector<16xi32>
      %add3A_1056 = arith.addi %scan3A_1035, %all_reduce_population_count3A_1055 : vector<16xi32>
      %jit3A_1057 = arith.constant 0 : i32
      %broadcast_in_dim3A_1058 = vector.broadcast %jit3A_1057 : i32 to vector<16xi32>
      %select_n3A_1059 = arith.select %lt3A_1051, %and3A_1047, %broadcast_in_dim3A_1058 : vector<16xi1>, vector<16xi32>
      %max3A_1060 = arith.maxsi %scan3A_1036, %select_n3A_1059 : vector<16xi32>
      %jit3A_1061 = arith.constant 0 : i32
      %broadcast_in_dim3A_1062 = vector.broadcast %jit3A_1061 : i32 to vector<16xi32>
      %select_n3A_1063 = arith.select %lt3A_1052, %shift_right_logical3A_1050, %broadcast_in_dim3A_1062 : vector<16xi1>, vector<16xi32>
      %max3A_1064 = arith.maxsi %scan3A_1037, %select_n3A_1063 : vector<16xi32>
      %lt3A_1065 = arith.constant 0 : i32
      %lt3A_1066 = vector.broadcast %lt3A_1065 : i32 to vector<16xi32>
      %lt3A_1067 = arith.cmpi slt, %broadcast_in_dim3A_8, %lt3A_1066 : vector<16xi32>
      %add3A_1068 = arith.constant 16 : i32
      %add3A_1069 = vector.broadcast %add3A_1068 : i32 to vector<16xi32>
      %add3A_1070 = arith.addi %broadcast_in_dim3A_8, %add3A_1069 : vector<16xi32>
      %select_n3A_1071 = arith.select %lt3A_1067, %add3A_1070, %broadcast_in_dim3A_8 : vector<16xi1>, vector<16xi32>
      %broadcast_in_dim3A_1072 = vector.shape_cast %select_n3A_1071 : vector<16xi32> to vector<16x1xi32>
      %gather3A_1073 = vector.shape_cast %broadcast_in_dim3A_1072 : vector<16x1xi32> to vector<16xi32>
      %gather3A_1074 = tpu.dynamic_gather %add3A_1044[%gather3A_1073] in [0] : vector<16xi32>, vector<16xi32> -> vector<16xi32>
      scf.yield %gather3A_1074, %add3A_1054, %add3A_1056, %max3A_1060, %max3A_1064 : vector<16xi32>, vector<16xi32>, vector<16xi32>, vector<16xi32>, vector<16xi32>
    }
    %scan3A_381 = arith.constant 16 : i32
    %reduce_max3A_382 = arith.constant true
    %reduce_max3A_383 = vector.broadcast %reduce_max3A_382 : i1 to vector<16xi1>
    %reduce_max3A_384 = arith.constant -2147483648 : i32
    %reduce_max3A_385 = vector.broadcast %reduce_max3A_384 : i32 to vector<16xi32>
    %reduce_max3A_386 = arith.xori %scan3A_380#3, %reduce_max3A_385 : vector<16xi32>
    %reduce_max3A_387 = tpu.scan <max>, %reduce_max3A_386 masked %reduce_max3A_383 : vector<16xi32>, vector<16xi1> -> vector<16xi32>
    %reduce_max3A_388 = arith.xori %reduce_max3A_387, %reduce_max3A_385 : vector<16xi32>
    %reduce_max3A_389 = vector.extract %reduce_max3A_388[15] : i32 from vector<16xi32>
    %broadcast_in_dim3A_390 = vector.broadcast %reduce_max3A_389 : i32 to vector<16xi32>
    %mul3A_391 = arith.constant 16 : i32
    %mul3A_392 = vector.broadcast %mul3A_391 : i32 to vector<16xi32>
    %mul3A_393 = arith.muli %scan3A_380#1, %mul3A_392 : vector<16xi32>
    %add3A_394 = arith.addi %mul3A_393, %iota3A : vector<16xi32>
    %gather3A_395 = tpu.vector_load_idx %arg9[%add3A_394] : memref<4096xi32, #tpu.memory_space<vmem>>[vector<16xi32>], vector<16xi32>,
    %and3A_396 = arith.constant 65535 : i32
    %and3A_397 = vector.broadcast %and3A_396 : i32 to vector<16xi32>
    %and3A_398 = arith.andi %gather3A_395, %and3A_397 : vector<16xi32>
    %add3A_399 = arith.addi %and3A_398, %broadcast_in_dim3A_390 : vector<16xi32>
    %lt3A_400 = arith.cmpi slt, %add3A_399, %sub3A_368 : vector<16xi32>
    %mul3A_401 = arith.constant 16 : i32
    %mul3A_402 = vector.broadcast %mul3A_401 : i32 to vector<16xi32>
    %mul3A_403 = arith.muli %scan3A_380#1, %mul3A_402 : vector<16xi32>
    %all_reduce_population_count3A_404 = tpu.all_reduce %lt3A_400 {dim = 0 : i64, kind = #tpu.reduction_kind<sum>} : vector<16xi1> -> vector<16xi32>
    %add3A_405 = arith.addi %mul3A_403, %all_reduce_population_count3A_404 : vector<16xi32>
    %jit3A_406 = arith.constant 0 : i32
    %broadcast_in_dim3A_407 = vector.broadcast %jit3A_406 : i32 to vector<16xi32>
    %select_n3A_408 = arith.select %lt3A_400, %add3A_399, %broadcast_in_dim3A_407 : vector<16xi1>, vector<16xi32>
    %reduce_max3A_409 = arith.constant true
    %reduce_max3A_410 = vector.broadcast %reduce_max3A_409 : i1 to vector<16xi1>
    %reduce_max3A_411 = arith.constant -2147483648 : i32
    %reduce_max3A_412 = vector.broadcast %reduce_max3A_411 : i32 to vector<16xi32>
    %reduce_max3A_413 = arith.xori %select_n3A_408, %reduce_max3A_412 : vector<16xi32>
    %reduce_max3A_414 = tpu.scan <max>, %reduce_max3A_413 masked %reduce_max3A_410 : vector<16xi32>, vector<16xi1> -> vector<16xi32>
    %reduce_max3A_415 = arith.xori %reduce_max3A_414, %reduce_max3A_412 : vector<16xi32>
    %reduce_max3A_416 = vector.extract %reduce_max3A_415[15] : i32 from vector<16xi32>
    %broadcast_in_dim3A_417 = vector.broadcast %reduce_max3A_416 : i32 to vector<16xi32>
    %max3A_418 = arith.maxsi %broadcast_in_dim3A_390, %broadcast_in_dim3A_417 : vector<16xi32>
    %reduce_max3A_419 = arith.constant true
    %reduce_max3A_420 = vector.broadcast %reduce_max3A_419 : i1 to vector<16xi1>
    %reduce_max3A_421 = arith.constant -2147483648 : i32
    %reduce_max3A_422 = vector.broadcast %reduce_max3A_421 : i32 to vector<16xi32>
    %reduce_max3A_423 = arith.xori %scan3A_380#4, %reduce_max3A_422 : vector<16xi32>
    %reduce_max3A_424 = tpu.scan <max>, %reduce_max3A_423 masked %reduce_max3A_420 : vector<16xi32>, vector<16xi1> -> vector<16xi32>
    %reduce_max3A_425 = arith.xori %reduce_max3A_424, %reduce_max3A_422 : vector<16xi32>
    %reduce_max3A_426 = vector.extract %reduce_max3A_425[15] : i32 from vector<16xi32>
    %broadcast_in_dim3A_427 = vector.broadcast %reduce_max3A_426 : i32 to vector<16xi32>
    %mul3A_428 = arith.constant 16 : i32
    %mul3A_429 = vector.broadcast %mul3A_428 : i32 to vector<16xi32>
    %mul3A_430 = arith.muli %scan3A_380#2, %mul3A_429 : vector<16xi32>
    %add3A_431 = arith.addi %mul3A_430, %iota3A : vector<16xi32>
    %gather3A_432 = tpu.vector_load_idx %arg9[%add3A_431] : memref<4096xi32, #tpu.memory_space<vmem>>[vector<16xi32>], vector<16xi32>,
    %shift_right_logical3A_433 = arith.constant 16 : i32
    %shift_right_logical3A_434 = vector.broadcast %shift_right_logical3A_433 : i32 to vector<16xi32>
    %shift_right_logical3A_435 = arith.shrui %gather3A_432, %shift_right_logical3A_434 : vector<16xi32>
    %add3A_436 = arith.addi %shift_right_logical3A_435, %broadcast_in_dim3A_427 : vector<16xi32>
    %lt3A_437 = arith.cmpi slt, %add3A_436, %sub3A_369 : vector<16xi32>
    %mul3A_438 = arith.constant 16 : i32
    %mul3A_439 = vector.broadcast %mul3A_438 : i32 to vector<16xi32>
    %mul3A_440 = arith.muli %scan3A_380#2, %mul3A_439 : vector<16xi32>
    %all_reduce_population_count3A_441 = tpu.all_reduce %lt3A_437 {dim = 0 : i64, kind = #tpu.reduction_kind<sum>} : vector<16xi1> -> vector<16xi32>
    %add3A_442 = arith.addi %mul3A_440, %all_reduce_population_count3A_441 : vector<16xi32>
    %jit3A_443 = arith.constant 0 : i32
    %broadcast_in_dim3A_444 = vector.broadcast %jit3A_443 : i32 to vector<16xi32>
    %select_n3A_445 = arith.select %lt3A_437, %add3A_436, %broadcast_in_dim3A_444 : vector<16xi1>, vector<16xi32>
    %reduce_max3A_446 = arith.constant true
    %reduce_max3A_447 = vector.broadcast %reduce_max3A_446 : i1 to vector<16xi1>
    %reduce_max3A_448 = arith.constant -2147483648 : i32
    %reduce_max3A_449 = vector.broadcast %reduce_max3A_448 : i32 to vector<16xi32>
    %reduce_max3A_450 = arith.xori %select_n3A_445, %reduce_max3A_449 : vector<16xi32>
    %reduce_max3A_451 = tpu.scan <max>, %reduce_max3A_450 masked %reduce_max3A_447 : vector<16xi32>, vector<16xi1> -> vector<16xi32>
    %reduce_max3A_452 = arith.xori %reduce_max3A_451, %reduce_max3A_449 : vector<16xi32>
    %reduce_max3A_453 = vector.extract %reduce_max3A_452[15] : i32 from vector<16xi32>
    %broadcast_in_dim3A_454 = vector.broadcast %reduce_max3A_453 : i32 to vector<16xi32>
    %max3A_455 = arith.maxsi %broadcast_in_dim3A_427, %broadcast_in_dim3A_454 : vector<16xi32>
    %shift_left3A_456 = arith.constant 12 : i32
    %shift_left3A_457 = vector.broadcast %shift_left3A_456 : i32 to vector<16xi32>
    %shift_left3A_458 = arith.shli %add3A_317, %shift_left3A_457 : vector<16xi32>
    %add3A_459 = arith.addi %shift_left3A_458, %add3A_405 : vector<16xi32>
    %shift_left3A_460 = arith.constant 12 : i32
    %shift_left3A_461 = vector.broadcast %shift_left3A_460 : i32 to vector<16xi32>
    %shift_left3A_462 = arith.shli %add3A_354, %shift_left3A_461 : vector<16xi32>
    %add3A_463 = arith.addi %shift_left3A_462, %add3A_442 : vector<16xi32>
    %sub3A_464 = arith.subi %sub3A_368, %max3A_418 : vector<16xi32>
    %sub3A_465 = arith.subi %sub3A_369, %max3A_455 : vector<16xi32>
    %parallel_loop3A_466 = arith.constant 0 : i32
    %parallel_loop3A_467 = arith.constant 2048 : i32
    %parallel_loop3A_468 = arith.constant 1 : i32
    scf.for %parallel_loop3A_1032 = %parallel_loop3A_466 to %parallel_loop3A_467 step %parallel_loop3A_468  : i32 {
      %parallel_loop3A_1033 = arith.constant 16 : i32
      %parallel_loop3A_1034 = arith.muli %parallel_loop3A_1032, %parallel_loop3A_1033 : i32
      %parallel_loop3A_1035 = arith.index_cast %parallel_loop3A_1034 : i32 to index
      %parallel_loop3A_1036 = tpu.vector_load %arg7[%parallel_loop3A_1035] {strides = array<i32>} : memref<32768xi32, #tpu.memory_space<vmem>>, vector<16xi32>,
      %parallel_loop3A_1037 = arith.constant 8 : i32
      %parallel_loop3A_1038 = vector.broadcast %parallel_loop3A_1037 : i32 to vector<16xi32>
      %parallel_loop3A_1039 = arith.shrui %parallel_loop3A_1036, %parallel_loop3A_1038 : vector<16xi32>
      %parallel_loop3A_1040 = arith.constant 255 : i32
      %parallel_loop3A_1041 = vector.broadcast %parallel_loop3A_1040 : i32 to vector<16xi32>
      %parallel_loop3A_1042 = arith.andi %parallel_loop3A_1036, %parallel_loop3A_1041 : vector<16xi32>
      %parallel_loop3A_1043 = arith.cmpi eq, %parallel_loop3A_1039, %add3A_459 : vector<16xi32>
      %parallel_loop3A_1044 = arith.constant 1 : i32
      %parallel_loop3A_1045 = arith.constant 0 : i32
      %parallel_loop3A_1046 = vector.broadcast %parallel_loop3A_1044 : i32 to vector<16xi32>
      %parallel_loop3A_1047 = vector.broadcast %parallel_loop3A_1045 : i32 to vector<16xi32>
      %parallel_loop3A_1048 = arith.select %parallel_loop3A_1043, %parallel_loop3A_1046, %parallel_loop3A_1047 : vector<16xi1>, vector<16xi32>
      %parallel_loop3A_1049 = arith.cmpi eq, %parallel_loop3A_1039, %add3A_463 : vector<16xi32>
      %parallel_loop3A_1050 = arith.constant 65536 : i32
      %parallel_loop3A_1051 = arith.constant 0 : i32
      %parallel_loop3A_1052 = vector.broadcast %parallel_loop3A_1050 : i32 to vector<16xi32>
      %parallel_loop3A_1053 = vector.broadcast %parallel_loop3A_1051 : i32 to vector<16xi32>
      %parallel_loop3A_1054 = arith.select %parallel_loop3A_1049, %parallel_loop3A_1052, %parallel_loop3A_1053 : vector<16xi1>, vector<16xi32>
      %parallel_loop3A_1055 = arith.addi %parallel_loop3A_1048, %parallel_loop3A_1054 : vector<16xi32>
      tpu.vector_store_idx %arg8[%parallel_loop3A_1042], %parallel_loop3A_1055 {add = true} : memref<4096xi32, #tpu.memory_space<vmem>>[vector<16xi32>], vector<16xi32>,
    } {sc.loop_unroll_factor = 8 : i64, sc.parallel_access}
    %parallel_loop3A_469 = arith.constant 0 : i32
    %parallel_loop3A_470 = arith.constant 16 : i32
    %parallel_loop3A_471 = arith.constant 1 : i32
    %parallel_loop3A_472:6 = scf.for %parallel_loop3A_1032 = %parallel_loop3A_469 to %parallel_loop3A_470 step %parallel_loop3A_471 iter_args(%parallel_loop3A_1033 = %broadcast_in_dim3A_6, %parallel_loop3A_1034 = %broadcast_in_dim3A_6, %parallel_loop3A_1035 = %broadcast_in_dim3A_6, %parallel_loop3A_1036 = %broadcast_in_dim3A_6, %parallel_loop3A_1037 = %broadcast_in_dim3A_6, %parallel_loop3A_1038 = %broadcast_in_dim3A_6) -> (vector<16xi32>, vector<16xi32>, vector<16xi32>, vector<16xi32>, vector<16xi32>, vector<16xi32>)  : i32 {
      %parallel_loop3A_1039 = arith.constant 16 : i32
      %parallel_loop3A_1040 = arith.muli %parallel_loop3A_1032, %parallel_loop3A_1039 : i32
      %parallel_loop3A_1041 = arith.index_cast %parallel_loop3A_1040 : i32 to index
      %parallel_loop3A_1042 = tpu.vector_load %arg8[%parallel_loop3A_1041] {strides = array<i32>} : memref<4096xi32, #tpu.memory_space<vmem>>, vector<16xi32>,
      %parallel_loop3A_1043 = arith.constant 16 : i32
      %parallel_loop3A_1044 = arith.muli %parallel_loop3A_1032, %parallel_loop3A_1043 : i32
      %parallel_loop3A_1045 = arith.index_cast %parallel_loop3A_1044 : i32 to index
      %parallel_loop3A_1046 = tpu.vector_load %arg8[%parallel_loop3A_1045] {strides = array<i32>} : memref<4096xi32, #tpu.memory_space<vmem>>, vector<16xi32>,
      tpu.vector_store %arg8[%parallel_loop3A_1045], %broadcast_in_dim3A_6 {strides = array<i32>} : memref<4096xi32, #tpu.memory_space<vmem>>, vector<16xi32>,
      %parallel_loop3A_1047 = arith.constant 65535 : i32
      %parallel_loop3A_1048 = vector.broadcast %parallel_loop3A_1047 : i32 to vector<16xi32>
      %parallel_loop3A_1049 = arith.andi %parallel_loop3A_1042, %parallel_loop3A_1048 : vector<16xi32>
      %parallel_loop3A_1050 = arith.constant true
      %parallel_loop3A_1051 = vector.broadcast %parallel_loop3A_1050 : i1 to vector<16xi1>
      %parallel_loop3A_1052 = tpu.scan <sum>, %parallel_loop3A_1049 masked %parallel_loop3A_1051 : vector<16xi32>, vector<16xi1> -> vector<16xi32>
      %parallel_loop3A_1053 = arith.addi %parallel_loop3A_1052, %parallel_loop3A_1033 : vector<16xi32>
      %parallel_loop3A_1054 = arith.constant 16 : i32
      %parallel_loop3A_1055 = vector.broadcast %parallel_loop3A_1054 : i32 to vector<16xi32>
      %parallel_loop3A_1056 = arith.shrui %parallel_loop3A_1042, %parallel_loop3A_1055 : vector<16xi32>
      %parallel_loop3A_1057 = arith.constant true
      %parallel_loop3A_1058 = vector.broadcast %parallel_loop3A_1057 : i1 to vector<16xi1>
      %parallel_loop3A_1059 = tpu.scan <sum>, %parallel_loop3A_1056 masked %parallel_loop3A_1058 : vector<16xi32>, vector<16xi1> -> vector<16xi32>
      %parallel_loop3A_1060 = arith.addi %parallel_loop3A_1059, %parallel_loop3A_1036 : vector<16xi32>
      %parallel_loop3A_1061 = arith.cmpi slt, %parallel_loop3A_1053, %sub3A_464 : vector<16xi32>
      %parallel_loop3A_1062 = arith.cmpi slt, %parallel_loop3A_1060, %sub3A_465 : vector<16xi32>
      %parallel_loop3A_1063 = tpu.all_reduce %parallel_loop3A_1061 {dim = 0 : i64, kind = #tpu.reduction_kind<sum>} : vector<16xi1> -> vector<16xi32>
      %parallel_loop3A_1064 = arith.addi %parallel_loop3A_1034, %parallel_loop3A_1063 : vector<16xi32>
      %parallel_loop3A_1065 = tpu.all_reduce %parallel_loop3A_1062 {dim = 0 : i64, kind = #tpu.reduction_kind<sum>} : vector<16xi1> -> vector<16xi32>
      %parallel_loop3A_1066 = arith.addi %parallel_loop3A_1037, %parallel_loop3A_1065 : vector<16xi32>
      %parallel_loop3A_1067 = arith.constant 0 : i32
      %parallel_loop3A_1068 = vector.broadcast %parallel_loop3A_1067 : i32 to vector<16xi32>
      %parallel_loop3A_1069 = arith.select %parallel_loop3A_1061, %parallel_loop3A_1053, %parallel_loop3A_1068 : vector<16xi1>, vector<16xi32>
      %parallel_loop3A_1070 = arith.maxsi %parallel_loop3A_1035, %parallel_loop3A_1069 : vector<16xi32>
      %parallel_loop3A_1071 = arith.constant 0 : i32
      %parallel_loop3A_1072 = vector.broadcast %parallel_loop3A_1071 : i32 to vector<16xi32>
      %parallel_loop3A_1073 = arith.select %parallel_loop3A_1062, %parallel_loop3A_1060, %parallel_loop3A_1072 : vector<16xi1>, vector<16xi32>
      %parallel_loop3A_1074 = arith.maxsi %parallel_loop3A_1038, %parallel_loop3A_1073 : vector<16xi32>
      %parallel_loop3A_1075 = arith.constant 0 : i32
      %parallel_loop3A_1076 = vector.broadcast %parallel_loop3A_1075 : i32 to vector<16xi32>
      %parallel_loop3A_1077 = arith.cmpi slt, %broadcast_in_dim3A_8, %parallel_loop3A_1076 : vector<16xi32>
      %parallel_loop3A_1078 = arith.constant 16 : i32
      %parallel_loop3A_1079 = vector.broadcast %parallel_loop3A_1078 : i32 to vector<16xi32>
      %parallel_loop3A_1080 = arith.addi %broadcast_in_dim3A_8, %parallel_loop3A_1079 : vector<16xi32>
      %parallel_loop3A_1081 = arith.select %parallel_loop3A_1077, %parallel_loop3A_1080, %broadcast_in_dim3A_8 : vector<16xi1>, vector<16xi32>
      %parallel_loop3A_1082 = vector.shape_cast %parallel_loop3A_1081 : vector<16xi32> to vector<16x1xi32>
      %parallel_loop3A_1083 = vector.shape_cast %parallel_loop3A_1082 : vector<16x1xi32> to vector<16xi32>
      %parallel_loop3A_1084 = tpu.dynamic_gather %parallel_loop3A_1053[%parallel_loop3A_1083] in [0] : vector<16xi32>, vector<16xi32> -> vector<16xi32>
      %parallel_loop3A_1085 = arith.constant 0 : i32
      %parallel_loop3A_1086 = vector.broadcast %parallel_loop3A_1085 : i32 to vector<16xi32>
      %parallel_loop3A_1087 = arith.cmpi slt, %broadcast_in_dim3A_8, %parallel_loop3A_1086 : vector<16xi32>
      %parallel_loop3A_1088 = arith.constant 16 : i32
      %parallel_loop3A_1089 = vector.broadcast %parallel_loop3A_1088 : i32 to vector<16xi32>
      %parallel_loop3A_1090 = arith.addi %broadcast_in_dim3A_8, %parallel_loop3A_1089 : vector<16xi32>
      %parallel_loop3A_1091 = arith.select %parallel_loop3A_1087, %parallel_loop3A_1090, %broadcast_in_dim3A_8 : vector<16xi1>, vector<16xi32>
      %parallel_loop3A_1092 = vector.shape_cast %parallel_loop3A_1091 : vector<16xi32> to vector<16x1xi32>
      %parallel_loop3A_1093 = vector.shape_cast %parallel_loop3A_1092 : vector<16x1xi32> to vector<16xi32>
      %parallel_loop3A_1094 = tpu.dynamic_gather %parallel_loop3A_1060[%parallel_loop3A_1093] in [0] : vector<16xi32>, vector<16xi32> -> vector<16xi32>
      scf.yield %parallel_loop3A_1084, %parallel_loop3A_1064, %parallel_loop3A_1070, %parallel_loop3A_1094, %parallel_loop3A_1066, %parallel_loop3A_1074 : vector<16xi32>, vector<16xi32>, vector<16xi32>, vector<16xi32>, vector<16xi32>, vector<16xi32>
    } {sc.loop_unroll_factor = 4 : i64, sc.parallel_access}
    %reduce_max3A_473 = arith.constant true
    %reduce_max3A_474 = vector.broadcast %reduce_max3A_473 : i1 to vector<16xi1>
    %reduce_max3A_475 = arith.constant -2147483648 : i32
    %reduce_max3A_476 = vector.broadcast %reduce_max3A_475 : i32 to vector<16xi32>
    %reduce_max3A_477 = arith.xori %parallel_loop3A_472#2, %reduce_max3A_476 : vector<16xi32>
    %reduce_max3A_478 = tpu.scan <max>, %reduce_max3A_477 masked %reduce_max3A_474 : vector<16xi32>, vector<16xi1> -> vector<16xi32>
    %reduce_max3A_479 = arith.xori %reduce_max3A_478, %reduce_max3A_476 : vector<16xi32>
    %reduce_max3A_480 = vector.extract %reduce_max3A_479[15] : i32 from vector<16xi32>
    %broadcast_in_dim3A_481 = vector.broadcast %reduce_max3A_480 : i32 to vector<16xi32>
    %reduce_max3A_482 = arith.constant true
    %reduce_max3A_483 = vector.broadcast %reduce_max3A_482 : i1 to vector<16xi1>
    %reduce_max3A_484 = arith.constant -2147483648 : i32
    %reduce_max3A_485 = vector.broadcast %reduce_max3A_484 : i32 to vector<16xi32>
    %reduce_max3A_486 = arith.xori %parallel_loop3A_472#5, %reduce_max3A_485 : vector<16xi32>
    %reduce_max3A_487 = tpu.scan <max>, %reduce_max3A_486 masked %reduce_max3A_483 : vector<16xi32>, vector<16xi1> -> vector<16xi32>
    %reduce_max3A_488 = arith.xori %reduce_max3A_487, %reduce_max3A_485 : vector<16xi32>
    %reduce_max3A_489 = vector.extract %reduce_max3A_488[15] : i32 from vector<16xi32>
    %broadcast_in_dim3A_490 = vector.broadcast %reduce_max3A_489 : i32 to vector<16xi32>
    %shift_left3A_491 = arith.constant 8 : i32
    %shift_left3A_492 = vector.broadcast %shift_left3A_491 : i32 to vector<16xi32>
    %shift_left3A_493 = arith.shli %add3A_459, %shift_left3A_492 : vector<16xi32>
    %add3A_494 = arith.addi %shift_left3A_493, %parallel_loop3A_472#1 : vector<16xi32>
    %shift_left3A_495 = arith.constant 8 : i32
    %shift_left3A_496 = vector.broadcast %shift_left3A_495 : i32 to vector<16xi32>
    %shift_left3A_497 = arith.shli %add3A_463, %shift_left3A_496 : vector<16xi32>
    %add3A_498 = arith.addi %shift_left3A_497, %parallel_loop3A_472#4 : vector<16xi32>
    %xor3A_499 = arith.constant -2147483648 : i32
    %xor3A_500 = vector.broadcast %xor3A_499 : i32 to vector<16xi32>
    %xor3A_501 = arith.xori %add3A_494, %xor3A_500 : vector<16xi32>
    %xor3A_502 = arith.constant -2147483648 : i32
    %xor3A_503 = vector.broadcast %xor3A_502 : i32 to vector<16xi32>
    %xor3A_504 = arith.xori %add3A_498, %xor3A_503 : vector<16xi32>
    %parallel_loop3A_505 = arith.constant 0 : i32
    %parallel_loop3A_506 = arith.constant 2048 : i32
    %parallel_loop3A_507 = arith.constant 1 : i32
    scf.for %parallel_loop3A_1032 = %parallel_loop3A_505 to %parallel_loop3A_506 step %parallel_loop3A_507  : i32 {
      %parallel_loop3A_1033 = arith.constant 16 : i32
      %parallel_loop3A_1034 = arith.muli %parallel_loop3A_1032, %parallel_loop3A_1033 : i32
      %parallel_loop3A_1035 = arith.index_cast %parallel_loop3A_1034 : i32 to index
      %parallel_loop3A_1036 = tpu.vector_load %arg6[%parallel_loop3A_1035] {strides = array<i32>} : memref<32768xf32, #tpu.memory_space<vmem>>, vector<16xf32>,
      %parallel_loop3A_1037 = arith.index_cast %parallel_loop3A_1034 : i32 to index
      %parallel_loop3A_1038 = tpu.vector_load %arg7[%parallel_loop3A_1037] {strides = array<i32>} : memref<32768xi32, #tpu.memory_space<vmem>>, vector<16xi32>,
      %parallel_loop3A_1039 = arith.constant -2147483648 : i32
      %parallel_loop3A_1040 = vector.broadcast %parallel_loop3A_1039 : i32 to vector<16xi32>
      %parallel_loop3A_1041 = arith.xori %parallel_loop3A_1038, %parallel_loop3A_1040 : vector<16xi32>
      %parallel_loop3A_1042 = arith.cmpi sge, %parallel_loop3A_1041, %xor3A_504 : vector<16xi32>
      %parallel_loop3A_1043 = arith.cmpi sle, %parallel_loop3A_1041, %xor3A_501 : vector<16xi32>
      %parallel_loop3A_1044 = arith.constant 0.000000e+00 : f32
      %parallel_loop3A_1045 = vector.broadcast %parallel_loop3A_1044 : f32 to vector<16xf32>
      %parallel_loop3A_1046 = arith.select %parallel_loop3A_1043, %parallel_loop3A_1045, %parallel_loop3A_1036 : vector<16xi1>, vector<16xf32>
      %parallel_loop3A_1047 = arith.constant 1.000000e+00 : f32
      %parallel_loop3A_1048 = vector.broadcast %parallel_loop3A_1047 : f32 to vector<16xf32>
      %parallel_loop3A_1049 = arith.select %parallel_loop3A_1042, %parallel_loop3A_1048, %parallel_loop3A_1046 : vector<16xi1>, vector<16xf32>
      %parallel_loop3A_1050 = arith.index_cast %parallel_loop3A_1034 : i32 to index
      %parallel_loop3A_1051 = tpu.vector_load %arg6[%parallel_loop3A_1050] {strides = array<i32>} : memref<32768xf32, #tpu.memory_space<vmem>>, vector<16xf32>,
      tpu.vector_store %arg6[%parallel_loop3A_1050], %parallel_loop3A_1049 {strides = array<i32>} : memref<32768xf32, #tpu.memory_space<vmem>>, vector<16xf32>,
    } {sc.loop_unroll_factor = 8 : i64, sc.parallel_access}
    %add3A_508 = arith.constant 1 : i32
    %add3A_509 = arith.addi %mul3A_2, %add3A_508 : i32
    %dma_start3A_510 = arith.constant 0 : i32
    %dma_start3A_511 = tpu.memref_slice %arg4[%add3A_509, %dma_start3A_510] : memref<128x32768xf32, #tpu.memory_space<hbm>> -> memref<1x32768xf32, #tpu.memory_space<hbm>>
    %dma_start3A_512 = tpu.memref_squeeze %dma_start3A_511 : memref<1x32768xf32, #tpu.memory_space<hbm>> -> memref<32768xf32, #tpu.memory_space<hbm>>
    %dma_start3A_513 = arith.constant 0 : i32
    %dma_start3A_514 = tpu.memref_slice %arg4[%add3A_509, %dma_start3A_513] : memref<128x32768xf32, #tpu.memory_space<hbm>> -> memref<1x32768xf32, #tpu.memory_space<hbm>>
    %dma_start3A_515 = tpu.memref_squeeze %dma_start3A_514 : memref<1x32768xf32, #tpu.memory_space<hbm>> -> memref<32768xf32, #tpu.memory_space<hbm>>
    tpu.enqueue_dma source(%arg6 : memref<32768xf32, #tpu.memory_space<vmem>>) target(%dma_start3A_515 : memref<32768xf32, #tpu.memory_space<hbm>>) target_semaphore(%arg15 : memref<!tpu.dma_semaphore, #tpu.memory_space<semaphore_mem>>)
    %add3A_516 = arith.constant 2 : i32
    %add3A_517 = arith.addi %mul3A_2, %add3A_516 : i32
    %dma_wait3A_518 = arith.constant 0 : i32
    %dma_wait3A_519 = tpu.memref_slice %arg2[%add3A_517, %dma_wait3A_518] : memref<128x32768xf32, #tpu.memory_space<hbm>> -> memref<1x32768xf32, #tpu.memory_space<hbm>>
    %dma_wait3A_520 = tpu.memref_squeeze %dma_wait3A_519 : memref<1x32768xf32, #tpu.memory_space<hbm>> -> memref<32768xf32, #tpu.memory_space<hbm>>
    %dma_wait3A_521 = arith.constant 0 : i32
    %dma_wait3A_522 = tpu.memref_slice %arg2[%add3A_517, %dma_wait3A_521] : memref<128x32768xf32, #tpu.memory_space<hbm>> -> memref<1x32768xf32, #tpu.memory_space<hbm>>
    %dma_wait3A_523 = tpu.memref_squeeze %dma_wait3A_522 : memref<1x32768xf32, #tpu.memory_space<hbm>> -> memref<32768xf32, #tpu.memory_space<hbm>>
    tpu.wait_dma2 semaphore(%arg12 : memref<!tpu.dma_semaphore, #tpu.memory_space<semaphore_mem>>) src(%dma_wait3A_523 : memref<32768xf32, #tpu.memory_space<hbm>>) dst(%arg5 : memref<32768xf32, #tpu.memory_space<vmem>>)
    %add3A_524 = arith.constant 1 : i32
    %add3A_525 = arith.addi %mul3A_2, %add3A_524 : i32
    %dma_wait3A_526 = arith.constant 0 : i32
    %dma_wait3A_527 = tpu.memref_slice %arg4[%add3A_525, %dma_wait3A_526] : memref<128x32768xf32, #tpu.memory_space<hbm>> -> memref<1x32768xf32, #tpu.memory_space<hbm>>
    %dma_wait3A_528 = tpu.memref_squeeze %dma_wait3A_527 : memref<1x32768xf32, #tpu.memory_space<hbm>> -> memref<32768xf32, #tpu.memory_space<hbm>>
    %dma_wait3A_529 = arith.constant 0 : i32
    %dma_wait3A_530 = tpu.memref_slice %arg4[%add3A_525, %dma_wait3A_529] : memref<128x32768xf32, #tpu.memory_space<hbm>> -> memref<1x32768xf32, #tpu.memory_space<hbm>>
    %dma_wait3A_531 = tpu.memref_squeeze %dma_wait3A_530 : memref<1x32768xf32, #tpu.memory_space<hbm>> -> memref<32768xf32, #tpu.memory_space<hbm>>
    tpu.wait_dma2 semaphore(%arg15 : memref<!tpu.dma_semaphore, #tpu.memory_space<semaphore_mem>>) src(%arg6 : memref<32768xf32, #tpu.memory_space<vmem>>) dst(%dma_wait3A_531 : memref<32768xf32, #tpu.memory_space<hbm>>)
    %add3A_532 = arith.constant 3 : i32
    %add3A_533 = arith.addi %mul3A_2, %add3A_532 : i32
    %dma_start3A_534 = arith.constant 0 : i32
    %dma_start3A_535 = tpu.memref_slice %arg2[%add3A_533, %dma_start3A_534] : memref<128x32768xf32, #tpu.memory_space<hbm>> -> memref<1x32768xf32, #tpu.memory_space<hbm>>
    %dma_start3A_536 = tpu.memref_squeeze %dma_start3A_535 : memref<1x32768xf32, #tpu.memory_space<hbm>> -> memref<32768xf32, #tpu.memory_space<hbm>>
    %dma_start3A_537 = arith.constant 0 : i32
    %dma_start3A_538 = tpu.memref_slice %arg2[%add3A_533, %dma_start3A_537] : memref<128x32768xf32, #tpu.memory_space<hbm>> -> memref<1x32768xf32, #tpu.memory_space<hbm>>
    %dma_start3A_539 = tpu.memref_squeeze %dma_start3A_538 : memref<1x32768xf32, #tpu.memory_space<hbm>> -> memref<32768xf32, #tpu.memory_space<hbm>>
    tpu.enqueue_dma source(%dma_start3A_539 : memref<32768xf32, #tpu.memory_space<hbm>>) target(%arg6 : memref<32768xf32, #tpu.memory_space<vmem>>) target_semaphore(%arg13 : memref<!tpu.dma_semaphore, #tpu.memory_space<semaphore_mem>>)
    %parallel_loop3A_540 = arith.constant 0 : i32
    %parallel_loop3A_541 = arith.constant 2048 : i32
    %parallel_loop3A_542 = arith.constant 1 : i32
    scf.for %parallel_loop3A_1032 = %parallel_loop3A_540 to %parallel_loop3A_541 step %parallel_loop3A_542  : i32 {
      %parallel_loop3A_1033 = arith.constant 16 : i32
      %parallel_loop3A_1034 = arith.muli %parallel_loop3A_1032, %parallel_loop3A_1033 : i32
      %parallel_loop3A_1035 = arith.index_cast %parallel_loop3A_1034 : i32 to index
      %parallel_loop3A_1036 = tpu.vector_load %arg5[%parallel_loop3A_1035] {strides = array<i32>} : memref<32768xf32, #tpu.memory_space<vmem>>, vector<16xf32>,
      %parallel_loop3A_1037 = tpu.bitcast %parallel_loop3A_1036 : vector<16xf32> -> vector<16xi32>
      %parallel_loop3A_1038 = arith.constant 31 : i32
      %parallel_loop3A_1039 = vector.broadcast %parallel_loop3A_1038 : i32 to vector<16xi32>
      %parallel_loop3A_1040 = arith.shrsi %parallel_loop3A_1037, %parallel_loop3A_1039 : vector<16xi32>
      %parallel_loop3A_1041 = arith.constant -2147483648 : i32
      %parallel_loop3A_1042 = vector.broadcast %parallel_loop3A_1041 : i32 to vector<16xi32>
      %parallel_loop3A_1043 = arith.ori %parallel_loop3A_1040, %parallel_loop3A_1042 : vector<16xi32>
      %parallel_loop3A_1044 = arith.xori %parallel_loop3A_1037, %parallel_loop3A_1043 : vector<16xi32>
      %parallel_loop3A_1045 = arith.index_cast %parallel_loop3A_1034 : i32 to index
      %parallel_loop3A_1046 = tpu.vector_load %arg7[%parallel_loop3A_1045] {strides = array<i32>} : memref<32768xi32, #tpu.memory_space<vmem>>, vector<16xi32>,
      tpu.vector_store %arg7[%parallel_loop3A_1045], %parallel_loop3A_1044 {strides = array<i32>} : memref<32768xi32, #tpu.memory_space<vmem>>, vector<16xi32>,
      %parallel_loop3A_1047 = arith.constant 20 : i32
      %parallel_loop3A_1048 = vector.broadcast %parallel_loop3A_1047 : i32 to vector<16xi32>
      %parallel_loop3A_1049 = arith.shrui %parallel_loop3A_1044, %parallel_loop3A_1048 : vector<16xi32>
      tpu.vector_store_idx %arg8[%parallel_loop3A_1049], %broadcast_in_dim3A_12 {add = true} : memref<4096xi32, #tpu.memory_space<vmem>>[vector<16xi32>], vector<16xi32>,
    } {sc.loop_unroll_factor = 8 : i64, sc.parallel_access}
    %parallel_loop3A_543 = arith.constant 0 : i32
    %parallel_loop3A_544 = arith.constant 256 : i32
    %parallel_loop3A_545 = arith.constant 1 : i32
    scf.for %parallel_loop3A_1032 = %parallel_loop3A_543 to %parallel_loop3A_544 step %parallel_loop3A_545  : i32 {
      %parallel_loop3A_1033 = arith.constant 16 : i32
      %parallel_loop3A_1034 = arith.muli %parallel_loop3A_1032, %parallel_loop3A_1033 : i32
      %parallel_loop3A_1035 = arith.index_cast %parallel_loop3A_1034 : i32 to index
      %parallel_loop3A_1036 = tpu.vector_load %arg8[%parallel_loop3A_1035] {strides = array<i32>} : memref<4096xi32, #tpu.memory_space<vmem>>, vector<16xi32>,
      %parallel_loop3A_1037 = arith.constant 16 : i32
      %parallel_loop3A_1038 = arith.muli %parallel_loop3A_1032, %parallel_loop3A_1037 : i32
      %parallel_loop3A_1039 = arith.index_cast %parallel_loop3A_1038 : i32 to index
      %parallel_loop3A_1040 = tpu.vector_load %arg8[%parallel_loop3A_1039] {strides = array<i32>} : memref<4096xi32, #tpu.memory_space<vmem>>, vector<16xi32>,
      tpu.vector_store %arg8[%parallel_loop3A_1039], %broadcast_in_dim3A_6 {strides = array<i32>} : memref<4096xi32, #tpu.memory_space<vmem>>, vector<16xi32>,
      %parallel_loop3A_1041 = arith.constant true
      %parallel_loop3A_1042 = vector.broadcast %parallel_loop3A_1041 : i1 to vector<16xi1>
      %parallel_loop3A_1043 = tpu.scan <sum>, %parallel_loop3A_1036 masked %parallel_loop3A_1042 : vector<16xi32>, vector<16xi1> -> vector<16xi32>
      %parallel_loop3A_1044 = arith.constant 16 : i32
      %parallel_loop3A_1045 = arith.muli %parallel_loop3A_1032, %parallel_loop3A_1044 : i32
      %parallel_loop3A_1046 = arith.index_cast %parallel_loop3A_1045 : i32 to index
      %parallel_loop3A_1047 = tpu.vector_load %arg9[%parallel_loop3A_1046] {strides = array<i32>} : memref<4096xi32, #tpu.memory_space<vmem>>, vector<16xi32>,
      tpu.vector_store %arg9[%parallel_loop3A_1046], %parallel_loop3A_1043 {strides = array<i32>} : memref<4096xi32, #tpu.memory_space<vmem>>, vector<16xi32>,
      %parallel_loop3A_1048 = arith.constant 0 : i32
      %parallel_loop3A_1049 = vector.broadcast %parallel_loop3A_1048 : i32 to vector<16xi32>
      %parallel_loop3A_1050 = arith.cmpi slt, %broadcast_in_dim3A_8, %parallel_loop3A_1049 : vector<16xi32>
      %parallel_loop3A_1051 = arith.constant 16 : i32
      %parallel_loop3A_1052 = vector.broadcast %parallel_loop3A_1051 : i32 to vector<16xi32>
      %parallel_loop3A_1053 = arith.addi %broadcast_in_dim3A_8, %parallel_loop3A_1052 : vector<16xi32>
      %parallel_loop3A_1054 = arith.select %parallel_loop3A_1050, %parallel_loop3A_1053, %broadcast_in_dim3A_8 : vector<16xi1>, vector<16xi32>
      %parallel_loop3A_1055 = vector.shape_cast %parallel_loop3A_1054 : vector<16xi32> to vector<16x1xi32>
      %parallel_loop3A_1056 = vector.shape_cast %parallel_loop3A_1055 : vector<16x1xi32> to vector<16xi32>
      %parallel_loop3A_1057 = tpu.dynamic_gather %parallel_loop3A_1043[%parallel_loop3A_1056] in [0] : vector<16xi32>, vector<16xi32> -> vector<16xi32>
      %parallel_loop3A_1058 = arith.index_cast %parallel_loop3A_1032 : i32 to index
      %parallel_loop3A_1059 = tpu.vector_load %arg10[%parallel_loop3A_1058] masked %eq3A_10 {strides = array<i32>} : memref<272xi32, #tpu.memory_space<vmem>>, vector<16xi32>, vector<16xi1>
      tpu.vector_store %arg10[%parallel_loop3A_1058], %parallel_loop3A_1057 masked %eq3A_10 {strides = array<i32>} : memref<272xi32, #tpu.memory_space<vmem>>, vector<16xi32>, vector<16xi1>
    } {sc.loop_unroll_factor = 4 : i64, sc.parallel_access}
    %scan3A_546 = arith.constant 0 : i32
    %scan3A_547 = arith.constant 16 : i32
    %scan3A_548 = arith.addi %scan3A_546, %scan3A_547 : i32
    %scan3A_549 = arith.constant 1 : i32
    %scan3A_550:5 = scf.for %scan3A_1032 = %scan3A_546 to %scan3A_548 step %scan3A_549 iter_args(%scan3A_1033 = %broadcast_in_dim3A_6, %scan3A_1034 = %broadcast_in_dim3A_6, %scan3A_1035 = %broadcast_in_dim3A_6, %scan3A_1036 = %broadcast_in_dim3A_6, %scan3A_1037 = %broadcast_in_dim3A_6) -> (vector<16xi32>, vector<16xi32>, vector<16xi32>, vector<16xi32>, vector<16xi32>)  : i32 {
      %mul3A_1038 = arith.constant 16 : i32
      %mul3A_1039 = arith.muli %scan3A_1032, %mul3A_1038 : i32
      %get3A_1040 = arith.index_cast %mul3A_1039 : i32 to index
      %get3A_1041 = tpu.vector_load %arg10[%get3A_1040] {strides = array<i32>} : memref<272xi32, #tpu.memory_space<vmem>>, vector<16xi32>,
      %broadcast_in_dim3A_1042 = arith.constant true
      %broadcast_in_dim3A_1043 = vector.broadcast %broadcast_in_dim3A_1042 : i1 to vector<16xi1>
      %masked_cumsum3A = tpu.scan <sum>, %get3A_1041 masked %broadcast_in_dim3A_1043 : vector<16xi32>, vector<16xi1> -> vector<16xi32>
      %add3A_1044 = arith.addi %masked_cumsum3A, %scan3A_1033 : vector<16xi32>
      %and3A_1045 = arith.constant 65535 : i32
      %and3A_1046 = vector.broadcast %and3A_1045 : i32 to vector<16xi32>
      %and3A_1047 = arith.andi %add3A_1044, %and3A_1046 : vector<16xi32>
      %shift_right_logical3A_1048 = arith.constant 16 : i32
      %shift_right_logical3A_1049 = vector.broadcast %shift_right_logical3A_1048 : i32 to vector<16xi32>
      %shift_right_logical3A_1050 = arith.shrui %add3A_1044, %shift_right_logical3A_1049 : vector<16xi32>
      %lt3A_1051 = arith.cmpi slt, %and3A_1047, %get3A_3 : vector<16xi32>
      %lt3A_1052 = arith.cmpi slt, %shift_right_logical3A_1050, %get3A_5 : vector<16xi32>
      %all_reduce_population_count3A_1053 = tpu.all_reduce %lt3A_1051 {dim = 0 : i64, kind = #tpu.reduction_kind<sum>} : vector<16xi1> -> vector<16xi32>
      %add3A_1054 = arith.addi %scan3A_1034, %all_reduce_population_count3A_1053 : vector<16xi32>
      %all_reduce_population_count3A_1055 = tpu.all_reduce %lt3A_1052 {dim = 0 : i64, kind = #tpu.reduction_kind<sum>} : vector<16xi1> -> vector<16xi32>
      %add3A_1056 = arith.addi %scan3A_1035, %all_reduce_population_count3A_1055 : vector<16xi32>
      %jit3A_1057 = arith.constant 0 : i32
      %broadcast_in_dim3A_1058 = vector.broadcast %jit3A_1057 : i32 to vector<16xi32>
      %select_n3A_1059 = arith.select %lt3A_1051, %and3A_1047, %broadcast_in_dim3A_1058 : vector<16xi1>, vector<16xi32>
      %max3A_1060 = arith.maxsi %scan3A_1036, %select_n3A_1059 : vector<16xi32>
      %jit3A_1061 = arith.constant 0 : i32
      %broadcast_in_dim3A_1062 = vector.broadcast %jit3A_1061 : i32 to vector<16xi32>
      %select_n3A_1063 = arith.select %lt3A_1052, %shift_right_logical3A_1050, %broadcast_in_dim3A_1062 : vector<16xi1>, vector<16xi32>
      %max3A_1064 = arith.maxsi %scan3A_1037, %select_n3A_1063 : vector<16xi32>
      %lt3A_1065 = arith.constant 0 : i32
      %lt3A_1066 = vector.broadcast %lt3A_1065 : i32 to vector<16xi32>
      %lt3A_1067 = arith.cmpi slt, %broadcast_in_dim3A_8, %lt3A_1066 : vector<16xi32>
      %add3A_1068 = arith.constant 16 : i32
      %add3A_1069 = vector.broadcast %add3A_1068 : i32 to vector<16xi32>
      %add3A_1070 = arith.addi %broadcast_in_dim3A_8, %add3A_1069 : vector<16xi32>
      %select_n3A_1071 = arith.select %lt3A_1067, %add3A_1070, %broadcast_in_dim3A_8 : vector<16xi1>, vector<16xi32>
      %broadcast_in_dim3A_1072 = vector.shape_cast %select_n3A_1071 : vector<16xi32> to vector<16x1xi32>
      %gather3A_1073 = vector.shape_cast %broadcast_in_dim3A_1072 : vector<16x1xi32> to vector<16xi32>
      %gather3A_1074 = tpu.dynamic_gather %add3A_1044[%gather3A_1073] in [0] : vector<16xi32>, vector<16xi32> -> vector<16xi32>
      scf.yield %gather3A_1074, %add3A_1054, %add3A_1056, %max3A_1060, %max3A_1064 : vector<16xi32>, vector<16xi32>, vector<16xi32>, vector<16xi32>, vector<16xi32>
    }
    %scan3A_551 = arith.constant 16 : i32
    %reduce_max3A_552 = arith.constant true
    %reduce_max3A_553 = vector.broadcast %reduce_max3A_552 : i1 to vector<16xi1>
    %reduce_max3A_554 = arith.constant -2147483648 : i32
    %reduce_max3A_555 = vector.broadcast %reduce_max3A_554 : i32 to vector<16xi32>
    %reduce_max3A_556 = arith.xori %scan3A_550#3, %reduce_max3A_555 : vector<16xi32>
    %reduce_max3A_557 = tpu.scan <max>, %reduce_max3A_556 masked %reduce_max3A_553 : vector<16xi32>, vector<16xi1> -> vector<16xi32>
    %reduce_max3A_558 = arith.xori %reduce_max3A_557, %reduce_max3A_555 : vector<16xi32>
    %reduce_max3A_559 = vector.extract %reduce_max3A_558[15] : i32 from vector<16xi32>
    %broadcast_in_dim3A_560 = vector.broadcast %reduce_max3A_559 : i32 to vector<16xi32>
    %mul3A_561 = arith.constant 16 : i32
    %mul3A_562 = vector.broadcast %mul3A_561 : i32 to vector<16xi32>
    %mul3A_563 = arith.muli %scan3A_550#1, %mul3A_562 : vector<16xi32>
    %add3A_564 = arith.addi %mul3A_563, %iota3A : vector<16xi32>
    %gather3A_565 = tpu.vector_load_idx %arg9[%add3A_564] : memref<4096xi32, #tpu.memory_space<vmem>>[vector<16xi32>], vector<16xi32>,
    %and3A_566 = arith.constant 65535 : i32
    %and3A_567 = vector.broadcast %and3A_566 : i32 to vector<16xi32>
    %and3A_568 = arith.andi %gather3A_565, %and3A_567 : vector<16xi32>
    %add3A_569 = arith.addi %and3A_568, %broadcast_in_dim3A_560 : vector<16xi32>
    %lt3A_570 = arith.cmpi slt, %add3A_569, %get3A_3 : vector<16xi32>
    %mul3A_571 = arith.constant 16 : i32
    %mul3A_572 = vector.broadcast %mul3A_571 : i32 to vector<16xi32>
    %mul3A_573 = arith.muli %scan3A_550#1, %mul3A_572 : vector<16xi32>
    %all_reduce_population_count3A_574 = tpu.all_reduce %lt3A_570 {dim = 0 : i64, kind = #tpu.reduction_kind<sum>} : vector<16xi1> -> vector<16xi32>
    %add3A_575 = arith.addi %mul3A_573, %all_reduce_population_count3A_574 : vector<16xi32>
    %jit3A_576 = arith.constant 0 : i32
    %broadcast_in_dim3A_577 = vector.broadcast %jit3A_576 : i32 to vector<16xi32>
    %select_n3A_578 = arith.select %lt3A_570, %add3A_569, %broadcast_in_dim3A_577 : vector<16xi1>, vector<16xi32>
    %reduce_max3A_579 = arith.constant true
    %reduce_max3A_580 = vector.broadcast %reduce_max3A_579 : i1 to vector<16xi1>
    %reduce_max3A_581 = arith.constant -2147483648 : i32
    %reduce_max3A_582 = vector.broadcast %reduce_max3A_581 : i32 to vector<16xi32>
    %reduce_max3A_583 = arith.xori %select_n3A_578, %reduce_max3A_582 : vector<16xi32>
    %reduce_max3A_584 = tpu.scan <max>, %reduce_max3A_583 masked %reduce_max3A_580 : vector<16xi32>, vector<16xi1> -> vector<16xi32>
    %reduce_max3A_585 = arith.xori %reduce_max3A_584, %reduce_max3A_582 : vector<16xi32>
    %reduce_max3A_586 = vector.extract %reduce_max3A_585[15] : i32 from vector<16xi32>
    %broadcast_in_dim3A_587 = vector.broadcast %reduce_max3A_586 : i32 to vector<16xi32>
    %max3A_588 = arith.maxsi %broadcast_in_dim3A_560, %broadcast_in_dim3A_587 : vector<16xi32>
    %reduce_max3A_589 = arith.constant true
    %reduce_max3A_590 = vector.broadcast %reduce_max3A_589 : i1 to vector<16xi1>
    %reduce_max3A_591 = arith.constant -2147483648 : i32
    %reduce_max3A_592 = vector.broadcast %reduce_max3A_591 : i32 to vector<16xi32>
    %reduce_max3A_593 = arith.xori %scan3A_550#4, %reduce_max3A_592 : vector<16xi32>
    %reduce_max3A_594 = tpu.scan <max>, %reduce_max3A_593 masked %reduce_max3A_590 : vector<16xi32>, vector<16xi1> -> vector<16xi32>
    %reduce_max3A_595 = arith.xori %reduce_max3A_594, %reduce_max3A_592 : vector<16xi32>
    %reduce_max3A_596 = vector.extract %reduce_max3A_595[15] : i32 from vector<16xi32>
    %broadcast_in_dim3A_597 = vector.broadcast %reduce_max3A_596 : i32 to vector<16xi32>
    %mul3A_598 = arith.constant 16 : i32
    %mul3A_599 = vector.broadcast %mul3A_598 : i32 to vector<16xi32>
    %mul3A_600 = arith.muli %scan3A_550#2, %mul3A_599 : vector<16xi32>
    %add3A_601 = arith.addi %mul3A_600, %iota3A : vector<16xi32>
    %gather3A_602 = tpu.vector_load_idx %arg9[%add3A_601] : memref<4096xi32, #tpu.memory_space<vmem>>[vector<16xi32>], vector<16xi32>,
    %shift_right_logical3A_603 = arith.constant 16 : i32
    %shift_right_logical3A_604 = vector.broadcast %shift_right_logical3A_603 : i32 to vector<16xi32>
    %shift_right_logical3A_605 = arith.shrui %gather3A_602, %shift_right_logical3A_604 : vector<16xi32>
    %add3A_606 = arith.addi %shift_right_logical3A_605, %broadcast_in_dim3A_597 : vector<16xi32>
    %lt3A_607 = arith.cmpi slt, %add3A_606, %get3A_5 : vector<16xi32>
    %mul3A_608 = arith.constant 16 : i32
    %mul3A_609 = vector.broadcast %mul3A_608 : i32 to vector<16xi32>
    %mul3A_610 = arith.muli %scan3A_550#2, %mul3A_609 : vector<16xi32>
    %all_reduce_population_count3A_611 = tpu.all_reduce %lt3A_607 {dim = 0 : i64, kind = #tpu.reduction_kind<sum>} : vector<16xi1> -> vector<16xi32>
    %add3A_612 = arith.addi %mul3A_610, %all_reduce_population_count3A_611 : vector<16xi32>
    %jit3A_613 = arith.constant 0 : i32
    %broadcast_in_dim3A_614 = vector.broadcast %jit3A_613 : i32 to vector<16xi32>
    %select_n3A_615 = arith.select %lt3A_607, %add3A_606, %broadcast_in_dim3A_614 : vector<16xi1>, vector<16xi32>
    %reduce_max3A_616 = arith.constant true
    %reduce_max3A_617 = vector.broadcast %reduce_max3A_616 : i1 to vector<16xi1>
    %reduce_max3A_618 = arith.constant -2147483648 : i32
    %reduce_max3A_619 = vector.broadcast %reduce_max3A_618 : i32 to vector<16xi32>
    %reduce_max3A_620 = arith.xori %select_n3A_615, %reduce_max3A_619 : vector<16xi32>
    %reduce_max3A_621 = tpu.scan <max>, %reduce_max3A_620 masked %reduce_max3A_617 : vector<16xi32>, vector<16xi1> -> vector<16xi32>
    %reduce_max3A_622 = arith.xori %reduce_max3A_621, %reduce_max3A_619 : vector<16xi32>
    %reduce_max3A_623 = vector.extract %reduce_max3A_622[15] : i32 from vector<16xi32>
    %broadcast_in_dim3A_624 = vector.broadcast %reduce_max3A_623 : i32 to vector<16xi32>
    %max3A_625 = arith.maxsi %broadcast_in_dim3A_597, %broadcast_in_dim3A_624 : vector<16xi32>
    %sub3A_626 = arith.subi %get3A_3, %max3A_588 : vector<16xi32>
    %sub3A_627 = arith.subi %get3A_5, %max3A_625 : vector<16xi32>
    %parallel_loop3A_628 = arith.constant 0 : i32
    %parallel_loop3A_629 = arith.constant 2048 : i32
    %parallel_loop3A_630 = arith.constant 1 : i32
    scf.for %parallel_loop3A_1032 = %parallel_loop3A_628 to %parallel_loop3A_629 step %parallel_loop3A_630  : i32 {
      %parallel_loop3A_1033 = arith.constant 16 : i32
      %parallel_loop3A_1034 = arith.muli %parallel_loop3A_1032, %parallel_loop3A_1033 : i32
      %parallel_loop3A_1035 = arith.index_cast %parallel_loop3A_1034 : i32 to index
      %parallel_loop3A_1036 = tpu.vector_load %arg7[%parallel_loop3A_1035] {strides = array<i32>} : memref<32768xi32, #tpu.memory_space<vmem>>, vector<16xi32>,
      %parallel_loop3A_1037 = arith.constant 20 : i32
      %parallel_loop3A_1038 = vector.broadcast %parallel_loop3A_1037 : i32 to vector<16xi32>
      %parallel_loop3A_1039 = arith.shrui %parallel_loop3A_1036, %parallel_loop3A_1038 : vector<16xi32>
      %parallel_loop3A_1040 = arith.constant 8 : i32
      %parallel_loop3A_1041 = vector.broadcast %parallel_loop3A_1040 : i32 to vector<16xi32>
      %parallel_loop3A_1042 = arith.shrui %parallel_loop3A_1036, %parallel_loop3A_1041 : vector<16xi32>
      %parallel_loop3A_1043 = arith.constant 4095 : i32
      %parallel_loop3A_1044 = vector.broadcast %parallel_loop3A_1043 : i32 to vector<16xi32>
      %parallel_loop3A_1045 = arith.andi %parallel_loop3A_1042, %parallel_loop3A_1044 : vector<16xi32>
      %parallel_loop3A_1046 = arith.cmpi eq, %parallel_loop3A_1039, %add3A_575 : vector<16xi32>
      %parallel_loop3A_1047 = arith.constant 1 : i32
      %parallel_loop3A_1048 = arith.constant 0 : i32
      %parallel_loop3A_1049 = vector.broadcast %parallel_loop3A_1047 : i32 to vector<16xi32>
      %parallel_loop3A_1050 = vector.broadcast %parallel_loop3A_1048 : i32 to vector<16xi32>
      %parallel_loop3A_1051 = arith.select %parallel_loop3A_1046, %parallel_loop3A_1049, %parallel_loop3A_1050 : vector<16xi1>, vector<16xi32>
      %parallel_loop3A_1052 = arith.cmpi eq, %parallel_loop3A_1039, %add3A_612 : vector<16xi32>
      %parallel_loop3A_1053 = arith.constant 65536 : i32
      %parallel_loop3A_1054 = arith.constant 0 : i32
      %parallel_loop3A_1055 = vector.broadcast %parallel_loop3A_1053 : i32 to vector<16xi32>
      %parallel_loop3A_1056 = vector.broadcast %parallel_loop3A_1054 : i32 to vector<16xi32>
      %parallel_loop3A_1057 = arith.select %parallel_loop3A_1052, %parallel_loop3A_1055, %parallel_loop3A_1056 : vector<16xi1>, vector<16xi32>
      %parallel_loop3A_1058 = arith.addi %parallel_loop3A_1051, %parallel_loop3A_1057 : vector<16xi32>
      tpu.vector_store_idx %arg8[%parallel_loop3A_1045], %parallel_loop3A_1058 {add = true} : memref<4096xi32, #tpu.memory_space<vmem>>[vector<16xi32>], vector<16xi32>,
    } {sc.loop_unroll_factor = 8 : i64, sc.parallel_access}
    %parallel_loop3A_631 = arith.constant 0 : i32
    %parallel_loop3A_632 = arith.constant 256 : i32
    %parallel_loop3A_633 = arith.constant 1 : i32
    scf.for %parallel_loop3A_1032 = %parallel_loop3A_631 to %parallel_loop3A_632 step %parallel_loop3A_633  : i32 {
      %parallel_loop3A_1033 = arith.constant 16 : i32
      %parallel_loop3A_1034 = arith.muli %parallel_loop3A_1032, %parallel_loop3A_1033 : i32
      %parallel_loop3A_1035 = arith.index_cast %parallel_loop3A_1034 : i32 to index
      %parallel_loop3A_1036 = tpu.vector_load %arg8[%parallel_loop3A_1035] {strides = array<i32>} : memref<4096xi32, #tpu.memory_space<vmem>>, vector<16xi32>,
      %parallel_loop3A_1037 = arith.constant 16 : i32
      %parallel_loop3A_1038 = arith.muli %parallel_loop3A_1032, %parallel_loop3A_1037 : i32
      %parallel_loop3A_1039 = arith.index_cast %parallel_loop3A_1038 : i32 to index
      %parallel_loop3A_1040 = tpu.vector_load %arg8[%parallel_loop3A_1039] {strides = array<i32>} : memref<4096xi32, #tpu.memory_space<vmem>>, vector<16xi32>,
      tpu.vector_store %arg8[%parallel_loop3A_1039], %broadcast_in_dim3A_6 {strides = array<i32>} : memref<4096xi32, #tpu.memory_space<vmem>>, vector<16xi32>,
      %parallel_loop3A_1041 = arith.constant true
      %parallel_loop3A_1042 = vector.broadcast %parallel_loop3A_1041 : i1 to vector<16xi1>
      %parallel_loop3A_1043 = tpu.scan <sum>, %parallel_loop3A_1036 masked %parallel_loop3A_1042 : vector<16xi32>, vector<16xi1> -> vector<16xi32>
      %parallel_loop3A_1044 = arith.constant 16 : i32
      %parallel_loop3A_1045 = arith.muli %parallel_loop3A_1032, %parallel_loop3A_1044 : i32
      %parallel_loop3A_1046 = arith.index_cast %parallel_loop3A_1045 : i32 to index
      %parallel_loop3A_1047 = tpu.vector_load %arg9[%parallel_loop3A_1046] {strides = array<i32>} : memref<4096xi32, #tpu.memory_space<vmem>>, vector<16xi32>,
      tpu.vector_store %arg9[%parallel_loop3A_1046], %parallel_loop3A_1043 {strides = array<i32>} : memref<4096xi32, #tpu.memory_space<vmem>>, vector<16xi32>,
      %parallel_loop3A_1048 = arith.constant 0 : i32
      %parallel_loop3A_1049 = vector.broadcast %parallel_loop3A_1048 : i32 to vector<16xi32>
      %parallel_loop3A_1050 = arith.cmpi slt, %broadcast_in_dim3A_8, %parallel_loop3A_1049 : vector<16xi32>
      %parallel_loop3A_1051 = arith.constant 16 : i32
      %parallel_loop3A_1052 = vector.broadcast %parallel_loop3A_1051 : i32 to vector<16xi32>
      %parallel_loop3A_1053 = arith.addi %broadcast_in_dim3A_8, %parallel_loop3A_1052 : vector<16xi32>
      %parallel_loop3A_1054 = arith.select %parallel_loop3A_1050, %parallel_loop3A_1053, %broadcast_in_dim3A_8 : vector<16xi1>, vector<16xi32>
      %parallel_loop3A_1055 = vector.shape_cast %parallel_loop3A_1054 : vector<16xi32> to vector<16x1xi32>
      %parallel_loop3A_1056 = vector.shape_cast %parallel_loop3A_1055 : vector<16x1xi32> to vector<16xi32>
      %parallel_loop3A_1057 = tpu.dynamic_gather %parallel_loop3A_1043[%parallel_loop3A_1056] in [0] : vector<16xi32>, vector<16xi32> -> vector<16xi32>
      %parallel_loop3A_1058 = arith.index_cast %parallel_loop3A_1032 : i32 to index
      %parallel_loop3A_1059 = tpu.vector_load %arg10[%parallel_loop3A_1058] masked %eq3A_10 {strides = array<i32>} : memref<272xi32, #tpu.memory_space<vmem>>, vector<16xi32>, vector<16xi1>
      tpu.vector_store %arg10[%parallel_loop3A_1058], %parallel_loop3A_1057 masked %eq3A_10 {strides = array<i32>} : memref<272xi32, #tpu.memory_space<vmem>>, vector<16xi32>, vector<16xi1>
    } {sc.loop_unroll_factor = 4 : i64, sc.parallel_access}
    %scan3A_634 = arith.constant 0 : i32
    %scan3A_635 = arith.constant 16 : i32
    %scan3A_636 = arith.addi %scan3A_634, %scan3A_635 : i32
    %scan3A_637 = arith.constant 1 : i32
    %scan3A_638:5 = scf.for %scan3A_1032 = %scan3A_634 to %scan3A_636 step %scan3A_637 iter_args(%scan3A_1033 = %broadcast_in_dim3A_6, %scan3A_1034 = %broadcast_in_dim3A_6, %scan3A_1035 = %broadcast_in_dim3A_6, %scan3A_1036 = %broadcast_in_dim3A_6, %scan3A_1037 = %broadcast_in_dim3A_6) -> (vector<16xi32>, vector<16xi32>, vector<16xi32>, vector<16xi32>, vector<16xi32>)  : i32 {
      %mul3A_1038 = arith.constant 16 : i32
      %mul3A_1039 = arith.muli %scan3A_1032, %mul3A_1038 : i32
      %get3A_1040 = arith.index_cast %mul3A_1039 : i32 to index
      %get3A_1041 = tpu.vector_load %arg10[%get3A_1040] {strides = array<i32>} : memref<272xi32, #tpu.memory_space<vmem>>, vector<16xi32>,
      %broadcast_in_dim3A_1042 = arith.constant true
      %broadcast_in_dim3A_1043 = vector.broadcast %broadcast_in_dim3A_1042 : i1 to vector<16xi1>
      %masked_cumsum3A = tpu.scan <sum>, %get3A_1041 masked %broadcast_in_dim3A_1043 : vector<16xi32>, vector<16xi1> -> vector<16xi32>
      %add3A_1044 = arith.addi %masked_cumsum3A, %scan3A_1033 : vector<16xi32>
      %and3A_1045 = arith.constant 65535 : i32
      %and3A_1046 = vector.broadcast %and3A_1045 : i32 to vector<16xi32>
      %and3A_1047 = arith.andi %add3A_1044, %and3A_1046 : vector<16xi32>
      %shift_right_logical3A_1048 = arith.constant 16 : i32
      %shift_right_logical3A_1049 = vector.broadcast %shift_right_logical3A_1048 : i32 to vector<16xi32>
      %shift_right_logical3A_1050 = arith.shrui %add3A_1044, %shift_right_logical3A_1049 : vector<16xi32>
      %lt3A_1051 = arith.cmpi slt, %and3A_1047, %sub3A_626 : vector<16xi32>
      %lt3A_1052 = arith.cmpi slt, %shift_right_logical3A_1050, %sub3A_627 : vector<16xi32>
      %all_reduce_population_count3A_1053 = tpu.all_reduce %lt3A_1051 {dim = 0 : i64, kind = #tpu.reduction_kind<sum>} : vector<16xi1> -> vector<16xi32>
      %add3A_1054 = arith.addi %scan3A_1034, %all_reduce_population_count3A_1053 : vector<16xi32>
      %all_reduce_population_count3A_1055 = tpu.all_reduce %lt3A_1052 {dim = 0 : i64, kind = #tpu.reduction_kind<sum>} : vector<16xi1> -> vector<16xi32>
      %add3A_1056 = arith.addi %scan3A_1035, %all_reduce_population_count3A_1055 : vector<16xi32>
      %jit3A_1057 = arith.constant 0 : i32
      %broadcast_in_dim3A_1058 = vector.broadcast %jit3A_1057 : i32 to vector<16xi32>
      %select_n3A_1059 = arith.select %lt3A_1051, %and3A_1047, %broadcast_in_dim3A_1058 : vector<16xi1>, vector<16xi32>
      %max3A_1060 = arith.maxsi %scan3A_1036, %select_n3A_1059 : vector<16xi32>
      %jit3A_1061 = arith.constant 0 : i32
      %broadcast_in_dim3A_1062 = vector.broadcast %jit3A_1061 : i32 to vector<16xi32>
      %select_n3A_1063 = arith.select %lt3A_1052, %shift_right_logical3A_1050, %broadcast_in_dim3A_1062 : vector<16xi1>, vector<16xi32>
      %max3A_1064 = arith.maxsi %scan3A_1037, %select_n3A_1063 : vector<16xi32>
      %lt3A_1065 = arith.constant 0 : i32
      %lt3A_1066 = vector.broadcast %lt3A_1065 : i32 to vector<16xi32>
      %lt3A_1067 = arith.cmpi slt, %broadcast_in_dim3A_8, %lt3A_1066 : vector<16xi32>
      %add3A_1068 = arith.constant 16 : i32
      %add3A_1069 = vector.broadcast %add3A_1068 : i32 to vector<16xi32>
      %add3A_1070 = arith.addi %broadcast_in_dim3A_8, %add3A_1069 : vector<16xi32>
      %select_n3A_1071 = arith.select %lt3A_1067, %add3A_1070, %broadcast_in_dim3A_8 : vector<16xi1>, vector<16xi32>
      %broadcast_in_dim3A_1072 = vector.shape_cast %select_n3A_1071 : vector<16xi32> to vector<16x1xi32>
      %gather3A_1073 = vector.shape_cast %broadcast_in_dim3A_1072 : vector<16x1xi32> to vector<16xi32>
      %gather3A_1074 = tpu.dynamic_gather %add3A_1044[%gather3A_1073] in [0] : vector<16xi32>, vector<16xi32> -> vector<16xi32>
      scf.yield %gather3A_1074, %add3A_1054, %add3A_1056, %max3A_1060, %max3A_1064 : vector<16xi32>, vector<16xi32>, vector<16xi32>, vector<16xi32>, vector<16xi32>
    }
    %scan3A_639 = arith.constant 16 : i32
    %reduce_max3A_640 = arith.constant true
    %reduce_max3A_641 = vector.broadcast %reduce_max3A_640 : i1 to vector<16xi1>
    %reduce_max3A_642 = arith.constant -2147483648 : i32
    %reduce_max3A_643 = vector.broadcast %reduce_max3A_642 : i32 to vector<16xi32>
    %reduce_max3A_644 = arith.xori %scan3A_638#3, %reduce_max3A_643 : vector<16xi32>
    %reduce_max3A_645 = tpu.scan <max>, %reduce_max3A_644 masked %reduce_max3A_641 : vector<16xi32>, vector<16xi1> -> vector<16xi32>
    %reduce_max3A_646 = arith.xori %reduce_max3A_645, %reduce_max3A_643 : vector<16xi32>
    %reduce_max3A_647 = vector.extract %reduce_max3A_646[15] : i32 from vector<16xi32>
    %broadcast_in_dim3A_648 = vector.broadcast %reduce_max3A_647 : i32 to vector<16xi32>
    %mul3A_649 = arith.constant 16 : i32
    %mul3A_650 = vector.broadcast %mul3A_649 : i32 to vector<16xi32>
    %mul3A_651 = arith.muli %scan3A_638#1, %mul3A_650 : vector<16xi32>
    %add3A_652 = arith.addi %mul3A_651, %iota3A : vector<16xi32>
    %gather3A_653 = tpu.vector_load_idx %arg9[%add3A_652] : memref<4096xi32, #tpu.memory_space<vmem>>[vector<16xi32>], vector<16xi32>,
    %and3A_654 = arith.constant 65535 : i32
    %and3A_655 = vector.broadcast %and3A_654 : i32 to vector<16xi32>
    %and3A_656 = arith.andi %gather3A_653, %and3A_655 : vector<16xi32>
    %add3A_657 = arith.addi %and3A_656, %broadcast_in_dim3A_648 : vector<16xi32>
    %lt3A_658 = arith.cmpi slt, %add3A_657, %sub3A_626 : vector<16xi32>
    %mul3A_659 = arith.constant 16 : i32
    %mul3A_660 = vector.broadcast %mul3A_659 : i32 to vector<16xi32>
    %mul3A_661 = arith.muli %scan3A_638#1, %mul3A_660 : vector<16xi32>
    %all_reduce_population_count3A_662 = tpu.all_reduce %lt3A_658 {dim = 0 : i64, kind = #tpu.reduction_kind<sum>} : vector<16xi1> -> vector<16xi32>
    %add3A_663 = arith.addi %mul3A_661, %all_reduce_population_count3A_662 : vector<16xi32>
    %jit3A_664 = arith.constant 0 : i32
    %broadcast_in_dim3A_665 = vector.broadcast %jit3A_664 : i32 to vector<16xi32>
    %select_n3A_666 = arith.select %lt3A_658, %add3A_657, %broadcast_in_dim3A_665 : vector<16xi1>, vector<16xi32>
    %reduce_max3A_667 = arith.constant true
    %reduce_max3A_668 = vector.broadcast %reduce_max3A_667 : i1 to vector<16xi1>
    %reduce_max3A_669 = arith.constant -2147483648 : i32
    %reduce_max3A_670 = vector.broadcast %reduce_max3A_669 : i32 to vector<16xi32>
    %reduce_max3A_671 = arith.xori %select_n3A_666, %reduce_max3A_670 : vector<16xi32>
    %reduce_max3A_672 = tpu.scan <max>, %reduce_max3A_671 masked %reduce_max3A_668 : vector<16xi32>, vector<16xi1> -> vector<16xi32>
    %reduce_max3A_673 = arith.xori %reduce_max3A_672, %reduce_max3A_670 : vector<16xi32>
    %reduce_max3A_674 = vector.extract %reduce_max3A_673[15] : i32 from vector<16xi32>
    %broadcast_in_dim3A_675 = vector.broadcast %reduce_max3A_674 : i32 to vector<16xi32>
    %max3A_676 = arith.maxsi %broadcast_in_dim3A_648, %broadcast_in_dim3A_675 : vector<16xi32>
    %reduce_max3A_677 = arith.constant true
    %reduce_max3A_678 = vector.broadcast %reduce_max3A_677 : i1 to vector<16xi1>
    %reduce_max3A_679 = arith.constant -2147483648 : i32
    %reduce_max3A_680 = vector.broadcast %reduce_max3A_679 : i32 to vector<16xi32>
    %reduce_max3A_681 = arith.xori %scan3A_638#4, %reduce_max3A_680 : vector<16xi32>
    %reduce_max3A_682 = tpu.scan <max>, %reduce_max3A_681 masked %reduce_max3A_678 : vector<16xi32>, vector<16xi1> -> vector<16xi32>
    %reduce_max3A_683 = arith.xori %reduce_max3A_682, %reduce_max3A_680 : vector<16xi32>
    %reduce_max3A_684 = vector.extract %reduce_max3A_683[15] : i32 from vector<16xi32>
    %broadcast_in_dim3A_685 = vector.broadcast %reduce_max3A_684 : i32 to vector<16xi32>
    %mul3A_686 = arith.constant 16 : i32
    %mul3A_687 = vector.broadcast %mul3A_686 : i32 to vector<16xi32>
    %mul3A_688 = arith.muli %scan3A_638#2, %mul3A_687 : vector<16xi32>
    %add3A_689 = arith.addi %mul3A_688, %iota3A : vector<16xi32>
    %gather3A_690 = tpu.vector_load_idx %arg9[%add3A_689] : memref<4096xi32, #tpu.memory_space<vmem>>[vector<16xi32>], vector<16xi32>,
    %shift_right_logical3A_691 = arith.constant 16 : i32
    %shift_right_logical3A_692 = vector.broadcast %shift_right_logical3A_691 : i32 to vector<16xi32>
    %shift_right_logical3A_693 = arith.shrui %gather3A_690, %shift_right_logical3A_692 : vector<16xi32>
    %add3A_694 = arith.addi %shift_right_logical3A_693, %broadcast_in_dim3A_685 : vector<16xi32>
    %lt3A_695 = arith.cmpi slt, %add3A_694, %sub3A_627 : vector<16xi32>
    %mul3A_696 = arith.constant 16 : i32
    %mul3A_697 = vector.broadcast %mul3A_696 : i32 to vector<16xi32>
    %mul3A_698 = arith.muli %scan3A_638#2, %mul3A_697 : vector<16xi32>
    %all_reduce_population_count3A_699 = tpu.all_reduce %lt3A_695 {dim = 0 : i64, kind = #tpu.reduction_kind<sum>} : vector<16xi1> -> vector<16xi32>
    %add3A_700 = arith.addi %mul3A_698, %all_reduce_population_count3A_699 : vector<16xi32>
    %jit3A_701 = arith.constant 0 : i32
    %broadcast_in_dim3A_702 = vector.broadcast %jit3A_701 : i32 to vector<16xi32>
    %select_n3A_703 = arith.select %lt3A_695, %add3A_694, %broadcast_in_dim3A_702 : vector<16xi1>, vector<16xi32>
    %reduce_max3A_704 = arith.constant true
    %reduce_max3A_705 = vector.broadcast %reduce_max3A_704 : i1 to vector<16xi1>
    %reduce_max3A_706 = arith.constant -2147483648 : i32
    %reduce_max3A_707 = vector.broadcast %reduce_max3A_706 : i32 to vector<16xi32>
    %reduce_max3A_708 = arith.xori %select_n3A_703, %reduce_max3A_707 : vector<16xi32>
    %reduce_max3A_709 = tpu.scan <max>, %reduce_max3A_708 masked %reduce_max3A_705 : vector<16xi32>, vector<16xi1> -> vector<16xi32>
    %reduce_max3A_710 = arith.xori %reduce_max3A_709, %reduce_max3A_707 : vector<16xi32>
    %reduce_max3A_711 = vector.extract %reduce_max3A_710[15] : i32 from vector<16xi32>
    %broadcast_in_dim3A_712 = vector.broadcast %reduce_max3A_711 : i32 to vector<16xi32>
    %max3A_713 = arith.maxsi %broadcast_in_dim3A_685, %broadcast_in_dim3A_712 : vector<16xi32>
    %shift_left3A_714 = arith.constant 12 : i32
    %shift_left3A_715 = vector.broadcast %shift_left3A_714 : i32 to vector<16xi32>
    %shift_left3A_716 = arith.shli %add3A_575, %shift_left3A_715 : vector<16xi32>
    %add3A_717 = arith.addi %shift_left3A_716, %add3A_663 : vector<16xi32>
    %shift_left3A_718 = arith.constant 12 : i32
    %shift_left3A_719 = vector.broadcast %shift_left3A_718 : i32 to vector<16xi32>
    %shift_left3A_720 = arith.shli %add3A_612, %shift_left3A_719 : vector<16xi32>
    %add3A_721 = arith.addi %shift_left3A_720, %add3A_700 : vector<16xi32>
    %sub3A_722 = arith.subi %sub3A_626, %max3A_676 : vector<16xi32>
    %sub3A_723 = arith.subi %sub3A_627, %max3A_713 : vector<16xi32>
    %parallel_loop3A_724 = arith.constant 0 : i32
    %parallel_loop3A_725 = arith.constant 2048 : i32
    %parallel_loop3A_726 = arith.constant 1 : i32
    scf.for %parallel_loop3A_1032 = %parallel_loop3A_724 to %parallel_loop3A_725 step %parallel_loop3A_726  : i32 {
      %parallel_loop3A_1033 = arith.constant 16 : i32
      %parallel_loop3A_1034 = arith.muli %parallel_loop3A_1032, %parallel_loop3A_1033 : i32
      %parallel_loop3A_1035 = arith.index_cast %parallel_loop3A_1034 : i32 to index
      %parallel_loop3A_1036 = tpu.vector_load %arg7[%parallel_loop3A_1035] {strides = array<i32>} : memref<32768xi32, #tpu.memory_space<vmem>>, vector<16xi32>,
      %parallel_loop3A_1037 = arith.constant 8 : i32
      %parallel_loop3A_1038 = vector.broadcast %parallel_loop3A_1037 : i32 to vector<16xi32>
      %parallel_loop3A_1039 = arith.shrui %parallel_loop3A_1036, %parallel_loop3A_1038 : vector<16xi32>
      %parallel_loop3A_1040 = arith.constant 255 : i32
      %parallel_loop3A_1041 = vector.broadcast %parallel_loop3A_1040 : i32 to vector<16xi32>
      %parallel_loop3A_1042 = arith.andi %parallel_loop3A_1036, %parallel_loop3A_1041 : vector<16xi32>
      %parallel_loop3A_1043 = arith.cmpi eq, %parallel_loop3A_1039, %add3A_717 : vector<16xi32>
      %parallel_loop3A_1044 = arith.constant 1 : i32
      %parallel_loop3A_1045 = arith.constant 0 : i32
      %parallel_loop3A_1046 = vector.broadcast %parallel_loop3A_1044 : i32 to vector<16xi32>
      %parallel_loop3A_1047 = vector.broadcast %parallel_loop3A_1045 : i32 to vector<16xi32>
      %parallel_loop3A_1048 = arith.select %parallel_loop3A_1043, %parallel_loop3A_1046, %parallel_loop3A_1047 : vector<16xi1>, vector<16xi32>
      %parallel_loop3A_1049 = arith.cmpi eq, %parallel_loop3A_1039, %add3A_721 : vector<16xi32>
      %parallel_loop3A_1050 = arith.constant 65536 : i32
      %parallel_loop3A_1051 = arith.constant 0 : i32
      %parallel_loop3A_1052 = vector.broadcast %parallel_loop3A_1050 : i32 to vector<16xi32>
      %parallel_loop3A_1053 = vector.broadcast %parallel_loop3A_1051 : i32 to vector<16xi32>
      %parallel_loop3A_1054 = arith.select %parallel_loop3A_1049, %parallel_loop3A_1052, %parallel_loop3A_1053 : vector<16xi1>, vector<16xi32>
      %parallel_loop3A_1055 = arith.addi %parallel_loop3A_1048, %parallel_loop3A_1054 : vector<16xi32>
      tpu.vector_store_idx %arg8[%parallel_loop3A_1042], %parallel_loop3A_1055 {add = true} : memref<4096xi32, #tpu.memory_space<vmem>>[vector<16xi32>], vector<16xi32>,
    } {sc.loop_unroll_factor = 8 : i64, sc.parallel_access}
    %parallel_loop3A_727 = arith.constant 0 : i32
    %parallel_loop3A_728 = arith.constant 16 : i32
    %parallel_loop3A_729 = arith.constant 1 : i32
    %parallel_loop3A_730:6 = scf.for %parallel_loop3A_1032 = %parallel_loop3A_727 to %parallel_loop3A_728 step %parallel_loop3A_729 iter_args(%parallel_loop3A_1033 = %broadcast_in_dim3A_6, %parallel_loop3A_1034 = %broadcast_in_dim3A_6, %parallel_loop3A_1035 = %broadcast_in_dim3A_6, %parallel_loop3A_1036 = %broadcast_in_dim3A_6, %parallel_loop3A_1037 = %broadcast_in_dim3A_6, %parallel_loop3A_1038 = %broadcast_in_dim3A_6) -> (vector<16xi32>, vector<16xi32>, vector<16xi32>, vector<16xi32>, vector<16xi32>, vector<16xi32>)  : i32 {
      %parallel_loop3A_1039 = arith.constant 16 : i32
      %parallel_loop3A_1040 = arith.muli %parallel_loop3A_1032, %parallel_loop3A_1039 : i32
      %parallel_loop3A_1041 = arith.index_cast %parallel_loop3A_1040 : i32 to index
      %parallel_loop3A_1042 = tpu.vector_load %arg8[%parallel_loop3A_1041] {strides = array<i32>} : memref<4096xi32, #tpu.memory_space<vmem>>, vector<16xi32>,
      %parallel_loop3A_1043 = arith.constant 16 : i32
      %parallel_loop3A_1044 = arith.muli %parallel_loop3A_1032, %parallel_loop3A_1043 : i32
      %parallel_loop3A_1045 = arith.index_cast %parallel_loop3A_1044 : i32 to index
      %parallel_loop3A_1046 = tpu.vector_load %arg8[%parallel_loop3A_1045] {strides = array<i32>} : memref<4096xi32, #tpu.memory_space<vmem>>, vector<16xi32>,
      tpu.vector_store %arg8[%parallel_loop3A_1045], %broadcast_in_dim3A_6 {strides = array<i32>} : memref<4096xi32, #tpu.memory_space<vmem>>, vector<16xi32>,
      %parallel_loop3A_1047 = arith.constant 65535 : i32
      %parallel_loop3A_1048 = vector.broadcast %parallel_loop3A_1047 : i32 to vector<16xi32>
      %parallel_loop3A_1049 = arith.andi %parallel_loop3A_1042, %parallel_loop3A_1048 : vector<16xi32>
      %parallel_loop3A_1050 = arith.constant true
      %parallel_loop3A_1051 = vector.broadcast %parallel_loop3A_1050 : i1 to vector<16xi1>
      %parallel_loop3A_1052 = tpu.scan <sum>, %parallel_loop3A_1049 masked %parallel_loop3A_1051 : vector<16xi32>, vector<16xi1> -> vector<16xi32>
      %parallel_loop3A_1053 = arith.addi %parallel_loop3A_1052, %parallel_loop3A_1033 : vector<16xi32>
      %parallel_loop3A_1054 = arith.constant 16 : i32
      %parallel_loop3A_1055 = vector.broadcast %parallel_loop3A_1054 : i32 to vector<16xi32>
      %parallel_loop3A_1056 = arith.shrui %parallel_loop3A_1042, %parallel_loop3A_1055 : vector<16xi32>
      %parallel_loop3A_1057 = arith.constant true
      %parallel_loop3A_1058 = vector.broadcast %parallel_loop3A_1057 : i1 to vector<16xi1>
      %parallel_loop3A_1059 = tpu.scan <sum>, %parallel_loop3A_1056 masked %parallel_loop3A_1058 : vector<16xi32>, vector<16xi1> -> vector<16xi32>
      %parallel_loop3A_1060 = arith.addi %parallel_loop3A_1059, %parallel_loop3A_1036 : vector<16xi32>
      %parallel_loop3A_1061 = arith.cmpi slt, %parallel_loop3A_1053, %sub3A_722 : vector<16xi32>
      %parallel_loop3A_1062 = arith.cmpi slt, %parallel_loop3A_1060, %sub3A_723 : vector<16xi32>
      %parallel_loop3A_1063 = tpu.all_reduce %parallel_loop3A_1061 {dim = 0 : i64, kind = #tpu.reduction_kind<sum>} : vector<16xi1> -> vector<16xi32>
      %parallel_loop3A_1064 = arith.addi %parallel_loop3A_1034, %parallel_loop3A_1063 : vector<16xi32>
      %parallel_loop3A_1065 = tpu.all_reduce %parallel_loop3A_1062 {dim = 0 : i64, kind = #tpu.reduction_kind<sum>} : vector<16xi1> -> vector<16xi32>
      %parallel_loop3A_1066 = arith.addi %parallel_loop3A_1037, %parallel_loop3A_1065 : vector<16xi32>
      %parallel_loop3A_1067 = arith.constant 0 : i32
      %parallel_loop3A_1068 = vector.broadcast %parallel_loop3A_1067 : i32 to vector<16xi32>
      %parallel_loop3A_1069 = arith.select %parallel_loop3A_1061, %parallel_loop3A_1053, %parallel_loop3A_1068 : vector<16xi1>, vector<16xi32>
      %parallel_loop3A_1070 = arith.maxsi %parallel_loop3A_1035, %parallel_loop3A_1069 : vector<16xi32>
      %parallel_loop3A_1071 = arith.constant 0 : i32
      %parallel_loop3A_1072 = vector.broadcast %parallel_loop3A_1071 : i32 to vector<16xi32>
      %parallel_loop3A_1073 = arith.select %parallel_loop3A_1062, %parallel_loop3A_1060, %parallel_loop3A_1072 : vector<16xi1>, vector<16xi32>
      %parallel_loop3A_1074 = arith.maxsi %parallel_loop3A_1038, %parallel_loop3A_1073 : vector<16xi32>
      %parallel_loop3A_1075 = arith.constant 0 : i32
      %parallel_loop3A_1076 = vector.broadcast %parallel_loop3A_1075 : i32 to vector<16xi32>
      %parallel_loop3A_1077 = arith.cmpi slt, %broadcast_in_dim3A_8, %parallel_loop3A_1076 : vector<16xi32>
      %parallel_loop3A_1078 = arith.constant 16 : i32
      %parallel_loop3A_1079 = vector.broadcast %parallel_loop3A_1078 : i32 to vector<16xi32>
      %parallel_loop3A_1080 = arith.addi %broadcast_in_dim3A_8, %parallel_loop3A_1079 : vector<16xi32>
      %parallel_loop3A_1081 = arith.select %parallel_loop3A_1077, %parallel_loop3A_1080, %broadcast_in_dim3A_8 : vector<16xi1>, vector<16xi32>
      %parallel_loop3A_1082 = vector.shape_cast %parallel_loop3A_1081 : vector<16xi32> to vector<16x1xi32>
      %parallel_loop3A_1083 = vector.shape_cast %parallel_loop3A_1082 : vector<16x1xi32> to vector<16xi32>
      %parallel_loop3A_1084 = tpu.dynamic_gather %parallel_loop3A_1053[%parallel_loop3A_1083] in [0] : vector<16xi32>, vector<16xi32> -> vector<16xi32>
      %parallel_loop3A_1085 = arith.constant 0 : i32
      %parallel_loop3A_1086 = vector.broadcast %parallel_loop3A_1085 : i32 to vector<16xi32>
      %parallel_loop3A_1087 = arith.cmpi slt, %broadcast_in_dim3A_8, %parallel_loop3A_1086 : vector<16xi32>
      %parallel_loop3A_1088 = arith.constant 16 : i32
      %parallel_loop3A_1089 = vector.broadcast %parallel_loop3A_1088 : i32 to vector<16xi32>
      %parallel_loop3A_1090 = arith.addi %broadcast_in_dim3A_8, %parallel_loop3A_1089 : vector<16xi32>
      %parallel_loop3A_1091 = arith.select %parallel_loop3A_1087, %parallel_loop3A_1090, %broadcast_in_dim3A_8 : vector<16xi1>, vector<16xi32>
      %parallel_loop3A_1092 = vector.shape_cast %parallel_loop3A_1091 : vector<16xi32> to vector<16x1xi32>
      %parallel_loop3A_1093 = vector.shape_cast %parallel_loop3A_1092 : vector<16x1xi32> to vector<16xi32>
      %parallel_loop3A_1094 = tpu.dynamic_gather %parallel_loop3A_1060[%parallel_loop3A_1093] in [0] : vector<16xi32>, vector<16xi32> -> vector<16xi32>
      scf.yield %parallel_loop3A_1084, %parallel_loop3A_1064, %parallel_loop3A_1070, %parallel_loop3A_1094, %parallel_loop3A_1066, %parallel_loop3A_1074 : vector<16xi32>, vector<16xi32>, vector<16xi32>, vector<16xi32>, vector<16xi32>, vector<16xi32>
    } {sc.loop_unroll_factor = 4 : i64, sc.parallel_access}
    %reduce_max3A_731 = arith.constant true
    %reduce_max3A_732 = vector.broadcast %reduce_max3A_731 : i1 to vector<16xi1>
    %reduce_max3A_733 = arith.constant -2147483648 : i32
    %reduce_max3A_734 = vector.broadcast %reduce_max3A_733 : i32 to vector<16xi32>
    %reduce_max3A_735 = arith.xori %parallel_loop3A_730#2, %reduce_max3A_734 : vector<16xi32>
    %reduce_max3A_736 = tpu.scan <max>, %reduce_max3A_735 masked %reduce_max3A_732 : vector<16xi32>, vector<16xi1> -> vector<16xi32>
    %reduce_max3A_737 = arith.xori %reduce_max3A_736, %reduce_max3A_734 : vector<16xi32>
    %reduce_max3A_738 = vector.extract %reduce_max3A_737[15] : i32 from vector<16xi32>
    %broadcast_in_dim3A_739 = vector.broadcast %reduce_max3A_738 : i32 to vector<16xi32>
    %reduce_max3A_740 = arith.constant true
    %reduce_max3A_741 = vector.broadcast %reduce_max3A_740 : i1 to vector<16xi1>
    %reduce_max3A_742 = arith.constant -2147483648 : i32
    %reduce_max3A_743 = vector.broadcast %reduce_max3A_742 : i32 to vector<16xi32>
    %reduce_max3A_744 = arith.xori %parallel_loop3A_730#5, %reduce_max3A_743 : vector<16xi32>
    %reduce_max3A_745 = tpu.scan <max>, %reduce_max3A_744 masked %reduce_max3A_741 : vector<16xi32>, vector<16xi1> -> vector<16xi32>
    %reduce_max3A_746 = arith.xori %reduce_max3A_745, %reduce_max3A_743 : vector<16xi32>
    %reduce_max3A_747 = vector.extract %reduce_max3A_746[15] : i32 from vector<16xi32>
    %broadcast_in_dim3A_748 = vector.broadcast %reduce_max3A_747 : i32 to vector<16xi32>
    %shift_left3A_749 = arith.constant 8 : i32
    %shift_left3A_750 = vector.broadcast %shift_left3A_749 : i32 to vector<16xi32>
    %shift_left3A_751 = arith.shli %add3A_717, %shift_left3A_750 : vector<16xi32>
    %add3A_752 = arith.addi %shift_left3A_751, %parallel_loop3A_730#1 : vector<16xi32>
    %shift_left3A_753 = arith.constant 8 : i32
    %shift_left3A_754 = vector.broadcast %shift_left3A_753 : i32 to vector<16xi32>
    %shift_left3A_755 = arith.shli %add3A_721, %shift_left3A_754 : vector<16xi32>
    %add3A_756 = arith.addi %shift_left3A_755, %parallel_loop3A_730#4 : vector<16xi32>
    %xor3A_757 = arith.constant -2147483648 : i32
    %xor3A_758 = vector.broadcast %xor3A_757 : i32 to vector<16xi32>
    %xor3A_759 = arith.xori %add3A_752, %xor3A_758 : vector<16xi32>
    %xor3A_760 = arith.constant -2147483648 : i32
    %xor3A_761 = vector.broadcast %xor3A_760 : i32 to vector<16xi32>
    %xor3A_762 = arith.xori %add3A_756, %xor3A_761 : vector<16xi32>
    %parallel_loop3A_763 = arith.constant 0 : i32
    %parallel_loop3A_764 = arith.constant 2048 : i32
    %parallel_loop3A_765 = arith.constant 1 : i32
    scf.for %parallel_loop3A_1032 = %parallel_loop3A_763 to %parallel_loop3A_764 step %parallel_loop3A_765  : i32 {
      %parallel_loop3A_1033 = arith.constant 16 : i32
      %parallel_loop3A_1034 = arith.muli %parallel_loop3A_1032, %parallel_loop3A_1033 : i32
      %parallel_loop3A_1035 = arith.index_cast %parallel_loop3A_1034 : i32 to index
      %parallel_loop3A_1036 = tpu.vector_load %arg5[%parallel_loop3A_1035] {strides = array<i32>} : memref<32768xf32, #tpu.memory_space<vmem>>, vector<16xf32>,
      %parallel_loop3A_1037 = arith.index_cast %parallel_loop3A_1034 : i32 to index
      %parallel_loop3A_1038 = tpu.vector_load %arg7[%parallel_loop3A_1037] {strides = array<i32>} : memref<32768xi32, #tpu.memory_space<vmem>>, vector<16xi32>,
      %parallel_loop3A_1039 = arith.constant -2147483648 : i32
      %parallel_loop3A_1040 = vector.broadcast %parallel_loop3A_1039 : i32 to vector<16xi32>
      %parallel_loop3A_1041 = arith.xori %parallel_loop3A_1038, %parallel_loop3A_1040 : vector<16xi32>
      %parallel_loop3A_1042 = arith.cmpi sge, %parallel_loop3A_1041, %xor3A_762 : vector<16xi32>
      %parallel_loop3A_1043 = arith.cmpi sle, %parallel_loop3A_1041, %xor3A_759 : vector<16xi32>
      %parallel_loop3A_1044 = arith.constant 0.000000e+00 : f32
      %parallel_loop3A_1045 = vector.broadcast %parallel_loop3A_1044 : f32 to vector<16xf32>
      %parallel_loop3A_1046 = arith.select %parallel_loop3A_1043, %parallel_loop3A_1045, %parallel_loop3A_1036 : vector<16xi1>, vector<16xf32>
      %parallel_loop3A_1047 = arith.constant 1.000000e+00 : f32
      %parallel_loop3A_1048 = vector.broadcast %parallel_loop3A_1047 : f32 to vector<16xf32>
      %parallel_loop3A_1049 = arith.select %parallel_loop3A_1042, %parallel_loop3A_1048, %parallel_loop3A_1046 : vector<16xi1>, vector<16xf32>
      %parallel_loop3A_1050 = arith.index_cast %parallel_loop3A_1034 : i32 to index
      %parallel_loop3A_1051 = tpu.vector_load %arg5[%parallel_loop3A_1050] {strides = array<i32>} : memref<32768xf32, #tpu.memory_space<vmem>>, vector<16xf32>,
      tpu.vector_store %arg5[%parallel_loop3A_1050], %parallel_loop3A_1049 {strides = array<i32>} : memref<32768xf32, #tpu.memory_space<vmem>>, vector<16xf32>,
    } {sc.loop_unroll_factor = 8 : i64, sc.parallel_access}
    %add3A_766 = arith.constant 2 : i32
    %add3A_767 = arith.addi %mul3A_2, %add3A_766 : i32
    %dma_start3A_768 = arith.constant 0 : i32
    %dma_start3A_769 = tpu.memref_slice %arg4[%add3A_767, %dma_start3A_768] : memref<128x32768xf32, #tpu.memory_space<hbm>> -> memref<1x32768xf32, #tpu.memory_space<hbm>>
    %dma_start3A_770 = tpu.memref_squeeze %dma_start3A_769 : memref<1x32768xf32, #tpu.memory_space<hbm>> -> memref<32768xf32, #tpu.memory_space<hbm>>
    %dma_start3A_771 = arith.constant 0 : i32
    %dma_start3A_772 = tpu.memref_slice %arg4[%add3A_767, %dma_start3A_771] : memref<128x32768xf32, #tpu.memory_space<hbm>> -> memref<1x32768xf32, #tpu.memory_space<hbm>>
    %dma_start3A_773 = tpu.memref_squeeze %dma_start3A_772 : memref<1x32768xf32, #tpu.memory_space<hbm>> -> memref<32768xf32, #tpu.memory_space<hbm>>
    tpu.enqueue_dma source(%arg5 : memref<32768xf32, #tpu.memory_space<vmem>>) target(%dma_start3A_773 : memref<32768xf32, #tpu.memory_space<hbm>>) target_semaphore(%arg14 : memref<!tpu.dma_semaphore, #tpu.memory_space<semaphore_mem>>)
    %add3A_774 = arith.constant 3 : i32
    %add3A_775 = arith.addi %mul3A_2, %add3A_774 : i32
    %dma_wait3A_776 = arith.constant 0 : i32
    %dma_wait3A_777 = tpu.memref_slice %arg2[%add3A_775, %dma_wait3A_776] : memref<128x32768xf32, #tpu.memory_space<hbm>> -> memref<1x32768xf32, #tpu.memory_space<hbm>>
    %dma_wait3A_778 = tpu.memref_squeeze %dma_wait3A_777 : memref<1x32768xf32, #tpu.memory_space<hbm>> -> memref<32768xf32, #tpu.memory_space<hbm>>
    %dma_wait3A_779 = arith.constant 0 : i32
    %dma_wait3A_780 = tpu.memref_slice %arg2[%add3A_775, %dma_wait3A_779] : memref<128x32768xf32, #tpu.memory_space<hbm>> -> memref<1x32768xf32, #tpu.memory_space<hbm>>
    %dma_wait3A_781 = tpu.memref_squeeze %dma_wait3A_780 : memref<1x32768xf32, #tpu.memory_space<hbm>> -> memref<32768xf32, #tpu.memory_space<hbm>>
    tpu.wait_dma2 semaphore(%arg13 : memref<!tpu.dma_semaphore, #tpu.memory_space<semaphore_mem>>) src(%dma_wait3A_781 : memref<32768xf32, #tpu.memory_space<hbm>>) dst(%arg6 : memref<32768xf32, #tpu.memory_space<vmem>>)
    %parallel_loop3A_782 = arith.constant 0 : i32
    %parallel_loop3A_783 = arith.constant 2048 : i32
    %parallel_loop3A_784 = arith.constant 1 : i32
    scf.for %parallel_loop3A_1032 = %parallel_loop3A_782 to %parallel_loop3A_783 step %parallel_loop3A_784  : i32 {
      %parallel_loop3A_1033 = arith.constant 16 : i32
      %parallel_loop3A_1034 = arith.muli %parallel_loop3A_1032, %parallel_loop3A_1033 : i32
      %parallel_loop3A_1035 = arith.index_cast %parallel_loop3A_1034 : i32 to index
      %parallel_loop3A_1036 = tpu.vector_load %arg6[%parallel_loop3A_1035] {strides = array<i32>} : memref<32768xf32, #tpu.memory_space<vmem>>, vector<16xf32>,
      %parallel_loop3A_1037 = tpu.bitcast %parallel_loop3A_1036 : vector<16xf32> -> vector<16xi32>
      %parallel_loop3A_1038 = arith.constant 31 : i32
      %parallel_loop3A_1039 = vector.broadcast %parallel_loop3A_1038 : i32 to vector<16xi32>
      %parallel_loop3A_1040 = arith.shrsi %parallel_loop3A_1037, %parallel_loop3A_1039 : vector<16xi32>
      %parallel_loop3A_1041 = arith.constant -2147483648 : i32
      %parallel_loop3A_1042 = vector.broadcast %parallel_loop3A_1041 : i32 to vector<16xi32>
      %parallel_loop3A_1043 = arith.ori %parallel_loop3A_1040, %parallel_loop3A_1042 : vector<16xi32>
      %parallel_loop3A_1044 = arith.xori %parallel_loop3A_1037, %parallel_loop3A_1043 : vector<16xi32>
      %parallel_loop3A_1045 = arith.index_cast %parallel_loop3A_1034 : i32 to index
      %parallel_loop3A_1046 = tpu.vector_load %arg7[%parallel_loop3A_1045] {strides = array<i32>} : memref<32768xi32, #tpu.memory_space<vmem>>, vector<16xi32>,
      tpu.vector_store %arg7[%parallel_loop3A_1045], %parallel_loop3A_1044 {strides = array<i32>} : memref<32768xi32, #tpu.memory_space<vmem>>, vector<16xi32>,
      %parallel_loop3A_1047 = arith.constant 20 : i32
      %parallel_loop3A_1048 = vector.broadcast %parallel_loop3A_1047 : i32 to vector<16xi32>
      %parallel_loop3A_1049 = arith.shrui %parallel_loop3A_1044, %parallel_loop3A_1048 : vector<16xi32>
      tpu.vector_store_idx %arg8[%parallel_loop3A_1049], %broadcast_in_dim3A_12 {add = true} : memref<4096xi32, #tpu.memory_space<vmem>>[vector<16xi32>], vector<16xi32>,
    } {sc.loop_unroll_factor = 8 : i64, sc.parallel_access}
    %parallel_loop3A_785 = arith.constant 0 : i32
    %parallel_loop3A_786 = arith.constant 256 : i32
    %parallel_loop3A_787 = arith.constant 1 : i32
    scf.for %parallel_loop3A_1032 = %parallel_loop3A_785 to %parallel_loop3A_786 step %parallel_loop3A_787  : i32 {
      %parallel_loop3A_1033 = arith.constant 16 : i32
      %parallel_loop3A_1034 = arith.muli %parallel_loop3A_1032, %parallel_loop3A_1033 : i32
      %parallel_loop3A_1035 = arith.index_cast %parallel_loop3A_1034 : i32 to index
      %parallel_loop3A_1036 = tpu.vector_load %arg8[%parallel_loop3A_1035] {strides = array<i32>} : memref<4096xi32, #tpu.memory_space<vmem>>, vector<16xi32>,
      %parallel_loop3A_1037 = arith.constant 16 : i32
      %parallel_loop3A_1038 = arith.muli %parallel_loop3A_1032, %parallel_loop3A_1037 : i32
      %parallel_loop3A_1039 = arith.index_cast %parallel_loop3A_1038 : i32 to index
      %parallel_loop3A_1040 = tpu.vector_load %arg8[%parallel_loop3A_1039] {strides = array<i32>} : memref<4096xi32, #tpu.memory_space<vmem>>, vector<16xi32>,
      tpu.vector_store %arg8[%parallel_loop3A_1039], %broadcast_in_dim3A_6 {strides = array<i32>} : memref<4096xi32, #tpu.memory_space<vmem>>, vector<16xi32>,
      %parallel_loop3A_1041 = arith.constant true
      %parallel_loop3A_1042 = vector.broadcast %parallel_loop3A_1041 : i1 to vector<16xi1>
      %parallel_loop3A_1043 = tpu.scan <sum>, %parallel_loop3A_1036 masked %parallel_loop3A_1042 : vector<16xi32>, vector<16xi1> -> vector<16xi32>
      %parallel_loop3A_1044 = arith.constant 16 : i32
      %parallel_loop3A_1045 = arith.muli %parallel_loop3A_1032, %parallel_loop3A_1044 : i32
      %parallel_loop3A_1046 = arith.index_cast %parallel_loop3A_1045 : i32 to index
      %parallel_loop3A_1047 = tpu.vector_load %arg9[%parallel_loop3A_1046] {strides = array<i32>} : memref<4096xi32, #tpu.memory_space<vmem>>, vector<16xi32>,
      tpu.vector_store %arg9[%parallel_loop3A_1046], %parallel_loop3A_1043 {strides = array<i32>} : memref<4096xi32, #tpu.memory_space<vmem>>, vector<16xi32>,
      %parallel_loop3A_1048 = arith.constant 0 : i32
      %parallel_loop3A_1049 = vector.broadcast %parallel_loop3A_1048 : i32 to vector<16xi32>
      %parallel_loop3A_1050 = arith.cmpi slt, %broadcast_in_dim3A_8, %parallel_loop3A_1049 : vector<16xi32>
      %parallel_loop3A_1051 = arith.constant 16 : i32
      %parallel_loop3A_1052 = vector.broadcast %parallel_loop3A_1051 : i32 to vector<16xi32>
      %parallel_loop3A_1053 = arith.addi %broadcast_in_dim3A_8, %parallel_loop3A_1052 : vector<16xi32>
      %parallel_loop3A_1054 = arith.select %parallel_loop3A_1050, %parallel_loop3A_1053, %broadcast_in_dim3A_8 : vector<16xi1>, vector<16xi32>
      %parallel_loop3A_1055 = vector.shape_cast %parallel_loop3A_1054 : vector<16xi32> to vector<16x1xi32>
      %parallel_loop3A_1056 = vector.shape_cast %parallel_loop3A_1055 : vector<16x1xi32> to vector<16xi32>
      %parallel_loop3A_1057 = tpu.dynamic_gather %parallel_loop3A_1043[%parallel_loop3A_1056] in [0] : vector<16xi32>, vector<16xi32> -> vector<16xi32>
      %parallel_loop3A_1058 = arith.index_cast %parallel_loop3A_1032 : i32 to index
      %parallel_loop3A_1059 = tpu.vector_load %arg10[%parallel_loop3A_1058] masked %eq3A_10 {strides = array<i32>} : memref<272xi32, #tpu.memory_space<vmem>>, vector<16xi32>, vector<16xi1>
      tpu.vector_store %arg10[%parallel_loop3A_1058], %parallel_loop3A_1057 masked %eq3A_10 {strides = array<i32>} : memref<272xi32, #tpu.memory_space<vmem>>, vector<16xi32>, vector<16xi1>
    } {sc.loop_unroll_factor = 4 : i64, sc.parallel_access}
    %scan3A_788 = arith.constant 0 : i32
    %scan3A_789 = arith.constant 16 : i32
    %scan3A_790 = arith.addi %scan3A_788, %scan3A_789 : i32
    %scan3A_791 = arith.constant 1 : i32
    %scan3A_792:5 = scf.for %scan3A_1032 = %scan3A_788 to %scan3A_790 step %scan3A_791 iter_args(%scan3A_1033 = %broadcast_in_dim3A_6, %scan3A_1034 = %broadcast_in_dim3A_6, %scan3A_1035 = %broadcast_in_dim3A_6, %scan3A_1036 = %broadcast_in_dim3A_6, %scan3A_1037 = %broadcast_in_dim3A_6) -> (vector<16xi32>, vector<16xi32>, vector<16xi32>, vector<16xi32>, vector<16xi32>)  : i32 {
      %mul3A_1038 = arith.constant 16 : i32
      %mul3A_1039 = arith.muli %scan3A_1032, %mul3A_1038 : i32
      %get3A_1040 = arith.index_cast %mul3A_1039 : i32 to index
      %get3A_1041 = tpu.vector_load %arg10[%get3A_1040] {strides = array<i32>} : memref<272xi32, #tpu.memory_space<vmem>>, vector<16xi32>,
      %broadcast_in_dim3A_1042 = arith.constant true
      %broadcast_in_dim3A_1043 = vector.broadcast %broadcast_in_dim3A_1042 : i1 to vector<16xi1>
      %masked_cumsum3A = tpu.scan <sum>, %get3A_1041 masked %broadcast_in_dim3A_1043 : vector<16xi32>, vector<16xi1> -> vector<16xi32>
      %add3A_1044 = arith.addi %masked_cumsum3A, %scan3A_1033 : vector<16xi32>
      %and3A_1045 = arith.constant 65535 : i32
      %and3A_1046 = vector.broadcast %and3A_1045 : i32 to vector<16xi32>
      %and3A_1047 = arith.andi %add3A_1044, %and3A_1046 : vector<16xi32>
      %shift_right_logical3A_1048 = arith.constant 16 : i32
      %shift_right_logical3A_1049 = vector.broadcast %shift_right_logical3A_1048 : i32 to vector<16xi32>
      %shift_right_logical3A_1050 = arith.shrui %add3A_1044, %shift_right_logical3A_1049 : vector<16xi32>
      %lt3A_1051 = arith.cmpi slt, %and3A_1047, %get3A_3 : vector<16xi32>
      %lt3A_1052 = arith.cmpi slt, %shift_right_logical3A_1050, %get3A_5 : vector<16xi32>
      %all_reduce_population_count3A_1053 = tpu.all_reduce %lt3A_1051 {dim = 0 : i64, kind = #tpu.reduction_kind<sum>} : vector<16xi1> -> vector<16xi32>
      %add3A_1054 = arith.addi %scan3A_1034, %all_reduce_population_count3A_1053 : vector<16xi32>
      %all_reduce_population_count3A_1055 = tpu.all_reduce %lt3A_1052 {dim = 0 : i64, kind = #tpu.reduction_kind<sum>} : vector<16xi1> -> vector<16xi32>
      %add3A_1056 = arith.addi %scan3A_1035, %all_reduce_population_count3A_1055 : vector<16xi32>
      %jit3A_1057 = arith.constant 0 : i32
      %broadcast_in_dim3A_1058 = vector.broadcast %jit3A_1057 : i32 to vector<16xi32>
      %select_n3A_1059 = arith.select %lt3A_1051, %and3A_1047, %broadcast_in_dim3A_1058 : vector<16xi1>, vector<16xi32>
      %max3A_1060 = arith.maxsi %scan3A_1036, %select_n3A_1059 : vector<16xi32>
      %jit3A_1061 = arith.constant 0 : i32
      %broadcast_in_dim3A_1062 = vector.broadcast %jit3A_1061 : i32 to vector<16xi32>
      %select_n3A_1063 = arith.select %lt3A_1052, %shift_right_logical3A_1050, %broadcast_in_dim3A_1062 : vector<16xi1>, vector<16xi32>
      %max3A_1064 = arith.maxsi %scan3A_1037, %select_n3A_1063 : vector<16xi32>
      %lt3A_1065 = arith.constant 0 : i32
      %lt3A_1066 = vector.broadcast %lt3A_1065 : i32 to vector<16xi32>
      %lt3A_1067 = arith.cmpi slt, %broadcast_in_dim3A_8, %lt3A_1066 : vector<16xi32>
      %add3A_1068 = arith.constant 16 : i32
      %add3A_1069 = vector.broadcast %add3A_1068 : i32 to vector<16xi32>
      %add3A_1070 = arith.addi %broadcast_in_dim3A_8, %add3A_1069 : vector<16xi32>
      %select_n3A_1071 = arith.select %lt3A_1067, %add3A_1070, %broadcast_in_dim3A_8 : vector<16xi1>, vector<16xi32>
      %broadcast_in_dim3A_1072 = vector.shape_cast %select_n3A_1071 : vector<16xi32> to vector<16x1xi32>
      %gather3A_1073 = vector.shape_cast %broadcast_in_dim3A_1072 : vector<16x1xi32> to vector<16xi32>
      %gather3A_1074 = tpu.dynamic_gather %add3A_1044[%gather3A_1073] in [0] : vector<16xi32>, vector<16xi32> -> vector<16xi32>
      scf.yield %gather3A_1074, %add3A_1054, %add3A_1056, %max3A_1060, %max3A_1064 : vector<16xi32>, vector<16xi32>, vector<16xi32>, vector<16xi32>, vector<16xi32>
    }
    %scan3A_793 = arith.constant 16 : i32
    %reduce_max3A_794 = arith.constant true
    %reduce_max3A_795 = vector.broadcast %reduce_max3A_794 : i1 to vector<16xi1>
    %reduce_max3A_796 = arith.constant -2147483648 : i32
    %reduce_max3A_797 = vector.broadcast %reduce_max3A_796 : i32 to vector<16xi32>
    %reduce_max3A_798 = arith.xori %scan3A_792#3, %reduce_max3A_797 : vector<16xi32>
    %reduce_max3A_799 = tpu.scan <max>, %reduce_max3A_798 masked %reduce_max3A_795 : vector<16xi32>, vector<16xi1> -> vector<16xi32>
    %reduce_max3A_800 = arith.xori %reduce_max3A_799, %reduce_max3A_797 : vector<16xi32>
    %reduce_max3A_801 = vector.extract %reduce_max3A_800[15] : i32 from vector<16xi32>
    %broadcast_in_dim3A_802 = vector.broadcast %reduce_max3A_801 : i32 to vector<16xi32>
    %mul3A_803 = arith.constant 16 : i32
    %mul3A_804 = vector.broadcast %mul3A_803 : i32 to vector<16xi32>
    %mul3A_805 = arith.muli %scan3A_792#1, %mul3A_804 : vector<16xi32>
    %add3A_806 = arith.addi %mul3A_805, %iota3A : vector<16xi32>
    %gather3A_807 = tpu.vector_load_idx %arg9[%add3A_806] : memref<4096xi32, #tpu.memory_space<vmem>>[vector<16xi32>], vector<16xi32>,
    %and3A_808 = arith.constant 65535 : i32
    %and3A_809 = vector.broadcast %and3A_808 : i32 to vector<16xi32>
    %and3A_810 = arith.andi %gather3A_807, %and3A_809 : vector<16xi32>
    %add3A_811 = arith.addi %and3A_810, %broadcast_in_dim3A_802 : vector<16xi32>
    %lt3A_812 = arith.cmpi slt, %add3A_811, %get3A_3 : vector<16xi32>
    %mul3A_813 = arith.constant 16 : i32
    %mul3A_814 = vector.broadcast %mul3A_813 : i32 to vector<16xi32>
    %mul3A_815 = arith.muli %scan3A_792#1, %mul3A_814 : vector<16xi32>
    %all_reduce_population_count3A_816 = tpu.all_reduce %lt3A_812 {dim = 0 : i64, kind = #tpu.reduction_kind<sum>} : vector<16xi1> -> vector<16xi32>
    %add3A_817 = arith.addi %mul3A_815, %all_reduce_population_count3A_816 : vector<16xi32>
    %jit3A_818 = arith.constant 0 : i32
    %broadcast_in_dim3A_819 = vector.broadcast %jit3A_818 : i32 to vector<16xi32>
    %select_n3A_820 = arith.select %lt3A_812, %add3A_811, %broadcast_in_dim3A_819 : vector<16xi1>, vector<16xi32>
    %reduce_max3A_821 = arith.constant true
    %reduce_max3A_822 = vector.broadcast %reduce_max3A_821 : i1 to vector<16xi1>
    %reduce_max3A_823 = arith.constant -2147483648 : i32
    %reduce_max3A_824 = vector.broadcast %reduce_max3A_823 : i32 to vector<16xi32>
    %reduce_max3A_825 = arith.xori %select_n3A_820, %reduce_max3A_824 : vector<16xi32>
    %reduce_max3A_826 = tpu.scan <max>, %reduce_max3A_825 masked %reduce_max3A_822 : vector<16xi32>, vector<16xi1> -> vector<16xi32>
    %reduce_max3A_827 = arith.xori %reduce_max3A_826, %reduce_max3A_824 : vector<16xi32>
    %reduce_max3A_828 = vector.extract %reduce_max3A_827[15] : i32 from vector<16xi32>
    %broadcast_in_dim3A_829 = vector.broadcast %reduce_max3A_828 : i32 to vector<16xi32>
    %max3A_830 = arith.maxsi %broadcast_in_dim3A_802, %broadcast_in_dim3A_829 : vector<16xi32>
    %reduce_max3A_831 = arith.constant true
    %reduce_max3A_832 = vector.broadcast %reduce_max3A_831 : i1 to vector<16xi1>
    %reduce_max3A_833 = arith.constant -2147483648 : i32
    %reduce_max3A_834 = vector.broadcast %reduce_max3A_833 : i32 to vector<16xi32>
    %reduce_max3A_835 = arith.xori %scan3A_792#4, %reduce_max3A_834 : vector<16xi32>
    %reduce_max3A_836 = tpu.scan <max>, %reduce_max3A_835 masked %reduce_max3A_832 : vector<16xi32>, vector<16xi1> -> vector<16xi32>
    %reduce_max3A_837 = arith.xori %reduce_max3A_836, %reduce_max3A_834 : vector<16xi32>
    %reduce_max3A_838 = vector.extract %reduce_max3A_837[15] : i32 from vector<16xi32>
    %broadcast_in_dim3A_839 = vector.broadcast %reduce_max3A_838 : i32 to vector<16xi32>
    %mul3A_840 = arith.constant 16 : i32
    %mul3A_841 = vector.broadcast %mul3A_840 : i32 to vector<16xi32>
    %mul3A_842 = arith.muli %scan3A_792#2, %mul3A_841 : vector<16xi32>
    %add3A_843 = arith.addi %mul3A_842, %iota3A : vector<16xi32>
    %gather3A_844 = tpu.vector_load_idx %arg9[%add3A_843] : memref<4096xi32, #tpu.memory_space<vmem>>[vector<16xi32>], vector<16xi32>,
    %shift_right_logical3A_845 = arith.constant 16 : i32
    %shift_right_logical3A_846 = vector.broadcast %shift_right_logical3A_845 : i32 to vector<16xi32>
    %shift_right_logical3A_847 = arith.shrui %gather3A_844, %shift_right_logical3A_846 : vector<16xi32>
    %add3A_848 = arith.addi %shift_right_logical3A_847, %broadcast_in_dim3A_839 : vector<16xi32>
    %lt3A_849 = arith.cmpi slt, %add3A_848, %get3A_5 : vector<16xi32>
    %mul3A_850 = arith.constant 16 : i32
    %mul3A_851 = vector.broadcast %mul3A_850 : i32 to vector<16xi32>
    %mul3A_852 = arith.muli %scan3A_792#2, %mul3A_851 : vector<16xi32>
    %all_reduce_population_count3A_853 = tpu.all_reduce %lt3A_849 {dim = 0 : i64, kind = #tpu.reduction_kind<sum>} : vector<16xi1> -> vector<16xi32>
    %add3A_854 = arith.addi %mul3A_852, %all_reduce_population_count3A_853 : vector<16xi32>
    %jit3A_855 = arith.constant 0 : i32
    %broadcast_in_dim3A_856 = vector.broadcast %jit3A_855 : i32 to vector<16xi32>
    %select_n3A_857 = arith.select %lt3A_849, %add3A_848, %broadcast_in_dim3A_856 : vector<16xi1>, vector<16xi32>
    %reduce_max3A_858 = arith.constant true
    %reduce_max3A_859 = vector.broadcast %reduce_max3A_858 : i1 to vector<16xi1>
    %reduce_max3A_860 = arith.constant -2147483648 : i32
    %reduce_max3A_861 = vector.broadcast %reduce_max3A_860 : i32 to vector<16xi32>
    %reduce_max3A_862 = arith.xori %select_n3A_857, %reduce_max3A_861 : vector<16xi32>
    %reduce_max3A_863 = tpu.scan <max>, %reduce_max3A_862 masked %reduce_max3A_859 : vector<16xi32>, vector<16xi1> -> vector<16xi32>
    %reduce_max3A_864 = arith.xori %reduce_max3A_863, %reduce_max3A_861 : vector<16xi32>
    %reduce_max3A_865 = vector.extract %reduce_max3A_864[15] : i32 from vector<16xi32>
    %broadcast_in_dim3A_866 = vector.broadcast %reduce_max3A_865 : i32 to vector<16xi32>
    %max3A_867 = arith.maxsi %broadcast_in_dim3A_839, %broadcast_in_dim3A_866 : vector<16xi32>
    %sub3A_868 = arith.subi %get3A_3, %max3A_830 : vector<16xi32>
    %sub3A_869 = arith.subi %get3A_5, %max3A_867 : vector<16xi32>
    %parallel_loop3A_870 = arith.constant 0 : i32
    %parallel_loop3A_871 = arith.constant 2048 : i32
    %parallel_loop3A_872 = arith.constant 1 : i32
    scf.for %parallel_loop3A_1032 = %parallel_loop3A_870 to %parallel_loop3A_871 step %parallel_loop3A_872  : i32 {
      %parallel_loop3A_1033 = arith.constant 16 : i32
      %parallel_loop3A_1034 = arith.muli %parallel_loop3A_1032, %parallel_loop3A_1033 : i32
      %parallel_loop3A_1035 = arith.index_cast %parallel_loop3A_1034 : i32 to index
      %parallel_loop3A_1036 = tpu.vector_load %arg7[%parallel_loop3A_1035] {strides = array<i32>} : memref<32768xi32, #tpu.memory_space<vmem>>, vector<16xi32>,
      %parallel_loop3A_1037 = arith.constant 20 : i32
      %parallel_loop3A_1038 = vector.broadcast %parallel_loop3A_1037 : i32 to vector<16xi32>
      %parallel_loop3A_1039 = arith.shrui %parallel_loop3A_1036, %parallel_loop3A_1038 : vector<16xi32>
      %parallel_loop3A_1040 = arith.constant 8 : i32
      %parallel_loop3A_1041 = vector.broadcast %parallel_loop3A_1040 : i32 to vector<16xi32>
      %parallel_loop3A_1042 = arith.shrui %parallel_loop3A_1036, %parallel_loop3A_1041 : vector<16xi32>
      %parallel_loop3A_1043 = arith.constant 4095 : i32
      %parallel_loop3A_1044 = vector.broadcast %parallel_loop3A_1043 : i32 to vector<16xi32>
      %parallel_loop3A_1045 = arith.andi %parallel_loop3A_1042, %parallel_loop3A_1044 : vector<16xi32>
      %parallel_loop3A_1046 = arith.cmpi eq, %parallel_loop3A_1039, %add3A_817 : vector<16xi32>
      %parallel_loop3A_1047 = arith.constant 1 : i32
      %parallel_loop3A_1048 = arith.constant 0 : i32
      %parallel_loop3A_1049 = vector.broadcast %parallel_loop3A_1047 : i32 to vector<16xi32>
      %parallel_loop3A_1050 = vector.broadcast %parallel_loop3A_1048 : i32 to vector<16xi32>
      %parallel_loop3A_1051 = arith.select %parallel_loop3A_1046, %parallel_loop3A_1049, %parallel_loop3A_1050 : vector<16xi1>, vector<16xi32>
      %parallel_loop3A_1052 = arith.cmpi eq, %parallel_loop3A_1039, %add3A_854 : vector<16xi32>
      %parallel_loop3A_1053 = arith.constant 65536 : i32
      %parallel_loop3A_1054 = arith.constant 0 : i32
      %parallel_loop3A_1055 = vector.broadcast %parallel_loop3A_1053 : i32 to vector<16xi32>
      %parallel_loop3A_1056 = vector.broadcast %parallel_loop3A_1054 : i32 to vector<16xi32>
      %parallel_loop3A_1057 = arith.select %parallel_loop3A_1052, %parallel_loop3A_1055, %parallel_loop3A_1056 : vector<16xi1>, vector<16xi32>
      %parallel_loop3A_1058 = arith.addi %parallel_loop3A_1051, %parallel_loop3A_1057 : vector<16xi32>
      tpu.vector_store_idx %arg8[%parallel_loop3A_1045], %parallel_loop3A_1058 {add = true} : memref<4096xi32, #tpu.memory_space<vmem>>[vector<16xi32>], vector<16xi32>,
    } {sc.loop_unroll_factor = 8 : i64, sc.parallel_access}
    %parallel_loop3A_873 = arith.constant 0 : i32
    %parallel_loop3A_874 = arith.constant 256 : i32
    %parallel_loop3A_875 = arith.constant 1 : i32
    scf.for %parallel_loop3A_1032 = %parallel_loop3A_873 to %parallel_loop3A_874 step %parallel_loop3A_875  : i32 {
      %parallel_loop3A_1033 = arith.constant 16 : i32
      %parallel_loop3A_1034 = arith.muli %parallel_loop3A_1032, %parallel_loop3A_1033 : i32
      %parallel_loop3A_1035 = arith.index_cast %parallel_loop3A_1034 : i32 to index
      %parallel_loop3A_1036 = tpu.vector_load %arg8[%parallel_loop3A_1035] {strides = array<i32>} : memref<4096xi32, #tpu.memory_space<vmem>>, vector<16xi32>,
      %parallel_loop3A_1037 = arith.constant 16 : i32
      %parallel_loop3A_1038 = arith.muli %parallel_loop3A_1032, %parallel_loop3A_1037 : i32
      %parallel_loop3A_1039 = arith.index_cast %parallel_loop3A_1038 : i32 to index
      %parallel_loop3A_1040 = tpu.vector_load %arg8[%parallel_loop3A_1039] {strides = array<i32>} : memref<4096xi32, #tpu.memory_space<vmem>>, vector<16xi32>,
      tpu.vector_store %arg8[%parallel_loop3A_1039], %broadcast_in_dim3A_6 {strides = array<i32>} : memref<4096xi32, #tpu.memory_space<vmem>>, vector<16xi32>,
      %parallel_loop3A_1041 = arith.constant true
      %parallel_loop3A_1042 = vector.broadcast %parallel_loop3A_1041 : i1 to vector<16xi1>
      %parallel_loop3A_1043 = tpu.scan <sum>, %parallel_loop3A_1036 masked %parallel_loop3A_1042 : vector<16xi32>, vector<16xi1> -> vector<16xi32>
      %parallel_loop3A_1044 = arith.constant 16 : i32
      %parallel_loop3A_1045 = arith.muli %parallel_loop3A_1032, %parallel_loop3A_1044 : i32
      %parallel_loop3A_1046 = arith.index_cast %parallel_loop3A_1045 : i32 to index
      %parallel_loop3A_1047 = tpu.vector_load %arg9[%parallel_loop3A_1046] {strides = array<i32>} : memref<4096xi32, #tpu.memory_space<vmem>>, vector<16xi32>,
      tpu.vector_store %arg9[%parallel_loop3A_1046], %parallel_loop3A_1043 {strides = array<i32>} : memref<4096xi32, #tpu.memory_space<vmem>>, vector<16xi32>,
      %parallel_loop3A_1048 = arith.constant 0 : i32
      %parallel_loop3A_1049 = vector.broadcast %parallel_loop3A_1048 : i32 to vector<16xi32>
      %parallel_loop3A_1050 = arith.cmpi slt, %broadcast_in_dim3A_8, %parallel_loop3A_1049 : vector<16xi32>
      %parallel_loop3A_1051 = arith.constant 16 : i32
      %parallel_loop3A_1052 = vector.broadcast %parallel_loop3A_1051 : i32 to vector<16xi32>
      %parallel_loop3A_1053 = arith.addi %broadcast_in_dim3A_8, %parallel_loop3A_1052 : vector<16xi32>
      %parallel_loop3A_1054 = arith.select %parallel_loop3A_1050, %parallel_loop3A_1053, %broadcast_in_dim3A_8 : vector<16xi1>, vector<16xi32>
      %parallel_loop3A_1055 = vector.shape_cast %parallel_loop3A_1054 : vector<16xi32> to vector<16x1xi32>
      %parallel_loop3A_1056 = vector.shape_cast %parallel_loop3A_1055 : vector<16x1xi32> to vector<16xi32>
      %parallel_loop3A_1057 = tpu.dynamic_gather %parallel_loop3A_1043[%parallel_loop3A_1056] in [0] : vector<16xi32>, vector<16xi32> -> vector<16xi32>
      %parallel_loop3A_1058 = arith.index_cast %parallel_loop3A_1032 : i32 to index
      %parallel_loop3A_1059 = tpu.vector_load %arg10[%parallel_loop3A_1058] masked %eq3A_10 {strides = array<i32>} : memref<272xi32, #tpu.memory_space<vmem>>, vector<16xi32>, vector<16xi1>
      tpu.vector_store %arg10[%parallel_loop3A_1058], %parallel_loop3A_1057 masked %eq3A_10 {strides = array<i32>} : memref<272xi32, #tpu.memory_space<vmem>>, vector<16xi32>, vector<16xi1>
    } {sc.loop_unroll_factor = 4 : i64, sc.parallel_access}
    %scan3A_876 = arith.constant 0 : i32
    %scan3A_877 = arith.constant 16 : i32
    %scan3A_878 = arith.addi %scan3A_876, %scan3A_877 : i32
    %scan3A_879 = arith.constant 1 : i32
    %scan3A_880:5 = scf.for %scan3A_1032 = %scan3A_876 to %scan3A_878 step %scan3A_879 iter_args(%scan3A_1033 = %broadcast_in_dim3A_6, %scan3A_1034 = %broadcast_in_dim3A_6, %scan3A_1035 = %broadcast_in_dim3A_6, %scan3A_1036 = %broadcast_in_dim3A_6, %scan3A_1037 = %broadcast_in_dim3A_6) -> (vector<16xi32>, vector<16xi32>, vector<16xi32>, vector<16xi32>, vector<16xi32>)  : i32 {
      %mul3A_1038 = arith.constant 16 : i32
      %mul3A_1039 = arith.muli %scan3A_1032, %mul3A_1038 : i32
      %get3A_1040 = arith.index_cast %mul3A_1039 : i32 to index
      %get3A_1041 = tpu.vector_load %arg10[%get3A_1040] {strides = array<i32>} : memref<272xi32, #tpu.memory_space<vmem>>, vector<16xi32>,
      %broadcast_in_dim3A_1042 = arith.constant true
      %broadcast_in_dim3A_1043 = vector.broadcast %broadcast_in_dim3A_1042 : i1 to vector<16xi1>
      %masked_cumsum3A = tpu.scan <sum>, %get3A_1041 masked %broadcast_in_dim3A_1043 : vector<16xi32>, vector<16xi1> -> vector<16xi32>
      %add3A_1044 = arith.addi %masked_cumsum3A, %scan3A_1033 : vector<16xi32>
      %and3A_1045 = arith.constant 65535 : i32
      %and3A_1046 = vector.broadcast %and3A_1045 : i32 to vector<16xi32>
      %and3A_1047 = arith.andi %add3A_1044, %and3A_1046 : vector<16xi32>
      %shift_right_logical3A_1048 = arith.constant 16 : i32
      %shift_right_logical3A_1049 = vector.broadcast %shift_right_logical3A_1048 : i32 to vector<16xi32>
      %shift_right_logical3A_1050 = arith.shrui %add3A_1044, %shift_right_logical3A_1049 : vector<16xi32>
      %lt3A_1051 = arith.cmpi slt, %and3A_1047, %sub3A_868 : vector<16xi32>
      %lt3A_1052 = arith.cmpi slt, %shift_right_logical3A_1050, %sub3A_869 : vector<16xi32>
      %all_reduce_population_count3A_1053 = tpu.all_reduce %lt3A_1051 {dim = 0 : i64, kind = #tpu.reduction_kind<sum>} : vector<16xi1> -> vector<16xi32>
      %add3A_1054 = arith.addi %scan3A_1034, %all_reduce_population_count3A_1053 : vector<16xi32>
      %all_reduce_population_count3A_1055 = tpu.all_reduce %lt3A_1052 {dim = 0 : i64, kind = #tpu.reduction_kind<sum>} : vector<16xi1> -> vector<16xi32>
      %add3A_1056 = arith.addi %scan3A_1035, %all_reduce_population_count3A_1055 : vector<16xi32>
      %jit3A_1057 = arith.constant 0 : i32
      %broadcast_in_dim3A_1058 = vector.broadcast %jit3A_1057 : i32 to vector<16xi32>
      %select_n3A_1059 = arith.select %lt3A_1051, %and3A_1047, %broadcast_in_dim3A_1058 : vector<16xi1>, vector<16xi32>
      %max3A_1060 = arith.maxsi %scan3A_1036, %select_n3A_1059 : vector<16xi32>
      %jit3A_1061 = arith.constant 0 : i32
      %broadcast_in_dim3A_1062 = vector.broadcast %jit3A_1061 : i32 to vector<16xi32>
      %select_n3A_1063 = arith.select %lt3A_1052, %shift_right_logical3A_1050, %broadcast_in_dim3A_1062 : vector<16xi1>, vector<16xi32>
      %max3A_1064 = arith.maxsi %scan3A_1037, %select_n3A_1063 : vector<16xi32>
      %lt3A_1065 = arith.constant 0 : i32
      %lt3A_1066 = vector.broadcast %lt3A_1065 : i32 to vector<16xi32>
      %lt3A_1067 = arith.cmpi slt, %broadcast_in_dim3A_8, %lt3A_1066 : vector<16xi32>
      %add3A_1068 = arith.constant 16 : i32
      %add3A_1069 = vector.broadcast %add3A_1068 : i32 to vector<16xi32>
      %add3A_1070 = arith.addi %broadcast_in_dim3A_8, %add3A_1069 : vector<16xi32>
      %select_n3A_1071 = arith.select %lt3A_1067, %add3A_1070, %broadcast_in_dim3A_8 : vector<16xi1>, vector<16xi32>
      %broadcast_in_dim3A_1072 = vector.shape_cast %select_n3A_1071 : vector<16xi32> to vector<16x1xi32>
      %gather3A_1073 = vector.shape_cast %broadcast_in_dim3A_1072 : vector<16x1xi32> to vector<16xi32>
      %gather3A_1074 = tpu.dynamic_gather %add3A_1044[%gather3A_1073] in [0] : vector<16xi32>, vector<16xi32> -> vector<16xi32>
      scf.yield %gather3A_1074, %add3A_1054, %add3A_1056, %max3A_1060, %max3A_1064 : vector<16xi32>, vector<16xi32>, vector<16xi32>, vector<16xi32>, vector<16xi32>
    }
    %scan3A_881 = arith.constant 16 : i32
    %reduce_max3A_882 = arith.constant true
    %reduce_max3A_883 = vector.broadcast %reduce_max3A_882 : i1 to vector<16xi1>
    %reduce_max3A_884 = arith.constant -2147483648 : i32
    %reduce_max3A_885 = vector.broadcast %reduce_max3A_884 : i32 to vector<16xi32>
    %reduce_max3A_886 = arith.xori %scan3A_880#3, %reduce_max3A_885 : vector<16xi32>
    %reduce_max3A_887 = tpu.scan <max>, %reduce_max3A_886 masked %reduce_max3A_883 : vector<16xi32>, vector<16xi1> -> vector<16xi32>
    %reduce_max3A_888 = arith.xori %reduce_max3A_887, %reduce_max3A_885 : vector<16xi32>
    %reduce_max3A_889 = vector.extract %reduce_max3A_888[15] : i32 from vector<16xi32>
    %broadcast_in_dim3A_890 = vector.broadcast %reduce_max3A_889 : i32 to vector<16xi32>
    %mul3A_891 = arith.constant 16 : i32
    %mul3A_892 = vector.broadcast %mul3A_891 : i32 to vector<16xi32>
    %mul3A_893 = arith.muli %scan3A_880#1, %mul3A_892 : vector<16xi32>
    %add3A_894 = arith.addi %mul3A_893, %iota3A : vector<16xi32>
    %gather3A_895 = tpu.vector_load_idx %arg9[%add3A_894] : memref<4096xi32, #tpu.memory_space<vmem>>[vector<16xi32>], vector<16xi32>,
    %and3A_896 = arith.constant 65535 : i32
    %and3A_897 = vector.broadcast %and3A_896 : i32 to vector<16xi32>
    %and3A_898 = arith.andi %gather3A_895, %and3A_897 : vector<16xi32>
    %add3A_899 = arith.addi %and3A_898, %broadcast_in_dim3A_890 : vector<16xi32>
    %lt3A_900 = arith.cmpi slt, %add3A_899, %sub3A_868 : vector<16xi32>
    %mul3A_901 = arith.constant 16 : i32
    %mul3A_902 = vector.broadcast %mul3A_901 : i32 to vector<16xi32>
    %mul3A_903 = arith.muli %scan3A_880#1, %mul3A_902 : vector<16xi32>
    %all_reduce_population_count3A_904 = tpu.all_reduce %lt3A_900 {dim = 0 : i64, kind = #tpu.reduction_kind<sum>} : vector<16xi1> -> vector<16xi32>
    %add3A_905 = arith.addi %mul3A_903, %all_reduce_population_count3A_904 : vector<16xi32>
    %jit3A_906 = arith.constant 0 : i32
    %broadcast_in_dim3A_907 = vector.broadcast %jit3A_906 : i32 to vector<16xi32>
    %select_n3A_908 = arith.select %lt3A_900, %add3A_899, %broadcast_in_dim3A_907 : vector<16xi1>, vector<16xi32>
    %reduce_max3A_909 = arith.constant true
    %reduce_max3A_910 = vector.broadcast %reduce_max3A_909 : i1 to vector<16xi1>
    %reduce_max3A_911 = arith.constant -2147483648 : i32
    %reduce_max3A_912 = vector.broadcast %reduce_max3A_911 : i32 to vector<16xi32>
    %reduce_max3A_913 = arith.xori %select_n3A_908, %reduce_max3A_912 : vector<16xi32>
    %reduce_max3A_914 = tpu.scan <max>, %reduce_max3A_913 masked %reduce_max3A_910 : vector<16xi32>, vector<16xi1> -> vector<16xi32>
    %reduce_max3A_915 = arith.xori %reduce_max3A_914, %reduce_max3A_912 : vector<16xi32>
    %reduce_max3A_916 = vector.extract %reduce_max3A_915[15] : i32 from vector<16xi32>
    %broadcast_in_dim3A_917 = vector.broadcast %reduce_max3A_916 : i32 to vector<16xi32>
    %max3A_918 = arith.maxsi %broadcast_in_dim3A_890, %broadcast_in_dim3A_917 : vector<16xi32>
    %reduce_max3A_919 = arith.constant true
    %reduce_max3A_920 = vector.broadcast %reduce_max3A_919 : i1 to vector<16xi1>
    %reduce_max3A_921 = arith.constant -2147483648 : i32
    %reduce_max3A_922 = vector.broadcast %reduce_max3A_921 : i32 to vector<16xi32>
    %reduce_max3A_923 = arith.xori %scan3A_880#4, %reduce_max3A_922 : vector<16xi32>
    %reduce_max3A_924 = tpu.scan <max>, %reduce_max3A_923 masked %reduce_max3A_920 : vector<16xi32>, vector<16xi1> -> vector<16xi32>
    %reduce_max3A_925 = arith.xori %reduce_max3A_924, %reduce_max3A_922 : vector<16xi32>
    %reduce_max3A_926 = vector.extract %reduce_max3A_925[15] : i32 from vector<16xi32>
    %broadcast_in_dim3A_927 = vector.broadcast %reduce_max3A_926 : i32 to vector<16xi32>
    %mul3A_928 = arith.constant 16 : i32
    %mul3A_929 = vector.broadcast %mul3A_928 : i32 to vector<16xi32>
    %mul3A_930 = arith.muli %scan3A_880#2, %mul3A_929 : vector<16xi32>
    %add3A_931 = arith.addi %mul3A_930, %iota3A : vector<16xi32>
    %gather3A_932 = tpu.vector_load_idx %arg9[%add3A_931] : memref<4096xi32, #tpu.memory_space<vmem>>[vector<16xi32>], vector<16xi32>,
    %shift_right_logical3A_933 = arith.constant 16 : i32
    %shift_right_logical3A_934 = vector.broadcast %shift_right_logical3A_933 : i32 to vector<16xi32>
    %shift_right_logical3A_935 = arith.shrui %gather3A_932, %shift_right_logical3A_934 : vector<16xi32>
    %add3A_936 = arith.addi %shift_right_logical3A_935, %broadcast_in_dim3A_927 : vector<16xi32>
    %lt3A_937 = arith.cmpi slt, %add3A_936, %sub3A_869 : vector<16xi32>
    %mul3A_938 = arith.constant 16 : i32
    %mul3A_939 = vector.broadcast %mul3A_938 : i32 to vector<16xi32>
    %mul3A_940 = arith.muli %scan3A_880#2, %mul3A_939 : vector<16xi32>
    %all_reduce_population_count3A_941 = tpu.all_reduce %lt3A_937 {dim = 0 : i64, kind = #tpu.reduction_kind<sum>} : vector<16xi1> -> vector<16xi32>
    %add3A_942 = arith.addi %mul3A_940, %all_reduce_population_count3A_941 : vector<16xi32>
    %jit3A_943 = arith.constant 0 : i32
    %broadcast_in_dim3A_944 = vector.broadcast %jit3A_943 : i32 to vector<16xi32>
    %select_n3A_945 = arith.select %lt3A_937, %add3A_936, %broadcast_in_dim3A_944 : vector<16xi1>, vector<16xi32>
    %reduce_max3A_946 = arith.constant true
    %reduce_max3A_947 = vector.broadcast %reduce_max3A_946 : i1 to vector<16xi1>
    %reduce_max3A_948 = arith.constant -2147483648 : i32
    %reduce_max3A_949 = vector.broadcast %reduce_max3A_948 : i32 to vector<16xi32>
    %reduce_max3A_950 = arith.xori %select_n3A_945, %reduce_max3A_949 : vector<16xi32>
    %reduce_max3A_951 = tpu.scan <max>, %reduce_max3A_950 masked %reduce_max3A_947 : vector<16xi32>, vector<16xi1> -> vector<16xi32>
    %reduce_max3A_952 = arith.xori %reduce_max3A_951, %reduce_max3A_949 : vector<16xi32>
    %reduce_max3A_953 = vector.extract %reduce_max3A_952[15] : i32 from vector<16xi32>
    %broadcast_in_dim3A_954 = vector.broadcast %reduce_max3A_953 : i32 to vector<16xi32>
    %max3A_955 = arith.maxsi %broadcast_in_dim3A_927, %broadcast_in_dim3A_954 : vector<16xi32>
    %shift_left3A_956 = arith.constant 12 : i32
    %shift_left3A_957 = vector.broadcast %shift_left3A_956 : i32 to vector<16xi32>
    %shift_left3A_958 = arith.shli %add3A_817, %shift_left3A_957 : vector<16xi32>
    %add3A_959 = arith.addi %shift_left3A_958, %add3A_905 : vector<16xi32>
    %shift_left3A_960 = arith.constant 12 : i32
    %shift_left3A_961 = vector.broadcast %shift_left3A_960 : i32 to vector<16xi32>
    %shift_left3A_962 = arith.shli %add3A_854, %shift_left3A_961 : vector<16xi32>
    %add3A_963 = arith.addi %shift_left3A_962, %add3A_942 : vector<16xi32>
    %sub3A_964 = arith.subi %sub3A_868, %max3A_918 : vector<16xi32>
    %sub3A_965 = arith.subi %sub3A_869, %max3A_955 : vector<16xi32>
    %parallel_loop3A_966 = arith.constant 0 : i32
    %parallel_loop3A_967 = arith.constant 2048 : i32
    %parallel_loop3A_968 = arith.constant 1 : i32
    scf.for %parallel_loop3A_1032 = %parallel_loop3A_966 to %parallel_loop3A_967 step %parallel_loop3A_968  : i32 {
      %parallel_loop3A_1033 = arith.constant 16 : i32
      %parallel_loop3A_1034 = arith.muli %parallel_loop3A_1032, %parallel_loop3A_1033 : i32
      %parallel_loop3A_1035 = arith.index_cast %parallel_loop3A_1034 : i32 to index
      %parallel_loop3A_1036 = tpu.vector_load %arg7[%parallel_loop3A_1035] {strides = array<i32>} : memref<32768xi32, #tpu.memory_space<vmem>>, vector<16xi32>,
      %parallel_loop3A_1037 = arith.constant 8 : i32
      %parallel_loop3A_1038 = vector.broadcast %parallel_loop3A_1037 : i32 to vector<16xi32>
      %parallel_loop3A_1039 = arith.shrui %parallel_loop3A_1036, %parallel_loop3A_1038 : vector<16xi32>
      %parallel_loop3A_1040 = arith.constant 255 : i32
      %parallel_loop3A_1041 = vector.broadcast %parallel_loop3A_1040 : i32 to vector<16xi32>
      %parallel_loop3A_1042 = arith.andi %parallel_loop3A_1036, %parallel_loop3A_1041 : vector<16xi32>
      %parallel_loop3A_1043 = arith.cmpi eq, %parallel_loop3A_1039, %add3A_959 : vector<16xi32>
      %parallel_loop3A_1044 = arith.constant 1 : i32
      %parallel_loop3A_1045 = arith.constant 0 : i32
      %parallel_loop3A_1046 = vector.broadcast %parallel_loop3A_1044 : i32 to vector<16xi32>
      %parallel_loop3A_1047 = vector.broadcast %parallel_loop3A_1045 : i32 to vector<16xi32>
      %parallel_loop3A_1048 = arith.select %parallel_loop3A_1043, %parallel_loop3A_1046, %parallel_loop3A_1047 : vector<16xi1>, vector<16xi32>
      %parallel_loop3A_1049 = arith.cmpi eq, %parallel_loop3A_1039, %add3A_963 : vector<16xi32>
      %parallel_loop3A_1050 = arith.constant 65536 : i32
      %parallel_loop3A_1051 = arith.constant 0 : i32
      %parallel_loop3A_1052 = vector.broadcast %parallel_loop3A_1050 : i32 to vector<16xi32>
      %parallel_loop3A_1053 = vector.broadcast %parallel_loop3A_1051 : i32 to vector<16xi32>
      %parallel_loop3A_1054 = arith.select %parallel_loop3A_1049, %parallel_loop3A_1052, %parallel_loop3A_1053 : vector<16xi1>, vector<16xi32>
      %parallel_loop3A_1055 = arith.addi %parallel_loop3A_1048, %parallel_loop3A_1054 : vector<16xi32>
      tpu.vector_store_idx %arg8[%parallel_loop3A_1042], %parallel_loop3A_1055 {add = true} : memref<4096xi32, #tpu.memory_space<vmem>>[vector<16xi32>], vector<16xi32>,
    } {sc.loop_unroll_factor = 8 : i64, sc.parallel_access}
    %parallel_loop3A_969 = arith.constant 0 : i32
    %parallel_loop3A_970 = arith.constant 16 : i32
    %parallel_loop3A_971 = arith.constant 1 : i32
    %parallel_loop3A_972:6 = scf.for %parallel_loop3A_1032 = %parallel_loop3A_969 to %parallel_loop3A_970 step %parallel_loop3A_971 iter_args(%parallel_loop3A_1033 = %broadcast_in_dim3A_6, %parallel_loop3A_1034 = %broadcast_in_dim3A_6, %parallel_loop3A_1035 = %broadcast_in_dim3A_6, %parallel_loop3A_1036 = %broadcast_in_dim3A_6, %parallel_loop3A_1037 = %broadcast_in_dim3A_6, %parallel_loop3A_1038 = %broadcast_in_dim3A_6) -> (vector<16xi32>, vector<16xi32>, vector<16xi32>, vector<16xi32>, vector<16xi32>, vector<16xi32>)  : i32 {
      %parallel_loop3A_1039 = arith.constant 16 : i32
      %parallel_loop3A_1040 = arith.muli %parallel_loop3A_1032, %parallel_loop3A_1039 : i32
      %parallel_loop3A_1041 = arith.index_cast %parallel_loop3A_1040 : i32 to index
      %parallel_loop3A_1042 = tpu.vector_load %arg8[%parallel_loop3A_1041] {strides = array<i32>} : memref<4096xi32, #tpu.memory_space<vmem>>, vector<16xi32>,
      %parallel_loop3A_1043 = arith.constant 16 : i32
      %parallel_loop3A_1044 = arith.muli %parallel_loop3A_1032, %parallel_loop3A_1043 : i32
      %parallel_loop3A_1045 = arith.index_cast %parallel_loop3A_1044 : i32 to index
      %parallel_loop3A_1046 = tpu.vector_load %arg8[%parallel_loop3A_1045] {strides = array<i32>} : memref<4096xi32, #tpu.memory_space<vmem>>, vector<16xi32>,
      tpu.vector_store %arg8[%parallel_loop3A_1045], %broadcast_in_dim3A_6 {strides = array<i32>} : memref<4096xi32, #tpu.memory_space<vmem>>, vector<16xi32>,
      %parallel_loop3A_1047 = arith.constant 65535 : i32
      %parallel_loop3A_1048 = vector.broadcast %parallel_loop3A_1047 : i32 to vector<16xi32>
      %parallel_loop3A_1049 = arith.andi %parallel_loop3A_1042, %parallel_loop3A_1048 : vector<16xi32>
      %parallel_loop3A_1050 = arith.constant true
      %parallel_loop3A_1051 = vector.broadcast %parallel_loop3A_1050 : i1 to vector<16xi1>
      %parallel_loop3A_1052 = tpu.scan <sum>, %parallel_loop3A_1049 masked %parallel_loop3A_1051 : vector<16xi32>, vector<16xi1> -> vector<16xi32>
      %parallel_loop3A_1053 = arith.addi %parallel_loop3A_1052, %parallel_loop3A_1033 : vector<16xi32>
      %parallel_loop3A_1054 = arith.constant 16 : i32
      %parallel_loop3A_1055 = vector.broadcast %parallel_loop3A_1054 : i32 to vector<16xi32>
      %parallel_loop3A_1056 = arith.shrui %parallel_loop3A_1042, %parallel_loop3A_1055 : vector<16xi32>
      %parallel_loop3A_1057 = arith.constant true
      %parallel_loop3A_1058 = vector.broadcast %parallel_loop3A_1057 : i1 to vector<16xi1>
      %parallel_loop3A_1059 = tpu.scan <sum>, %parallel_loop3A_1056 masked %parallel_loop3A_1058 : vector<16xi32>, vector<16xi1> -> vector<16xi32>
      %parallel_loop3A_1060 = arith.addi %parallel_loop3A_1059, %parallel_loop3A_1036 : vector<16xi32>
      %parallel_loop3A_1061 = arith.cmpi slt, %parallel_loop3A_1053, %sub3A_964 : vector<16xi32>
      %parallel_loop3A_1062 = arith.cmpi slt, %parallel_loop3A_1060, %sub3A_965 : vector<16xi32>
      %parallel_loop3A_1063 = tpu.all_reduce %parallel_loop3A_1061 {dim = 0 : i64, kind = #tpu.reduction_kind<sum>} : vector<16xi1> -> vector<16xi32>
      %parallel_loop3A_1064 = arith.addi %parallel_loop3A_1034, %parallel_loop3A_1063 : vector<16xi32>
      %parallel_loop3A_1065 = tpu.all_reduce %parallel_loop3A_1062 {dim = 0 : i64, kind = #tpu.reduction_kind<sum>} : vector<16xi1> -> vector<16xi32>
      %parallel_loop3A_1066 = arith.addi %parallel_loop3A_1037, %parallel_loop3A_1065 : vector<16xi32>
      %parallel_loop3A_1067 = arith.constant 0 : i32
      %parallel_loop3A_1068 = vector.broadcast %parallel_loop3A_1067 : i32 to vector<16xi32>
      %parallel_loop3A_1069 = arith.select %parallel_loop3A_1061, %parallel_loop3A_1053, %parallel_loop3A_1068 : vector<16xi1>, vector<16xi32>
      %parallel_loop3A_1070 = arith.maxsi %parallel_loop3A_1035, %parallel_loop3A_1069 : vector<16xi32>
      %parallel_loop3A_1071 = arith.constant 0 : i32
      %parallel_loop3A_1072 = vector.broadcast %parallel_loop3A_1071 : i32 to vector<16xi32>
      %parallel_loop3A_1073 = arith.select %parallel_loop3A_1062, %parallel_loop3A_1060, %parallel_loop3A_1072 : vector<16xi1>, vector<16xi32>
      %parallel_loop3A_1074 = arith.maxsi %parallel_loop3A_1038, %parallel_loop3A_1073 : vector<16xi32>
      %parallel_loop3A_1075 = arith.constant 0 : i32
      %parallel_loop3A_1076 = vector.broadcast %parallel_loop3A_1075 : i32 to vector<16xi32>
      %parallel_loop3A_1077 = arith.cmpi slt, %broadcast_in_dim3A_8, %parallel_loop3A_1076 : vector<16xi32>
      %parallel_loop3A_1078 = arith.constant 16 : i32
      %parallel_loop3A_1079 = vector.broadcast %parallel_loop3A_1078 : i32 to vector<16xi32>
      %parallel_loop3A_1080 = arith.addi %broadcast_in_dim3A_8, %parallel_loop3A_1079 : vector<16xi32>
      %parallel_loop3A_1081 = arith.select %parallel_loop3A_1077, %parallel_loop3A_1080, %broadcast_in_dim3A_8 : vector<16xi1>, vector<16xi32>
      %parallel_loop3A_1082 = vector.shape_cast %parallel_loop3A_1081 : vector<16xi32> to vector<16x1xi32>
      %parallel_loop3A_1083 = vector.shape_cast %parallel_loop3A_1082 : vector<16x1xi32> to vector<16xi32>
      %parallel_loop3A_1084 = tpu.dynamic_gather %parallel_loop3A_1053[%parallel_loop3A_1083] in [0] : vector<16xi32>, vector<16xi32> -> vector<16xi32>
      %parallel_loop3A_1085 = arith.constant 0 : i32
      %parallel_loop3A_1086 = vector.broadcast %parallel_loop3A_1085 : i32 to vector<16xi32>
      %parallel_loop3A_1087 = arith.cmpi slt, %broadcast_in_dim3A_8, %parallel_loop3A_1086 : vector<16xi32>
      %parallel_loop3A_1088 = arith.constant 16 : i32
      %parallel_loop3A_1089 = vector.broadcast %parallel_loop3A_1088 : i32 to vector<16xi32>
      %parallel_loop3A_1090 = arith.addi %broadcast_in_dim3A_8, %parallel_loop3A_1089 : vector<16xi32>
      %parallel_loop3A_1091 = arith.select %parallel_loop3A_1087, %parallel_loop3A_1090, %broadcast_in_dim3A_8 : vector<16xi1>, vector<16xi32>
      %parallel_loop3A_1092 = vector.shape_cast %parallel_loop3A_1091 : vector<16xi32> to vector<16x1xi32>
      %parallel_loop3A_1093 = vector.shape_cast %parallel_loop3A_1092 : vector<16x1xi32> to vector<16xi32>
      %parallel_loop3A_1094 = tpu.dynamic_gather %parallel_loop3A_1060[%parallel_loop3A_1093] in [0] : vector<16xi32>, vector<16xi32> -> vector<16xi32>
      scf.yield %parallel_loop3A_1084, %parallel_loop3A_1064, %parallel_loop3A_1070, %parallel_loop3A_1094, %parallel_loop3A_1066, %parallel_loop3A_1074 : vector<16xi32>, vector<16xi32>, vector<16xi32>, vector<16xi32>, vector<16xi32>, vector<16xi32>
    } {sc.loop_unroll_factor = 4 : i64, sc.parallel_access}
    %reduce_max3A_973 = arith.constant true
    %reduce_max3A_974 = vector.broadcast %reduce_max3A_973 : i1 to vector<16xi1>
    %reduce_max3A_975 = arith.constant -2147483648 : i32
    %reduce_max3A_976 = vector.broadcast %reduce_max3A_975 : i32 to vector<16xi32>
    %reduce_max3A_977 = arith.xori %parallel_loop3A_972#2, %reduce_max3A_976 : vector<16xi32>
    %reduce_max3A_978 = tpu.scan <max>, %reduce_max3A_977 masked %reduce_max3A_974 : vector<16xi32>, vector<16xi1> -> vector<16xi32>
    %reduce_max3A_979 = arith.xori %reduce_max3A_978, %reduce_max3A_976 : vector<16xi32>
    %reduce_max3A_980 = vector.extract %reduce_max3A_979[15] : i32 from vector<16xi32>
    %broadcast_in_dim3A_981 = vector.broadcast %reduce_max3A_980 : i32 to vector<16xi32>
    %reduce_max3A_982 = arith.constant true
    %reduce_max3A_983 = vector.broadcast %reduce_max3A_982 : i1 to vector<16xi1>
    %reduce_max3A_984 = arith.constant -2147483648 : i32
    %reduce_max3A_985 = vector.broadcast %reduce_max3A_984 : i32 to vector<16xi32>
    %reduce_max3A_986 = arith.xori %parallel_loop3A_972#5, %reduce_max3A_985 : vector<16xi32>
    %reduce_max3A_987 = tpu.scan <max>, %reduce_max3A_986 masked %reduce_max3A_983 : vector<16xi32>, vector<16xi1> -> vector<16xi32>
    %reduce_max3A_988 = arith.xori %reduce_max3A_987, %reduce_max3A_985 : vector<16xi32>
    %reduce_max3A_989 = vector.extract %reduce_max3A_988[15] : i32 from vector<16xi32>
    %broadcast_in_dim3A_990 = vector.broadcast %reduce_max3A_989 : i32 to vector<16xi32>
    %shift_left3A_991 = arith.constant 8 : i32
    %shift_left3A_992 = vector.broadcast %shift_left3A_991 : i32 to vector<16xi32>
    %shift_left3A_993 = arith.shli %add3A_959, %shift_left3A_992 : vector<16xi32>
    %add3A_994 = arith.addi %shift_left3A_993, %parallel_loop3A_972#1 : vector<16xi32>
    %shift_left3A_995 = arith.constant 8 : i32
    %shift_left3A_996 = vector.broadcast %shift_left3A_995 : i32 to vector<16xi32>
    %shift_left3A_997 = arith.shli %add3A_963, %shift_left3A_996 : vector<16xi32>
    %add3A_998 = arith.addi %shift_left3A_997, %parallel_loop3A_972#4 : vector<16xi32>
    %xor3A_999 = arith.constant -2147483648 : i32
    %xor3A_1000 = vector.broadcast %xor3A_999 : i32 to vector<16xi32>
    %xor3A_1001 = arith.xori %add3A_994, %xor3A_1000 : vector<16xi32>
    %xor3A_1002 = arith.constant -2147483648 : i32
    %xor3A_1003 = vector.broadcast %xor3A_1002 : i32 to vector<16xi32>
    %xor3A_1004 = arith.xori %add3A_998, %xor3A_1003 : vector<16xi32>
    %parallel_loop3A_1005 = arith.constant 0 : i32
    %parallel_loop3A_1006 = arith.constant 2048 : i32
    %parallel_loop3A_1007 = arith.constant 1 : i32
    scf.for %parallel_loop3A_1032 = %parallel_loop3A_1005 to %parallel_loop3A_1006 step %parallel_loop3A_1007  : i32 {
      %parallel_loop3A_1033 = arith.constant 16 : i32
      %parallel_loop3A_1034 = arith.muli %parallel_loop3A_1032, %parallel_loop3A_1033 : i32
      %parallel_loop3A_1035 = arith.index_cast %parallel_loop3A_1034 : i32 to index
      %parallel_loop3A_1036 = tpu.vector_load %arg6[%parallel_loop3A_1035] {strides = array<i32>} : memref<32768xf32, #tpu.memory_space<vmem>>, vector<16xf32>,
      %parallel_loop3A_1037 = arith.index_cast %parallel_loop3A_1034 : i32 to index
      %parallel_loop3A_1038 = tpu.vector_load %arg7[%parallel_loop3A_1037] {strides = array<i32>} : memref<32768xi32, #tpu.memory_space<vmem>>, vector<16xi32>,
      %parallel_loop3A_1039 = arith.constant -2147483648 : i32
      %parallel_loop3A_1040 = vector.broadcast %parallel_loop3A_1039 : i32 to vector<16xi32>
      %parallel_loop3A_1041 = arith.xori %parallel_loop3A_1038, %parallel_loop3A_1040 : vector<16xi32>
      %parallel_loop3A_1042 = arith.cmpi sge, %parallel_loop3A_1041, %xor3A_1004 : vector<16xi32>
      %parallel_loop3A_1043 = arith.cmpi sle, %parallel_loop3A_1041, %xor3A_1001 : vector<16xi32>
      %parallel_loop3A_1044 = arith.constant 0.000000e+00 : f32
      %parallel_loop3A_1045 = vector.broadcast %parallel_loop3A_1044 : f32 to vector<16xf32>
      %parallel_loop3A_1046 = arith.select %parallel_loop3A_1043, %parallel_loop3A_1045, %parallel_loop3A_1036 : vector<16xi1>, vector<16xf32>
      %parallel_loop3A_1047 = arith.constant 1.000000e+00 : f32
      %parallel_loop3A_1048 = vector.broadcast %parallel_loop3A_1047 : f32 to vector<16xf32>
      %parallel_loop3A_1049 = arith.select %parallel_loop3A_1042, %parallel_loop3A_1048, %parallel_loop3A_1046 : vector<16xi1>, vector<16xf32>
      %parallel_loop3A_1050 = arith.index_cast %parallel_loop3A_1034 : i32 to index
      %parallel_loop3A_1051 = tpu.vector_load %arg6[%parallel_loop3A_1050] {strides = array<i32>} : memref<32768xf32, #tpu.memory_space<vmem>>, vector<16xf32>,
      tpu.vector_store %arg6[%parallel_loop3A_1050], %parallel_loop3A_1049 {strides = array<i32>} : memref<32768xf32, #tpu.memory_space<vmem>>, vector<16xf32>,
    } {sc.loop_unroll_factor = 8 : i64, sc.parallel_access}
    %add3A_1008 = arith.constant 3 : i32
    %add3A_1009 = arith.addi %mul3A_2, %add3A_1008 : i32
    %dma_start3A_1010 = arith.constant 0 : i32
    %dma_start3A_1011 = tpu.memref_slice %arg4[%add3A_1009, %dma_start3A_1010] : memref<128x32768xf32, #tpu.memory_space<hbm>> -> memref<1x32768xf32, #tpu.memory_space<hbm>>
    %dma_start3A_1012 = tpu.memref_squeeze %dma_start3A_1011 : memref<1x32768xf32, #tpu.memory_space<hbm>> -> memref<32768xf32, #tpu.memory_space<hbm>>
    %dma_start3A_1013 = arith.constant 0 : i32
    %dma_start3A_1014 = tpu.memref_slice %arg4[%add3A_1009, %dma_start3A_1013] : memref<128x32768xf32, #tpu.memory_space<hbm>> -> memref<1x32768xf32, #tpu.memory_space<hbm>>
    %dma_start3A_1015 = tpu.memref_squeeze %dma_start3A_1014 : memref<1x32768xf32, #tpu.memory_space<hbm>> -> memref<32768xf32, #tpu.memory_space<hbm>>
    tpu.enqueue_dma source(%arg6 : memref<32768xf32, #tpu.memory_space<vmem>>) target(%dma_start3A_1015 : memref<32768xf32, #tpu.memory_space<hbm>>) target_semaphore(%arg15 : memref<!tpu.dma_semaphore, #tpu.memory_space<semaphore_mem>>)
    %add3A_1016 = arith.constant 2 : i32
    %add3A_1017 = arith.addi %mul3A_2, %add3A_1016 : i32
    %dma_wait3A_1018 = arith.constant 0 : i32
    %dma_wait3A_1019 = tpu.memref_slice %arg4[%add3A_1017, %dma_wait3A_1018] : memref<128x32768xf32, #tpu.memory_space<hbm>> -> memref<1x32768xf32, #tpu.memory_space<hbm>>
    %dma_wait3A_1020 = tpu.memref_squeeze %dma_wait3A_1019 : memref<1x32768xf32, #tpu.memory_space<hbm>> -> memref<32768xf32, #tpu.memory_space<hbm>>
    %dma_wait3A_1021 = arith.constant 0 : i32
    %dma_wait3A_1022 = tpu.memref_slice %arg4[%add3A_1017, %dma_wait3A_1021] : memref<128x32768xf32, #tpu.memory_space<hbm>> -> memref<1x32768xf32, #tpu.memory_space<hbm>>
    %dma_wait3A_1023 = tpu.memref_squeeze %dma_wait3A_1022 : memref<1x32768xf32, #tpu.memory_space<hbm>> -> memref<32768xf32, #tpu.memory_space<hbm>>
    tpu.wait_dma2 semaphore(%arg14 : memref<!tpu.dma_semaphore, #tpu.memory_space<semaphore_mem>>) src(%arg5 : memref<32768xf32, #tpu.memory_space<vmem>>) dst(%dma_wait3A_1023 : memref<32768xf32, #tpu.memory_space<hbm>>)
    %add3A_1024 = arith.constant 3 : i32
    %add3A_1025 = arith.addi %mul3A_2, %add3A_1024 : i32
    %dma_wait3A_1026 = arith.constant 0 : i32
    %dma_wait3A_1027 = tpu.memref_slice %arg4[%add3A_1025, %dma_wait3A_1026] : memref<128x32768xf32, #tpu.memory_space<hbm>> -> memref<1x32768xf32, #tpu.memory_space<hbm>>
    %dma_wait3A_1028 = tpu.memref_squeeze %dma_wait3A_1027 : memref<1x32768xf32, #tpu.memory_space<hbm>> -> memref<32768xf32, #tpu.memory_space<hbm>>
    %dma_wait3A_1029 = arith.constant 0 : i32
    %dma_wait3A_1030 = tpu.memref_slice %arg4[%add3A_1025, %dma_wait3A_1029] : memref<128x32768xf32, #tpu.memory_space<hbm>> -> memref<1x32768xf32, #tpu.memory_space<hbm>>
    %dma_wait3A_1031 = tpu.memref_squeeze %dma_wait3A_1030 : memref<1x32768xf32, #tpu.memory_space<hbm>> -> memref<32768xf32, #tpu.memory_space<hbm>>
    tpu.wait_dma2 semaphore(%arg15 : memref<!tpu.dma_semaphore, #tpu.memory_space<semaphore_mem>>) src(%arg6 : memref<32768xf32, #tpu.memory_space<vmem>>) dst(%dma_wait3A_1031 : memref<32768xf32, #tpu.memory_space<hbm>>)
    return
  }
}

</mosaic_0001>

<sc_bundles>
// kernel: _run.3.cloned.1.call-start
scs
__scs_entry_jumppad:
0x0: {  	(pc) =	sbr.rel $0x88, $3  }
0x1: {  	(tag) =	ssettag $0x0;
	lr =	simm.s32 $0x1  }
0x2: {  	[smem:$0x3F9F] =	sst lr;
	_ =	strace $0xD0000000  }
0x3: {  	_ = 	snop  }
0x4: {  	_ = 	snop  }
0x5: {  	_ = 	snop  }
0x6: {  	_ = 	snop  }
0x7: {  	_ = 	snop  }
__scs_overlays_trampoline_lowered:
0x8: {  	[smem:$0x3FAE] =	sst s0  }
0x9: {  	[smem:$0x3FAF] =	sst s1  }
0xa: {  	[smem:$0x3FB0] =	sst s2  }
0xb: {  	[smem:$0x3FB1] =	sst s3  }
0xc: {  	[smem:$0x3FB2] =	sst s4  }
0xd: {  	[smem:$0x3FB3] =	sst s5  }
0xe: {  	[smem:$0x3FB4] =	sst s6  }
0xf: {  	[smem:$0x3FB5] =	sst s7  }
0x10: {  	[smem:$0x3FB6] =	sst s8  }
0x11: {  	[smem:$0x3FB7] =	sst s9;
	s0 =	simm.s32 @!p0 $0x0  }
0x12: {  	s1 =	sld [smem:$0x3F9D];
	s0 =	simm.s32 @p0 $0x1  }
0x13: {  	[smem:$0x3FB8] =	sst s0;
	s0 =	simm.s32 @!p1 $0x0  }
0x14: {  	s2 =	sld [smem:$0x3F9C];
	s0 =	simm.s32 @p1 $0x1  }
0x15: {  	[smem:$0x3FB9] =	sst s0;
	s0 =	simm.s32 @!p2 $0x0  }
0x16: {  	s3 =	sld [smem:$0x3FDB];
	s0 =	simm.s32 @p2 $0x1  }
0x17: {  	s4 =	simm.s32 $0x1BF5;
	[smem:$0x3FBB] =	sst s0  }
0x18: {  	s0 =	sld [smem:$0x3F9E];
	_ =	swait.ge [sflag:s4], $0x0  }
0x19: {  	s7 =	sld [smem:$0x3F9F]  }
0x1a: {  	s8 =	sadd.s32 $0xFFFFE003, lr  }
0x1b: {  	s9 =	sadd.s32 $0xFFFFFEF7, lr;
	s5 =	simm.s32 $0xFFFFFFFF;
	p2 =	slt.u32 s8, $0xFFFFF086  }
0x1c: {  	p1 =	slt.u32 s9, $0xF7A;
	s5 =	simm.s32 @!p2 $0x0  }
0x1d: {  	s5 =	simm.s32 @p1 $0x1;
	p0 =	seq.s32 s7, s2  }
0x1e: {  	s7 =	smul.u32 @!p0 $0xF7A, s2;
	p2 =	seq.s32 @!p0 s5, $0x0  }
0x1f: {  	s9 =	smul.u32 $0xF7A, s1;
	s8 =	simm.s32 @!p0 $0x1BF5;
	p2 =	por !p2, p0  }
0x20: {  	[sflag:s8] =	ssyncset.s32 @!p0 $0xFFFFF086;
	s6 =	sadd.s32 @!p0 s3, s7;
	s7 =	simm.s32 @!p0 $0x108  }
0x21: {  	s3 =	sadd.s32 s3, s9;
	s6 =	sadd.s32 @!p0 $0x88, s6;
	s7 =	simm.s32 @p2 $0x1082  }
0x22: {  	[simem:s7], [sflag:s8] =	dma.local @!p0 [hbm:s6], $0xF7A  }
0x23: {  	s9 =	sor.u32 $0xD0000000, s2;
	s6 =	simm.s32 $0x108;
	_ =	swait.ge @!p0 [sflag:s8], $0x0  }
0x24: {  	s3 =	sadd.s32 $0x88, s3;
	s6 =	simm.s32 @!p1 $0x1082;
	[sflag:s4] =	ssyncset.s32 $0xFFFFF086  }
0x25: {  	[simem:s6], [sflag:s4] =	dma.local [hbm:s3], $0xF7A  }
0x26: {  	[smem:$0x3F9F] =	sst s1;
	(tag) =	ssettag s2;
	_ =	strace s9  }
0x27: {  	s1 =	sld [smem:$0x3FAF]  }
0x28: {  	s2 =	sld [smem:$0x3FB0]  }
0x29: {  	s4 =	sld [smem:$0x3FB2]  }
0x2a: {  	p0 =	seq.s32 s5, $0x0;
	s5 =	sld [smem:$0x3FB3]  }
0x2b: {  	s6 =	sld [smem:$0x3FB4]  }
0x2c: {  	s7 =	sld [smem:$0x3FB5]  }
0x2d: {  	s3 =	simm.s32 $0x108;
	s8 =	sld [smem:$0x3FB6]  }
0x2e: {  	s3 =	simm.s32 @!p0 $0x1082;
	s9 =	sld [smem:$0x3FB7]  }
0x2f: {  	lr =	sadd.s32 s0, s3;
	s0 =	sld [smem:$0x3FAE]  }
0x30: {  	s3 =	sld [smem:$0x3FB1]  }
0x31: {  	[smem:$0x3FBA] =	sst s10  }
0x32: {  	s10 =	sld [smem:$0x3FB8];
	_ =	sdelay $0x3  }
0x33: {  	p0 =	seq.s32 s10, $0x1;
	s10 =	sld [smem:$0x3FBA];
	_ =	sdelay $0x3  }
0x34: {  	[smem:$0x3FBA] =	sst s10  }
0x35: {  	s10 =	sld [smem:$0x3FB9];
	_ =	sdelay $0x3  }
0x36: {  	p1 =	seq.s32 s10, $0x1;
	s10 =	sld [smem:$0x3FBA];
	_ =	sdelay $0x3  }
0x37: {  	[smem:$0x3FBA] =	sst s10  }
0x38: {  	s10 =	sld [smem:$0x3FBB]  }
0x39: {  	_ = 	snop;
	(pc) =	sbr.ind lr, $3  }
0x3a: {  	_ = 	snop  }
0x3b: {  	_ = 	snop  }
0x3c: {  	p2 =	seq.s32 s10, $0x1;
	s10 =	sld [smem:$0x3FBA]  }
0x3d: {  	_ =	shalt  }
0x3e: {  	_ =	shalt  }
0x3f: {  	_ =	shalt  }
0x40: {  	_ =	shalt  }
0x41: {  	_ =	shalt  }
0x42: {  	_ =	shalt  }
0x43: {  	_ =	shalt  }
0x44: {  	_ =	shalt  }
0x45: {  	_ =	shalt  }
0x46: {  	_ =	shalt  }
0x47: {  	_ =	shalt  }
0x48: {  	_ =	shalt  }
0x49: {  	_ =	shalt  }
0x4a: {  	_ =	shalt  }
0x4b: {  	_ =	shalt  }
0x4c: {  	_ =	shalt  }
0x4d: {  	_ =	shalt  }
0x4e: {  	_ =	shalt  }
0x4f: {  	_ =	shalt  }
0x50: {  	_ =	shalt  }
0x51: {  	_ =	shalt  }
0x52: {  	_ =	shalt  }
0x53: {  	_ =	shalt  }
0x54: {  	_ =	shalt  }
0x55: {  	_ =	shalt  }
0x56: {  	_ =	shalt  }
0x57: {  	_ =	shalt  }
0x58: {  	_ =	shalt  }
0x59: {  	_ =	shalt  }
0x5a: {  	_ =	shalt  }
0x5b: {  	_ =	shalt  }
0x5c: {  	_ =	shalt  }
0x5d: {  	_ =	shalt  }
0x5e: {  	_ =	shalt  }
0x5f: {  	_ =	shalt  }
0x60: {  	_ =	shalt  }
0x61: {  	_ =	shalt  }
0x62: {  	_ =	shalt  }
0x63: {  	_ =	shalt  }
0x64: {  	_ =	shalt  }
0x65: {  	_ =	shalt  }
0x66: {  	_ =	shalt  }
0x67: {  	_ =	shalt  }
0x68: {  	_ =	shalt  }
0x69: {  	_ =	shalt  }
0x6a: {  	_ =	shalt  }
0x6b: {  	_ =	shalt  }
0x6c: {  	_ =	shalt  }
0x6d: {  	_ =	shalt  }
0x6e: {  	_ =	shalt  }
0x6f: {  	_ =	shalt  }
0x70: {  	_ =	shalt  }
0x71: {  	_ =	shalt  }
0x72: {  	_ =	shalt  }
0x73: {  	_ =	shalt  }
0x74: {  	_ =	shalt  }
0x75: {  	_ =	shalt  }
0x76: {  	_ =	shalt  }
0x77: {  	_ =	shalt  }
0x78: {  	_ =	shalt  }
0x79: {  	_ =	shalt  }
0x7a: {  	_ =	shalt  }
0x7b: {  	_ =	shalt  }
0x7c: {  	_ =	shalt  }
0x7d: {  	_ =	shalt  }
0x7e: {  	_ =	shalt  }
0x7f: {  	_ =	shalt  }
0x80: {  	_ =	shalt  }
0x81: {  	_ =	shalt  }
0x82: {  	_ =	shalt  }
0x83: {  	_ =	shalt  }
0x84: {  	_ =	shalt  }
0x85: {  	_ =	shalt  }
0x86: {  	_ =	shalt  }
0x87: {  	_ =	shalt  }
.Lfunc_end0:
.L_simem_size_0:
called_computation_lowered:
.L_overlay_start_0:
0x88: {  	s2 =	sld [smem:$0x3FD9]  }
0x89: {  	s3 =	sld [smem:$0x3FFE];
	_ =	sdelay $0x1  }
0x8a: {  	s1 =	srdreg.scid  }
0x8b: {  	s0 =	sand.u32 $0x1, s1  }
0x8c: {  	s18 =	sshll.u32 s0, $0xA;
	s2 =	sadd.s32 s3, s2  }
0x8d: {  	s2 =	sadd.s32 s2, s18  }
0x8e: {  	[smem:$0x3FC6] =	sst s2  }
0x8f: {  	_ = 	snop  }
0x90: {  	s2 =	sld [smem:$0x3FC9]  }
0x91: {  	s19 =	sld [smem:$0x3FC8]  }
0x92: {  	s4 =	sld [smem:$0x3FD0];
	(tm) =	ssettm $0x1  }
0x93: {  	s5 =	sld [smem:$0x3FFB];
	_ =	sdelay $0x3  }
0x94: {  	_ =	strace s5  }
0x95: {  	s5 =	sld [smem:$0x3FFC];
	_ =	sdelay $0x3  }
0x96: {  	_ =	strace s5  }
0x97: {  	s5 =	sld [smem:$0x3FFD];
	_ =	sdelay $0x3  }
0x98: {  	_ =	strace s5  }
0x99: {  	_ =	strace $0x8FFFFFFF  }
0x9a: {  	s20 =	sld [smem:$0x3FDB];
	_ =	sdelay $0x1  }
0x9b: {  	s6 =	simm.s32 $_scs_section_size  }
0x9c: {  	s7 =	simm.s32 $_size__tile_overlayer_lowered;
	s8 =	simm.s32 $_tile_overlayer_lowered  }
0x9d: {  	s23 =	simm.s32 $0x1BFF;
	s22 =	sshll.u32 s8, $0x1;
	s5 =	sadd.s32 s6, s20  }
0x9e: {  	s9 =	simm.s32 $0x0;
	s21 =	sshll.u32 s7, $0x1;
	s7 =	sadd.s32 s22, s5  }
0x9f: {  	[timem:s9], [sflag:s23] =	dma.local [hbm:s7], s21  }
0xa0: {  	_ =	swait.ge [sflag:s23], s21  }
0xa1: {  	s6 =	ssub.s32 $0x0, s21;
	[sflag:s23] =	ssyncset.done $0x0  }
0xa2: {  	[sflag:s23] =	ssyncadd.s32 s6;
	_ =	sdelay $0x1  }
0xa3: {  	s24 =	simm.s32 $0x1B8B  }
0xa4: {  	_ =	swait.ge [sflag:s24], $0x1  }
0xa5: {  	[sflag:s24] =	ssyncset.done $0x0  }
0xa6: {  	s25 =	simm.s32 $0x1B8E;
	[sflag:s24] =	ssyncadd.s32 $0xFFFFFFFF  }
0xa7: {  	s26 =	simm.s32 $execute0_lowered;
	[smem:$0x3FD2] =	sst s25  }
0xa8: {  	s6 =	sshll.u32 s26, $0x1;
	_ =	strace $0x80000046;
	[dreg:$0x1] =	wrdreg $0xFFFFFFFF  }
0xa9: {  	s28 =	simm.s32 $_size_execute0_lowered;
	s5 =	sadd.s32 s5, s6;
	[dreg:$0x0] =	wrdreg $0x0  }
0xaa: {  	s6 =	sshll.u32 s28, $0x1;
	[dreg:$0x2] =	wrdreg s5  }
0xab: {  	[dreg:$0x3] =	wrdreg s6  }
0xac: {  	[dreg:$0x4] =	wrdreg $0xC0  }
0xad: {  	_ =	task [dreg:s9], $0x5FFFF  }
0xae: {  	[dreg:$0x1] =	wrdreg $0xFFFFFFFF  }
0xaf: {  	[dreg:$0x0] =	wrdreg $0x60  }
0xb0: {  	[dreg:$0x2] =	wrdreg s2  }
0xb1: {  	[dreg:$0x3] =	wrdreg s19  }
0xb2: {  	[dreg:$0x4] =	wrdreg s4  }
0xb3: {  	[dreg:$0x5] =	wrdreg $0x9  }
0xb4: {  	_ =	task.clear_ibuf [dreg:s9], $0x6FFFF;
	_ =	strace $0x90000046  }
0xb5: {  	s29 =	simm.s32 $0x9;
	_ =	strace $0x80000048  }
0xb6: {  	_ =	swait.ge [sflag:s29], $0x1  }
0xb7: {  	[sflag:s29] =	ssyncadd.s32 $0xFFFFFFFF  }
0xb8: {  	_ =	strace $0x90000048  }
0xb9: {  	_ =	sfence  }
0xba: {  	s30 =	sld [smem:$0x0];
	_ =	sdelay $0x2  }
0xbb: {  	s31 =	sshll.u32 s1, $0xD;
	s1 =	sshrl.u32 s1, $0x2  }
0xbc: {  	s3 =	sand.u32 $0x4000, s31;
	s1 =	sadd.s32 s1, s30  }
0xbd: {  	s0 =	sor.u32 s3, s0;
	s1 =	sshll.u32 s1, $0x11  }
0xbe: {  	s0 =	sor.u32 s1, s0  }
0xbf: {  	s0 =	sadd.s32 $0x8F2B, s0  }
0xc0: {  	[sflag:s0] =	ssyncadd.remote.s32 $0x1  }
0xc1: {  	_ =	sfence.sel $0xFFFF  }
0xc2: {  	[dreg:$0x0] =	wrdreg $0xFFFFFFFF;
	(pc) =	sbr.abs _section_cstart, $3  }
0xc3: {  	[dreg:$0x1] =	wrdreg $0xFFFFFFFF  }
0xc4: {  	_ =	task.clear_ibuf [dreg:s9], $0x2FFFF;
	_ =	strace $0x9FFFFFFF  }
0xc5: {  	(tm) =	ssettm $0x7FFFFFFF  }
tec
execute0_lowered:
.L_overlay_start_1:
0x0: {  	(tag) =	ssettag $0x1  }
0x1: {  	s0 =	rddreg [dreg:$0x0]  }
0x2: {  	s1 =	rddreg [dreg:$0x2];
	s2 =	srdreg.scid  }
0x3: {  	s4 =	stileid.u32;
	s3 =	simm.s32 $0x0;
	s14 =	simm.s32 $0x5  }
0x4: {  	s15 =	simm.s32 $0x80;
	s16 =	simm.s32 $0x400;
	s17 =	simm.s32 $0x1  }
0x5: {  	s18 =	simm.s32 $0x8000;
	s19 =	simm.s32 $0x18000;
	s20 =	simm.s32 $0x19000  }
0x6: {  	s21 =	simm.s32 $0x2;
	s22 =	simm.s32 $0x3;
	s23 =	simm.s32 $0x4  }
0x7: {  	s24 =	simm.s32 $0x0;
	s2 =	sand.u32 $0x1, s2;
	s4 =	sshll.u32 s4, $0xF  }
0x8: {  	[smem:$0x7FF] =	sst s3;
	s5 =	sshll.u32 s2, $0x6;
	s2 =	ssub.s32 $0x2, s2  }
0x9: {  	_ =	strace $0x80000047;
	s4 =	sor.u32 s5, s4;
	s26 =	sshrl.u32 s2, $0x1  }
0xa: {  	s6 =	sor.u32 $0x10, s4;
	s2 =	ssub.s32 s2, s26;
	s28 =	sadd.s32 s0, s4  }
0xb: {  	s30 =	sadd.s32 s1, s4;
	s31 =	sor.u32 $0x20, s4;
	[dreg:$0x4] =	wrdreg s28  }
0xc: {  	s4 =	sor.u32 $0x30, s4;
	s29 =	sadd.s32 s0, s6;
	[dreg:$0x6] =	wrdreg s30  }
0xd: {  	s7 =	sadd.s32 s0, s31;
	s6 =	sadd.s32 s1, s6;
	[dreg:$0x5] =	wrdreg s29  }
0xe: {  	v0 =	vimm.s32 $0x0;
	s9 =	sadd.s32 s0, s4;
	s10 =	sadd.s32 s1, s31;
	[dreg:$0x7] =	wrdreg s7  }
0xf: {  	v1 =	vimm.s32 $0x10001;
	v2 =	vimm.s32 $0xF;
	v3 =	vlaneseq.u32;
	s11 =	sadd.s32 s1, s4;
	s12 =	smax.u32 s2, $0x1;
	[dreg:$0x8] =	wrdreg s6  }
.LBB2_1:
0x10: {  	s0 =	rddreg [dreg:$0x1];
	s1 =	simm.s32 $0x1A180  }
0x11: {  	[tilespmem:s1], [sflag:$0x5] =	stream.linear.gather [hbm4b:s0+s3], $0x80, $0x38;
	[tilespmem:$0x1A200] =	vst v63  }
0x12: {  	_ =	swait.ge [sflag:s14], $0x80  }
0x13: {  	[sflag:s14] =	ssyncset.done $0x0  }
0x14: {  	[sflag:s14] =	ssyncadd.s32 $0xFFFFFF80  }
0x15: {  	s0 =	simm.s32 $0x18020;
	v4 =	vld [tilespmem:$0x1A180]  }
0x16: {  	v5 =	vld [tilespmem:$0x1A190];
	[tilespmem:s0+$0xFFFFFFE0] =	vst v0  }
0x17: {  	[tilespmem:s0+$0x10] =	vst v0  }
0x18: {  	s1 =	simm.s32 $0x0;
	[tilespmem:s0+$0x0] =	vst v0  }
.LBB2_2:
0x19: {  	s1 =	sadd.s32 $0x4, s1  }
0x1a: {  	[tilespmem:s0+$0xFFFFFFF0] =	vst v0;
	s0 =	sadd.s32 $0x40, s0;
	p0 =	slt.u32 s1, $0xFC  }
.Ltmp0:
0x1b: {  	[tilespmem:s0+$0xFFFFFFE0] =	vst v0;
	(pc) =	sbr.rel @p0 .LBB2_2-.Ltmp0, $3  }
0x1c: {  	_ =	sdelay $0x1  }
0x1d: {  	[tilespmem:s0+$0x10] =	vst v0  }
0x1e: {  	[tilespmem:s0+$0x0] =	vst v0  }
0x1f: {  	[tilespmem:s0+$0xFFFFFFF0] =	vst v0  }
0x20: {  	s0 =	rddreg [dreg:$0x4]  }
0x21: {  	[tilespmem:s3], [sflag:$0x1] =	stream.strided.gather [hbm4b:s0+s15], $0x8000, s16, s15, $0x38;
	[tilespmem:$0x1A200] =	vst v63  }
0x22: {  	_ =	swait.ge [sflag:s17], $0x8000  }
0x23: {  	[sflag:s17] =	ssyncset.done $0x0  }
0x24: {  	s2 =	simm.s32 $0x40;
	s31 =	rddreg [dreg:$0x5];
	[sflag:s17] =	ssyncadd.s32 $0xFFFF8000  }
0x25: {  	[tilespmem:s18], [sflag:$0x2] =	stream.strided.gather [hbm4b:s31+s15], $0x8000, s16, s15, $0x38;
	[tilespmem:$0x1A200] =	vst v63  }
0x26: {  	v6 =	vld [tilespmem:s2+$0xFFFFFFE0]  }
0x27: {  	v9 =	vld [tilespmem:s2+$0x20]  }
0x28: {  	v12 =	vld [tilespmem:s2+$0xFFFFFFC0]  }
0x29: {  	v10 =	vld [tilespmem:s2+$0x10]  }
0x2a: {  	v14 =	vld [tilespmem:s2+$0x30]  }
0x2b: {  	v8 =	vld [tilespmem:s2+$0xFFFFFFF0]  }
0x2c: {  	v7 =	vld [tilespmem:s2+$0xFFFFFFD0]  }
0x2d: {  	v11 =	vshra.s32 v9, $0x1F  }
0x2e: {  	v13 =	vshra.s32 v6, $0x1F;
	v15 =	vshra.s32 v12, $0x1F;
	v20 =	vshra.s32 v10, $0x1F  }
0x2f: {  	v17 =	vor.u32 $0x80000000, v11;
	v16 =	vor.u32 $0x80000000, v15;
	v11 =	vor.u32 $0x80000000, v13  }
0x30: {  	v13 =	vshra.s32 v14, $0x1F;
	v15 =	vshra.s32 v8, $0x1F;
	v18 =	vxor.u32 v6, v11  }
0x31: {  	v19 =	vor.u32 $0x80000000, v13;
	v11 =	vshra.s32 v7, $0x1F;
	v15 =	vor.u32 $0x80000000, v15  }
0x32: {  	s1 =	simm.s32 $0x0;
	s25 =	simm.s32 $0x19020;
	s0 =	simm.s32 $0x10040;
	v16 =	vxor.u32 v12, v16;
	v13 =	vxor.u32 v9, v17;
	v17 =	vor.u32 $0x80000000, v20  }
0x33: {  	s26 =	simm.s32 $0x1A002;
	s4 =	simm.s32 $0x10040;
	v12 =	vld [tilespmem:s2+$0x0];
	s2 =	simm.s32 $0xC0;
	v6 =	vshrl.u32 v18, $0x14;
	v9 =	vshrl.u32 v16, $0x14;
	[tilespmem:s0+$0xFFFFFFE0] =	vst v18;
	v14 =	vxor.u32 v14, v19  }
.LBB2_4:
0x34: {  	v18 =	vld [tilespmem:s2+$0xFFFFFFE0];
	s1 =	sadd.s32 $0x8, s1;
	[tilespmem:s0+$0xFFFFFFC0] =	vst v16;
	v8 =	vxor.u32 v8, v15;
	v10 =	vxor.u32 v10, v17;
	v15 =	vshrl.u32 v14, $0x14;
	s4 =	sadd.s32 $0x80, s4  }
0x35: {  	v20 =	vshrl.u32 v13, $0x14;
	v16 =	vld [tilespmem:s2+$0xFFFFFFC0];
	p0 =	slt.u32 s1, $0x7F8;
	[tilespmem:s0+$0xFFFFFFF0] =	vst v8;
	v17 =	vshrl.u32 v8, $0x14;
	v19 =	vshrl.u32 v10, $0x14  }
0x36: {  	v11 =	vor.u32 $0x80000000, v11;
	v8 =	vld [tilespmem:s2+$0xFFFFFFF0];
	[tilespmem:s0+$0x20] =	vst v13  }
0x37: {  	v11 =	vxor.u32 v7, v11;
	v13 =	vld [tilespmem:s2+$0x20];
	[tilespmem:s0+$0x30] =	vst v14  }
0x38: {  	v14 =	vld [tilespmem:s2+$0x30];
	v7 =	vshra.s32 v12, $0x1F;
	[tilespmem:s0+$0x10] =	vst v10  }
0x39: {  	v21 =	vshrl.u32 v11, $0x14;
	v7 =	vor.u32 $0x80000000, v7;
	[tilespmem:v15+s19+$0x0] =	vst.idx.add.s32.msk $0xffff, v1  }
0x3a: {  	v10 =	vxor.u32 v12, v7;
	[tilespmem:v19+s19+$0x0] =	vst.idx.add.s32.msk $0xffff, v1  }
0x3b: {  	v7 =	vld [tilespmem:s2+$0xFFFFFFD0];
	[tilespmem:s0+$0x0] =	vst v10;
	v12 =	vshrl.u32 v10, $0x14  }
0x3c: {  	[tilespmem:v20+s19+$0x0] =	vst.idx.add.s32.msk $0xffff, v1  }
0x3d: {  	v15 =	vshra.s32 v18, $0x1F;
	v19 =	vshra.s32 v13, $0x1F;
	v10 =	vld [tilespmem:s2+$0x10];
	[tilespmem:s0+$0xFFFFFFD0] =	vst v11;
	s0 =	smov.u32 s4  }
0x3e: {  	v11 =	vshra.s32 v16, $0x1F;
	v19 =	vor.u32 $0x80000000, v19;
	[tilespmem:v21+s19+$0x0] =	vst.idx.add.s32.msk $0xffff, v1  }
.Ltmp1:
0x3f: {  	v20 =	vor.u32 $0x80000000, v11;
	v11 =	vor.u32 $0x80000000, v15;
	v15 =	vshra.s32 v14, $0x1F;
	[tilespmem:v9+s19+$0x0] =	vst.idx.add.s32.msk $0xffff, v1;
	(pc) =	sbr.rel @p0 .LBB2_4-.Ltmp1, $4  }
0x40: {  	v18 =	vxor.u32 v18, v11;
	v9 =	vshra.s32 v8, $0x1F;
	v21 =	vor.u32 $0x80000000, v15;
	[tilespmem:v17+s19+$0x0] =	vst.idx.add.s32.msk $0xffff, v1  }
0x41: {  	v11 =	vshra.s32 v7, $0x1F;
	v22 =	vshrl.u32 v18, $0x14;
	v15 =	vor.u32 $0x80000000, v9;
	[tilespmem:v12+s19+$0x0] =	vst.idx.add.s32.msk $0xffff, v1  }
0x42: {  	v13 =	vxor.u32 v13, v19;
	v16 =	vxor.u32 v16, v20;
	v17 =	vshra.s32 v10, $0x1F;
	[tilespmem:v6+s19+$0x0] =	vst.idx.add.s32.msk $0xffff, v1  }
0x43: {  	s28 =	simm.s32 $0x18020;
	v9 =	vshrl.u32 v16, $0x14;
	v14 =	vxor.u32 v14, v21;
	v6 =	vmovc v22;
	[tilespmem:s4+$0xFFFFFFE0] =	vst v18;
	v12 =	vld [tilespmem:s2+$0x0];
	v17 =	vor.u32 $0x80000000, v17;
	s2 =	sadd.s32 $0x80, s2  }
0x44: {  	_ = 	snop  }
0x45: {  	[tilespmem:s0+$0xFFFFFFC0] =	vst v16  }
0x46: {  	[tilespmem:s0+$0x20] =	vst v13  }
0x47: {  	[tilespmem:s0+$0x30] =	vst v14  }
0x48: {  	v8 =	vxor.u32 v8, v15;
	v61 =	vshrl.u32 v14, $0x14;
	[tilespmem:v6+s19+$0x0] =	vst.idx.add.s32.msk $0xffff, v1  }
0x49: {  	v10 =	vxor.u32 v10, v17;
	[tilespmem:s0+$0xFFFFFFF0] =	vst v8  }
0x4a: {  	v63 =	vshrl.u32 v13, $0x14;
	v11 =	vor.u32 $0x80000000, v11;
	[tilespmem:s0+$0x10] =	vst v10  }
0x4b: {  	v62 =	vshrl.u32 v10, $0x14;
	v7 =	vxor.u32 v7, v11;
	[tilespmem:v9+s19+$0x0] =	vst.idx.add.s32.msk $0xffff, v1;
	v11 =	vshra.s32 v12, $0x1F  }
0x4c: {  	v8 =	vshrl.u32 v8, $0x14;
	[tilespmem:s0+$0xFFFFFFD0] =	vst v7;
	v11 =	vor.u32 $0x80000000, v11  }
0x4d: {  	v10 =	vshrl.u32 v7, $0x14;
	[tilespmem:v61+s19+$0x0] =	vst.idx.add.s32.msk $0xffff, v1;
	v11 =	vxor.u32 v12, v11  }
0x4e: {  	[tilespmem:s0+$0x0] =	vst v11;
	v11 =	vshrl.u32 v11, $0x14  }
0x4f: {  	[tilespmem:v63+s19+$0x0] =	vst.idx.add.s32.msk $0xffff, v1  }
0x50: {  	[tilespmem:v62+s19+$0x0] =	vst.idx.add.s32.msk $0xffff, v1  }
0x51: {  	[tilespmem:v8+s19+$0x0] =	vst.idx.add.s32.msk $0xffff, v1  }
0x52: {  	[tilespmem:v10+s19+$0x0] =	vst.idx.add.s32.msk $0xffff, v1  }
0x53: {  	[tilespmem:v11+s19+$0x0] =	vst.idx.add.s32.msk $0xffff, v1  }
0x54: {  	v6 =	vld [tilespmem:s28+$0xFFFFFFE0];
	_ =	sdelay $0x4  }
0x55: {  	(xrf0) =	vadd.scan.msk.s32 $0xffff, v6;
	_ =	sdelay $0x3  }
0x56: {  	s29 =	simm.s32 $0x18060  }
0x57: {  	v7 =	vld [tilespmem:s29+$0xFFFFFFE0]  }
0x58: {  	v6 =	vimm.s32 $0x0;
	v8, _, _ =	vpop (xrf0)  }
0x59: {  	[tilespmem:s28+$0xFFFFFFE0] =	vst v6;
	v9 =	vperm.xlane v8, v2  }
0x5a: {  	[tilespmem:s25+$0xFFFFFFE0] =	vst v8  }
0x5b: {  	[tilespmem:s26+$0xFFFFFFFE] =	vst.msk $0x1, v9  }
0x5c: {  	(xrf0) =	vadd.scan.msk.s32 $0xffff, v7;
	v8 =	vld [tilespmem:s28+$0xFFFFFFF0];
	_ =	sdelay $0x4  }
0x5d: {  	(xrf0) =	vadd.scan.msk.s32 $0xffff, v8  }
0x5e: {  	v7, _, _ =	vpop (xrf0)  }
0x5f: {  	v9 =	vperm.xlane v7, v2  }
0x60: {  	s30 =	simm.s32 $0x180A0  }
0x61: {  	s0 =	simm.s32 $0x19060;
	[tilespmem:s29+$0xFFFFFFE0] =	vst v6;
	v8 =	vld [tilespmem:s30+$0xFFFFFFE0]  }
0x62: {  	s31 =	simm.s32 $0x1A006;
	[tilespmem:s0+$0xFFFFFFE0] =	vst v7  }
0x63: {  	[tilespmem:s31+$0xFFFFFFFE] =	vst.msk $0x1, v9;
	v9, _, _ =	vpop (xrf0)  }
0x64: {  	[tilespmem:s28+$0xFFFFFFF0] =	vst v6;
	v7 =	vld [tilespmem:s29+$0xFFFFFFF0];
	v10 =	vperm.xlane v9, v2  }
0x65: {  	[tilespmem:s25+$0xFFFFFFF0] =	vst v9  }
0x66: {  	(xrf0) =	vadd.scan.msk.s32 $0xffff, v8;
	[tilespmem:s26+$0xFFFFFFFF] =	vst.msk $0x1, v10  }
0x67: {  	v8 =	vld [tilespmem:s28+$0x0];
	_ =	sdelay $0x1  }
0x68: {  	(xrf0) =	vadd.scan.msk.s32 $0xffff, v7;
	_ =	sdelay $0x2  }
0x69: {  	s1 =	simm.s32 $0x180E0;
	[tilespmem:s30+$0xFFFFFFE0] =	vst v6;
	v7, _, _ =	vpop (xrf0);
	(xrf0) =	vadd.scan.msk.s32 $0xffff, v8  }
0x6a: {  	s4 =	simm.s32 $0x190A0;
	[tilespmem:s29+$0xFFFFFFF0] =	vst v6;
	v9 =	vld [tilespmem:s1+$0xFFFFFFE0];
	v10 =	vperm.xlane v7, v2  }
0x6b: {  	s2 =	simm.s32 $0x1A00A;
	[tilespmem:s4+$0xFFFFFFE0] =	vst v7  }
0x6c: {  	v7, _, _ =	vpop (xrf0);
	[tilespmem:s2+$0xFFFFFFFE] =	vst.msk $0x1, v10  }
0x6d: {  	[tilespmem:s0+$0xFFFFFFF0] =	vst v7;
	v8 =	vperm.xlane v7, v2;
	v7 =	vld [tilespmem:s30+$0xFFFFFFF0];
	_ =	sdelay $0x1  }
0x6e: {  	(xrf0) =	vadd.scan.msk.s32 $0xffff, v9;
	[tilespmem:s31+$0xFFFFFFFF] =	vst.msk $0x1, v8;
	v9, _, _ =	vpop (xrf0)  }
0x6f: {  	[tilespmem:s28+$0x0] =	vst v6;
	v8 =	vld [tilespmem:s29+$0x0];
	v10 =	vperm.xlane v9, v2  }
0x70: {  	[tilespmem:s25+$0x0] =	vst v9  }
0x71: {  	(xrf0) =	vadd.scan.msk.s32 $0xffff, v7;
	[tilespmem:s26+$0x0] =	vst.msk $0x1, v10  }
0x72: {  	v10 =	vld [tilespmem:s28+$0x10];
	_ =	sdelay $0x1  }
0x73: {  	s5 =	simm.s32 $0xC;
	s6 =	simm.s32 $0x18120;
	s13 =	simm.s32 $0x190A0;
	v7 =	vimm.s32 $0x0;
	v11, _, _ =	vpop (xrf0);
	v9 =	vimm.s32 $0x0;
	(xrf0) =	vadd.scan.msk.s32 $0xffff, v8;
	v8 =	vimm.s32 $0x0  }
.LBB2_6:
0x74: {  	v12 =	vld [tilespmem:s6+$0xFFFFFFE0];
	s5 =	sadd.s32 $0x4, s5;
	[tilespmem:s1+$0xFFFFFFE0] =	vst v6;
	v13 =	vperm.xlane v11, v2;
	s4 =	sadd.s32 $0x40, s4;
	s7 =	smov.u32 s31  }
0x75: {  	s31 =	smov.u32 s2;
	s2 =	sadd.s32 $0x4, s2;
	p0 =	slt.u32 s5, $0xFC;
	[tilespmem:s4+$0xFFFFFFE0] =	vst v11  }
0x76: {  	s8 =	smov.u32 s1;
	s1 =	smov.u32 s6;
	[tilespmem:s2+$0xFFFFFFFE] =	vst.msk $0x1, v13;
	v11, _, _ =	vpop (xrf0);
	(xrf0) =	vadd.scan.msk.s32 $0xffff, v10  }
0x77: {  	v10 =	vld [tilespmem:s8+$0xFFFFFFF0];
	[tilespmem:s30+$0xFFFFFFF0] =	vst v7;
	v13 =	vperm.xlane v11, v2  }
0x78: {  	[tilespmem:s13+$0xFFFFFFF0] =	vst v11  }
0x79: {  	(xrf0) =	vadd.scan.msk.s32 $0xffff, v12;
	[tilespmem:s31+$0xFFFFFFFF] =	vst.msk $0x1, v13;
	v11, _, _ =	vpop (xrf0)  }
0x7a: {  	v12 =	vld [tilespmem:s30+$0x0];
	[tilespmem:s29+$0x0] =	vst v8;
	v13 =	vperm.xlane v11, v2  }
.Ltmp2:
0x7b: {  	[tilespmem:s0+$0x0] =	vst v11;
	(pc) =	sbr.rel @p0 .LBB2_6-.Ltmp2, $4  }
0x7c: {  	(xrf0) =	vadd.scan.msk.s32 $0xffff, v10;
	[tilespmem:s7+$0x0] =	vst.msk $0x1, v13;
	v11, _, _ =	vpop (xrf0)  }
0x7d: {  	v10 =	vld [tilespmem:s29+$0x10];
	[tilespmem:s28+$0x10] =	vst v9;
	v13 =	vperm.xlane v11, v2;
	v9 =	vmovc v8;
	v8 =	vmov v7;
	v7 =	vmov v6;
	s28 =	smov.u32 s29;
	s29 =	smov.u32 s30;
	s30 =	smov.u32 s8  }
0x7e: {  	[tilespmem:s25+$0x10] =	vst v11;
	s25 =	smov.u32 s0;
	s0 =	smov.u32 s13;
	s13 =	smov.u32 s4  }
0x7f: {  	s6 =	sadd.s32 $0x40, s6;
	v11, _, _ =	vpop (xrf0);
	(xrf0) =	vadd.scan.msk.s32 $0xffff, v12;
	[tilespmem:s26+$0x1] =	vst.msk $0x1, v13;
	s26 =	smov.u32 s7  }
0x80: {  	[tilespmem:s1+$0xFFFFFFE0] =	vst v6;
	v12 =	vperm.xlane v11, v2;
	s4 =	sadd.s32 $0x40, s4  }
0x81: {  	s5 =	sadd.s32 $0x4, s2;
	[tilespmem:s4+$0xFFFFFFE0] =	vst v11  }
0x82: {  	[tilespmem:s5+$0xFFFFFFFE] =	vst.msk $0x1, v12  }
0x83: {  	v11 =	vld [tilespmem:s1+$0xFFFFFFF0];
	_ =	sdelay $0x3  }
0x84: {  	(xrf0) =	vadd.scan.msk.s32 $0xffff, v10;
	v10, _, _ =	vpop (xrf0)  }
0x85: {  	[tilespmem:s30+$0xFFFFFFF0] =	vst v7;
	(xrf0) =	vadd.scan.msk.s32 $0xffff, v11;
	v11 =	vperm.xlane v10, v2  }
0x86: {  	[tilespmem:s13+$0xFFFFFFF0] =	vst v10;
	v10, _, _ =	vpop (xrf0)  }
0x87: {  	[tilespmem:s2+$0xFFFFFFFF] =	vst.msk $0x1, v11;
	v11 =	vperm.xlane v10, v2;
	_ =	sdelay $0x1  }
0x88: {  	[tilespmem:s29+$0x0] =	vst v8  }
0x89: {  	[tilespmem:s0+$0x0] =	vst v10;
	v10, _, _ =	vpop (xrf0);
	v12 =	vld [tilespmem:s30+$0x0]  }
0x8a: {  	[tilespmem:s31+$0x0] =	vst.msk $0x1, v11;
	v11, _, _ =	vpop (xrf0)  }
0x8b: {  	[tilespmem:s1+$0xFFFFFFF0] =	vst v6;
	v13 =	vperm.xlane v11, v2  }
0x8c: {  	[tilespmem:s4+$0xFFFFFFF0] =	vst v11  }
0x8d: {  	v11 =	vld [tilespmem:s29+$0x10];
	[tilespmem:s5+$0xFFFFFFFF] =	vst.msk $0x1, v13  }
0x8e: {  	(xrf0) =	vadd.scan.msk.s32 $0xffff, v12;
	v13 =	vld [tilespmem:s1+$0x0];
	_ =	sdelay $0x3  }
0x8f: {  	(xrf0) =	vadd.scan.msk.s32 $0xffff, v11  }
0x90: {  	(xrf0) =	vadd.scan.msk.s32 $0xffff, v13  }
0x91: {  	v11, _, _ =	vpop (xrf0)  }
0x92: {  	[tilespmem:s30+$0x0] =	vst v7;
	v12 =	vperm.xlane v11, v2  }
0x93: {  	[tilespmem:s13+$0x0] =	vst v11  }
0x94: {  	[tilespmem:s2+$0x0] =	vst.msk $0x1, v12  }
0x95: {  	v11, _, _ =	vpop (xrf0);
	v13 =	vld [tilespmem:s30+$0x10]  }
0x96: {  	v12, _, _ =	vpop (xrf0)  }
0x97: {  	[tilespmem:s1+$0x0] =	vst v6;
	v14 =	vperm.xlane v12, v2  }
0x98: {  	[tilespmem:s4+$0x0] =	vst v12  }
0x99: {  	[tilespmem:s5+$0x0] =	vst.msk $0x1, v14  }
0x9a: {  	(xrf0) =	vadd.scan.msk.s32 $0xffff, v13;
	v12 =	vld [tilespmem:s1+$0x10];
	_ =	sdelay $0x1  }
0x9b: {  	[tilespmem:s29+$0x10] =	vst v8;
	v8 =	vperm.xlane v11, v2;
	_ =	sdelay $0x1  }
0x9c: {  	[tilespmem:s28+$0x10] =	vst v9  }
0x9d: {  	[tilespmem:s0+$0x10] =	vst v11;
	(xrf0) =	vadd.scan.msk.s32 $0xffff, v12  }
0x9e: {  	[tilespmem:s31+$0x1] =	vst.msk $0x1, v8;
	v8, _, _ =	vpop (xrf0)  }
0x9f: {  	v9 =	vperm.xlane v10, v2;
	[tilespmem:s30+$0x10] =	vst v7;
	v7 =	vperm.xlane v8, v2  }
0xa0: {  	[tilespmem:s25+$0x10] =	vst v10  }
0xa1: {  	[tilespmem:s26+$0x1] =	vst.msk $0x1, v9  }
0xa2: {  	[tilespmem:s13+$0x10] =	vst v8  }
0xa3: {  	[tilespmem:s2+$0x1] =	vst.msk $0x1, v7;
	v7, _, _ =	vpop (xrf0)  }
0xa4: {  	[tilespmem:s1+$0x10] =	vst v6;
	v8 =	vperm.xlane v7, v2  }
0xa5: {  	[tilespmem:s4+$0x10] =	vst v7  }
0xa6: {  	s29 =	simm.s32 $0x0;
	[tilespmem:s5+$0x1] =	vst.msk $0x1, v8  }
0xa7: {  	v7 =	vld [tilespmem:s29+$0x1A000];
	_ =	sdelay $0x4  }
0xa8: {  	(xrf0) =	vadd.scan.msk.s32 $0xffff, v7  }
0xa9: {  	s30 =	simm.s32 $0x10  }
0xaa: {  	v7 =	vld [tilespmem:s30+$0x1A000];
	_ =	sdelay $0x3  }
0xab: {  	v8, _, _ =	vpop (xrf0)  }
0xac: {  	s31 =	simm.s32 $0x20;
	(xrf0) =	vadd.scan.msk.s32 $0xffff, v7;
	v8 =	vadd.s32 v6, v8  }
0xad: {  	v15 =	vld [tilespmem:s31+$0x1A000];
	v9 =	vand.u32 $0xFFFF, v8;
	v10 =	vshrl.u32 v8, $0x10  }
0xae: {  	v11 =	vperm.xlane v8, v2;
	vm0 =	vlt.s32 v9, v4  }
0xaf: {  	v12 =	vmovc v6;
	vm1 =	vlt.s32 v10, v5;
	v8 =	vmpcnt.ones.xlane vm0;
	v13 =	vnsel vm0, $0x0, v9  }
0xb0: {  	s0 =	simm.s32 $0x100;
	s1 =	simm.s32 $0xC0;
	v7 =	vmovc v6;
	v9 =	vmpcnt.ones.xlane vm1;
	v14 =	vnsel vm1, $0x0, v10;
	vm0 =	vgt.s32 v6, v13;
	v10 =	vmovc v6  }
.LBB2_8:
0xb1: {  	p0 =	sne.s32 s0, $0x3C0  }
0xb2: {  	s2 =	sshra.s32 s1, $0x2;
	(xrf0) =	vadd.scan.msk.s32 $0xffff, v15;
	v16, _, _ =	vpop (xrf0);
	v6 =	vadd.s32 v6, v8;
	v7 =	vadd.s32 v7, v9;
	vm1 =	vgt.s32 v10, v14;
	s1 =	smov.u32 s0;
	s0 =	sadd.s32 $0x40, s0  }
.Ltmp3:
0xb3: {  	v12 =	vsel vm0, v12, v13;
	v15 =	vld [tilespmem:s2+$0x1A000];
	v8 =	vadd.s32 v11, v16;
	v10 =	vsel vm1, v10, v14;
	(pc) =	sbr.rel @p0 .LBB2_8-.Ltmp3, $4  }
0xb4: {  	v13 =	vand.u32 $0xFFFF, v8;
	v14 =	vshrl.u32 v8, $0x10;
	v11 =	vperm.xlane v8, v2  }
0xb5: {  	vm0 =	vlt.s32 v13, v4;
	vm1 =	vlt.s32 v14, v5  }
0xb6: {  	v8 =	vmpcnt.ones.xlane vm0;
	v9 =	vmpcnt.ones.xlane vm1;
	v13 =	vnsel vm0, $0x0, v13  }
0xb7: {  	v14 =	vnsel vm1, $0x0, v14;
	vm0 =	vgt.s32 v12, v13  }
0xb8: {  	s0 =	sshra.s32 s1, $0x2  }
0xb9: {  	v16 =	vld [tilespmem:s0+$0x1A000];
	_ =	sdelay $0x1  }
0xba: {  	(xrf0) =	vadd.scan.msk.s32 $0xffff, v15  }
0xbb: {  	v15, _, _ =	vpop (xrf0)  }
0xbc: {  	v11 =	vadd.s32 v11, v15  }
0xbd: {  	v15 =	vshrl.u32 v11, $0x10;
	(xrf0) =	vadd.scan.msk.s32 $0xffff, v16  }
0xbe: {  	vm2 =	vgt.s32 v10, v14;
	v12 =	vsel vm0, v12, v13;
	v13 =	vand.u32 $0xFFFF, v11  }
0xbf: {  	v11 =	vperm.xlane v11, v2;
	vm1 =	vlt.s32 v13, v4;
	vm0 =	vlt.s32 v15, v5  }
0xc0: {  	v10 =	vsel vm2, v10, v14;
	v13 =	vnsel vm1, $0x0, v13;
	v14 =	vnsel vm0, $0x0, v15;
	v15, _, _ =	vpop (xrf0)  }
0xc1: {  	vm2 =	vgt.s32 v12, v13;
	vm3 =	vgt.s32 v10, v14;
	v11 =	vadd.s32 v11, v15  }
0xc2: {  	v12 =	vsel vm2, v12, v13;
	v13 =	vand.u32 $0xFFFF, v11;
	v15 =	vperm.xlane v11, v2  }
0xc3: {  	v10 =	vsel vm3, v10, v14;
	v11 =	vshrl.u32 v11, $0x10;
	vm2 =	vlt.s32 v13, v4;
	v14, _, _ =	vpop (xrf0)  }
0xc4: {  	vm3 =	vlt.s32 v11, v5;
	v13 =	vnsel vm2, $0x0, v13;
	v14 =	vadd.s32 v15, v14  }
0xc5: {  	v11 =	vnsel vm3, $0x0, v11;
	vm4 =	vgt.s32 v12, v13;
	v15 =	vand.u32 $0xFFFF, v14  }
0xc6: {  	vm5 =	vgt.s32 v10, v11;
	v14 =	vshrl.u32 v14, $0x10;
	vm6 =	vlt.s32 v15, v4  }
0xc7: {  	v12 =	vsel vm4, v12, v13;
	vm13 =	vlt.s32 v14, v5;
	v13 =	vnsel vm6, $0x0, v15  }
0xc8: {  	v10 =	vsel vm5, v10, v11;
	v11 =	vnsel vm13, $0x0, v14;
	vm14 =	vgt.s32 v12, v13  }
0xc9: {  	vm7 =	vgt.s32 v10, v11;
	v12 =	vsel vm14, v12, v13  }
0xca: {  	v10 =	vsel vm7, v10, v11;
	v11 =	vor.u32 $0x80000000, v12  }
0xcb: {  	v10 =	vor.u32 $0x80000000, v10;
	(xrf0) =	vmax.scan.msk.u32 $0xffff, v11  }
0xcc: {  	(xrf0) =	vmax.scan.msk.u32 $0xffff, v10;
	_ =	sdelay $0x4  }
0xcd: {  	v6 =	vadd.s32 v6, v8;
	v8, _, _ =	vpop (xrf0)  }
0xce: {  	v7 =	vadd.s32 v7, v9;
	v9 =	vmpcnt.ones.xlane vm1;
	(v2sf) =	vpush v8, $0xF;
	v8, _, _ =	vpop (xrf0)  }
0xcf: {  	v11 =	vmpcnt.ones.xlane vm2;
	v10 =	vmpcnt.ones.xlane vm0;
	(v2sf) =	vpush v8, $0xF  }
0xd0: {  	v6 =	vadd.s32 v6, v9;
	v9 =	vmpcnt.ones.xlane vm6;
	v8 =	vmpcnt.ones.xlane vm3  }
0xd1: {  	v6 =	vadd.s32 v6, v11;
	v7 =	vadd.s32 v7, v10;
	v10 =	vmpcnt.ones.xlane vm13  }
0xd2: {  	v6 =	vadd.s32 v6, v9;
	v7 =	vadd.s32 v7, v8  }
0xd3: {  	v6 =	vshll.u32 v6, $0x4;
	v7 =	vadd.s32 v7, v10  }
0xd4: {  	v8 =	vor.u32 v3, v6;
	v7 =	vshll.u32 v7, $0x4  }
0xd5: {  	v9 =	vor.u32 v3, v7;
	_ =	sdelay $0x1  }
0xd6: {  	s2 =	simm.s32 $0x10040  }
0xd7: {  	v16 =	vld [tilespmem:s2+$0xFFFFFFF0]  }
0xd8: {  	v8 =	vld.idx.msk [tilespmem:v8+s20+$0x0], $0xffff  }
0xd9: {  	v9 =	vld.idx.msk [tilespmem:v9+s20+$0x0], $0xffff;
	_ =	sdelay $0x1  }
0xda: {  	v15 =	vld [tilespmem:s2+$0xFFFFFFE0]  }
0xdb: {  	v12 =	vld [tilespmem:s2+$0xFFFFFFD0];
	s30 =	spop (v2sf)  }
0xdc: {  	v8 =	vand.u32 $0xFFFF, v8;
	s0 =	sxor.u32 $0x80000000, s30;
	s31 =	spop (v2sf)  }
0xdd: {  	v22 =	vshrl.u32 v16, $0x14;
	v13 =	vld [tilespmem:s2+$0x30];
	v10 =	vadd.s32 s0, v8;
	s1 =	sxor.u32 $0x80000000, s31;
	v8 =	vshrl.u32 v9, $0x10  }
0xde: {  	v16 =	vshrl.u32 v16, $0x8;
	vm0 =	vlt.s32 v10, v4;
	v11 =	vadd.s32 s1, v8  }
0xdf: {  	v17 =	vld [tilespmem:s2+$0x0];
	v21 =	vshrl.u32 v15, $0x14;
	v9 =	vmpcnt.ones.xlane vm0;
	vm1 =	vlt.s32 v11, v5  }
0xe0: {  	v19 =	vld [tilespmem:s2+$0x10];
	v15 =	vshrl.u32 v15, $0x8;
	v18 =	vshrl.u32 v12, $0x14;
	v14 =	vmpcnt.ones.xlane vm1  }
0xe1: {  	v20 =	vld [tilespmem:s2+$0x20];
	v12 =	vshrl.u32 v12, $0x8;
	v8 =	vmov s0;
	v6 =	vadd.s32 v6, v9  }
0xe2: {  	v9 =	vmov s1;
	v7 =	vadd.s32 v7, v14;
	v14 =	vshrl.u32 v13, $0x8  }
0xe3: {  	vm3 =	veq.s32 v18, v6;
	v13 =	vshrl.u32 v13, $0x14;
	vm5 =	veq.s32 v21, v6  }
0xe4: {  	vm7 =	veq.s32 v22, v6;
	v29 =	vand.u32 $0xFFF, v14;
	vm2 =	veq.s32 v13, v6  }
0xe5: {  	vm15 =	veq.s32 v13, v7;
	v13 =	vshrl.u32 v17, $0x14;
	vm4 =	veq.s32 v18, v7  }
0xe6: {  	v18 =	vshrl.u32 v19, $0x14;
	vm6 =	veq.s32 v21, v7;
	v21 =	vshrl.u32 v20, $0x14  }
0xe7: {  	vm8 =	veq.s32 v22, v7;
	v17 =	vshrl.u32 v17, $0x8;
	v19 =	vshrl.u32 v19, $0x8  }
0xe8: {  	v23 =	vsel vm2, $0x1, v0;
	v24 =	vsel vm15, $0x10000, v0;
	vm11 =	veq.s32 v13, v6  }
0xe9: {  	v14 =	vld [tilespmem:s2+$0xFFFFFFC0];
	vm12 =	veq.s32 v13, v7;
	vm13 =	veq.s32 v18, v6;
	vm14 =	veq.s32 v18, v7  }
0xea: {  	vm15 =	veq.s32 v21, v6;
	vm2 =	veq.s32 v21, v7;
	v13 =	vshrl.u32 v20, $0x8  }
0xeb: {  	v20 =	vsel vm3, $0x1, v0;
	v22 =	vsel vm4, $0x10000, v0;
	v21 =	vsel vm5, $0x1, v0  }
0xec: {  	v25 =	vsel vm6, $0x10000, v0;
	v28 =	vsel vm8, $0x10000, v0;
	v30 =	vor.u32 v23, v24  }
0xed: {  	v24 =	vsel vm11, $0x1, v0;
	v26 =	vsel vm12, $0x10000, v0;
	v31 =	vsel vm14, $0x10000, v0  }
0xee: {  	v23 =	vshrl.u32 v14, $0x14;
	v14 =	vshrl.u32 v14, $0x8;
	[tilespmem:v29+s19+$0x0] =	vst.idx.add.s32.msk $0xffff, v30;
	v29 =	vsel vm13, $0x1, v0  }
0xef: {  	v30 =	vsel vm15, $0x1, v0;
	vm9 =	veq.s32 v23, v6;
	vm10 =	veq.s32 v23, v7  }
0xf0: {  	s0 =	simm.s32 $0x0;
	s1 =	simm.s32 $0x100C0;
	v23 =	vsel vm7, $0x1, v0;
	v18 =	vsel vm9, $0x1, v0;
	v27 =	vsel vm10, $0x10000, v0  }
.LBB2_10:
0xf1: {  	v32 =	vld [tilespmem:s1+$0x30];
	s0 =	sadd.s32 $0x8, s0;
	v14 =	vand.u32 $0xFFF, v14;
	v33 =	vand.u32 $0xFFF, v12;
	v12 =	vsel vm2, $0x10000, v0  }
0xf2: {  	v15 =	vand.u32 $0xFFF, v15;
	v16 =	vand.u32 $0xFFF, v16;
	v17 =	vand.u32 $0xFFF, v17;
	v34 =	vld [tilespmem:s1+$0xFFFFFFD0];
	p0 =	slt.u32 s0, $0x7F8  }
0xf3: {  	v18 =	vor.u32 v18, v27;
	v19 =	vand.u32 $0xFFF, v19;
	v27 =	vand.u32 $0xFFF, v13;
	v35 =	vld [tilespmem:s1+$0xFFFFFFE0]  }
0xf4: {  	v20 =	vor.u32 v20, v22;
	v21 =	vor.u32 v21, v25;
	v22 =	vor.u32 v23, v28;
	v13 =	vld [tilespmem:s1+$0xFFFFFFF0]  }
0xf5: {  	v24 =	vor.u32 v24, v26;
	v25 =	vor.u32 v29, v31;
	v26 =	vor.u32 v30, v12;
	v23 =	vld [tilespmem:s1+$0x0]  }
0xf6: {  	v28 =	vld [tilespmem:s1+$0x10];
	v29 =	vshrl.u32 v32, $0x8  }
0xf7: {  	v30 =	vshrl.u32 v34, $0x14;
	v12 =	vshrl.u32 v34, $0x8;
	v31 =	vld [tilespmem:s1+$0x20];
	v29 =	vand.u32 $0xFFF, v29  }
0xf8: {  	v32 =	vshrl.u32 v32, $0x14;
	v34 =	vld [tilespmem:s1+$0xFFFFFFC0];
	vm3 =	veq.s32 v30, v6;
	v36 =	vshrl.u32 v35, $0x14  }
0xf9: {  	vm2 =	veq.s32 v32, v6;
	vm4 =	veq.s32 v32, v7;
	v37 =	vshrl.u32 v13, $0x14;
	[tilespmem:v14+s19+$0x0] =	vst.idx.add.s32.msk $0xffff, v18  }
0xfa: {  	v32 =	vsel vm4, $0x10000, v0;
	v18 =	vsel vm2, $0x1, v0;
	v14 =	vshrl.u32 v23, $0x14;
	[tilespmem:v33+s19+$0x0] =	vst.idx.add.s32.msk $0xffff, v20  }
0xfb: {  	s25 =	simm.s32 $0x19020;
	vm4 =	veq.s32 v30, v7;
	v18 =	vor.u32 v18, v32;
	v20 =	vshrl.u32 v28, $0x14;
	[tilespmem:v15+s19+$0x0] =	vst.idx.add.s32.msk $0xffff, v21  }
0xfc: {  	s26 =	simm.s32 $0x1A002;
	s28 =	simm.s32 $0x18020;
	vm5 =	veq.s32 v36, v6;
	vm6 =	veq.s32 v36, v7;
	v15 =	vshrl.u32 v31, $0x14;
	[tilespmem:v29+s19+$0x0] =	vst.idx.add.s32.msk $0xffff, v18  }
0xfd: {  	vm8 =	veq.s32 v37, v6;
	vm7 =	veq.s32 v37, v7;
	v18 =	vshrl.u32 v34, $0x14;
	[tilespmem:v16+s19+$0x0] =	vst.idx.add.s32.msk $0xffff, v22  }
0xfe: {  	vm11 =	veq.s32 v14, v6;
	vm9 =	veq.s32 v18, v6;
	vm10 =	veq.s32 v18, v7  }
0xff: {  	vm12 =	veq.s32 v14, v7;
	vm13 =	veq.s32 v20, v6;
	vm14 =	veq.s32 v20, v7  }
0x100: {  	v14 =	vshrl.u32 v34, $0x8;
	vm15 =	veq.s32 v15, v6;
	vm2 =	veq.s32 v15, v7;
	[tilespmem:v17+s19+$0x0] =	vst.idx.add.s32.msk $0xffff, v24  }
0x101: {  	v15 =	vshrl.u32 v35, $0x8;
	v16 =	vshrl.u32 v13, $0x8;
	v17 =	vshrl.u32 v23, $0x8;
	[tilespmem:v19+s19+$0x0] =	vst.idx.add.s32.msk $0xffff, v25  }
.Ltmp4:
0x102: {  	v13 =	vshrl.u32 v31, $0x8;
	v18 =	vsel vm9, $0x1, v0;
	v19 =	vshrl.u32 v28, $0x8;
	[tilespmem:v27+s19+$0x0] =	vst.idx.add.s32.msk $0xffff, v26;
	(pc) =	sbr.rel @p0 .LBB2_10-.Ltmp4, $4  }
0x103: {  	v20 =	vsel vm3, $0x1, v0;
	v22 =	vsel vm4, $0x10000, v0;
	v27 =	vsel vm10, $0x10000, v0  }
0x104: {  	v21 =	vsel vm5, $0x1, v0;
	v23 =	vsel vm8, $0x1, v0;
	v25 =	vsel vm6, $0x10000, v0  }
0x105: {  	v24 =	vsel vm11, $0x1, v0;
	v28 =	vsel vm7, $0x10000, v0;
	v26 =	vsel vm12, $0x10000, v0  }
0x106: {  	s1 =	sadd.s32 $0x80, s1;
	v29 =	vsel vm13, $0x1, v0;
	v31 =	vsel vm14, $0x10000, v0;
	v30 =	vsel vm15, $0x1, v0  }
0x107: {  	v14 =	vand.u32 $0xFFF, v14  }
0x108: {  	v12 =	vand.u32 $0xFFF, v12  }
0x109: {  	v15 =	vand.u32 $0xFFF, v15  }
0x10a: {  	v16 =	vand.u32 $0xFFF, v16  }
0x10b: {  	v17 =	vand.u32 $0xFFF, v17;
	v18 =	vor.u32 v18, v27  }
0x10c: {  	v19 =	vand.u32 $0xFFF, v19;
	v20 =	vor.u32 v20, v22;
	[tilespmem:v14+s19+$0x0] =	vst.idx.add.s32.msk $0xffff, v18  }
0x10d: {  	v13 =	vand.u32 $0xFFF, v13;
	v14 =	vor.u32 v21, v25;
	[tilespmem:v12+s19+$0x0] =	vst.idx.add.s32.msk $0xffff, v20  }
0x10e: {  	v12 =	vor.u32 v23, v28;
	[tilespmem:v15+s19+$0x0] =	vst.idx.add.s32.msk $0xffff, v14  }
0x10f: {  	v14 =	vor.u32 v24, v26;
	[tilespmem:v16+s19+$0x0] =	vst.idx.add.s32.msk $0xffff, v12  }
0x110: {  	v12 =	vsel vm2, $0x10000, v0;
	v15 =	vor.u32 v29, v31;
	[tilespmem:v17+s19+$0x0] =	vst.idx.add.s32.msk $0xffff, v14  }
0x111: {  	v12 =	vor.u32 v30, v12;
	[tilespmem:v19+s19+$0x0] =	vst.idx.add.s32.msk $0xffff, v15  }
0x112: {  	[tilespmem:v13+s19+$0x0] =	vst.idx.add.s32.msk $0xffff, v12  }
0x113: {  	v12 =	vld [tilespmem:s28+$0xFFFFFFE0];
	_ =	sdelay $0x4  }
0x114: {  	(xrf0) =	vadd.scan.msk.s32 $0xffff, v12;
	_ =	sdelay $0x3  }
0x115: {  	s29 =	simm.s32 $0x18060  }
0x116: {  	v12 =	vld [tilespmem:s29+$0xFFFFFFE0]  }
0x117: {  	v13, _, _ =	vpop (xrf0)  }
0x118: {  	[tilespmem:s28+$0xFFFFFFE0] =	vst v0;
	v14 =	vperm.xlane v13, v2  }
0x119: {  	[tilespmem:s25+$0xFFFFFFE0] =	vst v13  }
0x11a: {  	[tilespmem:s26+$0xFFFFFFFE] =	vst.msk $0x1, v14  }
0x11b: {  	(xrf0) =	vadd.scan.msk.s32 $0xffff, v12;
	v13 =	vld [tilespmem:s28+$0xFFFFFFF0];
	_ =	sdelay $0x4  }
0x11c: {  	(xrf0) =	vadd.scan.msk.s32 $0xffff, v13  }
0x11d: {  	v12, _, _ =	vpop (xrf0)  }
0x11e: {  	s31 =	simm.s32 $0x19060;
	[tilespmem:s29+$0xFFFFFFE0] =	vst v0;
	v14 =	vperm.xlane v12, v2  }
0x11f: {  	s30 =	simm.s32 $0x180A0;
	s0 =	simm.s32 $0x1A006;
	[tilespmem:s31+$0xFFFFFFE0] =	vst v12  }
0x120: {  	v13 =	vld [tilespmem:s30+$0xFFFFFFE0];
	[tilespmem:s0+$0xFFFFFFFE] =	vst.msk $0x1, v14  }
0x121: {  	v12 =	vld [tilespmem:s29+$0xFFFFFFF0]  }
0x122: {  	v14, _, _ =	vpop (xrf0)  }
0x123: {  	[tilespmem:s28+$0xFFFFFFF0] =	vst v0;
	v15 =	vperm.xlane v14, v2  }
0x124: {  	[tilespmem:s25+$0xFFFFFFF0] =	vst v14  }
0x125: {  	(xrf0) =	vadd.scan.msk.s32 $0xffff, v13;
	[tilespmem:s26+$0xFFFFFFFF] =	vst.msk $0x1, v15  }
0x126: {  	(xrf0) =	vadd.scan.msk.s32 $0xffff, v12;
	v13 =	vld [tilespmem:s28+$0x0];
	_ =	sdelay $0x4  }
0x127: {  	s1 =	simm.s32 $0x180E0;
	s4 =	simm.s32 $0x190A0;
	[tilespmem:s30+$0xFFFFFFE0] =	vst v0;
	v12, _, _ =	vpop (xrf0);
	(xrf0) =	vadd.scan.msk.s32 $0xffff, v13  }
0x128: {  	v14 =	vld [tilespmem:s1+$0xFFFFFFE0];
	v15 =	vperm.xlane v12, v2;
	[tilespmem:s4+$0xFFFFFFE0] =	vst v12;
	v12, _, _ =	vpop (xrf0)  }
0x129: {  	s2 =	simm.s32 $0x1A00A;
	[tilespmem:s29+$0xFFFFFFF0] =	vst v0;
	v13 =	vperm.xlane v12, v2  }
0x12a: {  	[tilespmem:s2+$0xFFFFFFFE] =	vst.msk $0x1, v15  }
0x12b: {  	[tilespmem:s31+$0xFFFFFFF0] =	vst v12;
	v12 =	vld [tilespmem:s30+$0xFFFFFFF0];
	_ =	sdelay $0x1  }
0x12c: {  	(xrf0) =	vadd.scan.msk.s32 $0xffff, v14;
	[tilespmem:s0+$0xFFFFFFFF] =	vst.msk $0x1, v13;
	v13, _, _ =	vpop (xrf0)  }
0x12d: {  	[tilespmem:s28+$0x0] =	vst v0;
	v14 =	vld [tilespmem:s29+$0x0];
	v15 =	vperm.xlane v13, v2  }
0x12e: {  	[tilespmem:s25+$0x0] =	vst v13  }
0x12f: {  	(xrf0) =	vadd.scan.msk.s32 $0xffff, v12;
	[tilespmem:s26+$0x0] =	vst.msk $0x1, v15  }
0x130: {  	v12 =	vld [tilespmem:s28+$0x10];
	_ =	sdelay $0x1  }
0x131: {  	s5 =	simm.s32 $0xC;
	s6 =	simm.s32 $0x18120;
	s13 =	simm.s32 $0x190A0;
	v13, _, _ =	vpop (xrf0);
	(xrf0) =	vadd.scan.msk.s32 $0xffff, v14  }
.LBB2_12:
0x132: {  	v14 =	vld [tilespmem:s6+$0xFFFFFFE0];
	s5 =	sadd.s32 $0x4, s5;
	[tilespmem:s1+$0xFFFFFFE0] =	vst v0;
	v15 =	vperm.xlane v13, v2;
	s4 =	sadd.s32 $0x40, s4;
	s7 =	smov.u32 s2  }
0x133: {  	s2 =	sadd.s32 $0x4, s2;
	s8 =	smov.u32 s1;
	p0 =	slt.u32 s5, $0xFC;
	[tilespmem:s4+$0xFFFFFFE0] =	vst v13  }
0x134: {  	s1 =	smov.u32 s6;
	[tilespmem:s2+$0xFFFFFFFE] =	vst.msk $0x1, v15;
	v13, _, _ =	vpop (xrf0);
	(xrf0) =	vadd.scan.msk.s32 $0xffff, v12  }
0x135: {  	v12 =	vld [tilespmem:s8+$0xFFFFFFF0];
	[tilespmem:s30+$0xFFFFFFF0] =	vst v0;
	v15 =	vperm.xlane v13, v2  }
0x136: {  	[tilespmem:s13+$0xFFFFFFF0] =	vst v13  }
0x137: {  	(xrf0) =	vadd.scan.msk.s32 $0xffff, v14;
	[tilespmem:s7+$0xFFFFFFFF] =	vst.msk $0x1, v15;
	v13, _, _ =	vpop (xrf0)  }
0x138: {  	v14 =	vld [tilespmem:s30+$0x0];
	[tilespmem:s29+$0x0] =	vst v0;
	v15 =	vperm.xlane v13, v2  }
.Ltmp5:
0x139: {  	[tilespmem:s31+$0x0] =	vst v13;
	(pc) =	sbr.rel @p0 .LBB2_12-.Ltmp5, $4  }
0x13a: {  	(xrf0) =	vadd.scan.msk.s32 $0xffff, v12;
	[tilespmem:s0+$0x0] =	vst.msk $0x1, v15;
	v13, _, _ =	vpop (xrf0)  }
0x13b: {  	v12 =	vld [tilespmem:s29+$0x10];
	[tilespmem:s28+$0x10] =	vst v0;
	v15 =	vperm.xlane v13, v2;
	s28 =	smov.u32 s29;
	s29 =	smov.u32 s30;
	s30 =	smov.u32 s8  }
0x13c: {  	[tilespmem:s25+$0x10] =	vst v13;
	s25 =	smov.u32 s31;
	s31 =	smov.u32 s13;
	s13 =	smov.u32 s4  }
0x13d: {  	s6 =	sadd.s32 $0x40, s6;
	v13, _, _ =	vpop (xrf0);
	(xrf0) =	vadd.scan.msk.s32 $0xffff, v14;
	[tilespmem:s26+$0x1] =	vst.msk $0x1, v15;
	s26 =	smov.u32 s0;
	s0 =	smov.u32 s7  }
0x13e: {  	[tilespmem:s1+$0xFFFFFFE0] =	vst v0;
	v14 =	vperm.xlane v13, v2;
	s4 =	sadd.s32 $0x40, s4  }
0x13f: {  	s5 =	sadd.s32 $0x4, s2;
	[tilespmem:s4+$0xFFFFFFE0] =	vst v13  }
0x140: {  	[tilespmem:s5+$0xFFFFFFFE] =	vst.msk $0x1, v14  }
0x141: {  	v13 =	vld [tilespmem:s1+$0xFFFFFFF0];
	_ =	sdelay $0x3  }
0x142: {  	(xrf0) =	vadd.scan.msk.s32 $0xffff, v12;
	v12, _, _ =	vpop (xrf0)  }
0x143: {  	[tilespmem:s30+$0xFFFFFFF0] =	vst v0;
	(xrf0) =	vadd.scan.msk.s32 $0xffff, v13;
	v13 =	vperm.xlane v12, v2  }
0x144: {  	[tilespmem:s13+$0xFFFFFFF0] =	vst v12;
	v12, _, _ =	vpop (xrf0)  }
0x145: {  	[tilespmem:s2+$0xFFFFFFFF] =	vst.msk $0x1, v13;
	v13 =	vperm.xlane v12, v2;
	_ =	sdelay $0x1  }
0x146: {  	[tilespmem:s29+$0x0] =	vst v0  }
0x147: {  	[tilespmem:s31+$0x0] =	vst v12;
	v12, _, _ =	vpop (xrf0);
	v14 =	vld [tilespmem:s30+$0x0]  }
0x148: {  	[tilespmem:s0+$0x0] =	vst.msk $0x1, v13;
	v13, _, _ =	vpop (xrf0)  }
0x149: {  	[tilespmem:s1+$0xFFFFFFF0] =	vst v0;
	v15 =	vperm.xlane v13, v2  }
0x14a: {  	[tilespmem:s4+$0xFFFFFFF0] =	vst v13  }
0x14b: {  	v13 =	vld [tilespmem:s29+$0x10];
	[tilespmem:s5+$0xFFFFFFFF] =	vst.msk $0x1, v15  }
0x14c: {  	(xrf0) =	vadd.scan.msk.s32 $0xffff, v14;
	v15 =	vld [tilespmem:s1+$0x0];
	_ =	sdelay $0x3  }
0x14d: {  	(xrf0) =	vadd.scan.msk.s32 $0xffff, v13  }
0x14e: {  	(xrf0) =	vadd.scan.msk.s32 $0xffff, v15  }
0x14f: {  	v13, _, _ =	vpop (xrf0)  }
0x150: {  	v14 =	vperm.xlane v13, v2;
	_ =	sdelay $0x1  }
0x151: {  	[tilespmem:s30+$0x0] =	vst v0  }
0x152: {  	[tilespmem:s13+$0x0] =	vst v13;
	v13, _, _ =	vpop (xrf0)  }
0x153: {  	[tilespmem:s2+$0x0] =	vst.msk $0x1, v14;
	v14, _, _ =	vpop (xrf0)  }
0x154: {  	[tilespmem:s1+$0x0] =	vst v0;
	v15 =	vperm.xlane v14, v2  }
0x155: {  	[tilespmem:s4+$0x0] =	vst v14  }
0x156: {  	v14 =	vld [tilespmem:s30+$0x10];
	[tilespmem:s5+$0x0] =	vst.msk $0x1, v15  }
0x157: {  	v15 =	vld [tilespmem:s1+$0x10];
	_ =	sdelay $0x3  }
0x158: {  	v10 =	vxor.u32 $0x80000000, v10;
	(xrf0) =	vadd.scan.msk.s32 $0xffff, v14  }
0x159: {  	v11 =	vxor.u32 $0x80000000, v11;
	v10 =	vnsel vm0, $0x80000000, v10;
	(xrf0) =	vadd.scan.msk.s32 $0xffff, v15  }
0x15a: {  	(xrf0) =	vmax.scan.msk.u32 $0xffff, v10;
	v10 =	vnsel vm1, $0x80000000, v11  }
0x15b: {  	(xrf0) =	vmax.scan.msk.u32 $0xffff, v10  }
0x15c: {  	v11 =	vperm.xlane v12, v2;
	_ =	sdelay $0x1  }
0x15d: {  	[tilespmem:s28+$0x10] =	vst v0;
	v10, _, _ =	vpop (xrf0)  }
0x15e: {  	[tilespmem:s25+$0x10] =	vst v12;
	v14, _, _ =	vpop (xrf0)  }
0x15f: {  	[tilespmem:s26+$0x1] =	vst.msk $0x1, v11;
	v11, _, _ =	vpop (xrf0)  }
0x160: {  	(v2sf) =	vpush v11, $0xF;
	v11, _, _ =	vpop (xrf0)  }
0x161: {  	(v2sf) =	vpush v11, $0xF  }
0x162: {  	[tilespmem:s29+$0x10] =	vst v0  }
0x163: {  	[tilespmem:s31+$0x10] =	vst v13  }
0x164: {  	[tilespmem:s30+$0x10] =	vst v0;
	v12 =	vperm.xlane v13, v2  }
0x165: {  	[tilespmem:s1+$0x10] =	vst v0  }
0x166: {  	[tilespmem:s0+$0x1] =	vst.msk $0x1, v12  }
0x167: {  	[tilespmem:s13+$0x10] =	vst v10;
	v11 =	vperm.xlane v10, v2  }
0x168: {  	[tilespmem:s4+$0x10] =	vst v14;
	v10 =	vperm.xlane v14, v2  }
0x169: {  	[tilespmem:s2+$0x1] =	vst.msk $0x1, v11  }
0x16a: {  	s26 =	simm.s32 $0x0;
	[tilespmem:s5+$0x1] =	vst.msk $0x1, v10  }
0x16b: {  	v10 =	vld [tilespmem:s26+$0x1A000];
	_ =	sdelay $0x3  }
0x16c: {  	s28 =	spop (v2sf)  }
0x16d: {  	(xrf0) =	vadd.scan.msk.s32 $0xffff, v10;
	s29 =	spop (v2sf)  }
0x16e: {  	s1 =	sxor.u32 $0x80000000, s29  }
0x16f: {  	s30 =	simm.s32 $0x10;
	vm1 =	vgt.s32 v9, s1  }
0x170: {  	v14 =	vld [tilespmem:s30+$0x1A000];
	s0 =	sxor.u32 $0x80000000, s28;
	v9 =	vnsel vm1, s1, v9  }
0x171: {  	vm0 =	vgt.s32 v8, s0  }
0x172: {  	v8 =	vnsel vm0, s0, v8  }
0x173: {  	v10 =	vimm.s32 $0x0;
	v8 =	vbroadcast v8, $0x0;
	v11 =	vbroadcast v9, $0x0;
	v9, _, _ =	vpop (xrf0)  }
0x174: {  	v12 =	vadd.s32 v10, v9  }
0x175: {  	s31 =	simm.s32 $0x20;
	(xrf0) =	vadd.scan.msk.s32 $0xffff, v14;
	v9 =	vsub.s32 v4, v8;
	v8 =	vsub.s32 v5, v11;
	v11 =	vand.u32 $0xFFFF, v12  }
0x176: {  	v19 =	vld [tilespmem:s31+$0x1A000];
	v14 =	vimm.s32 $0x0;
	v16 =	vshrl.u32 v12, $0x10;
	vm0 =	vlt.s32 v11, v9  }
0x177: {  	v15 =	vperm.xlane v12, v2;
	vm1 =	vlt.s32 v16, v8;
	v12 =	vmpcnt.ones.xlane vm0  }
0x178: {  	v18 =	vnsel vm0, $0x0, v11;
	v13 =	vmpcnt.ones.xlane vm1;
	v17 =	vnsel vm1, $0x0, v16  }
0x179: {  	s0 =	simm.s32 $0x100;
	s1 =	simm.s32 $0xC0;
	v11 =	vimm.s32 $0x0;
	v16 =	vimm.s32 $0x0;
	vm0 =	vgt.s32 v10, v18  }
.LBB2_14:
0x17a: {  	p0 =	sne.s32 s0, $0x3C0  }
0x17b: {  	s2 =	sshra.s32 s1, $0x2;
	(xrf0) =	vadd.scan.msk.s32 $0xffff, v19;
	v20, _, _ =	vpop (xrf0);
	v10 =	vadd.s32 v10, v12;
	v11 =	vadd.s32 v11, v13;
	vm1 =	vgt.s32 v14, v17;
	s1 =	smov.u32 s0;
	s0 =	sadd.s32 $0x40, s0  }
.Ltmp6:
0x17c: {  	v16 =	vsel vm0, v16, v18;
	v19 =	vld [tilespmem:s2+$0x1A000];
	v12 =	vadd.s32 v15, v20;
	v14 =	vsel vm1, v14, v17;
	(pc) =	sbr.rel @p0 .LBB2_14-.Ltmp6, $4  }
0x17d: {  	v17 =	vand.u32 $0xFFFF, v12;
	v20 =	vshrl.u32 v12, $0x10;
	v15 =	vperm.xlane v12, v2  }
0x17e: {  	vm0 =	vlt.s32 v17, v9;
	vm1 =	vlt.s32 v20, v8  }
0x17f: {  	v12 =	vmpcnt.ones.xlane vm0;
	v13 =	vmpcnt.ones.xlane vm1;
	v18 =	vnsel vm0, $0x0, v17  }
0x180: {  	v17 =	vnsel vm1, $0x0, v20;
	vm0 =	vgt.s32 v16, v18  }
0x181: {  	s0 =	sshra.s32 s1, $0x2  }
0x182: {  	v20 =	vld [tilespmem:s0+$0x1A000];
	_ =	sdelay $0x1  }
0x183: {  	(xrf0) =	vadd.scan.msk.s32 $0xffff, v19  }
0x184: {  	v19, _, _ =	vpop (xrf0)  }
0x185: {  	v15 =	vadd.s32 v15, v19  }
0x186: {  	v19 =	vshrl.u32 v15, $0x10;
	(xrf0) =	vadd.scan.msk.s32 $0xffff, v20  }
0x187: {  	vm2 =	vgt.s32 v14, v17;
	v16 =	vsel vm0, v16, v18;
	v18 =	vand.u32 $0xFFFF, v15  }
0x188: {  	v15 =	vperm.xlane v15, v2;
	vm1 =	vlt.s32 v18, v9;
	vm0 =	vlt.s32 v19, v8  }
0x189: {  	v14 =	vsel vm2, v14, v17;
	v17 =	vnsel vm1, $0x0, v18;
	v18 =	vnsel vm0, $0x0, v19;
	v19, _, _ =	vpop (xrf0)  }
0x18a: {  	vm2 =	vgt.s32 v16, v17;
	vm3 =	vgt.s32 v14, v18;
	v15 =	vadd.s32 v15, v19  }
0x18b: {  	v16 =	vsel vm2, v16, v17;
	v17 =	vand.u32 $0xFFFF, v15;
	v19 =	vperm.xlane v15, v2  }
0x18c: {  	v14 =	vsel vm3, v14, v18;
	v15 =	vshrl.u32 v15, $0x10;
	vm2 =	vlt.s32 v17, v9;
	v18, _, _ =	vpop (xrf0)  }
0x18d: {  	vm3 =	vlt.s32 v15, v8;
	v17 =	vnsel vm2, $0x0, v17;
	v18 =	vadd.s32 v19, v18  }
0x18e: {  	v15 =	vnsel vm3, $0x0, v15;
	vm4 =	vgt.s32 v16, v17;
	v19 =	vand.u32 $0xFFFF, v18  }
0x18f: {  	vm5 =	vgt.s32 v14, v15;
	v18 =	vshrl.u32 v18, $0x10;
	vm6 =	vlt.s32 v19, v9  }
0x190: {  	v16 =	vsel vm4, v16, v17;
	vm4 =	vlt.s32 v18, v8;
	v17 =	vnsel vm6, $0x0, v19  }
0x191: {  	v14 =	vsel vm5, v14, v15;
	v15 =	vnsel vm4, $0x0, v18;
	vm5 =	vgt.s32 v16, v17  }
0x192: {  	vm7 =	vgt.s32 v14, v15;
	v16 =	vsel vm5, v16, v17  }
0x193: {  	v14 =	vsel vm7, v14, v15;
	v15 =	vor.u32 $0x80000000, v16  }
0x194: {  	v14 =	vor.u32 $0x80000000, v14;
	(xrf0) =	vmax.scan.msk.u32 $0xffff, v15  }
0x195: {  	(xrf0) =	vmax.scan.msk.u32 $0xffff, v14;
	_ =	sdelay $0x4  }
0x196: {  	v10 =	vadd.s32 v10, v12;
	v12, _, _ =	vpop (xrf0)  }
0x197: {  	v11 =	vadd.s32 v11, v13;
	v13 =	vmpcnt.ones.xlane vm1;
	(v2sf) =	vpush v12, $0xF;
	v12, _, _ =	vpop (xrf0)  }
0x198: {  	v15 =	vmpcnt.ones.xlane vm2;
	v14 =	vmpcnt.ones.xlane vm0;
	(v2sf) =	vpush v12, $0xF  }
0x199: {  	v10 =	vadd.s32 v10, v13;
	v13 =	vmpcnt.ones.xlane vm6;
	v12 =	vmpcnt.ones.xlane vm3  }
0x19a: {  	v10 =	vadd.s32 v10, v15;
	v11 =	vadd.s32 v11, v14;
	v14 =	vmpcnt.ones.xlane vm4  }
0x19b: {  	v10 =	vadd.s32 v10, v13;
	v11 =	vadd.s32 v11, v12  }
0x19c: {  	v16 =	vshll.u32 v10, $0x4;
	v11 =	vadd.s32 v11, v14  }
0x19d: {  	v10 =	vor.u32 v3, v16;
	v17 =	vshll.u32 v11, $0x4  }
0x19e: {  	v11 =	vor.u32 v3, v17;
	_ =	sdelay $0x3  }
0x19f: {  	v10 =	vld.idx.msk [tilespmem:v10+s20+$0x0], $0xffff  }
0x1a0: {  	s2 =	simm.s32 $0x10040;
	v11 =	vld.idx.msk [tilespmem:v11+s20+$0x0], $0xffff  }
0x1a1: {  	v20 =	vld [tilespmem:s2+$0x30]  }
0x1a2: {  	v6 =	vshll.u32 v6, $0xC  }
0x1a3: {  	v6 =	vadd.s32 v6, v16;
	v16 =	vld [tilespmem:s2+$0x0];
	s30 =	spop (v2sf)  }
0x1a4: {  	v14 =	vld [tilespmem:s2+$0xFFFFFFE0];
	v10 =	vand.u32 $0xFFFF, v10;
	s0 =	sxor.u32 $0x80000000, s30;
	s31 =	spop (v2sf)  }
0x1a5: {  	v12 =	vadd.s32 s0, v10;
	s1 =	sxor.u32 $0x80000000, s31;
	v10 =	vshrl.u32 v11, $0x10  }
0x1a6: {  	v7 =	vshll.u32 v7, $0xC;
	v29 =	vand.u32 $0xFF, v20;
	v18 =	vld [tilespmem:s2+$0xFFFFFFD0];
	v13 =	vadd.s32 s1, v10  }
0x1a7: {  	v22 =	vshrl.u32 v20, $0x8;
	vm0 =	vlt.s32 v12, v9;
	vm1 =	vlt.s32 v13, v8  }
0x1a8: {  	v15 =	vld [tilespmem:s2+$0xFFFFFFF0];
	v26 =	vshrl.u32 v16, $0x8;
	v19 =	vmpcnt.ones.xlane vm0;
	v21 =	vmpcnt.ones.xlane vm1  }
0x1a9: {  	v17 =	vadd.s32 v7, v17;
	v23 =	vshrl.u32 v14, $0x8;
	v10 =	vmov s0  }
0x1aa: {  	v11 =	vmov s1;
	v7 =	vadd.s32 v19, v6;
	v6 =	vadd.s32 v21, v17  }
0x1ab: {  	v21 =	vshrl.u32 v18, $0x8;
	v18 =	vand.u32 $0xFF, v18;
	vm2 =	veq.s32 v22, v7  }
0x1ac: {  	v20 =	vld [tilespmem:s2+$0xFFFFFFC0];
	vm7 =	veq.s32 v23, v7;
	vm11 =	veq.s32 v26, v7;
	vm3 =	veq.s32 v22, v6  }
0x1ad: {  	v19 =	vld [tilespmem:s2+$0x20];
	v22 =	vshrl.u32 v15, $0x8;
	v24 =	vsel vm2, $0x1, v0;
	vm5 =	veq.s32 v21, v7  }
0x1ae: {  	vm6 =	veq.s32 v21, v6;
	vm8 =	veq.s32 v23, v6;
	vm13 =	veq.s32 v26, v6  }
0x1af: {  	v17 =	vld [tilespmem:s2+$0x10];
	v25 =	vsel vm3, $0x10000, v0;
	vm9 =	veq.s32 v22, v7;
	vm10 =	veq.s32 v22, v6  }
0x1b0: {  	v26 =	vsel vm6, $0x10000, v0;
	v28 =	vsel vm8, $0x10000, v0;
	v31 =	vsel vm13, $0x10000, v0  }
0x1b1: {  	v30 =	vor.u32 v24, v25;
	v24 =	vshrl.u32 v20, $0x8;
	v25 =	vsel vm9, $0x1, v0  }
0x1b2: {  	v27 =	vsel vm10, $0x10000, v0;
	v23 =	vshrl.u32 v19, $0x8;
	vm4 =	veq.s32 v24, v7  }
0x1b3: {  	vm12 =	veq.s32 v24, v6;
	v24 =	vsel vm7, $0x1, v0;
	[tilespmem:v29+s19+$0x0] =	vst.idx.add.s32.msk $0xffff, v30;
	v30 =	vsel vm11, $0x1, v0  }
0x1b4: {  	v21 =	vshrl.u32 v17, $0x8;
	vm2 =	veq.s32 v23, v7;
	v22 =	vsel vm12, $0x10000, v0  }
0x1b5: {  	vm14 =	veq.s32 v21, v7;
	vm3 =	veq.s32 v21, v6;
	v21 =	vsel vm4, $0x1, v0  }
0x1b6: {  	s0 =	simm.s32 $0x0;
	s1 =	simm.s32 $0x100C0;
	vm4 =	veq.s32 v23, v6;
	v23 =	vsel vm5, $0x1, v0;
	v29 =	vsel vm14, $0x1, v0  }
.LBB2_16:
0x1b7: {  	v32 =	vld [tilespmem:s1+$0x30];
	s0 =	sadd.s32 $0x8, s0;
	v33 =	vsel vm3, $0x10000, v0;
	v34 =	vsel vm2, $0x1, v0;
	v35 =	vsel vm4, $0x10000, v0  }
0x1b8: {  	v37 =	vand.u32 $0xFF, v20;
	v38 =	vand.u32 $0xFF, v14;
	v39 =	vand.u32 $0xFF, v15;
	v36 =	vld [tilespmem:s1+$0xFFFFFFD0];
	p0 =	slt.u32 s0, $0x7F8  }
0x1b9: {  	v40 =	vand.u32 $0xFF, v16;
	v41 =	vand.u32 $0xFF, v17;
	v42 =	vand.u32 $0xFF, v19;
	v14 =	vld [tilespmem:s1+$0xFFFFFFE0]  }
0x1ba: {  	v21 =	vor.u32 v21, v22;
	v22 =	vor.u32 v23, v26;
	v23 =	vor.u32 v24, v28;
	v15 =	vld [tilespmem:s1+$0xFFFFFFF0]  }
0x1bb: {  	v24 =	vor.u32 v25, v27;
	v25 =	vor.u32 v30, v31;
	v27 =	vor.u32 v29, v33;
	v16 =	vld [tilespmem:s1+$0x0]  }
0x1bc: {  	v29 =	vor.u32 v34, v35;
	v17 =	vld [tilespmem:s1+$0x10];
	v26 =	vand.u32 $0xFF, v32  }
0x1bd: {  	v31 =	vshrl.u32 v32, $0x8;
	v28 =	vshrl.u32 v36, $0x8;
	v30 =	vand.u32 $0xFF, v36;
	v19 =	vld [tilespmem:s1+$0x20]  }
0x1be: {  	vm2 =	veq.s32 v31, v7;
	vm3 =	veq.s32 v31, v6;
	v20 =	vld [tilespmem:s1+$0xFFFFFFC0];
	v32 =	vshrl.u32 v14, $0x8  }
0x1bf: {  	v33 =	vsel vm2, $0x1, v0;
	v34 =	vsel vm3, $0x10000, v0;
	v31 =	vshrl.u32 v15, $0x8;
	[tilespmem:v37+s19+$0x0] =	vst.idx.add.s32.msk $0xffff, v21  }
0x1c0: {  	vm5 =	veq.s32 v28, v7;
	v33 =	vor.u32 v33, v34;
	v21 =	vshrl.u32 v16, $0x8;
	[tilespmem:v18+s19+$0x0] =	vst.idx.add.s32.msk $0xffff, v22  }
0x1c1: {  	vm6 =	veq.s32 v28, v6;
	vm7 =	veq.s32 v32, v7;
	v22 =	vshrl.u32 v17, $0x8;
	[tilespmem:v26+s19+$0x0] =	vst.idx.add.s32.msk $0xffff, v33  }
0x1c2: {  	vm8 =	veq.s32 v32, v6;
	vm9 =	veq.s32 v31, v7;
	v26 =	vshrl.u32 v19, $0x8;
	[tilespmem:v38+s19+$0x0] =	vst.idx.add.s32.msk $0xffff, v23  }
0x1c3: {  	vm10 =	veq.s32 v31, v6;
	vm11 =	veq.s32 v21, v7;
	v23 =	vshrl.u32 v20, $0x8;
	[tilespmem:v39+s19+$0x0] =	vst.idx.add.s32.msk $0xffff, v24  }
0x1c4: {  	v18 =	vmovc v30;
	vm13 =	veq.s32 v21, v6;
	vm4 =	veq.s32 v23, v7;
	vm12 =	veq.s32 v23, v6  }
.Ltmp7:
0x1c5: {  	vm14 =	veq.s32 v22, v7;
	vm3 =	veq.s32 v22, v6;
	vm2 =	veq.s32 v26, v7;
	(pc) =	sbr.rel @p0 .LBB2_16-.Ltmp7, $4  }
0x1c6: {  	v21 =	vsel vm4, $0x1, v0;
	v22 =	vsel vm12, $0x10000, v0;
	vm4 =	veq.s32 v26, v6;
	[tilespmem:v40+s19+$0x0] =	vst.idx.add.s32.msk $0xffff, v25  }
0x1c7: {  	v24 =	vsel vm7, $0x1, v0;
	v23 =	vsel vm5, $0x1, v0;
	v26 =	vsel vm6, $0x10000, v0;
	[tilespmem:v41+s19+$0x0] =	vst.idx.add.s32.msk $0xffff, v27  }
0x1c8: {  	v28 =	vsel vm8, $0x10000, v0;
	v25 =	vsel vm9, $0x1, v0;
	v27 =	vsel vm10, $0x10000, v0;
	[tilespmem:v42+s19+$0x0] =	vst.idx.add.s32.msk $0xffff, v29  }
0x1c9: {  	s1 =	sadd.s32 $0x80, s1;
	v30 =	vsel vm11, $0x1, v0;
	v31 =	vsel vm13, $0x10000, v0;
	v29 =	vsel vm14, $0x1, v0  }
0x1ca: {  	v12 =	vxor.u32 $0x80000000, v12  }
0x1cb: {  	v13 =	vxor.u32 $0x80000000, v13;
	v12 =	vnsel vm0, $0x80000000, v12  }
0x1cc: {  	(xrf0) =	vmax.scan.msk.u32 $0xffff, v12;
	v12 =	vnsel vm1, $0x80000000, v13  }
0x1cd: {  	(xrf0) =	vmax.scan.msk.u32 $0xffff, v12;
	_ =	sdelay $0x4  }
0x1ce: {  	v12 =	vand.u32 $0xFF, v20;
	v13, _, _ =	vpop (xrf0)  }
0x1cf: {  	v14 =	vand.u32 $0xFF, v14;
	(v2sf) =	vpush v13, $0xF;
	v13, _, _ =	vpop (xrf0)  }
0x1d0: {  	(v2sf) =	vpush v13, $0xF  }
0x1d1: {  	v17 =	vand.u32 $0xFF, v17  }
0x1d2: {  	v13 =	vand.u32 $0xFF, v15;
	v15 =	vand.u32 $0xFF, v16;
	v16 =	vor.u32 v21, v22  }
0x1d3: {  	[tilespmem:v12+s19+$0x0] =	vst.idx.add.s32.msk $0xffff, v16;
	v16 =	vor.u32 v24, v28  }
0x1d4: {  	v20 =	vor.u32 v23, v26;
	v12 =	vand.u32 $0xFF, v19;
	[tilespmem:v14+s19+$0x0] =	vst.idx.add.s32.msk $0xffff, v16;
	v14 =	vsel vm3, $0x10000, v0  }
0x1d5: {  	[tilespmem:v18+s19+$0x0] =	vst.idx.add.s32.msk $0xffff, v20;
	v14 =	vor.u32 v29, v14  }
0x1d6: {  	v18 =	vor.u32 v25, v27;
	[tilespmem:v17+s19+$0x0] =	vst.idx.add.s32.msk $0xffff, v14  }
0x1d7: {  	v16 =	vor.u32 v30, v31;
	[tilespmem:v13+s19+$0x0] =	vst.idx.add.s32.msk $0xffff, v18;
	v13 =	vsel vm2, $0x1, v0;
	v18 =	vsel vm4, $0x10000, v0  }
0x1d8: {  	[tilespmem:v15+s19+$0x0] =	vst.idx.add.s32.msk $0xffff, v16;
	v13 =	vor.u32 v13, v18  }
0x1d9: {  	s0 =	simm.s32 $0x18020;
	[tilespmem:v12+s19+$0x0] =	vst.idx.add.s32.msk $0xffff, v13  }
0x1da: {  	v12 =	vld [tilespmem:s0+$0xFFFFFFE0];
	_ =	sdelay $0x2  }
0x1db: {  	v13 =	vld [tilespmem:s0+$0xFFFFFFF0]  }
0x1dc: {  	s1 =	spop (v2sf)  }
0x1dd: {  	s25 =	simm.s32 $0x18060;
	v15 =	vld [tilespmem:s0+$0x0];
	v14 =	vand.u32 $0xFFFF, v12;
	s2 =	spop (v2sf)  }
0x1de: {  	v17 =	vld [tilespmem:s25+$0xFFFFFFE0];
	v12 =	vshrl.u32 v12, $0x10;
	(xrf0) =	vadd.scan.msk.s32 $0xffff, v14;
	s2 =	sxor.u32 $0x80000000, s2  }
0x1df: {  	s1 =	sxor.u32 $0x80000000, s1;
	(xrf0) =	vadd.scan.msk.s32 $0xffff, v12;
	vm9 =	vgt.s32 v11, s2  }
0x1e0: {  	v16 =	vld [tilespmem:s25+$0xFFFFFFF0];
	v12 =	vand.u32 $0xFFFF, v13;
	vm8 =	vgt.s32 v10, s1;
	v11 =	vnsel vm9, s2, v11  }
0x1e1: {  	v14 =	vld [tilespmem:s0+$0x10];
	v13 =	vshrl.u32 v13, $0x10;
	(xrf0) =	vadd.scan.msk.s32 $0xffff, v12;
	v10 =	vnsel vm8, s1, v10;
	v11 =	vbroadcast v11, $0x0  }
0x1e2: {  	(xrf0) =	vadd.scan.msk.s32 $0xffff, v13;
	v10 =	vbroadcast v10, $0x0  }
0x1e3: {  	[tilespmem:s0+$0xFFFFFFF0] =	vst v0;
	v19 =	vand.u32 $0xFFFF, v17;
	v8 =	vsub.s32 v8, v11;
	v11 =	vand.u32 $0xFFFF, v15  }
0x1e4: {  	v9 =	vsub.s32 v9, v10;
	v10 =	vimm.s32 $0x0;
	v18, _, _ =	vpop (xrf0);
	v15 =	vshrl.u32 v15, $0x10;
	(xrf0) =	vadd.scan.msk.s32 $0xffff, v11  }
0x1e5: {  	v12 =	vand.u32 $0xFFFF, v16;
	v11 =	vshrl.u32 v16, $0x10;
	v16, _, _ =	vpop (xrf0);
	(xrf0) =	vadd.scan.msk.s32 $0xffff, v15;
	v15 =	vadd.s32 v10, v18  }
0x1e6: {  	[tilespmem:s0+$0xFFFFFFE0] =	vst v0;
	v13 =	vand.u32 $0xFFFF, v14;
	v16 =	vadd.s32 v10, v16;
	v18 =	vperm.xlane v15, v2  }
0x1e7: {  	v14 =	vshrl.u32 v14, $0x10;
	v20, _, _ =	vpop (xrf0);
	vm10 =	vlt.s32 v16, v8;
	v16 =	vperm.xlane v16, v2;
	(xrf0) =	vadd.scan.msk.s32 $0xffff, v13  }
0x1e8: {  	v17 =	vshrl.u32 v17, $0x10;
	vm11 =	vlt.s32 v15, v9;
	v21, _, _ =	vpop (xrf0);
	(xrf0) =	vadd.scan.msk.s32 $0xffff, v14;
	v14 =	vadd.s32 v18, v20  }
0x1e9: {  	[tilespmem:s25+$0xFFFFFFF0] =	vst v0;
	v15 =	vmpcnt.ones.xlane vm10;
	v13 =	vmpcnt.ones.xlane vm11;
	v16 =	vadd.s32 v16, v21  }
0x1ea: {  	[tilespmem:s25+$0xFFFFFFE0] =	vst v0;
	vm12 =	vlt.s32 v16, v8;
	v18 =	vperm.xlane v14, v2;
	v16 =	vperm.xlane v16, v2;
	v20, _, _ =	vpop (xrf0)  }
0x1eb: {  	[tilespmem:s0+$0x0] =	vst v0;
	v21 =	vadd.s32 v10, v15;
	vm13 =	vlt.s32 v14, v9;
	v22 =	vmpcnt.ones.xlane vm12;
	v14, _, _ =	vpop (xrf0)  }
0x1ec: {  	[tilespmem:s0+$0x10] =	vst v0;
	v15 =	vmpcnt.ones.xlane vm13;
	v20 =	vadd.s32 v18, v20;
	v16 =	vadd.s32 v16, v14  }
0x1ed: {  	(xrf0) =	vadd.scan.msk.s32 $0xffff, v19;
	v14 =	vld [tilespmem:s25+$0x10];
	v23 =	vperm.xlane v20, v2;
	v63, _, _ =	vpop (xrf0);
	vm15 =	vlt.s32 v20, v9;
	v62 =	vperm.xlane v16, v2  }
0x1ee: {  	(xrf0) =	vadd.scan.msk.s32 $0xffff, v17;
	v18 =	vadd.s32 v22, v21;
	vm14 =	vlt.s32 v16, v8;
	v21, _, _ =	vpop (xrf0);
	v16 =	vld [tilespmem:s25+$0x0];
	v17 =	vmpcnt.ones.xlane vm15  }
0x1ef: {  	s0 =	simm.s32 $0x4;
	s1 =	simm.s32 $0x180A0;
	[tilespmem:s25+$0x10] =	vst v0;
	v19 =	vmpcnt.ones.xlane vm14;
	v20 =	vadd.s32 v23, v63;
	v21 =	vadd.s32 v62, v21  }
.LBB2_18:
0x1f0: {  	v22 =	vld [tilespmem:s1+$0xFFFFFFF0];
	[tilespmem:s1+$0xFFFFFFF0] =	vst v0;
	vm0 =	vlt.s32 v21, v8;
	v23 =	vperm.xlane v20, v2;
	v21 =	vperm.xlane v21, v2  }
0x1f1: {  	vm1 =	vlt.s32 v20, v9;
	v24 =	vld [tilespmem:s1+$0xFFFFFFE0];
	(xrf0) =	vadd.scan.msk.s32 $0xffff, v12;
	v12 =	vadd.s32 v19, v18;
	v20 =	vmpcnt.ones.xlane vm0  }
0x1f2: {  	v10 =	vadd.s32 v10, v13;
	v13 =	vmpcnt.ones.xlane vm1;
	v19 =	vand.u32 $0xFFFF, v14;
	(xrf0) =	vadd.scan.msk.s32 $0xffff, v11  }
0x1f3: {  	v10 =	vadd.s32 v15, v10;
	[tilespmem:s1+$0xFFFFFFE0] =	vst v0;
	v11 =	vand.u32 $0xFFFF, v16;
	v15 =	vadd.s32 v20, v12  }
0x1f4: {  	v14 =	vshrl.u32 v14, $0x10;
	v10 =	vadd.s32 v17, v10;
	v16 =	vshrl.u32 v16, $0x10;
	v18, _, _ =	vpop (xrf0);
	(xrf0) =	vadd.scan.msk.s32 $0xffff, v11  }
0x1f5: {  	v10 =	vadd.s32 v13, v10;
	v12 =	vand.u32 $0xFFFF, v22;
	v11 =	vshrl.u32 v22, $0x10;
	v17, _, _ =	vpop (xrf0);
	(xrf0) =	vadd.scan.msk.s32 $0xffff, v16  }
0x1f6: {  	s0 =	sadd.s32 $0x4, s0;
	v13 =	vadd.s32 v23, v18;
	v20 =	vand.u32 $0xFFFF, v24;
	v16 =	vadd.s32 v21, v17;
	[tilespmem:s25+$0x0] =	vst v0;
	s25 =	smov.u32 s1  }
0x1f7: {  	p0 =	slt.u32 s0, $0xC;
	v17 =	vperm.xlane v13, v2;
	vm0 =	vlt.s32 v16, v8;
	v16 =	vperm.xlane v16, v2;
	v18, _, _ =	vpop (xrf0);
	(xrf0) =	vadd.scan.msk.s32 $0xffff, v19  }
0x1f8: {  	v21 =	vshrl.u32 v24, $0x10;
	vm1 =	vlt.s32 v13, v9;
	v19 =	vmpcnt.ones.xlane vm0;
	v22, _, _ =	vpop (xrf0);
	(xrf0) =	vadd.scan.msk.s32 $0xffff, v14  }
0x1f9: {  	v13 =	vmpcnt.ones.xlane vm1;
	v23 =	vadd.s32 v17, v18;
	v16 =	vadd.s32 v16, v22  }
0x1fa: {  	v17 =	vperm.xlane v23, v2;
	vm0 =	vlt.s32 v16, v8;
	v16 =	vperm.xlane v16, v2;
	v18, _, _ =	vpop (xrf0)  }
.Ltmp8:
0x1fb: {  	vm1 =	vlt.s32 v23, v9;
	v19 =	vadd.s32 v15, v19;
	v26 =	vmpcnt.ones.xlane vm0;
	v14, _, _ =	vpop (xrf0);
	(pc) =	sbr.rel @p0 .LBB2_18-.Ltmp8, $4  }
0x1fc: {  	v15 =	vmpcnt.ones.xlane vm1;
	v17 =	vadd.s32 v17, v18;
	v16 =	vadd.s32 v16, v14  }
0x1fd: {  	v23 =	vperm.xlane v17, v2;
	v14 =	vld [tilespmem:s1+$0x10];
	[tilespmem:s1+$0x10] =	vst v0;
	vm0 =	vlt.s32 v16, v8;
	v24 =	vperm.xlane v16, v2;
	v25, _, _ =	vpop (xrf0)  }
0x1fe: {  	vm1 =	vlt.s32 v17, v9;
	v18 =	vadd.s32 v26, v19;
	v16 =	vld [tilespmem:s1+$0x0];
	(xrf0) =	vadd.scan.msk.s32 $0xffff, v20;
	v19 =	vmpcnt.ones.xlane vm0;
	v22, _, _ =	vpop (xrf0)  }
0x1ff: {  	v17 =	vmpcnt.ones.xlane vm1;
	s1 =	sadd.s32 $0x40, s1;
	v20 =	vadd.s32 v23, v25;
	(xrf0) =	vadd.scan.msk.s32 $0xffff, v21;
	v21 =	vadd.s32 v24, v22  }
0x200: {  	_ = 	snop  }
0x201: {  	vm0 =	vlt.s32 v21, v8;
	(xrf0) =	vadd.scan.msk.s32 $0xffff, v12  }
0x202: {  	v22 =	vperm.xlane v20, v2;
	v51 =	vperm.xlane v21, v2;
	v12 =	vadd.s32 v19, v18;
	(xrf0) =	vadd.scan.msk.s32 $0xffff, v11  }
0x203: {  	vm1 =	vlt.s32 v20, v9;
	v10 =	vadd.s32 v10, v13;
	v13 =	vand.u32 $0xFFFF, v16  }
0x204: {  	v52 =	vmpcnt.ones.xlane vm0;
	v10 =	vadd.s32 v15, v10;
	v15 =	vshrl.u32 v16, $0x10;
	v54, _, _ =	vpop (xrf0);
	(xrf0) =	vadd.scan.msk.s32 $0xffff, v13  }
0x205: {  	v11 =	vand.u32 $0xFFFF, v14;
	v13 =	vshrl.u32 v14, $0x10;
	v14, _, _ =	vpop (xrf0);
	(xrf0) =	vadd.scan.msk.s32 $0xffff, v15;
	v15 =	vadd.s32 v22, v54  }
0x206: {  	v53 =	vmpcnt.ones.xlane vm1;
	v14 =	vadd.s32 v51, v14;
	v16 =	vperm.xlane v15, v2  }
0x207: {  	v10 =	vadd.s32 v17, v10;
	v55, _, _ =	vpop (xrf0);
	(xrf0) =	vadd.scan.msk.s32 $0xffff, v11;
	vm0 =	vlt.s32 v14, v8;
	v14 =	vperm.xlane v14, v2  }
0x208: {  	v12 =	vadd.s32 v52, v12;
	vm1 =	vlt.s32 v15, v9;
	v15, _, _ =	vpop (xrf0);
	(xrf0) =	vadd.scan.msk.s32 $0xffff, v13;
	v13 =	vadd.s32 v16, v55  }
0x209: {  	v10 =	vadd.s32 v53, v10;
	v14 =	vadd.s32 v14, v15;
	v15 =	vperm.xlane v13, v2  }
0x20a: {  	v11 =	vmpcnt.ones.xlane vm0;
	vm0 =	vlt.s32 v14, v8;
	v14 =	vperm.xlane v14, v2;
	v57, _, _ =	vpop (xrf0)  }
0x20b: {  	v56 =	vmpcnt.ones.xlane vm1;
	vm1 =	vlt.s32 v13, v9;
	v13, _, _ =	vpop (xrf0);
	v15 =	vadd.s32 v15, v57  }
0x20c: {  	v11 =	vadd.s32 v12, v11;
	v13 =	vadd.s32 v14, v13;
	v14 =	vperm.xlane v15, v2  }
0x20d: {  	v58 =	vmpcnt.ones.xlane vm1;
	v12 =	vmpcnt.ones.xlane vm0;
	v59, _, _ =	vpop (xrf0);
	vm1 =	vlt.s32 v15, v9  }
0x20e: {  	[tilespmem:s25+$0x0] =	vst v0;
	s1 =	simm.s32 $0x10040;
	vm0 =	vlt.s32 v13, v8;
	v13 =	vperm.xlane v13, v2;
	v14 =	vadd.s32 v14, v59  }
0x20f: {  	s0 =	simm.s32 $0x40;
	v15 =	vmpcnt.ones.xlane vm0;
	v60, _, _ =	vpop (xrf0);
	vm0 =	vlt.s32 v14, v9;
	v9 =	vadd.s32 v10, v56;
	v10 =	vld [tilespmem:s1+$0x30]  }
0x210: {  	v61 =	vmpcnt.ones.xlane vm1;
	v11 =	vadd.s32 v12, v11;
	v13 =	vadd.s32 v13, v60;
	v14 =	vld [tilespmem:s0+$0x30]  }
0x211: {  	vm1 =	vlt.s32 v13, v8;
	v8 =	vmpcnt.ones.xlane vm0;
	v9 =	vadd.s32 v58, v9;
	v13 =	vld [tilespmem:s1+$0xFFFFFFC0]  }
0x212: {  	v11 =	vadd.s32 v15, v11;
	v15 =	vld [tilespmem:s1+$0x10];
	v12 =	vmpcnt.ones.xlane vm1;
	v9 =	vadd.s32 v61, v9  }
0x213: {  	v7 =	vshll.u32 v7, $0x8;
	v8 =	vadd.s32 v8, v9;
	v9 =	vld [tilespmem:s1+$0xFFFFFFD0]  }
0x214: {  	v6 =	vshll.u32 v6, $0x8;
	v11 =	vadd.s32 v12, v11;
	v7 =	vadd.s32 v7, v8;
	v8 =	vld [tilespmem:s1+$0xFFFFFFE0]  }
0x215: {  	v12 =	vld [tilespmem:s1+$0xFFFFFFF0];
	v11 =	vadd.s32 v6, v11;
	v6 =	vxor.u32 $0x80000000, v7  }
0x216: {  	v62 =	vld [tilespmem:s0+$0xFFFFFFD0];
	v10 =	vxor.u32 $0x80000000, v10;
	v7 =	vxor.u32 $0x80000000, v11;
	v11 =	vxor.u32 $0x80000000, v13  }
0x217: {  	v13 =	vld [tilespmem:s1+$0x0];
	vm1 =	vgt.s32 v10, v6;
	vm0 =	vgt.s32 v11, v6;
	vm2 =	vlt.s32 v10, v7  }
0x218: {  	v63 =	vld [tilespmem:s0+$0xFFFFFFE0];
	v10 =	vnsel vm1, $0x0, v14;
	vm1 =	vlt.s32 v11, v7;
	v9 =	vxor.u32 $0x80000000, v9  }
0x219: {  	v11 =	vld [tilespmem:s1+$0x20];
	v14 =	vnsel vm2, $0x3F800000, v10;
	vm11 =	vlt.s32 v9, v7;
	v8 =	vxor.u32 $0x80000000, v8  }
0x21a: {  	vm6 =	vgt.s32 v9, v6;
	v9 =	vxor.u32 $0x80000000, v12;
	v12 =	vxor.u32 $0x80000000, v15  }
0x21b: {  	vm2 =	vlt.s32 v8, v7;
	vm12 =	vgt.s32 v8, v6;
	v8 =	vld [tilespmem:s0+$0xFFFFFFF0];
	vm3 =	vlt.s32 v9, v7  }
0x21c: {  	vm7 =	vgt.s32 v9, v6;
	v9 =	vld [tilespmem:s0+$0x0];
	vm5 =	vlt.s32 v12, v7;
	v10 =	vxor.u32 $0x80000000, v13  }
0x21d: {  	vm9 =	vgt.s32 v12, v6;
	vm4 =	vlt.s32 v10, v7;
	vm8 =	vgt.s32 v10, v6;
	v10 =	vld [tilespmem:s0+$0x10]  }
0x21e: {  	[tilespmem:s0+$0x30] =	vst v14;
	v15 =	vnsel vm6, $0x0, v62;
	v14 =	vnsel vm12, $0x0, v63;
	v13 =	vxor.u32 $0x80000000, v11;
	v11 =	vld [tilespmem:s0+$0x20]  }
0x21f: {  	s2 =	simm.s32 $0x0;
	s4 =	simm.s32 $0x100C0;
	s1 =	simm.s32 $0x40;
	v12 =	vld [tilespmem:s0+$0xFFFFFFC0];
	vm6 =	vlt.s32 v13, v7;
	vm10 =	vgt.s32 v13, v6;
	v13 =	vnsel vm11, $0x3F800000, v15  }
.LBB2_20:
0x220: {  	v15 =	vld [tilespmem:s4+$0x30];
	s2 =	sadd.s32 $0x8, s2;
	[tilespmem:s0+$0xFFFFFFD0] =	vst v13;
	v13 =	vnsel vm2, $0x3F800000, v14;
	v8 =	vnsel vm7, $0x0, v8  }
0x221: {  	s0 =	sadd.s32 $0x80, s0;
	v14 =	vld [tilespmem:s4+$0xFFFFFFC0];
	p0 =	slt.u32 s2, $0x7F8;
	[tilespmem:s1+$0xFFFFFFE0] =	vst v13;
	v8 =	vnsel vm3, $0x3F800000, v8;
	v9 =	vnsel vm8, $0x0, v9  }
0x222: {  	v13 =	vld [tilespmem:s0+$0x30];
	[tilespmem:s1+$0xFFFFFFF0] =	vst v8;
	v8 =	vnsel vm4, $0x3F800000, v9;
	v9 =	vnsel vm9, $0x0, v10  }
0x223: {  	v10 =	vld [tilespmem:s4+$0xFFFFFFD0];
	[tilespmem:s1+$0x0] =	vst v8;
	v8 =	vnsel vm5, $0x3F800000, v9;
	v9 =	vnsel vm10, $0x0, v11  }
0x224: {  	v11 =	vld [tilespmem:s4+$0xFFFFFFE0];
	v12 =	vnsel vm0, $0x0, v12;
	[tilespmem:s1+$0x10] =	vst v8;
	v8 =	vnsel vm6, $0x3F800000, v9  }
0x225: {  	v9 =	vld [tilespmem:s4+$0xFFFFFFF0];
	v15 =	vxor.u32 $0x80000000, v15;
	v12 =	vnsel vm1, $0x3F800000, v12;
	[tilespmem:s1+$0x20] =	vst v8  }
0x226: {  	v8 =	vxor.u32 $0x80000000, v14;
	v14 =	vld [tilespmem:s4+$0x0];
	vm1 =	vgt.s32 v15, v6;
	[tilespmem:s1+$0xFFFFFFC0] =	vst v12;
	s1 =	smov.u32 s0  }
0x227: {  	vm2 =	vlt.s32 v15, v7;
	vm0 =	vgt.s32 v8, v6;
	v12 =	vld [tilespmem:s4+$0x10];
	v13 =	vnsel vm1, $0x0, v13  }
0x228: {  	vm1 =	vlt.s32 v8, v7;
	v8 =	vxor.u32 $0x80000000, v10;
	v15 =	vld [tilespmem:s4+$0x20];
	v10 =	vnsel vm2, $0x3F800000, v13  }
0x229: {  	v13 =	vld [tilespmem:s0+$0xFFFFFFD0];
	vm11 =	vlt.s32 v8, v7;
	vm6 =	vgt.s32 v8, v6;
	v8 =	vxor.u32 $0x80000000, v11;
	[tilespmem:s0+$0x30] =	vst v10  }
0x22a: {  	v16 =	vld [tilespmem:s0+$0xFFFFFFE0];
	vm2 =	vlt.s32 v8, v7;
	vm12 =	vgt.s32 v8, v6;
	v9 =	vxor.u32 $0x80000000, v9  }
.Ltmp9:
0x22b: {  	v8 =	vld [tilespmem:s0+$0xFFFFFFF0];
	vm3 =	vlt.s32 v9, v7;
	vm7 =	vgt.s32 v9, v6;
	v10 =	vxor.u32 $0x80000000, v14;
	(pc) =	sbr.rel @p0 .LBB2_20-.Ltmp9, $4  }
0x22c: {  	v9 =	vld [tilespmem:s0+$0x0];
	vm4 =	vlt.s32 v10, v7;
	vm8 =	vgt.s32 v10, v6;
	v11 =	vxor.u32 $0x80000000, v12  }
0x22d: {  	v10 =	vld [tilespmem:s0+$0x10];
	vm5 =	vlt.s32 v11, v7;
	vm9 =	vgt.s32 v11, v6;
	v12 =	vxor.u32 $0x80000000, v15  }
0x22e: {  	v13 =	vnsel vm6, $0x0, v13;
	v11 =	vld [tilespmem:s0+$0x20];
	vm6 =	vlt.s32 v12, v7;
	vm10 =	vgt.s32 v12, v6  }
0x22f: {  	s4 =	sadd.s32 $0x80, s4;
	v12 =	vld [tilespmem:s0+$0xFFFFFFC0];
	v13 =	vnsel vm11, $0x3F800000, v13;
	v14 =	vnsel vm12, $0x0, v16  }
0x230: {  	[tilespmem:s0+$0xFFFFFFD0] =	vst v13;
	v6 =	vnsel vm2, $0x3F800000, v14;
	v7 =	vnsel vm7, $0x0, v8  }
0x231: {  	[tilespmem:s1+$0xFFFFFFE0] =	vst v6;
	v6 =	vnsel vm3, $0x3F800000, v7;
	v7 =	vnsel vm8, $0x0, v9  }
0x232: {  	[tilespmem:s1+$0xFFFFFFF0] =	vst v6;
	v6 =	vnsel vm4, $0x3F800000, v7;
	v7 =	vnsel vm9, $0x0, v10  }
0x233: {  	[tilespmem:s1+$0x0] =	vst v6;
	v6 =	vnsel vm5, $0x3F800000, v7;
	v7 =	vnsel vm10, $0x0, v11  }
0x234: {  	v8 =	vnsel vm0, $0x0, v12;
	[tilespmem:s1+$0x10] =	vst v6;
	v6 =	vnsel vm6, $0x3F800000, v7  }
0x235: {  	v7 =	vnsel vm1, $0x3F800000, v8;
	[tilespmem:s1+$0x20] =	vst v6  }
0x236: {  	[tilespmem:s1+$0xFFFFFFC0] =	vst v7  }
0x237: {  	s0 =	rddreg [dreg:$0x6]  }
0x238: {  	[hbm4b:s0+s15] =	stream.strided.scatter [tilespmem:s3], [sflag:$0x3], $0x8000, s16, s15, $0x38;
	[tilespmem:$0x1A200] =	vst v63  }
0x239: {  	_ =	swait.ge [sflag:s21], $0x8000  }
0x23a: {  	[sflag:s21] =	ssyncset.done $0x0  }
0x23b: {  	[sflag:s21] =	ssyncadd.s32 $0xFFFF8000  }
0x23c: {  	_ =	swait.ge [sflag:s22], $0x8000  }
0x23d: {  	[sflag:s22] =	ssyncset.done $0x0  }
0x23e: {  	s2 =	simm.s32 $0x8040;
	s31 =	rddreg [dreg:$0x7];
	[sflag:s22] =	ssyncadd.s32 $0xFFFF8000  }
0x23f: {  	[tilespmem:s3], [sflag:$0x1] =	stream.strided.gather [hbm4b:s31+s15], $0x8000, s16, s15, $0x38;
	[tilespmem:$0x1A200] =	vst v63  }
0x240: {  	v6 =	vld [tilespmem:s2+$0xFFFFFFE0]  }
0x241: {  	v9 =	vld [tilespmem:s2+$0x20]  }
0x242: {  	v12 =	vld [tilespmem:s2+$0xFFFFFFC0]  }
0x243: {  	v10 =	vld [tilespmem:s2+$0x10]  }
0x244: {  	v14 =	vld [tilespmem:s2+$0x30]  }
0x245: {  	v8 =	vld [tilespmem:s2+$0xFFFFFFF0]  }
0x246: {  	v7 =	vld [tilespmem:s2+$0xFFFFFFD0]  }
0x247: {  	v11 =	vshra.s32 v9, $0x1F  }
0x248: {  	v13 =	vshra.s32 v6, $0x1F;
	v15 =	vshra.s32 v12, $0x1F;
	v20 =	vshra.s32 v10, $0x1F  }
0x249: {  	v17 =	vor.u32 $0x80000000, v11;
	v16 =	vor.u32 $0x80000000, v15;
	v11 =	vor.u32 $0x80000000, v13  }
0x24a: {  	v13 =	vshra.s32 v14, $0x1F;
	v15 =	vshra.s32 v8, $0x1F;
	v18 =	vxor.u32 v6, v11  }
0x24b: {  	v19 =	vor.u32 $0x80000000, v13;
	v11 =	vshra.s32 v7, $0x1F;
	v15 =	vor.u32 $0x80000000, v15  }
0x24c: {  	s0 =	simm.s32 $0x10040;
	v16 =	vxor.u32 v12, v16;
	v13 =	vxor.u32 v9, v17;
	v17 =	vor.u32 $0x80000000, v20  }
0x24d: {  	s4 =	simm.s32 $0x10040;
	s1 =	simm.s32 $0x0;
	v12 =	vld [tilespmem:s2+$0x0];
	s2 =	simm.s32 $0x80C0;
	v6 =	vshrl.u32 v18, $0x14;
	v9 =	vshrl.u32 v16, $0x14;
	[tilespmem:s0+$0xFFFFFFE0] =	vst v18;
	v14 =	vxor.u32 v14, v19  }
.LBB2_22:
0x24e: {  	v18 =	vld [tilespmem:s2+$0xFFFFFFE0];
	s1 =	sadd.s32 $0x8, s1;
	[tilespmem:s0+$0xFFFFFFC0] =	vst v16;
	v8 =	vxor.u32 v8, v15;
	v10 =	vxor.u32 v10, v17;
	v15 =	vshrl.u32 v14, $0x14;
	s4 =	sadd.s32 $0x80, s4  }
0x24f: {  	v20 =	vshrl.u32 v13, $0x14;
	v16 =	vld [tilespmem:s2+$0xFFFFFFC0];
	p0 =	slt.u32 s1, $0x7F8;
	[tilespmem:s0+$0xFFFFFFF0] =	vst v8;
	v17 =	vshrl.u32 v8, $0x14;
	v19 =	vshrl.u32 v10, $0x14  }
0x250: {  	v11 =	vor.u32 $0x80000000, v11;
	v8 =	vld [tilespmem:s2+$0xFFFFFFF0];
	[tilespmem:s0+$0x20] =	vst v13  }
0x251: {  	v11 =	vxor.u32 v7, v11;
	v13 =	vld [tilespmem:s2+$0x20];
	[tilespmem:s0+$0x30] =	vst v14  }
0x252: {  	v14 =	vld [tilespmem:s2+$0x30];
	v7 =	vshra.s32 v12, $0x1F;
	[tilespmem:s0+$0x10] =	vst v10  }
0x253: {  	v21 =	vshrl.u32 v11, $0x14;
	v7 =	vor.u32 $0x80000000, v7;
	[tilespmem:v15+s19+$0x0] =	vst.idx.add.s32.msk $0xffff, v1  }
0x254: {  	v10 =	vxor.u32 v12, v7;
	[tilespmem:v19+s19+$0x0] =	vst.idx.add.s32.msk $0xffff, v1  }
0x255: {  	v7 =	vld [tilespmem:s2+$0xFFFFFFD0];
	[tilespmem:s0+$0x0] =	vst v10;
	v12 =	vshrl.u32 v10, $0x14  }
0x256: {  	[tilespmem:v20+s19+$0x0] =	vst.idx.add.s32.msk $0xffff, v1  }
0x257: {  	v15 =	vshra.s32 v18, $0x1F;
	v19 =	vshra.s32 v13, $0x1F;
	v10 =	vld [tilespmem:s2+$0x10];
	[tilespmem:s0+$0xFFFFFFD0] =	vst v11;
	s0 =	smov.u32 s4  }
0x258: {  	v11 =	vshra.s32 v16, $0x1F;
	v19 =	vor.u32 $0x80000000, v19;
	[tilespmem:v21+s19+$0x0] =	vst.idx.add.s32.msk $0xffff, v1  }
.Ltmp10:
0x259: {  	v20 =	vor.u32 $0x80000000, v11;
	v11 =	vor.u32 $0x80000000, v15;
	v15 =	vshra.s32 v14, $0x1F;
	[tilespmem:v9+s19+$0x0] =	vst.idx.add.s32.msk $0xffff, v1;
	(pc) =	sbr.rel @p0 .LBB2_22-.Ltmp10, $4  }
0x25a: {  	v18 =	vxor.u32 v18, v11;
	v9 =	vshra.s32 v8, $0x1F;
	v21 =	vor.u32 $0x80000000, v15;
	[tilespmem:v17+s19+$0x0] =	vst.idx.add.s32.msk $0xffff, v1  }
0x25b: {  	v11 =	vshra.s32 v7, $0x1F;
	v22 =	vshrl.u32 v18, $0x14;
	v15 =	vor.u32 $0x80000000, v9;
	[tilespmem:v12+s19+$0x0] =	vst.idx.add.s32.msk $0xffff, v1  }
0x25c: {  	s25 =	simm.s32 $0x19020;
	v13 =	vxor.u32 v13, v19;
	v16 =	vxor.u32 v16, v20;
	v17 =	vshra.s32 v10, $0x1F;
	[tilespmem:v6+s19+$0x0] =	vst.idx.add.s32.msk $0xffff, v1  }
0x25d: {  	s26 =	simm.s32 $0x1A002;
	s28 =	simm.s32 $0x18020;
	v9 =	vshrl.u32 v16, $0x14;
	v14 =	vxor.u32 v14, v21;
	v6 =	vmovc v22;
	[tilespmem:s4+$0xFFFFFFE0] =	vst v18;
	v12 =	vld [tilespmem:s2+$0x0];
	v17 =	vor.u32 $0x80000000, v17;
	s2 =	sadd.s32 $0x80, s2  }
0x25e: {  	_ = 	snop  }
0x25f: {  	[tilespmem:s0+$0xFFFFFFC0] =	vst v16  }
0x260: {  	[tilespmem:s0+$0x20] =	vst v13  }
0x261: {  	[tilespmem:s0+$0x30] =	vst v14  }
0x262: {  	v8 =	vxor.u32 v8, v15;
	v61 =	vshrl.u32 v14, $0x14;
	[tilespmem:v6+s19+$0x0] =	vst.idx.add.s32.msk $0xffff, v1  }
0x263: {  	v10 =	vxor.u32 v10, v17;
	[tilespmem:s0+$0xFFFFFFF0] =	vst v8  }
0x264: {  	v63 =	vshrl.u32 v13, $0x14;
	v11 =	vor.u32 $0x80000000, v11;
	[tilespmem:s0+$0x10] =	vst v10  }
0x265: {  	v62 =	vshrl.u32 v10, $0x14;
	v7 =	vxor.u32 v7, v11;
	[tilespmem:v9+s19+$0x0] =	vst.idx.add.s32.msk $0xffff, v1;
	v11 =	vshra.s32 v12, $0x1F  }
0x266: {  	v8 =	vshrl.u32 v8, $0x14;
	[tilespmem:s0+$0xFFFFFFD0] =	vst v7;
	v11 =	vor.u32 $0x80000000, v11  }
0x267: {  	v10 =	vshrl.u32 v7, $0x14;
	[tilespmem:v61+s19+$0x0] =	vst.idx.add.s32.msk $0xffff, v1;
	v11 =	vxor.u32 v12, v11  }
0x268: {  	[tilespmem:s0+$0x0] =	vst v11;
	v11 =	vshrl.u32 v11, $0x14  }
0x269: {  	[tilespmem:v63+s19+$0x0] =	vst.idx.add.s32.msk $0xffff, v1  }
0x26a: {  	[tilespmem:v62+s19+$0x0] =	vst.idx.add.s32.msk $0xffff, v1  }
0x26b: {  	[tilespmem:v8+s19+$0x0] =	vst.idx.add.s32.msk $0xffff, v1  }
0x26c: {  	[tilespmem:v10+s19+$0x0] =	vst.idx.add.s32.msk $0xffff, v1  }
0x26d: {  	[tilespmem:v11+s19+$0x0] =	vst.idx.add.s32.msk $0xffff, v1  }
0x26e: {  	v6 =	vld [tilespmem:s28+$0xFFFFFFE0];
	_ =	sdelay $0x4  }
0x26f: {  	(xrf0) =	vadd.scan.msk.s32 $0xffff, v6;
	_ =	sdelay $0x3  }
0x270: {  	s29 =	simm.s32 $0x18060  }
0x271: {  	v7 =	vld [tilespmem:s29+$0xFFFFFFE0]  }
0x272: {  	v6 =	vimm.s32 $0x0;
	v8, _, _ =	vpop (xrf0)  }
0x273: {  	[tilespmem:s28+$0xFFFFFFE0] =	vst v6;
	v9 =	vperm.xlane v8, v2  }
0x274: {  	[tilespmem:s25+$0xFFFFFFE0] =	vst v8  }
0x275: {  	[tilespmem:s26+$0xFFFFFFFE] =	vst.msk $0x1, v9  }
0x276: {  	(xrf0) =	vadd.scan.msk.s32 $0xffff, v7;
	v8 =	vld [tilespmem:s28+$0xFFFFFFF0];
	_ =	sdelay $0x4  }
0x277: {  	(xrf0) =	vadd.scan.msk.s32 $0xffff, v8  }
0x278: {  	v7, _, _ =	vpop (xrf0)  }
0x279: {  	v9 =	vperm.xlane v7, v2  }
0x27a: {  	s30 =	simm.s32 $0x180A0  }
0x27b: {  	s0 =	simm.s32 $0x19060;
	[tilespmem:s29+$0xFFFFFFE0] =	vst v6;
	v8 =	vld [tilespmem:s30+$0xFFFFFFE0]  }
0x27c: {  	s31 =	simm.s32 $0x1A006;
	[tilespmem:s0+$0xFFFFFFE0] =	vst v7  }
0x27d: {  	[tilespmem:s31+$0xFFFFFFFE] =	vst.msk $0x1, v9;
	v9, _, _ =	vpop (xrf0)  }
0x27e: {  	[tilespmem:s28+$0xFFFFFFF0] =	vst v6;
	v7 =	vld [tilespmem:s29+$0xFFFFFFF0];
	v10 =	vperm.xlane v9, v2  }
0x27f: {  	[tilespmem:s25+$0xFFFFFFF0] =	vst v9  }
0x280: {  	(xrf0) =	vadd.scan.msk.s32 $0xffff, v8;
	[tilespmem:s26+$0xFFFFFFFF] =	vst.msk $0x1, v10  }
0x281: {  	v8 =	vld [tilespmem:s28+$0x0];
	_ =	sdelay $0x1  }
0x282: {  	(xrf0) =	vadd.scan.msk.s32 $0xffff, v7;
	_ =	sdelay $0x2  }
0x283: {  	s1 =	simm.s32 $0x180E0;
	[tilespmem:s30+$0xFFFFFFE0] =	vst v6;
	v7, _, _ =	vpop (xrf0);
	(xrf0) =	vadd.scan.msk.s32 $0xffff, v8  }
0x284: {  	s4 =	simm.s32 $0x190A0;
	[tilespmem:s29+$0xFFFFFFF0] =	vst v6;
	v9 =	vld [tilespmem:s1+$0xFFFFFFE0];
	v10 =	vperm.xlane v7, v2  }
0x285: {  	s2 =	simm.s32 $0x1A00A;
	[tilespmem:s4+$0xFFFFFFE0] =	vst v7  }
0x286: {  	v7, _, _ =	vpop (xrf0);
	[tilespmem:s2+$0xFFFFFFFE] =	vst.msk $0x1, v10  }
0x287: {  	[tilespmem:s0+$0xFFFFFFF0] =	vst v7;
	v8 =	vperm.xlane v7, v2;
	v7 =	vld [tilespmem:s30+$0xFFFFFFF0];
	_ =	sdelay $0x1  }
0x288: {  	(xrf0) =	vadd.scan.msk.s32 $0xffff, v9;
	[tilespmem:s31+$0xFFFFFFFF] =	vst.msk $0x1, v8;
	v9, _, _ =	vpop (xrf0)  }
0x289: {  	[tilespmem:s28+$0x0] =	vst v6;
	v8 =	vld [tilespmem:s29+$0x0];
	v10 =	vperm.xlane v9, v2  }
0x28a: {  	[tilespmem:s25+$0x0] =	vst v9  }
0x28b: {  	(xrf0) =	vadd.scan.msk.s32 $0xffff, v7;
	[tilespmem:s26+$0x0] =	vst.msk $0x1, v10  }
0x28c: {  	v10 =	vld [tilespmem:s28+$0x10];
	_ =	sdelay $0x1  }
0x28d: {  	s5 =	simm.s32 $0xC;
	s6 =	simm.s32 $0x18120;
	s13 =	simm.s32 $0x190A0;
	v7 =	vimm.s32 $0x0;
	v11, _, _ =	vpop (xrf0);
	v9 =	vimm.s32 $0x0;
	(xrf0) =	vadd.scan.msk.s32 $0xffff, v8;
	v8 =	vimm.s32 $0x0  }
.LBB2_24:
0x28e: {  	v12 =	vld [tilespmem:s6+$0xFFFFFFE0];
	s5 =	sadd.s32 $0x4, s5;
	[tilespmem:s1+$0xFFFFFFE0] =	vst v6;
	v13 =	vperm.xlane v11, v2;
	s4 =	sadd.s32 $0x40, s4;
	s7 =	smov.u32 s31  }
0x28f: {  	s31 =	smov.u32 s2;
	s2 =	sadd.s32 $0x4, s2;
	p0 =	slt.u32 s5, $0xFC;
	[tilespmem:s4+$0xFFFFFFE0] =	vst v11  }
0x290: {  	s8 =	smov.u32 s1;
	s1 =	smov.u32 s6;
	[tilespmem:s2+$0xFFFFFFFE] =	vst.msk $0x1, v13;
	v11, _, _ =	vpop (xrf0);
	(xrf0) =	vadd.scan.msk.s32 $0xffff, v10  }
0x291: {  	v10 =	vld [tilespmem:s8+$0xFFFFFFF0];
	[tilespmem:s30+$0xFFFFFFF0] =	vst v7;
	v13 =	vperm.xlane v11, v2  }
0x292: {  	[tilespmem:s13+$0xFFFFFFF0] =	vst v11  }
0x293: {  	(xrf0) =	vadd.scan.msk.s32 $0xffff, v12;
	[tilespmem:s31+$0xFFFFFFFF] =	vst.msk $0x1, v13;
	v11, _, _ =	vpop (xrf0)  }
0x294: {  	v12 =	vld [tilespmem:s30+$0x0];
	[tilespmem:s29+$0x0] =	vst v8;
	v13 =	vperm.xlane v11, v2  }
.Ltmp11:
0x295: {  	[tilespmem:s0+$0x0] =	vst v11;
	(pc) =	sbr.rel @p0 .LBB2_24-.Ltmp11, $4  }
0x296: {  	(xrf0) =	vadd.scan.msk.s32 $0xffff, v10;
	[tilespmem:s7+$0x0] =	vst.msk $0x1, v13;
	v11, _, _ =	vpop (xrf0)  }
0x297: {  	v10 =	vld [tilespmem:s29+$0x10];
	[tilespmem:s28+$0x10] =	vst v9;
	v13 =	vperm.xlane v11, v2;
	v9 =	vmovc v8;
	v8 =	vmov v7;
	v7 =	vmov v6;
	s28 =	smov.u32 s29;
	s29 =	smov.u32 s30;
	s30 =	smov.u32 s8  }
0x298: {  	[tilespmem:s25+$0x10] =	vst v11;
	s25 =	smov.u32 s0;
	s0 =	smov.u32 s13;
	s13 =	smov.u32 s4  }
0x299: {  	s6 =	sadd.s32 $0x40, s6;
	v11, _, _ =	vpop (xrf0);
	(xrf0) =	vadd.scan.msk.s32 $0xffff, v12;
	[tilespmem:s26+$0x1] =	vst.msk $0x1, v13;
	s26 =	smov.u32 s7  }
0x29a: {  	[tilespmem:s1+$0xFFFFFFE0] =	vst v6;
	v12 =	vperm.xlane v11, v2;
	s4 =	sadd.s32 $0x40, s4  }
0x29b: {  	s5 =	sadd.s32 $0x4, s2;
	[tilespmem:s4+$0xFFFFFFE0] =	vst v11  }
0x29c: {  	[tilespmem:s5+$0xFFFFFFFE] =	vst.msk $0x1, v12  }
0x29d: {  	v11 =	vld [tilespmem:s1+$0xFFFFFFF0];
	_ =	sdelay $0x3  }
0x29e: {  	(xrf0) =	vadd.scan.msk.s32 $0xffff, v10;
	v10, _, _ =	vpop (xrf0)  }
0x29f: {  	[tilespmem:s30+$0xFFFFFFF0] =	vst v7;
	(xrf0) =	vadd.scan.msk.s32 $0xffff, v11;
	v11 =	vperm.xlane v10, v2  }
0x2a0: {  	[tilespmem:s13+$0xFFFFFFF0] =	vst v10;
	v10, _, _ =	vpop (xrf0)  }
0x2a1: {  	[tilespmem:s2+$0xFFFFFFFF] =	vst.msk $0x1, v11;
	v11 =	vperm.xlane v10, v2;
	_ =	sdelay $0x1  }
0x2a2: {  	[tilespmem:s29+$0x0] =	vst v8  }
0x2a3: {  	[tilespmem:s0+$0x0] =	vst v10;
	v10, _, _ =	vpop (xrf0);
	v12 =	vld [tilespmem:s30+$0x0]  }
0x2a4: {  	[tilespmem:s31+$0x0] =	vst.msk $0x1, v11;
	v11, _, _ =	vpop (xrf0)  }
0x2a5: {  	[tilespmem:s1+$0xFFFFFFF0] =	vst v6;
	v13 =	vperm.xlane v11, v2  }
0x2a6: {  	[tilespmem:s4+$0xFFFFFFF0] =	vst v11  }
0x2a7: {  	v11 =	vld [tilespmem:s29+$0x10];
	[tilespmem:s5+$0xFFFFFFFF] =	vst.msk $0x1, v13  }
0x2a8: {  	(xrf0) =	vadd.scan.msk.s32 $0xffff, v12;
	v13 =	vld [tilespmem:s1+$0x0];
	_ =	sdelay $0x3  }
0x2a9: {  	(xrf0) =	vadd.scan.msk.s32 $0xffff, v11  }
0x2aa: {  	(xrf0) =	vadd.scan.msk.s32 $0xffff, v13  }
0x2ab: {  	v11, _, _ =	vpop (xrf0)  }
0x2ac: {  	[tilespmem:s30+$0x0] =	vst v7;
	v12 =	vperm.xlane v11, v2  }
0x2ad: {  	[tilespmem:s13+$0x0] =	vst v11  }
0x2ae: {  	[tilespmem:s2+$0x0] =	vst.msk $0x1, v12  }
0x2af: {  	v11, _, _ =	vpop (xrf0);
	v13 =	vld [tilespmem:s30+$0x10]  }
0x2b0: {  	v12, _, _ =	vpop (xrf0)  }
0x2b1: {  	[tilespmem:s1+$0x0] =	vst v6;
	v14 =	vperm.xlane v12, v2  }
0x2b2: {  	[tilespmem:s4+$0x0] =	vst v12  }
0x2b3: {  	[tilespmem:s5+$0x0] =	vst.msk $0x1, v14  }
0x2b4: {  	(xrf0) =	vadd.scan.msk.s32 $0xffff, v13;
	v12 =	vld [tilespmem:s1+$0x10];
	_ =	sdelay $0x1  }
0x2b5: {  	[tilespmem:s29+$0x10] =	vst v8;
	v8 =	vperm.xlane v11, v2;
	_ =	sdelay $0x1  }
0x2b6: {  	[tilespmem:s28+$0x10] =	vst v9  }
0x2b7: {  	[tilespmem:s0+$0x10] =	vst v11;
	(xrf0) =	vadd.scan.msk.s32 $0xffff, v12  }
0x2b8: {  	[tilespmem:s31+$0x1] =	vst.msk $0x1, v8;
	v8, _, _ =	vpop (xrf0)  }
0x2b9: {  	v9 =	vperm.xlane v10, v2;
	[tilespmem:s30+$0x10] =	vst v7;
	v7 =	vperm.xlane v8, v2  }
0x2ba: {  	[tilespmem:s25+$0x10] =	vst v10  }
0x2bb: {  	[tilespmem:s26+$0x1] =	vst.msk $0x1, v9  }
0x2bc: {  	[tilespmem:s13+$0x10] =	vst v8  }
0x2bd: {  	[tilespmem:s2+$0x1] =	vst.msk $0x1, v7;
	v7, _, _ =	vpop (xrf0)  }
0x2be: {  	[tilespmem:s1+$0x10] =	vst v6;
	v8 =	vperm.xlane v7, v2  }
0x2bf: {  	[tilespmem:s4+$0x10] =	vst v7  }
0x2c0: {  	s29 =	simm.s32 $0x0;
	[tilespmem:s5+$0x1] =	vst.msk $0x1, v8  }
0x2c1: {  	v7 =	vld [tilespmem:s29+$0x1A000];
	_ =	sdelay $0x4  }
0x2c2: {  	(xrf0) =	vadd.scan.msk.s32 $0xffff, v7  }
0x2c3: {  	s30 =	simm.s32 $0x10  }
0x2c4: {  	v7 =	vld [tilespmem:s30+$0x1A000];
	_ =	sdelay $0x3  }
0x2c5: {  	v8, _, _ =	vpop (xrf0)  }
0x2c6: {  	s31 =	simm.s32 $0x20;
	(xrf0) =	vadd.scan.msk.s32 $0xffff, v7;
	v8 =	vadd.s32 v6, v8  }
0x2c7: {  	v15 =	vld [tilespmem:s31+$0x1A000];
	v9 =	vand.u32 $0xFFFF, v8;
	v10 =	vshrl.u32 v8, $0x10  }
0x2c8: {  	v11 =	vperm.xlane v8, v2;
	vm0 =	vlt.s32 v9, v4  }
0x2c9: {  	v12 =	vmovc v6;
	vm1 =	vlt.s32 v10, v5;
	v8 =	vmpcnt.ones.xlane vm0;
	v13 =	vnsel vm0, $0x0, v9  }
0x2ca: {  	s0 =	simm.s32 $0x100;
	s1 =	simm.s32 $0xC0;
	v7 =	vmovc v6;
	v9 =	vmpcnt.ones.xlane vm1;
	v14 =	vnsel vm1, $0x0, v10;
	vm0 =	vgt.s32 v6, v13;
	v10 =	vmovc v6  }
.LBB2_26:
0x2cb: {  	p0 =	sne.s32 s0, $0x3C0  }
0x2cc: {  	s2 =	sshra.s32 s1, $0x2;
	(xrf0) =	vadd.scan.msk.s32 $0xffff, v15;
	v16, _, _ =	vpop (xrf0);
	v6 =	vadd.s32 v6, v8;
	v7 =	vadd.s32 v7, v9;
	vm1 =	vgt.s32 v10, v14;
	s1 =	smov.u32 s0;
	s0 =	sadd.s32 $0x40, s0  }
.Ltmp12:
0x2cd: {  	v12 =	vsel vm0, v12, v13;
	v15 =	vld [tilespmem:s2+$0x1A000];
	v8 =	vadd.s32 v11, v16;
	v10 =	vsel vm1, v10, v14;
	(pc) =	sbr.rel @p0 .LBB2_26-.Ltmp12, $4  }
0x2ce: {  	v13 =	vand.u32 $0xFFFF, v8;
	v14 =	vshrl.u32 v8, $0x10;
	v11 =	vperm.xlane v8, v2  }
0x2cf: {  	vm0 =	vlt.s32 v13, v4;
	vm1 =	vlt.s32 v14, v5  }
0x2d0: {  	v8 =	vmpcnt.ones.xlane vm0;
	v9 =	vmpcnt.ones.xlane vm1;
	v13 =	vnsel vm0, $0x0, v13  }
0x2d1: {  	v14 =	vnsel vm1, $0x0, v14;
	vm0 =	vgt.s32 v12, v13  }
0x2d2: {  	s0 =	sshra.s32 s1, $0x2  }
0x2d3: {  	v16 =	vld [tilespmem:s0+$0x1A000];
	_ =	sdelay $0x1  }
0x2d4: {  	(xrf0) =	vadd.scan.msk.s32 $0xffff, v15  }
0x2d5: {  	v15, _, _ =	vpop (xrf0)  }
0x2d6: {  	v11 =	vadd.s32 v11, v15  }
0x2d7: {  	v15 =	vshrl.u32 v11, $0x10;
	(xrf0) =	vadd.scan.msk.s32 $0xffff, v16  }
0x2d8: {  	vm2 =	vgt.s32 v10, v14;
	v12 =	vsel vm0, v12, v13;
	v13 =	vand.u32 $0xFFFF, v11  }
0x2d9: {  	v11 =	vperm.xlane v11, v2;
	vm1 =	vlt.s32 v13, v4;
	vm0 =	vlt.s32 v15, v5  }
0x2da: {  	v10 =	vsel vm2, v10, v14;
	v13 =	vnsel vm1, $0x0, v13;
	v14 =	vnsel vm0, $0x0, v15;
	v15, _, _ =	vpop (xrf0)  }
0x2db: {  	vm2 =	vgt.s32 v12, v13;
	vm3 =	vgt.s32 v10, v14;
	v11 =	vadd.s32 v11, v15  }
0x2dc: {  	v12 =	vsel vm2, v12, v13;
	v13 =	vand.u32 $0xFFFF, v11;
	v15 =	vperm.xlane v11, v2  }
0x2dd: {  	v10 =	vsel vm3, v10, v14;
	v11 =	vshrl.u32 v11, $0x10;
	vm2 =	vlt.s32 v13, v4;
	v14, _, _ =	vpop (xrf0)  }
0x2de: {  	vm3 =	vlt.s32 v11, v5;
	v13 =	vnsel vm2, $0x0, v13;
	v14 =	vadd.s32 v15, v14  }
0x2df: {  	v11 =	vnsel vm3, $0x0, v11;
	vm4 =	vgt.s32 v12, v13;
	v15 =	vand.u32 $0xFFFF, v14  }
0x2e0: {  	vm5 =	vgt.s32 v10, v11;
	v14 =	vshrl.u32 v14, $0x10;
	vm6 =	vlt.s32 v15, v4  }
0x2e1: {  	v12 =	vsel vm4, v12, v13;
	vm13 =	vlt.s32 v14, v5;
	v13 =	vnsel vm6, $0x0, v15  }
0x2e2: {  	v10 =	vsel vm5, v10, v11;
	v11 =	vnsel vm13, $0x0, v14;
	vm14 =	vgt.s32 v12, v13  }
0x2e3: {  	vm7 =	vgt.s32 v10, v11;
	v12 =	vsel vm14, v12, v13  }
0x2e4: {  	v10 =	vsel vm7, v10, v11;
	v11 =	vor.u32 $0x80000000, v12  }
0x2e5: {  	v10 =	vor.u32 $0x80000000, v10;
	(xrf0) =	vmax.scan.msk.u32 $0xffff, v11  }
0x2e6: {  	(xrf0) =	vmax.scan.msk.u32 $0xffff, v10;
	_ =	sdelay $0x4  }
0x2e7: {  	v6 =	vadd.s32 v6, v8;
	v8, _, _ =	vpop (xrf0)  }
0x2e8: {  	v7 =	vadd.s32 v7, v9;
	v9 =	vmpcnt.ones.xlane vm1;
	(v2sf) =	vpush v8, $0xF;
	v8, _, _ =	vpop (xrf0)  }
0x2e9: {  	v11 =	vmpcnt.ones.xlane vm2;
	v10 =	vmpcnt.ones.xlane vm0;
	(v2sf) =	vpush v8, $0xF  }
0x2ea: {  	v6 =	vadd.s32 v6, v9;
	v9 =	vmpcnt.ones.xlane vm6;
	v8 =	vmpcnt.ones.xlane vm3  }
0x2eb: {  	v6 =	vadd.s32 v6, v11;
	v7 =	vadd.s32 v7, v10;
	v10 =	vmpcnt.ones.xlane vm13  }
0x2ec: {  	v6 =	vadd.s32 v6, v9;
	v7 =	vadd.s32 v7, v8  }
0x2ed: {  	v6 =	vshll.u32 v6, $0x4;
	v7 =	vadd.s32 v7, v10  }
0x2ee: {  	v8 =	vor.u32 v3, v6;
	v7 =	vshll.u32 v7, $0x4  }
0x2ef: {  	v9 =	vor.u32 v3, v7;
	_ =	sdelay $0x1  }
0x2f0: {  	s2 =	simm.s32 $0x10040  }
0x2f1: {  	v16 =	vld [tilespmem:s2+$0xFFFFFFF0]  }
0x2f2: {  	v8 =	vld.idx.msk [tilespmem:v8+s20+$0x0], $0xffff  }
0x2f3: {  	v9 =	vld.idx.msk [tilespmem:v9+s20+$0x0], $0xffff;
	_ =	sdelay $0x1  }
0x2f4: {  	v15 =	vld [tilespmem:s2+$0xFFFFFFE0]  }
0x2f5: {  	v12 =	vld [tilespmem:s2+$0xFFFFFFD0];
	s30 =	spop (v2sf)  }
0x2f6: {  	v8 =	vand.u32 $0xFFFF, v8;
	s0 =	sxor.u32 $0x80000000, s30;
	s31 =	spop (v2sf)  }
0x2f7: {  	v22 =	vshrl.u32 v16, $0x14;
	v13 =	vld [tilespmem:s2+$0x30];
	v10 =	vadd.s32 s0, v8;
	s1 =	sxor.u32 $0x80000000, s31;
	v8 =	vshrl.u32 v9, $0x10  }
0x2f8: {  	v16 =	vshrl.u32 v16, $0x8;
	vm0 =	vlt.s32 v10, v4;
	v11 =	vadd.s32 s1, v8  }
0x2f9: {  	v17 =	vld [tilespmem:s2+$0x0];
	v21 =	vshrl.u32 v15, $0x14;
	v9 =	vmpcnt.ones.xlane vm0;
	vm1 =	vlt.s32 v11, v5  }
0x2fa: {  	v19 =	vld [tilespmem:s2+$0x10];
	v15 =	vshrl.u32 v15, $0x8;
	v18 =	vshrl.u32 v12, $0x14;
	v14 =	vmpcnt.ones.xlane vm1  }
0x2fb: {  	v20 =	vld [tilespmem:s2+$0x20];
	v12 =	vshrl.u32 v12, $0x8;
	v8 =	vmov s0;
	v6 =	vadd.s32 v6, v9  }
0x2fc: {  	v9 =	vmov s1;
	v7 =	vadd.s32 v7, v14;
	v14 =	vshrl.u32 v13, $0x8  }
0x2fd: {  	vm3 =	veq.s32 v18, v6;
	v13 =	vshrl.u32 v13, $0x14;
	vm5 =	veq.s32 v21, v6  }
0x2fe: {  	vm7 =	veq.s32 v22, v6;
	v29 =	vand.u32 $0xFFF, v14;
	vm2 =	veq.s32 v13, v6  }
0x2ff: {  	vm15 =	veq.s32 v13, v7;
	v13 =	vshrl.u32 v17, $0x14;
	vm4 =	veq.s32 v18, v7  }
0x300: {  	v18 =	vshrl.u32 v19, $0x14;
	vm6 =	veq.s32 v21, v7;
	v21 =	vshrl.u32 v20, $0x14  }
0x301: {  	vm8 =	veq.s32 v22, v7;
	v17 =	vshrl.u32 v17, $0x8;
	v19 =	vshrl.u32 v19, $0x8  }
0x302: {  	v23 =	vsel vm2, $0x1, v0;
	v24 =	vsel vm15, $0x10000, v0;
	vm11 =	veq.s32 v13, v6  }
0x303: {  	v14 =	vld [tilespmem:s2+$0xFFFFFFC0];
	vm12 =	veq.s32 v13, v7;
	vm13 =	veq.s32 v18, v6;
	vm14 =	veq.s32 v18, v7  }
0x304: {  	vm15 =	veq.s32 v21, v6;
	vm2 =	veq.s32 v21, v7;
	v13 =	vshrl.u32 v20, $0x8  }
0x305: {  	v20 =	vsel vm3, $0x1, v0;
	v22 =	vsel vm4, $0x10000, v0;
	v21 =	vsel vm5, $0x1, v0  }
0x306: {  	v25 =	vsel vm6, $0x10000, v0;
	v28 =	vsel vm8, $0x10000, v0;
	v30 =	vor.u32 v23, v24  }
0x307: {  	v24 =	vsel vm11, $0x1, v0;
	v26 =	vsel vm12, $0x10000, v0;
	v31 =	vsel vm14, $0x10000, v0  }
0x308: {  	v23 =	vshrl.u32 v14, $0x14;
	v14 =	vshrl.u32 v14, $0x8;
	[tilespmem:v29+s19+$0x0] =	vst.idx.add.s32.msk $0xffff, v30;
	v29 =	vsel vm13, $0x1, v0  }
0x309: {  	v30 =	vsel vm15, $0x1, v0;
	vm9 =	veq.s32 v23, v6;
	vm10 =	veq.s32 v23, v7  }
0x30a: {  	s0 =	simm.s32 $0x0;
	s1 =	simm.s32 $0x100C0;
	v23 =	vsel vm7, $0x1, v0;
	v18 =	vsel vm9, $0x1, v0;
	v27 =	vsel vm10, $0x10000, v0  }
.LBB2_28:
0x30b: {  	v32 =	vld [tilespmem:s1+$0x30];
	s0 =	sadd.s32 $0x8, s0;
	v14 =	vand.u32 $0xFFF, v14;
	v33 =	vand.u32 $0xFFF, v12;
	v12 =	vsel vm2, $0x10000, v0  }
0x30c: {  	v15 =	vand.u32 $0xFFF, v15;
	v16 =	vand.u32 $0xFFF, v16;
	v17 =	vand.u32 $0xFFF, v17;
	v34 =	vld [tilespmem:s1+$0xFFFFFFD0];
	p0 =	slt.u32 s0, $0x7F8  }
0x30d: {  	v18 =	vor.u32 v18, v27;
	v19 =	vand.u32 $0xFFF, v19;
	v27 =	vand.u32 $0xFFF, v13;
	v35 =	vld [tilespmem:s1+$0xFFFFFFE0]  }
0x30e: {  	v20 =	vor.u32 v20, v22;
	v21 =	vor.u32 v21, v25;
	v22 =	vor.u32 v23, v28;
	v13 =	vld [tilespmem:s1+$0xFFFFFFF0]  }
0x30f: {  	v24 =	vor.u32 v24, v26;
	v25 =	vor.u32 v29, v31;
	v26 =	vor.u32 v30, v12;
	v23 =	vld [tilespmem:s1+$0x0]  }
0x310: {  	v28 =	vld [tilespmem:s1+$0x10];
	v29 =	vshrl.u32 v32, $0x8  }
0x311: {  	v30 =	vshrl.u32 v34, $0x14;
	v12 =	vshrl.u32 v34, $0x8;
	v31 =	vld [tilespmem:s1+$0x20];
	v29 =	vand.u32 $0xFFF, v29  }
0x312: {  	v32 =	vshrl.u32 v32, $0x14;
	v34 =	vld [tilespmem:s1+$0xFFFFFFC0];
	vm3 =	veq.s32 v30, v6;
	v36 =	vshrl.u32 v35, $0x14  }
0x313: {  	vm2 =	veq.s32 v32, v6;
	vm4 =	veq.s32 v32, v7;
	v37 =	vshrl.u32 v13, $0x14;
	[tilespmem:v14+s19+$0x0] =	vst.idx.add.s32.msk $0xffff, v18  }
0x314: {  	v32 =	vsel vm4, $0x10000, v0;
	v18 =	vsel vm2, $0x1, v0;
	v14 =	vshrl.u32 v23, $0x14;
	[tilespmem:v33+s19+$0x0] =	vst.idx.add.s32.msk $0xffff, v20  }
0x315: {  	s25 =	simm.s32 $0x19020;
	vm4 =	veq.s32 v30, v7;
	v18 =	vor.u32 v18, v32;
	v20 =	vshrl.u32 v28, $0x14;
	[tilespmem:v15+s19+$0x0] =	vst.idx.add.s32.msk $0xffff, v21  }
0x316: {  	s26 =	simm.s32 $0x1A002;
	s28 =	simm.s32 $0x18020;
	vm5 =	veq.s32 v36, v6;
	vm6 =	veq.s32 v36, v7;
	v15 =	vshrl.u32 v31, $0x14;
	[tilespmem:v29+s19+$0x0] =	vst.idx.add.s32.msk $0xffff, v18  }
0x317: {  	vm8 =	veq.s32 v37, v6;
	vm7 =	veq.s32 v37, v7;
	v18 =	vshrl.u32 v34, $0x14;
	[tilespmem:v16+s19+$0x0] =	vst.idx.add.s32.msk $0xffff, v22  }
0x318: {  	vm11 =	veq.s32 v14, v6;
	vm9 =	veq.s32 v18, v6;
	vm10 =	veq.s32 v18, v7  }
0x319: {  	vm12 =	veq.s32 v14, v7;
	vm13 =	veq.s32 v20, v6;
	vm14 =	veq.s32 v20, v7  }
0x31a: {  	v14 =	vshrl.u32 v34, $0x8;
	vm15 =	veq.s32 v15, v6;
	vm2 =	veq.s32 v15, v7;
	[tilespmem:v17+s19+$0x0] =	vst.idx.add.s32.msk $0xffff, v24  }
0x31b: {  	v15 =	vshrl.u32 v35, $0x8;
	v16 =	vshrl.u32 v13, $0x8;
	v17 =	vshrl.u32 v23, $0x8;
	[tilespmem:v19+s19+$0x0] =	vst.idx.add.s32.msk $0xffff, v25  }
.Ltmp13:
0x31c: {  	v13 =	vshrl.u32 v31, $0x8;
	v18 =	vsel vm9, $0x1, v0;
	v19 =	vshrl.u32 v28, $0x8;
	[tilespmem:v27+s19+$0x0] =	vst.idx.add.s32.msk $0xffff, v26;
	(pc) =	sbr.rel @p0 .LBB2_28-.Ltmp13, $4  }
0x31d: {  	v20 =	vsel vm3, $0x1, v0;
	v22 =	vsel vm4, $0x10000, v0;
	v27 =	vsel vm10, $0x10000, v0  }
0x31e: {  	v21 =	vsel vm5, $0x1, v0;
	v23 =	vsel vm8, $0x1, v0;
	v25 =	vsel vm6, $0x10000, v0  }
0x31f: {  	v24 =	vsel vm11, $0x1, v0;
	v28 =	vsel vm7, $0x10000, v0;
	v26 =	vsel vm12, $0x10000, v0  }
0x320: {  	s1 =	sadd.s32 $0x80, s1;
	v29 =	vsel vm13, $0x1, v0;
	v31 =	vsel vm14, $0x10000, v0;
	v30 =	vsel vm15, $0x1, v0  }
0x321: {  	v14 =	vand.u32 $0xFFF, v14  }
0x322: {  	v12 =	vand.u32 $0xFFF, v12  }
0x323: {  	v15 =	vand.u32 $0xFFF, v15  }
0x324: {  	v16 =	vand.u32 $0xFFF, v16  }
0x325: {  	v17 =	vand.u32 $0xFFF, v17;
	v18 =	vor.u32 v18, v27  }
0x326: {  	v19 =	vand.u32 $0xFFF, v19;
	v20 =	vor.u32 v20, v22;
	[tilespmem:v14+s19+$0x0] =	vst.idx.add.s32.msk $0xffff, v18  }
0x327: {  	v13 =	vand.u32 $0xFFF, v13;
	v14 =	vor.u32 v21, v25;
	[tilespmem:v12+s19+$0x0] =	vst.idx.add.s32.msk $0xffff, v20  }
0x328: {  	v12 =	vor.u32 v23, v28;
	[tilespmem:v15+s19+$0x0] =	vst.idx.add.s32.msk $0xffff, v14  }
0x329: {  	v14 =	vor.u32 v24, v26;
	[tilespmem:v16+s19+$0x0] =	vst.idx.add.s32.msk $0xffff, v12  }
0x32a: {  	v12 =	vsel vm2, $0x10000, v0;
	v15 =	vor.u32 v29, v31;
	[tilespmem:v17+s19+$0x0] =	vst.idx.add.s32.msk $0xffff, v14  }
0x32b: {  	v12 =	vor.u32 v30, v12;
	[tilespmem:v19+s19+$0x0] =	vst.idx.add.s32.msk $0xffff, v15  }
0x32c: {  	[tilespmem:v13+s19+$0x0] =	vst.idx.add.s32.msk $0xffff, v12  }
0x32d: {  	v12 =	vld [tilespmem:s28+$0xFFFFFFE0];
	_ =	sdelay $0x4  }
0x32e: {  	(xrf0) =	vadd.scan.msk.s32 $0xffff, v12;
	_ =	sdelay $0x3  }
0x32f: {  	s29 =	simm.s32 $0x18060  }
0x330: {  	v12 =	vld [tilespmem:s29+$0xFFFFFFE0]  }
0x331: {  	v13, _, _ =	vpop (xrf0)  }
0x332: {  	[tilespmem:s28+$0xFFFFFFE0] =	vst v0;
	v14 =	vperm.xlane v13, v2  }
0x333: {  	[tilespmem:s25+$0xFFFFFFE0] =	vst v13  }
0x334: {  	[tilespmem:s26+$0xFFFFFFFE] =	vst.msk $0x1, v14  }
0x335: {  	(xrf0) =	vadd.scan.msk.s32 $0xffff, v12;
	v13 =	vld [tilespmem:s28+$0xFFFFFFF0];
	_ =	sdelay $0x4  }
0x336: {  	(xrf0) =	vadd.scan.msk.s32 $0xffff, v13  }
0x337: {  	v12, _, _ =	vpop (xrf0)  }
0x338: {  	s0 =	simm.s32 $0x19060;
	[tilespmem:s29+$0xFFFFFFE0] =	vst v0;
	v14 =	vperm.xlane v12, v2  }
0x339: {  	s30 =	simm.s32 $0x180A0;
	s31 =	simm.s32 $0x1A006;
	[tilespmem:s0+$0xFFFFFFE0] =	vst v12  }
0x33a: {  	v13 =	vld [tilespmem:s30+$0xFFFFFFE0];
	[tilespmem:s31+$0xFFFFFFFE] =	vst.msk $0x1, v14  }
0x33b: {  	v12 =	vld [tilespmem:s29+$0xFFFFFFF0]  }
0x33c: {  	v14, _, _ =	vpop (xrf0)  }
0x33d: {  	[tilespmem:s28+$0xFFFFFFF0] =	vst v0;
	v15 =	vperm.xlane v14, v2  }
0x33e: {  	[tilespmem:s25+$0xFFFFFFF0] =	vst v14  }
0x33f: {  	(xrf0) =	vadd.scan.msk.s32 $0xffff, v13;
	[tilespmem:s26+$0xFFFFFFFF] =	vst.msk $0x1, v15  }
0x340: {  	(xrf0) =	vadd.scan.msk.s32 $0xffff, v12;
	v13 =	vld [tilespmem:s28+$0x0];
	_ =	sdelay $0x4  }
0x341: {  	s1 =	simm.s32 $0x180E0;
	s4 =	simm.s32 $0x190A0;
	[tilespmem:s30+$0xFFFFFFE0] =	vst v0;
	v12, _, _ =	vpop (xrf0);
	(xrf0) =	vadd.scan.msk.s32 $0xffff, v13  }
0x342: {  	v14 =	vld [tilespmem:s1+$0xFFFFFFE0];
	v15 =	vperm.xlane v12, v2;
	[tilespmem:s4+$0xFFFFFFE0] =	vst v12;
	v12, _, _ =	vpop (xrf0)  }
0x343: {  	s2 =	simm.s32 $0x1A00A;
	[tilespmem:s29+$0xFFFFFFF0] =	vst v0;
	v13 =	vperm.xlane v12, v2  }
0x344: {  	[tilespmem:s2+$0xFFFFFFFE] =	vst.msk $0x1, v15  }
0x345: {  	[tilespmem:s0+$0xFFFFFFF0] =	vst v12;
	v12 =	vld [tilespmem:s30+$0xFFFFFFF0];
	_ =	sdelay $0x1  }
0x346: {  	(xrf0) =	vadd.scan.msk.s32 $0xffff, v14;
	[tilespmem:s31+$0xFFFFFFFF] =	vst.msk $0x1, v13;
	v13, _, _ =	vpop (xrf0)  }
0x347: {  	[tilespmem:s28+$0x0] =	vst v0;
	v14 =	vld [tilespmem:s29+$0x0];
	v15 =	vperm.xlane v13, v2  }
0x348: {  	[tilespmem:s25+$0x0] =	vst v13  }
0x349: {  	(xrf0) =	vadd.scan.msk.s32 $0xffff, v12;
	[tilespmem:s26+$0x0] =	vst.msk $0x1, v15  }
0x34a: {  	v12 =	vld [tilespmem:s28+$0x10];
	_ =	sdelay $0x1  }
0x34b: {  	s5 =	simm.s32 $0xC;
	s6 =	simm.s32 $0x18120;
	s13 =	simm.s32 $0x190A0;
	v13, _, _ =	vpop (xrf0);
	(xrf0) =	vadd.scan.msk.s32 $0xffff, v14  }
.LBB2_30:
0x34c: {  	v14 =	vld [tilespmem:s6+$0xFFFFFFE0];
	s5 =	sadd.s32 $0x4, s5;
	[tilespmem:s1+$0xFFFFFFE0] =	vst v0;
	v15 =	vperm.xlane v13, v2;
	s4 =	sadd.s32 $0x40, s4;
	s7 =	smov.u32 s2  }
0x34d: {  	s2 =	sadd.s32 $0x4, s2;
	s8 =	smov.u32 s1;
	p0 =	slt.u32 s5, $0xFC;
	[tilespmem:s4+$0xFFFFFFE0] =	vst v13  }
0x34e: {  	s1 =	smov.u32 s6;
	[tilespmem:s2+$0xFFFFFFFE] =	vst.msk $0x1, v15;
	v13, _, _ =	vpop (xrf0);
	(xrf0) =	vadd.scan.msk.s32 $0xffff, v12  }
0x34f: {  	v12 =	vld [tilespmem:s8+$0xFFFFFFF0];
	[tilespmem:s30+$0xFFFFFFF0] =	vst v0;
	v15 =	vperm.xlane v13, v2  }
0x350: {  	[tilespmem:s13+$0xFFFFFFF0] =	vst v13  }
0x351: {  	(xrf0) =	vadd.scan.msk.s32 $0xffff, v14;
	[tilespmem:s7+$0xFFFFFFFF] =	vst.msk $0x1, v15;
	v13, _, _ =	vpop (xrf0)  }
0x352: {  	v14 =	vld [tilespmem:s30+$0x0];
	[tilespmem:s29+$0x0] =	vst v0;
	v15 =	vperm.xlane v13, v2  }
.Ltmp14:
0x353: {  	[tilespmem:s0+$0x0] =	vst v13;
	(pc) =	sbr.rel @p0 .LBB2_30-.Ltmp14, $4  }
0x354: {  	(xrf0) =	vadd.scan.msk.s32 $0xffff, v12;
	[tilespmem:s31+$0x0] =	vst.msk $0x1, v15;
	v13, _, _ =	vpop (xrf0)  }
0x355: {  	v12 =	vld [tilespmem:s29+$0x10];
	[tilespmem:s28+$0x10] =	vst v0;
	v15 =	vperm.xlane v13, v2;
	s28 =	smov.u32 s29;
	s29 =	smov.u32 s30;
	s30 =	smov.u32 s8  }
0x356: {  	[tilespmem:s25+$0x10] =	vst v13;
	s25 =	smov.u32 s0;
	s0 =	smov.u32 s13;
	s13 =	smov.u32 s4  }
0x357: {  	s6 =	sadd.s32 $0x40, s6;
	v13, _, _ =	vpop (xrf0);
	(xrf0) =	vadd.scan.msk.s32 $0xffff, v14;
	[tilespmem:s26+$0x1] =	vst.msk $0x1, v15;
	s26 =	smov.u32 s31;
	s31 =	smov.u32 s7  }
0x358: {  	[tilespmem:s1+$0xFFFFFFE0] =	vst v0;
	v14 =	vperm.xlane v13, v2;
	s4 =	sadd.s32 $0x40, s4  }
0x359: {  	s5 =	sadd.s32 $0x4, s2;
	[tilespmem:s4+$0xFFFFFFE0] =	vst v13  }
0x35a: {  	[tilespmem:s5+$0xFFFFFFFE] =	vst.msk $0x1, v14  }
0x35b: {  	v13 =	vld [tilespmem:s1+$0xFFFFFFF0];
	_ =	sdelay $0x3  }
0x35c: {  	(xrf0) =	vadd.scan.msk.s32 $0xffff, v12;
	v12, _, _ =	vpop (xrf0)  }
0x35d: {  	[tilespmem:s30+$0xFFFFFFF0] =	vst v0;
	(xrf0) =	vadd.scan.msk.s32 $0xffff, v13;
	v13 =	vperm.xlane v12, v2  }
0x35e: {  	[tilespmem:s13+$0xFFFFFFF0] =	vst v12;
	v12, _, _ =	vpop (xrf0)  }
0x35f: {  	[tilespmem:s2+$0xFFFFFFFF] =	vst.msk $0x1, v13;
	v13 =	vperm.xlane v12, v2;
	_ =	sdelay $0x1  }
0x360: {  	[tilespmem:s29+$0x0] =	vst v0  }
0x361: {  	[tilespmem:s0+$0x0] =	vst v12;
	v12, _, _ =	vpop (xrf0);
	v14 =	vld [tilespmem:s30+$0x0]  }
0x362: {  	[tilespmem:s31+$0x0] =	vst.msk $0x1, v13;
	v13, _, _ =	vpop (xrf0)  }
0x363: {  	[tilespmem:s1+$0xFFFFFFF0] =	vst v0;
	v15 =	vperm.xlane v13, v2  }
0x364: {  	[tilespmem:s4+$0xFFFFFFF0] =	vst v13  }
0x365: {  	v13 =	vld [tilespmem:s29+$0x10];
	[tilespmem:s5+$0xFFFFFFFF] =	vst.msk $0x1, v15  }
0x366: {  	(xrf0) =	vadd.scan.msk.s32 $0xffff, v14;
	v15 =	vld [tilespmem:s1+$0x0];
	_ =	sdelay $0x3  }
0x367: {  	(xrf0) =	vadd.scan.msk.s32 $0xffff, v13  }
0x368: {  	(xrf0) =	vadd.scan.msk.s32 $0xffff, v15  }
0x369: {  	v13, _, _ =	vpop (xrf0)  }
0x36a: {  	v14 =	vperm.xlane v13, v2;
	_ =	sdelay $0x1  }
0x36b: {  	[tilespmem:s30+$0x0] =	vst v0  }
0x36c: {  	[tilespmem:s13+$0x0] =	vst v13;
	v13, _, _ =	vpop (xrf0)  }
0x36d: {  	[tilespmem:s2+$0x0] =	vst.msk $0x1, v14;
	v14, _, _ =	vpop (xrf0)  }
0x36e: {  	[tilespmem:s1+$0x0] =	vst v0;
	v15 =	vperm.xlane v14, v2  }
0x36f: {  	[tilespmem:s4+$0x0] =	vst v14  }
0x370: {  	v14 =	vld [tilespmem:s30+$0x10];
	[tilespmem:s5+$0x0] =	vst.msk $0x1, v15  }
0x371: {  	v15 =	vld [tilespmem:s1+$0x10];
	_ =	sdelay $0x3  }
0x372: {  	v10 =	vxor.u32 $0x80000000, v10;
	(xrf0) =	vadd.scan.msk.s32 $0xffff, v14  }
0x373: {  	v11 =	vxor.u32 $0x80000000, v11;
	v10 =	vnsel vm0, $0x80000000, v10;
	(xrf0) =	vadd.scan.msk.s32 $0xffff, v15  }
0x374: {  	(xrf0) =	vmax.scan.msk.u32 $0xffff, v10;
	v10 =	vnsel vm1, $0x80000000, v11  }
0x375: {  	(xrf0) =	vmax.scan.msk.u32 $0xffff, v10  }
0x376: {  	v11 =	vperm.xlane v12, v2;
	_ =	sdelay $0x1  }
0x377: {  	[tilespmem:s28+$0x10] =	vst v0;
	v10, _, _ =	vpop (xrf0)  }
0x378: {  	[tilespmem:s25+$0x10] =	vst v12;
	v14, _, _ =	vpop (xrf0)  }
0x379: {  	[tilespmem:s26+$0x1] =	vst.msk $0x1, v11;
	v11, _, _ =	vpop (xrf0)  }
0x37a: {  	(v2sf) =	vpush v11, $0xF;
	v11, _, _ =	vpop (xrf0)  }
0x37b: {  	(v2sf) =	vpush v11, $0xF  }
0x37c: {  	[tilespmem:s29+$0x10] =	vst v0  }
0x37d: {  	[tilespmem:s0+$0x10] =	vst v13  }
0x37e: {  	[tilespmem:s30+$0x10] =	vst v0;
	v12 =	vperm.xlane v13, v2  }
0x37f: {  	[tilespmem:s1+$0x10] =	vst v0  }
0x380: {  	[tilespmem:s31+$0x1] =	vst.msk $0x1, v12  }
0x381: {  	[tilespmem:s13+$0x10] =	vst v10;
	v11 =	vperm.xlane v10, v2  }
0x382: {  	[tilespmem:s4+$0x10] =	vst v14;
	v10 =	vperm.xlane v14, v2  }
0x383: {  	[tilespmem:s2+$0x1] =	vst.msk $0x1, v11  }
0x384: {  	s26 =	simm.s32 $0x0;
	[tilespmem:s5+$0x1] =	vst.msk $0x1, v10  }
0x385: {  	v10 =	vld [tilespmem:s26+$0x1A000];
	_ =	sdelay $0x3  }
0x386: {  	s28 =	spop (v2sf)  }
0x387: {  	(xrf0) =	vadd.scan.msk.s32 $0xffff, v10;
	s29 =	spop (v2sf)  }
0x388: {  	s1 =	sxor.u32 $0x80000000, s29  }
0x389: {  	s30 =	simm.s32 $0x10;
	vm1 =	vgt.s32 v9, s1  }
0x38a: {  	v14 =	vld [tilespmem:s30+$0x1A000];
	s0 =	sxor.u32 $0x80000000, s28;
	v9 =	vnsel vm1, s1, v9  }
0x38b: {  	vm0 =	vgt.s32 v8, s0  }
0x38c: {  	v8 =	vnsel vm0, s0, v8  }
0x38d: {  	v10 =	vimm.s32 $0x0;
	v8 =	vbroadcast v8, $0x0;
	v11 =	vbroadcast v9, $0x0;
	v9, _, _ =	vpop (xrf0)  }
0x38e: {  	v12 =	vadd.s32 v10, v9  }
0x38f: {  	s31 =	simm.s32 $0x20;
	(xrf0) =	vadd.scan.msk.s32 $0xffff, v14;
	v9 =	vsub.s32 v4, v8;
	v8 =	vsub.s32 v5, v11;
	v11 =	vand.u32 $0xFFFF, v12  }
0x390: {  	v19 =	vld [tilespmem:s31+$0x1A000];
	v14 =	vimm.s32 $0x0;
	v16 =	vshrl.u32 v12, $0x10;
	vm0 =	vlt.s32 v11, v9  }
0x391: {  	v15 =	vperm.xlane v12, v2;
	vm1 =	vlt.s32 v16, v8;
	v12 =	vmpcnt.ones.xlane vm0  }
0x392: {  	v18 =	vnsel vm0, $0x0, v11;
	v13 =	vmpcnt.ones.xlane vm1;
	v17 =	vnsel vm1, $0x0, v16  }
0x393: {  	s0 =	simm.s32 $0x100;
	s1 =	simm.s32 $0xC0;
	v11 =	vimm.s32 $0x0;
	v16 =	vimm.s32 $0x0;
	vm0 =	vgt.s32 v10, v18  }
.LBB2_32:
0x394: {  	p0 =	sne.s32 s0, $0x3C0  }
0x395: {  	s2 =	sshra.s32 s1, $0x2;
	(xrf0) =	vadd.scan.msk.s32 $0xffff, v19;
	v20, _, _ =	vpop (xrf0);
	v10 =	vadd.s32 v10, v12;
	v11 =	vadd.s32 v11, v13;
	vm1 =	vgt.s32 v14, v17;
	s1 =	smov.u32 s0;
	s0 =	sadd.s32 $0x40, s0  }
.Ltmp15:
0x396: {  	v16 =	vsel vm0, v16, v18;
	v19 =	vld [tilespmem:s2+$0x1A000];
	v12 =	vadd.s32 v15, v20;
	v14 =	vsel vm1, v14, v17;
	(pc) =	sbr.rel @p0 .LBB2_32-.Ltmp15, $4  }
0x397: {  	v17 =	vand.u32 $0xFFFF, v12;
	v20 =	vshrl.u32 v12, $0x10;
	v15 =	vperm.xlane v12, v2  }
0x398: {  	vm0 =	vlt.s32 v17, v9;
	vm1 =	vlt.s32 v20, v8  }
0x399: {  	v12 =	vmpcnt.ones.xlane vm0;
	v13 =	vmpcnt.ones.xlane vm1;
	v18 =	vnsel vm0, $0x0, v17  }
0x39a: {  	v17 =	vnsel vm1, $0x0, v20;
	vm0 =	vgt.s32 v16, v18  }
0x39b: {  	s0 =	sshra.s32 s1, $0x2  }
0x39c: {  	v20 =	vld [tilespmem:s0+$0x1A000];
	_ =	sdelay $0x1  }
0x39d: {  	(xrf0) =	vadd.scan.msk.s32 $0xffff, v19  }
0x39e: {  	v19, _, _ =	vpop (xrf0)  }
0x39f: {  	v15 =	vadd.s32 v15, v19  }
0x3a0: {  	v19 =	vshrl.u32 v15, $0x10;
	(xrf0) =	vadd.scan.msk.s32 $0xffff, v20  }
0x3a1: {  	vm2 =	vgt.s32 v14, v17;
	v16 =	vsel vm0, v16, v18;
	v18 =	vand.u32 $0xFFFF, v15  }
0x3a2: {  	v15 =	vperm.xlane v15, v2;
	vm1 =	vlt.s32 v18, v9;
	vm0 =	vlt.s32 v19, v8  }
0x3a3: {  	v14 =	vsel vm2, v14, v17;
	v17 =	vnsel vm1, $0x0, v18;
	v18 =	vnsel vm0, $0x0, v19;
	v19, _, _ =	vpop (xrf0)  }
0x3a4: {  	vm2 =	vgt.s32 v16, v17;
	vm3 =	vgt.s32 v14, v18;
	v15 =	vadd.s32 v15, v19  }
0x3a5: {  	v16 =	vsel vm2, v16, v17;
	v17 =	vand.u32 $0xFFFF, v15;
	v19 =	vperm.xlane v15, v2  }
0x3a6: {  	v14 =	vsel vm3, v14, v18;
	v15 =	vshrl.u32 v15, $0x10;
	vm2 =	vlt.s32 v17, v9;
	v18, _, _ =	vpop (xrf0)  }
0x3a7: {  	vm3 =	vlt.s32 v15, v8;
	v17 =	vnsel vm2, $0x0, v17;
	v18 =	vadd.s32 v19, v18  }
0x3a8: {  	v15 =	vnsel vm3, $0x0, v15;
	vm4 =	vgt.s32 v16, v17;
	v19 =	vand.u32 $0xFFFF, v18  }
0x3a9: {  	vm5 =	vgt.s32 v14, v15;
	v18 =	vshrl.u32 v18, $0x10;
	vm6 =	vlt.s32 v19, v9  }
0x3aa: {  	v16 =	vsel vm4, v16, v17;
	vm4 =	vlt.s32 v18, v8;
	v17 =	vnsel vm6, $0x0, v19  }
0x3ab: {  	v14 =	vsel vm5, v14, v15;
	v15 =	vnsel vm4, $0x0, v18;
	vm5 =	vgt.s32 v16, v17  }
0x3ac: {  	vm7 =	vgt.s32 v14, v15;
	v16 =	vsel vm5, v16, v17  }
0x3ad: {  	v14 =	vsel vm7, v14, v15;
	v15 =	vor.u32 $0x80000000, v16  }
0x3ae: {  	v14 =	vor.u32 $0x80000000, v14;
	(xrf0) =	vmax.scan.msk.u32 $0xffff, v15  }
0x3af: {  	(xrf0) =	vmax.scan.msk.u32 $0xffff, v14;
	_ =	sdelay $0x4  }
0x3b0: {  	v10 =	vadd.s32 v10, v12;
	v12, _, _ =	vpop (xrf0)  }
0x3b1: {  	v11 =	vadd.s32 v11, v13;
	v13 =	vmpcnt.ones.xlane vm1;
	(v2sf) =	vpush v12, $0xF;
	v12, _, _ =	vpop (xrf0)  }
0x3b2: {  	v15 =	vmpcnt.ones.xlane vm2;
	v14 =	vmpcnt.ones.xlane vm0;
	(v2sf) =	vpush v12, $0xF  }
0x3b3: {  	v10 =	vadd.s32 v10, v13;
	v13 =	vmpcnt.ones.xlane vm6;
	v12 =	vmpcnt.ones.xlane vm3  }
0x3b4: {  	v10 =	vadd.s32 v10, v15;
	v11 =	vadd.s32 v11, v14;
	v14 =	vmpcnt.ones.xlane vm4  }
0x3b5: {  	v10 =	vadd.s32 v10, v13;
	v11 =	vadd.s32 v11, v12  }
0x3b6: {  	v16 =	vshll.u32 v10, $0x4;
	v11 =	vadd.s32 v11, v14  }
0x3b7: {  	v10 =	vor.u32 v3, v16;
	v17 =	vshll.u32 v11, $0x4  }
0x3b8: {  	v11 =	vor.u32 v3, v17;
	_ =	sdelay $0x3  }
0x3b9: {  	v10 =	vld.idx.msk [tilespmem:v10+s20+$0x0], $0xffff  }
0x3ba: {  	s2 =	simm.s32 $0x10040;
	v11 =	vld.idx.msk [tilespmem:v11+s20+$0x0], $0xffff  }
0x3bb: {  	v20 =	vld [tilespmem:s2+$0x30]  }
0x3bc: {  	v6 =	vshll.u32 v6, $0xC  }
0x3bd: {  	v6 =	vadd.s32 v6, v16;
	v16 =	vld [tilespmem:s2+$0x0];
	s30 =	spop (v2sf)  }
0x3be: {  	v14 =	vld [tilespmem:s2+$0xFFFFFFE0];
	v10 =	vand.u32 $0xFFFF, v10;
	s0 =	sxor.u32 $0x80000000, s30;
	s31 =	spop (v2sf)  }
0x3bf: {  	v12 =	vadd.s32 s0, v10;
	s1 =	sxor.u32 $0x80000000, s31;
	v10 =	vshrl.u32 v11, $0x10  }
0x3c0: {  	v7 =	vshll.u32 v7, $0xC;
	v29 =	vand.u32 $0xFF, v20;
	v18 =	vld [tilespmem:s2+$0xFFFFFFD0];
	v13 =	vadd.s32 s1, v10  }
0x3c1: {  	v22 =	vshrl.u32 v20, $0x8;
	vm0 =	vlt.s32 v12, v9;
	vm1 =	vlt.s32 v13, v8  }
0x3c2: {  	v15 =	vld [tilespmem:s2+$0xFFFFFFF0];
	v26 =	vshrl.u32 v16, $0x8;
	v19 =	vmpcnt.ones.xlane vm0;
	v21 =	vmpcnt.ones.xlane vm1  }
0x3c3: {  	v17 =	vadd.s32 v7, v17;
	v23 =	vshrl.u32 v14, $0x8;
	v10 =	vmov s0  }
0x3c4: {  	v11 =	vmov s1;
	v7 =	vadd.s32 v19, v6;
	v6 =	vadd.s32 v21, v17  }
0x3c5: {  	v21 =	vshrl.u32 v18, $0x8;
	v18 =	vand.u32 $0xFF, v18;
	vm2 =	veq.s32 v22, v7  }
0x3c6: {  	v20 =	vld [tilespmem:s2+$0xFFFFFFC0];
	vm7 =	veq.s32 v23, v7;
	vm11 =	veq.s32 v26, v7;
	vm3 =	veq.s32 v22, v6  }
0x3c7: {  	v19 =	vld [tilespmem:s2+$0x20];
	v22 =	vshrl.u32 v15, $0x8;
	v24 =	vsel vm2, $0x1, v0;
	vm5 =	veq.s32 v21, v7  }
0x3c8: {  	vm6 =	veq.s32 v21, v6;
	vm8 =	veq.s32 v23, v6;
	vm13 =	veq.s32 v26, v6  }
0x3c9: {  	v17 =	vld [tilespmem:s2+$0x10];
	v25 =	vsel vm3, $0x10000, v0;
	vm9 =	veq.s32 v22, v7;
	vm10 =	veq.s32 v22, v6  }
0x3ca: {  	v26 =	vsel vm6, $0x10000, v0;
	v28 =	vsel vm8, $0x10000, v0;
	v31 =	vsel vm13, $0x10000, v0  }
0x3cb: {  	v30 =	vor.u32 v24, v25;
	v24 =	vshrl.u32 v20, $0x8;
	v25 =	vsel vm9, $0x1, v0  }
0x3cc: {  	v27 =	vsel vm10, $0x10000, v0;
	v23 =	vshrl.u32 v19, $0x8;
	vm4 =	veq.s32 v24, v7  }
0x3cd: {  	vm12 =	veq.s32 v24, v6;
	v24 =	vsel vm7, $0x1, v0;
	[tilespmem:v29+s19+$0x0] =	vst.idx.add.s32.msk $0xffff, v30;
	v30 =	vsel vm11, $0x1, v0  }
0x3ce: {  	v21 =	vshrl.u32 v17, $0x8;
	vm2 =	veq.s32 v23, v7;
	v22 =	vsel vm12, $0x10000, v0  }
0x3cf: {  	vm14 =	veq.s32 v21, v7;
	vm3 =	veq.s32 v21, v6;
	v21 =	vsel vm4, $0x1, v0  }
0x3d0: {  	s0 =	simm.s32 $0x0;
	s1 =	simm.s32 $0x100C0;
	vm4 =	veq.s32 v23, v6;
	v23 =	vsel vm5, $0x1, v0;
	v29 =	vsel vm14, $0x1, v0  }
.LBB2_34:
0x3d1: {  	v32 =	vld [tilespmem:s1+$0x30];
	s0 =	sadd.s32 $0x8, s0;
	v33 =	vsel vm3, $0x10000, v0;
	v34 =	vsel vm2, $0x1, v0;
	v35 =	vsel vm4, $0x10000, v0  }
0x3d2: {  	v37 =	vand.u32 $0xFF, v20;
	v38 =	vand.u32 $0xFF, v14;
	v39 =	vand.u32 $0xFF, v15;
	v36 =	vld [tilespmem:s1+$0xFFFFFFD0];
	p0 =	slt.u32 s0, $0x7F8  }
0x3d3: {  	v40 =	vand.u32 $0xFF, v16;
	v41 =	vand.u32 $0xFF, v17;
	v42 =	vand.u32 $0xFF, v19;
	v14 =	vld [tilespmem:s1+$0xFFFFFFE0]  }
0x3d4: {  	v21 =	vor.u32 v21, v22;
	v22 =	vor.u32 v23, v26;
	v23 =	vor.u32 v24, v28;
	v15 =	vld [tilespmem:s1+$0xFFFFFFF0]  }
0x3d5: {  	v24 =	vor.u32 v25, v27;
	v25 =	vor.u32 v30, v31;
	v27 =	vor.u32 v29, v33;
	v16 =	vld [tilespmem:s1+$0x0]  }
0x3d6: {  	v29 =	vor.u32 v34, v35;
	v17 =	vld [tilespmem:s1+$0x10];
	v26 =	vand.u32 $0xFF, v32  }
0x3d7: {  	v31 =	vshrl.u32 v32, $0x8;
	v28 =	vshrl.u32 v36, $0x8;
	v30 =	vand.u32 $0xFF, v36;
	v19 =	vld [tilespmem:s1+$0x20]  }
0x3d8: {  	vm2 =	veq.s32 v31, v7;
	vm3 =	veq.s32 v31, v6;
	v20 =	vld [tilespmem:s1+$0xFFFFFFC0];
	v32 =	vshrl.u32 v14, $0x8  }
0x3d9: {  	v33 =	vsel vm2, $0x1, v0;
	v34 =	vsel vm3, $0x10000, v0;
	v31 =	vshrl.u32 v15, $0x8;
	[tilespmem:v37+s19+$0x0] =	vst.idx.add.s32.msk $0xffff, v21  }
0x3da: {  	vm5 =	veq.s32 v28, v7;
	v33 =	vor.u32 v33, v34;
	v21 =	vshrl.u32 v16, $0x8;
	[tilespmem:v18+s19+$0x0] =	vst.idx.add.s32.msk $0xffff, v22  }
0x3db: {  	vm6 =	veq.s32 v28, v6;
	vm7 =	veq.s32 v32, v7;
	v22 =	vshrl.u32 v17, $0x8;
	[tilespmem:v26+s19+$0x0] =	vst.idx.add.s32.msk $0xffff, v33  }
0x3dc: {  	vm8 =	veq.s32 v32, v6;
	vm9 =	veq.s32 v31, v7;
	v26 =	vshrl.u32 v19, $0x8;
	[tilespmem:v38+s19+$0x0] =	vst.idx.add.s32.msk $0xffff, v23  }
0x3dd: {  	vm10 =	veq.s32 v31, v6;
	vm11 =	veq.s32 v21, v7;
	v23 =	vshrl.u32 v20, $0x8;
	[tilespmem:v39+s19+$0x0] =	vst.idx.add.s32.msk $0xffff, v24  }
0x3de: {  	v18 =	vmovc v30;
	vm13 =	veq.s32 v21, v6;
	vm4 =	veq.s32 v23, v7;
	vm12 =	veq.s32 v23, v6  }
.Ltmp16:
0x3df: {  	vm14 =	veq.s32 v22, v7;
	vm3 =	veq.s32 v22, v6;
	vm2 =	veq.s32 v26, v7;
	(pc) =	sbr.rel @p0 .LBB2_34-.Ltmp16, $4  }
0x3e0: {  	v21 =	vsel vm4, $0x1, v0;
	v22 =	vsel vm12, $0x10000, v0;
	vm4 =	veq.s32 v26, v6;
	[tilespmem:v40+s19+$0x0] =	vst.idx.add.s32.msk $0xffff, v25  }
0x3e1: {  	v24 =	vsel vm7, $0x1, v0;
	v23 =	vsel vm5, $0x1, v0;
	v26 =	vsel vm6, $0x10000, v0;
	[tilespmem:v41+s19+$0x0] =	vst.idx.add.s32.msk $0xffff, v27  }
0x3e2: {  	v28 =	vsel vm8, $0x10000, v0;
	v25 =	vsel vm9, $0x1, v0;
	v27 =	vsel vm10, $0x10000, v0;
	[tilespmem:v42+s19+$0x0] =	vst.idx.add.s32.msk $0xffff, v29  }
0x3e3: {  	s1 =	sadd.s32 $0x80, s1;
	v30 =	vsel vm11, $0x1, v0;
	v31 =	vsel vm13, $0x10000, v0;
	v29 =	vsel vm14, $0x1, v0  }
0x3e4: {  	v12 =	vxor.u32 $0x80000000, v12  }
0x3e5: {  	v13 =	vxor.u32 $0x80000000, v13;
	v12 =	vnsel vm0, $0x80000000, v12  }
0x3e6: {  	(xrf0) =	vmax.scan.msk.u32 $0xffff, v12;
	v12 =	vnsel vm1, $0x80000000, v13  }
0x3e7: {  	(xrf0) =	vmax.scan.msk.u32 $0xffff, v12;
	_ =	sdelay $0x4  }
0x3e8: {  	v12 =	vand.u32 $0xFF, v20;
	v13, _, _ =	vpop (xrf0)  }
0x3e9: {  	v14 =	vand.u32 $0xFF, v14;
	(v2sf) =	vpush v13, $0xF;
	v13, _, _ =	vpop (xrf0)  }
0x3ea: {  	(v2sf) =	vpush v13, $0xF  }
0x3eb: {  	v17 =	vand.u32 $0xFF, v17  }
0x3ec: {  	v13 =	vand.u32 $0xFF, v15;
	v15 =	vand.u32 $0xFF, v16;
	v16 =	vor.u32 v21, v22  }
0x3ed: {  	[tilespmem:v12+s19+$0x0] =	vst.idx.add.s32.msk $0xffff, v16;
	v16 =	vor.u32 v24, v28  }
0x3ee: {  	v20 =	vor.u32 v23, v26;
	v12 =	vand.u32 $0xFF, v19;
	[tilespmem:v14+s19+$0x0] =	vst.idx.add.s32.msk $0xffff, v16;
	v14 =	vsel vm3, $0x10000, v0  }
0x3ef: {  	[tilespmem:v18+s19+$0x0] =	vst.idx.add.s32.msk $0xffff, v20;
	v14 =	vor.u32 v29, v14  }
0x3f0: {  	v18 =	vor.u32 v25, v27;
	[tilespmem:v17+s19+$0x0] =	vst.idx.add.s32.msk $0xffff, v14  }
0x3f1: {  	v16 =	vor.u32 v30, v31;
	[tilespmem:v13+s19+$0x0] =	vst.idx.add.s32.msk $0xffff, v18;
	v13 =	vsel vm2, $0x1, v0;
	v18 =	vsel vm4, $0x10000, v0  }
0x3f2: {  	[tilespmem:v15+s19+$0x0] =	vst.idx.add.s32.msk $0xffff, v16;
	v13 =	vor.u32 v13, v18  }
0x3f3: {  	s0 =	simm.s32 $0x18020;
	[tilespmem:v12+s19+$0x0] =	vst.idx.add.s32.msk $0xffff, v13  }
0x3f4: {  	v12 =	vld [tilespmem:s0+$0xFFFFFFE0];
	_ =	sdelay $0x2  }
0x3f5: {  	v13 =	vld [tilespmem:s0+$0xFFFFFFF0]  }
0x3f6: {  	s1 =	spop (v2sf)  }
0x3f7: {  	s25 =	simm.s32 $0x18060;
	v15 =	vld [tilespmem:s0+$0x0];
	v14 =	vand.u32 $0xFFFF, v12;
	s2 =	spop (v2sf)  }
0x3f8: {  	v17 =	vld [tilespmem:s25+$0xFFFFFFE0];
	v12 =	vshrl.u32 v12, $0x10;
	(xrf0) =	vadd.scan.msk.s32 $0xffff, v14;
	s2 =	sxor.u32 $0x80000000, s2  }
0x3f9: {  	s1 =	sxor.u32 $0x80000000, s1;
	(xrf0) =	vadd.scan.msk.s32 $0xffff, v12;
	vm9 =	vgt.s32 v11, s2  }
0x3fa: {  	v16 =	vld [tilespmem:s25+$0xFFFFFFF0];
	v12 =	vand.u32 $0xFFFF, v13;
	vm8 =	vgt.s32 v10, s1;
	v11 =	vnsel vm9, s2, v11  }
0x3fb: {  	v14 =	vld [tilespmem:s0+$0x10];
	v13 =	vshrl.u32 v13, $0x10;
	(xrf0) =	vadd.scan.msk.s32 $0xffff, v12;
	v10 =	vnsel vm8, s1, v10;
	v11 =	vbroadcast v11, $0x0  }
0x3fc: {  	(xrf0) =	vadd.scan.msk.s32 $0xffff, v13;
	v10 =	vbroadcast v10, $0x0  }
0x3fd: {  	[tilespmem:s0+$0xFFFFFFF0] =	vst v0;
	v19 =	vand.u32 $0xFFFF, v17;
	v8 =	vsub.s32 v8, v11;
	v11 =	vand.u32 $0xFFFF, v15  }
0x3fe: {  	v9 =	vsub.s32 v9, v10;
	v10 =	vimm.s32 $0x0;
	v18, _, _ =	vpop (xrf0);
	v15 =	vshrl.u32 v15, $0x10;
	(xrf0) =	vadd.scan.msk.s32 $0xffff, v11  }
0x3ff: {  	v12 =	vand.u32 $0xFFFF, v16;
	v11 =	vshrl.u32 v16, $0x10;
	v16, _, _ =	vpop (xrf0);
	(xrf0) =	vadd.scan.msk.s32 $0xffff, v15;
	v15 =	vadd.s32 v10, v18  }
0x400: {  	[tilespmem:s0+$0xFFFFFFE0] =	vst v0;
	v13 =	vand.u32 $0xFFFF, v14;
	v16 =	vadd.s32 v10, v16;
	v18 =	vperm.xlane v15, v2  }
0x401: {  	v14 =	vshrl.u32 v14, $0x10;
	v20, _, _ =	vpop (xrf0);
	vm10 =	vlt.s32 v16, v8;
	v16 =	vperm.xlane v16, v2;
	(xrf0) =	vadd.scan.msk.s32 $0xffff, v13  }
0x402: {  	v17 =	vshrl.u32 v17, $0x10;
	vm11 =	vlt.s32 v15, v9;
	v21, _, _ =	vpop (xrf0);
	(xrf0) =	vadd.scan.msk.s32 $0xffff, v14;
	v14 =	vadd.s32 v18, v20  }
0x403: {  	[tilespmem:s25+$0xFFFFFFF0] =	vst v0;
	v15 =	vmpcnt.ones.xlane vm10;
	v13 =	vmpcnt.ones.xlane vm11;
	v16 =	vadd.s32 v16, v21  }
0x404: {  	[tilespmem:s25+$0xFFFFFFE0] =	vst v0;
	vm12 =	vlt.s32 v16, v8;
	v18 =	vperm.xlane v14, v2;
	v16 =	vperm.xlane v16, v2;
	v20, _, _ =	vpop (xrf0)  }
0x405: {  	[tilespmem:s0+$0x0] =	vst v0;
	v21 =	vadd.s32 v10, v15;
	vm13 =	vlt.s32 v14, v9;
	v22 =	vmpcnt.ones.xlane vm12;
	v14, _, _ =	vpop (xrf0)  }
0x406: {  	[tilespmem:s0+$0x10] =	vst v0;
	v15 =	vmpcnt.ones.xlane vm13;
	v20 =	vadd.s32 v18, v20;
	v16 =	vadd.s32 v16, v14  }
0x407: {  	(xrf0) =	vadd.scan.msk.s32 $0xffff, v19;
	v14 =	vld [tilespmem:s25+$0x10];
	v23 =	vperm.xlane v20, v2;
	v63, _, _ =	vpop (xrf0);
	vm15 =	vlt.s32 v20, v9;
	v62 =	vperm.xlane v16, v2  }
0x408: {  	(xrf0) =	vadd.scan.msk.s32 $0xffff, v17;
	v18 =	vadd.s32 v22, v21;
	vm14 =	vlt.s32 v16, v8;
	v21, _, _ =	vpop (xrf0);
	v16 =	vld [tilespmem:s25+$0x0];
	v17 =	vmpcnt.ones.xlane vm15  }
0x409: {  	s0 =	simm.s32 $0x4;
	s1 =	simm.s32 $0x180A0;
	[tilespmem:s25+$0x10] =	vst v0;
	v19 =	vmpcnt.ones.xlane vm14;
	v20 =	vadd.s32 v23, v63;
	v21 =	vadd.s32 v62, v21  }
.LBB2_36:
0x40a: {  	v22 =	vld [tilespmem:s1+$0xFFFFFFF0];
	[tilespmem:s1+$0xFFFFFFF0] =	vst v0;
	vm0 =	vlt.s32 v21, v8;
	v23 =	vperm.xlane v20, v2;
	v21 =	vperm.xlane v21, v2  }
0x40b: {  	vm1 =	vlt.s32 v20, v9;
	v24 =	vld [tilespmem:s1+$0xFFFFFFE0];
	(xrf0) =	vadd.scan.msk.s32 $0xffff, v12;
	v12 =	vadd.s32 v19, v18;
	v20 =	vmpcnt.ones.xlane vm0  }
0x40c: {  	v10 =	vadd.s32 v10, v13;
	v13 =	vmpcnt.ones.xlane vm1;
	v19 =	vand.u32 $0xFFFF, v14;
	(xrf0) =	vadd.scan.msk.s32 $0xffff, v11  }
0x40d: {  	v10 =	vadd.s32 v15, v10;
	[tilespmem:s1+$0xFFFFFFE0] =	vst v0;
	v11 =	vand.u32 $0xFFFF, v16;
	v15 =	vadd.s32 v20, v12  }
0x40e: {  	v14 =	vshrl.u32 v14, $0x10;
	v10 =	vadd.s32 v17, v10;
	v16 =	vshrl.u32 v16, $0x10;
	v18, _, _ =	vpop (xrf0);
	(xrf0) =	vadd.scan.msk.s32 $0xffff, v11  }
0x40f: {  	v10 =	vadd.s32 v13, v10;
	v12 =	vand.u32 $0xFFFF, v22;
	v11 =	vshrl.u32 v22, $0x10;
	v17, _, _ =	vpop (xrf0);
	(xrf0) =	vadd.scan.msk.s32 $0xffff, v16  }
0x410: {  	s0 =	sadd.s32 $0x4, s0;
	v13 =	vadd.s32 v23, v18;
	v20 =	vand.u32 $0xFFFF, v24;
	v16 =	vadd.s32 v21, v17;
	[tilespmem:s25+$0x0] =	vst v0;
	s25 =	smov.u32 s1  }
0x411: {  	p0 =	slt.u32 s0, $0xC;
	v17 =	vperm.xlane v13, v2;
	vm0 =	vlt.s32 v16, v8;
	v16 =	vperm.xlane v16, v2;
	v18, _, _ =	vpop (xrf0);
	(xrf0) =	vadd.scan.msk.s32 $0xffff, v19  }
0x412: {  	v21 =	vshrl.u32 v24, $0x10;
	vm1 =	vlt.s32 v13, v9;
	v19 =	vmpcnt.ones.xlane vm0;
	v22, _, _ =	vpop (xrf0);
	(xrf0) =	vadd.scan.msk.s32 $0xffff, v14  }
0x413: {  	v13 =	vmpcnt.ones.xlane vm1;
	v23 =	vadd.s32 v17, v18;
	v16 =	vadd.s32 v16, v22  }
0x414: {  	v17 =	vperm.xlane v23, v2;
	vm0 =	vlt.s32 v16, v8;
	v16 =	vperm.xlane v16, v2;
	v18, _, _ =	vpop (xrf0)  }
.Ltmp17:
0x415: {  	vm1 =	vlt.s32 v23, v9;
	v19 =	vadd.s32 v15, v19;
	v26 =	vmpcnt.ones.xlane vm0;
	v14, _, _ =	vpop (xrf0);
	(pc) =	sbr.rel @p0 .LBB2_36-.Ltmp17, $4  }
0x416: {  	v15 =	vmpcnt.ones.xlane vm1;
	v17 =	vadd.s32 v17, v18;
	v16 =	vadd.s32 v16, v14  }
0x417: {  	v23 =	vperm.xlane v17, v2;
	v14 =	vld [tilespmem:s1+$0x10];
	[tilespmem:s1+$0x10] =	vst v0;
	vm0 =	vlt.s32 v16, v8;
	v24 =	vperm.xlane v16, v2;
	v25, _, _ =	vpop (xrf0)  }
0x418: {  	vm1 =	vlt.s32 v17, v9;
	v18 =	vadd.s32 v26, v19;
	v16 =	vld [tilespmem:s1+$0x0];
	(xrf0) =	vadd.scan.msk.s32 $0xffff, v20;
	v19 =	vmpcnt.ones.xlane vm0;
	v22, _, _ =	vpop (xrf0)  }
0x419: {  	v17 =	vmpcnt.ones.xlane vm1;
	s1 =	sadd.s32 $0x40, s1;
	v20 =	vadd.s32 v23, v25;
	(xrf0) =	vadd.scan.msk.s32 $0xffff, v21;
	v21 =	vadd.s32 v24, v22  }
0x41a: {  	_ = 	snop  }
0x41b: {  	vm0 =	vlt.s32 v21, v8;
	(xrf0) =	vadd.scan.msk.s32 $0xffff, v12  }
0x41c: {  	v22 =	vperm.xlane v20, v2;
	v51 =	vperm.xlane v21, v2;
	v12 =	vadd.s32 v19, v18;
	(xrf0) =	vadd.scan.msk.s32 $0xffff, v11  }
0x41d: {  	vm1 =	vlt.s32 v20, v9;
	v10 =	vadd.s32 v10, v13;
	v13 =	vand.u32 $0xFFFF, v16  }
0x41e: {  	v52 =	vmpcnt.ones.xlane vm0;
	v10 =	vadd.s32 v15, v10;
	v15 =	vshrl.u32 v16, $0x10;
	v54, _, _ =	vpop (xrf0);
	(xrf0) =	vadd.scan.msk.s32 $0xffff, v13  }
0x41f: {  	v11 =	vand.u32 $0xFFFF, v14;
	v13 =	vshrl.u32 v14, $0x10;
	v14, _, _ =	vpop (xrf0);
	(xrf0) =	vadd.scan.msk.s32 $0xffff, v15;
	v15 =	vadd.s32 v22, v54  }
0x420: {  	v53 =	vmpcnt.ones.xlane vm1;
	v14 =	vadd.s32 v51, v14;
	v16 =	vperm.xlane v15, v2  }
0x421: {  	v10 =	vadd.s32 v17, v10;
	v55, _, _ =	vpop (xrf0);
	(xrf0) =	vadd.scan.msk.s32 $0xffff, v11;
	vm0 =	vlt.s32 v14, v8;
	v14 =	vperm.xlane v14, v2  }
0x422: {  	v12 =	vadd.s32 v52, v12;
	vm1 =	vlt.s32 v15, v9;
	v15, _, _ =	vpop (xrf0);
	(xrf0) =	vadd.scan.msk.s32 $0xffff, v13;
	v13 =	vadd.s32 v16, v55  }
0x423: {  	v10 =	vadd.s32 v53, v10;
	v14 =	vadd.s32 v14, v15;
	v15 =	vperm.xlane v13, v2  }
0x424: {  	v11 =	vmpcnt.ones.xlane vm0;
	vm0 =	vlt.s32 v14, v8;
	v14 =	vperm.xlane v14, v2;
	v57, _, _ =	vpop (xrf0)  }
0x425: {  	v56 =	vmpcnt.ones.xlane vm1;
	vm1 =	vlt.s32 v13, v9;
	v13, _, _ =	vpop (xrf0);
	v15 =	vadd.s32 v15, v57  }
0x426: {  	v11 =	vadd.s32 v12, v11;
	v13 =	vadd.s32 v14, v13;
	v14 =	vperm.xlane v15, v2  }
0x427: {  	v58 =	vmpcnt.ones.xlane vm1;
	v12 =	vmpcnt.ones.xlane vm0;
	v59, _, _ =	vpop (xrf0);
	vm1 =	vlt.s32 v15, v9  }
0x428: {  	[tilespmem:s25+$0x0] =	vst v0;
	s1 =	simm.s32 $0x10040;
	vm0 =	vlt.s32 v13, v8;
	v13 =	vperm.xlane v13, v2;
	v14 =	vadd.s32 v14, v59  }
0x429: {  	s0 =	simm.s32 $0x8040;
	v15 =	vmpcnt.ones.xlane vm0;
	v60, _, _ =	vpop (xrf0);
	vm0 =	vlt.s32 v14, v9;
	v9 =	vadd.s32 v10, v56;
	v10 =	vld [tilespmem:s1+$0x30]  }
0x42a: {  	v61 =	vmpcnt.ones.xlane vm1;
	v11 =	vadd.s32 v12, v11;
	v13 =	vadd.s32 v13, v60;
	v14 =	vld [tilespmem:s0+$0x30]  }
0x42b: {  	vm1 =	vlt.s32 v13, v8;
	v8 =	vmpcnt.ones.xlane vm0;
	v9 =	vadd.s32 v58, v9;
	v13 =	vld [tilespmem:s1+$0xFFFFFFC0]  }
0x42c: {  	v11 =	vadd.s32 v15, v11;
	v15 =	vld [tilespmem:s1+$0x10];
	v12 =	vmpcnt.ones.xlane vm1;
	v9 =	vadd.s32 v61, v9  }
0x42d: {  	v7 =	vshll.u32 v7, $0x8;
	v8 =	vadd.s32 v8, v9;
	v9 =	vld [tilespmem:s1+$0xFFFFFFD0]  }
0x42e: {  	v6 =	vshll.u32 v6, $0x8;
	v11 =	vadd.s32 v12, v11;
	v7 =	vadd.s32 v7, v8;
	v8 =	vld [tilespmem:s1+$0xFFFFFFE0]  }
0x42f: {  	v12 =	vld [tilespmem:s1+$0xFFFFFFF0];
	v11 =	vadd.s32 v6, v11;
	v6 =	vxor.u32 $0x80000000, v7  }
0x430: {  	v62 =	vld [tilespmem:s0+$0xFFFFFFD0];
	v10 =	vxor.u32 $0x80000000, v10;
	v7 =	vxor.u32 $0x80000000, v11;
	v11 =	vxor.u32 $0x80000000, v13  }
0x431: {  	v13 =	vld [tilespmem:s1+$0x0];
	vm1 =	vgt.s32 v10, v6;
	vm0 =	vgt.s32 v11, v6;
	vm2 =	vlt.s32 v10, v7  }
0x432: {  	v63 =	vld [tilespmem:s0+$0xFFFFFFE0];
	v10 =	vnsel vm1, $0x0, v14;
	vm1 =	vlt.s32 v11, v7;
	v9 =	vxor.u32 $0x80000000, v9  }
0x433: {  	v11 =	vld [tilespmem:s1+$0x20];
	v14 =	vnsel vm2, $0x3F800000, v10;
	vm11 =	vlt.s32 v9, v7;
	v8 =	vxor.u32 $0x80000000, v8  }
0x434: {  	vm6 =	vgt.s32 v9, v6;
	v9 =	vxor.u32 $0x80000000, v12;
	v12 =	vxor.u32 $0x80000000, v15  }
0x435: {  	vm2 =	vlt.s32 v8, v7;
	vm12 =	vgt.s32 v8, v6;
	v8 =	vld [tilespmem:s0+$0xFFFFFFF0];
	vm3 =	vlt.s32 v9, v7  }
0x436: {  	vm7 =	vgt.s32 v9, v6;
	v9 =	vld [tilespmem:s0+$0x0];
	vm5 =	vlt.s32 v12, v7;
	v10 =	vxor.u32 $0x80000000, v13  }
0x437: {  	vm9 =	vgt.s32 v12, v6;
	vm4 =	vlt.s32 v10, v7;
	vm8 =	vgt.s32 v10, v6;
	v10 =	vld [tilespmem:s0+$0x10]  }
0x438: {  	[tilespmem:s0+$0x30] =	vst v14;
	v15 =	vnsel vm6, $0x0, v62;
	v14 =	vnsel vm12, $0x0, v63;
	v13 =	vxor.u32 $0x80000000, v11;
	v11 =	vld [tilespmem:s0+$0x20]  }
0x439: {  	s2 =	simm.s32 $0x0;
	s4 =	simm.s32 $0x100C0;
	s1 =	simm.s32 $0x8040;
	v12 =	vld [tilespmem:s0+$0xFFFFFFC0];
	vm6 =	vlt.s32 v13, v7;
	vm10 =	vgt.s32 v13, v6;
	v13 =	vnsel vm11, $0x3F800000, v15  }
.LBB2_38:
0x43a: {  	v15 =	vld [tilespmem:s4+$0x30];
	s2 =	sadd.s32 $0x8, s2;
	[tilespmem:s0+$0xFFFFFFD0] =	vst v13;
	v13 =	vnsel vm2, $0x3F800000, v14;
	v8 =	vnsel vm7, $0x0, v8  }
0x43b: {  	s0 =	sadd.s32 $0x80, s0;
	v14 =	vld [tilespmem:s4+$0xFFFFFFC0];
	p0 =	slt.u32 s2, $0x7F8;
	[tilespmem:s1+$0xFFFFFFE0] =	vst v13;
	v8 =	vnsel vm3, $0x3F800000, v8;
	v9 =	vnsel vm8, $0x0, v9  }
0x43c: {  	v13 =	vld [tilespmem:s0+$0x30];
	[tilespmem:s1+$0xFFFFFFF0] =	vst v8;
	v8 =	vnsel vm4, $0x3F800000, v9;
	v9 =	vnsel vm9, $0x0, v10  }
0x43d: {  	v10 =	vld [tilespmem:s4+$0xFFFFFFD0];
	[tilespmem:s1+$0x0] =	vst v8;
	v8 =	vnsel vm5, $0x3F800000, v9;
	v9 =	vnsel vm10, $0x0, v11  }
0x43e: {  	v11 =	vld [tilespmem:s4+$0xFFFFFFE0];
	v12 =	vnsel vm0, $0x0, v12;
	[tilespmem:s1+$0x10] =	vst v8;
	v8 =	vnsel vm6, $0x3F800000, v9  }
0x43f: {  	v9 =	vld [tilespmem:s4+$0xFFFFFFF0];
	v15 =	vxor.u32 $0x80000000, v15;
	v12 =	vnsel vm1, $0x3F800000, v12;
	[tilespmem:s1+$0x20] =	vst v8  }
0x440: {  	v8 =	vxor.u32 $0x80000000, v14;
	v14 =	vld [tilespmem:s4+$0x0];
	vm1 =	vgt.s32 v15, v6;
	[tilespmem:s1+$0xFFFFFFC0] =	vst v12;
	s1 =	smov.u32 s0  }
0x441: {  	vm2 =	vlt.s32 v15, v7;
	vm0 =	vgt.s32 v8, v6;
	v12 =	vld [tilespmem:s4+$0x10];
	v13 =	vnsel vm1, $0x0, v13  }
0x442: {  	vm1 =	vlt.s32 v8, v7;
	v8 =	vxor.u32 $0x80000000, v10;
	v15 =	vld [tilespmem:s4+$0x20];
	v10 =	vnsel vm2, $0x3F800000, v13  }
0x443: {  	v13 =	vld [tilespmem:s0+$0xFFFFFFD0];
	vm11 =	vlt.s32 v8, v7;
	vm6 =	vgt.s32 v8, v6;
	v8 =	vxor.u32 $0x80000000, v11;
	[tilespmem:s0+$0x30] =	vst v10  }
0x444: {  	v16 =	vld [tilespmem:s0+$0xFFFFFFE0];
	vm2 =	vlt.s32 v8, v7;
	vm12 =	vgt.s32 v8, v6;
	v9 =	vxor.u32 $0x80000000, v9  }
.Ltmp18:
0x445: {  	v8 =	vld [tilespmem:s0+$0xFFFFFFF0];
	vm3 =	vlt.s32 v9, v7;
	vm7 =	vgt.s32 v9, v6;
	v10 =	vxor.u32 $0x80000000, v14;
	(pc) =	sbr.rel @p0 .LBB2_38-.Ltmp18, $4  }
0x446: {  	v9 =	vld [tilespmem:s0+$0x0];
	vm4 =	vlt.s32 v10, v7;
	vm8 =	vgt.s32 v10, v6;
	v11 =	vxor.u32 $0x80000000, v12  }
0x447: {  	v10 =	vld [tilespmem:s0+$0x10];
	vm5 =	vlt.s32 v11, v7;
	vm9 =	vgt.s32 v11, v6;
	v12 =	vxor.u32 $0x80000000, v15  }
0x448: {  	v13 =	vnsel vm6, $0x0, v13;
	v11 =	vld [tilespmem:s0+$0x20];
	vm6 =	vlt.s32 v12, v7;
	vm10 =	vgt.s32 v12, v6  }
0x449: {  	s4 =	sadd.s32 $0x80, s4;
	v12 =	vld [tilespmem:s0+$0xFFFFFFC0];
	v13 =	vnsel vm11, $0x3F800000, v13;
	v14 =	vnsel vm12, $0x0, v16  }
0x44a: {  	[tilespmem:s0+$0xFFFFFFD0] =	vst v13;
	v6 =	vnsel vm2, $0x3F800000, v14;
	v7 =	vnsel vm7, $0x0, v8  }
0x44b: {  	[tilespmem:s1+$0xFFFFFFE0] =	vst v6;
	v6 =	vnsel vm3, $0x3F800000, v7;
	v7 =	vnsel vm8, $0x0, v9  }
0x44c: {  	[tilespmem:s1+$0xFFFFFFF0] =	vst v6;
	v6 =	vnsel vm4, $0x3F800000, v7;
	v7 =	vnsel vm9, $0x0, v10  }
0x44d: {  	[tilespmem:s1+$0x0] =	vst v6;
	v6 =	vnsel vm5, $0x3F800000, v7;
	v7 =	vnsel vm10, $0x0, v11  }
0x44e: {  	v8 =	vnsel vm0, $0x0, v12;
	[tilespmem:s1+$0x10] =	vst v6;
	v6 =	vnsel vm6, $0x3F800000, v7  }
0x44f: {  	v7 =	vnsel vm1, $0x3F800000, v8;
	[tilespmem:s1+$0x20] =	vst v6  }
0x450: {  	[tilespmem:s1+$0xFFFFFFC0] =	vst v7  }
0x451: {  	s0 =	rddreg [dreg:$0x8]  }
0x452: {  	[hbm4b:s0+s15] =	stream.strided.scatter [tilespmem:s18], [sflag:$0x4], $0x8000, s16, s15, $0x38;
	[tilespmem:$0x1A200] =	vst v63  }
0x453: {  	_ =	swait.ge [sflag:s17], $0x8000  }
0x454: {  	[sflag:s17] =	ssyncset.done $0x0  }
0x455: {  	[sflag:s17] =	ssyncadd.s32 $0xFFFF8000  }
0x456: {  	_ =	swait.ge [sflag:s23], $0x8000  }
0x457: {  	[sflag:s23] =	ssyncset.done $0x0  }
0x458: {  	s2 =	simm.s32 $0x40;
	[sflag:s23] =	ssyncadd.s32 $0xFFFF8000  }
0x459: {  	[tilespmem:s18], [sflag:$0x2] =	stream.strided.gather [hbm4b:s9+s15], $0x8000, s16, s15, $0x38;
	[tilespmem:$0x1A200] =	vst v63  }
0x45a: {  	v6 =	vld [tilespmem:s2+$0xFFFFFFE0]  }
0x45b: {  	v9 =	vld [tilespmem:s2+$0x20]  }
0x45c: {  	v12 =	vld [tilespmem:s2+$0xFFFFFFC0]  }
0x45d: {  	v10 =	vld [tilespmem:s2+$0x10]  }
0x45e: {  	v14 =	vld [tilespmem:s2+$0x30]  }
0x45f: {  	v8 =	vld [tilespmem:s2+$0xFFFFFFF0]  }
0x460: {  	v7 =	vld [tilespmem:s2+$0xFFFFFFD0]  }
0x461: {  	v11 =	vshra.s32 v9, $0x1F  }
0x462: {  	v13 =	vshra.s32 v6, $0x1F;
	v15 =	vshra.s32 v12, $0x1F;
	v20 =	vshra.s32 v10, $0x1F  }
0x463: {  	v17 =	vor.u32 $0x80000000, v11;
	v16 =	vor.u32 $0x80000000, v15;
	v11 =	vor.u32 $0x80000000, v13  }
0x464: {  	v13 =	vshra.s32 v14, $0x1F;
	v15 =	vshra.s32 v8, $0x1F;
	v18 =	vxor.u32 v6, v11  }
0x465: {  	v19 =	vor.u32 $0x80000000, v13;
	v11 =	vshra.s32 v7, $0x1F;
	v15 =	vor.u32 $0x80000000, v15  }
0x466: {  	s0 =	simm.s32 $0x10040;
	v16 =	vxor.u32 v12, v16;
	v13 =	vxor.u32 v9, v17;
	v17 =	vor.u32 $0x80000000, v20  }
0x467: {  	s4 =	simm.s32 $0x10040;
	s1 =	simm.s32 $0x0;
	v12 =	vld [tilespmem:s2+$0x0];
	s2 =	simm.s32 $0xC0;
	v6 =	vshrl.u32 v18, $0x14;
	v9 =	vshrl.u32 v16, $0x14;
	[tilespmem:s0+$0xFFFFFFE0] =	vst v18;
	v14 =	vxor.u32 v14, v19  }
.LBB2_40:
0x468: {  	v18 =	vld [tilespmem:s2+$0xFFFFFFE0];
	s1 =	sadd.s32 $0x8, s1;
	[tilespmem:s0+$0xFFFFFFC0] =	vst v16;
	v8 =	vxor.u32 v8, v15;
	v10 =	vxor.u32 v10, v17;
	v15 =	vshrl.u32 v14, $0x14;
	s4 =	sadd.s32 $0x80, s4  }
0x469: {  	v20 =	vshrl.u32 v13, $0x14;
	v16 =	vld [tilespmem:s2+$0xFFFFFFC0];
	p0 =	slt.u32 s1, $0x7F8;
	[tilespmem:s0+$0xFFFFFFF0] =	vst v8;
	v17 =	vshrl.u32 v8, $0x14;
	v19 =	vshrl.u32 v10, $0x14  }
0x46a: {  	v11 =	vor.u32 $0x80000000, v11;
	v8 =	vld [tilespmem:s2+$0xFFFFFFF0];
	[tilespmem:s0+$0x20] =	vst v13  }
0x46b: {  	v11 =	vxor.u32 v7, v11;
	v13 =	vld [tilespmem:s2+$0x20];
	[tilespmem:s0+$0x30] =	vst v14  }
0x46c: {  	v14 =	vld [tilespmem:s2+$0x30];
	v7 =	vshra.s32 v12, $0x1F;
	[tilespmem:s0+$0x10] =	vst v10  }
0x46d: {  	v21 =	vshrl.u32 v11, $0x14;
	v7 =	vor.u32 $0x80000000, v7;
	[tilespmem:v15+s19+$0x0] =	vst.idx.add.s32.msk $0xffff, v1  }
0x46e: {  	v10 =	vxor.u32 v12, v7;
	[tilespmem:v19+s19+$0x0] =	vst.idx.add.s32.msk $0xffff, v1  }
0x46f: {  	v7 =	vld [tilespmem:s2+$0xFFFFFFD0];
	[tilespmem:s0+$0x0] =	vst v10;
	v12 =	vshrl.u32 v10, $0x14  }
0x470: {  	[tilespmem:v20+s19+$0x0] =	vst.idx.add.s32.msk $0xffff, v1  }
0x471: {  	v15 =	vshra.s32 v18, $0x1F;
	v19 =	vshra.s32 v13, $0x1F;
	v10 =	vld [tilespmem:s2+$0x10];
	[tilespmem:s0+$0xFFFFFFD0] =	vst v11;
	s0 =	smov.u32 s4  }
0x472: {  	v11 =	vshra.s32 v16, $0x1F;
	v19 =	vor.u32 $0x80000000, v19;
	[tilespmem:v21+s19+$0x0] =	vst.idx.add.s32.msk $0xffff, v1  }
.Ltmp19:
0x473: {  	v20 =	vor.u32 $0x80000000, v11;
	v11 =	vor.u32 $0x80000000, v15;
	v15 =	vshra.s32 v14, $0x1F;
	[tilespmem:v9+s19+$0x0] =	vst.idx.add.s32.msk $0xffff, v1;
	(pc) =	sbr.rel @p0 .LBB2_40-.Ltmp19, $4  }
0x474: {  	v18 =	vxor.u32 v18, v11;
	v9 =	vshra.s32 v8, $0x1F;
	v21 =	vor.u32 $0x80000000, v15;
	[tilespmem:v17+s19+$0x0] =	vst.idx.add.s32.msk $0xffff, v1  }
0x475: {  	v11 =	vshra.s32 v7, $0x1F;
	v22 =	vshrl.u32 v18, $0x14;
	v15 =	vor.u32 $0x80000000, v9;
	[tilespmem:v12+s19+$0x0] =	vst.idx.add.s32.msk $0xffff, v1  }
0x476: {  	s25 =	simm.s32 $0x19020;
	v13 =	vxor.u32 v13, v19;
	v16 =	vxor.u32 v16, v20;
	v17 =	vshra.s32 v10, $0x1F;
	[tilespmem:v6+s19+$0x0] =	vst.idx.add.s32.msk $0xffff, v1  }
0x477: {  	s26 =	simm.s32 $0x1A002;
	s28 =	simm.s32 $0x18020;
	v9 =	vshrl.u32 v16, $0x14;
	v14 =	vxor.u32 v14, v21;
	v6 =	vmovc v22;
	[tilespmem:s4+$0xFFFFFFE0] =	vst v18;
	v12 =	vld [tilespmem:s2+$0x0];
	v17 =	vor.u32 $0x80000000, v17;
	s2 =	sadd.s32 $0x80, s2  }
0x478: {  	_ = 	snop  }
0x479: {  	[tilespmem:s0+$0xFFFFFFC0] =	vst v16  }
0x47a: {  	[tilespmem:s0+$0x20] =	vst v13  }
0x47b: {  	[tilespmem:s0+$0x30] =	vst v14  }
0x47c: {  	v8 =	vxor.u32 v8, v15;
	v61 =	vshrl.u32 v14, $0x14;
	[tilespmem:v6+s19+$0x0] =	vst.idx.add.s32.msk $0xffff, v1  }
0x47d: {  	v10 =	vxor.u32 v10, v17;
	[tilespmem:s0+$0xFFFFFFF0] =	vst v8  }
0x47e: {  	v63 =	vshrl.u32 v13, $0x14;
	v11 =	vor.u32 $0x80000000, v11;
	[tilespmem:s0+$0x10] =	vst v10  }
0x47f: {  	v62 =	vshrl.u32 v10, $0x14;
	v7 =	vxor.u32 v7, v11;
	[tilespmem:v9+s19+$0x0] =	vst.idx.add.s32.msk $0xffff, v1;
	v11 =	vshra.s32 v12, $0x1F  }
0x480: {  	v8 =	vshrl.u32 v8, $0x14;
	[tilespmem:s0+$0xFFFFFFD0] =	vst v7;
	v11 =	vor.u32 $0x80000000, v11  }
0x481: {  	v10 =	vshrl.u32 v7, $0x14;
	[tilespmem:v61+s19+$0x0] =	vst.idx.add.s32.msk $0xffff, v1;
	v11 =	vxor.u32 v12, v11  }
0x482: {  	[tilespmem:s0+$0x0] =	vst v11;
	v11 =	vshrl.u32 v11, $0x14  }
0x483: {  	[tilespmem:v63+s19+$0x0] =	vst.idx.add.s32.msk $0xffff, v1  }
0x484: {  	[tilespmem:v62+s19+$0x0] =	vst.idx.add.s32.msk $0xffff, v1  }
0x485: {  	[tilespmem:v8+s19+$0x0] =	vst.idx.add.s32.msk $0xffff, v1  }
0x486: {  	[tilespmem:v10+s19+$0x0] =	vst.idx.add.s32.msk $0xffff, v1  }
0x487: {  	[tilespmem:v11+s19+$0x0] =	vst.idx.add.s32.msk $0xffff, v1  }
0x488: {  	v6 =	vld [tilespmem:s28+$0xFFFFFFE0];
	_ =	sdelay $0x4  }
0x489: {  	(xrf0) =	vadd.scan.msk.s32 $0xffff, v6;
	_ =	sdelay $0x3  }
0x48a: {  	s29 =	simm.s32 $0x18060  }
0x48b: {  	v7 =	vld [tilespmem:s29+$0xFFFFFFE0]  }
0x48c: {  	v6 =	vimm.s32 $0x0;
	v8, _, _ =	vpop (xrf0)  }
0x48d: {  	[tilespmem:s28+$0xFFFFFFE0] =	vst v6;
	v9 =	vperm.xlane v8, v2  }
0x48e: {  	[tilespmem:s25+$0xFFFFFFE0] =	vst v8  }
0x48f: {  	[tilespmem:s26+$0xFFFFFFFE] =	vst.msk $0x1, v9  }
0x490: {  	(xrf0) =	vadd.scan.msk.s32 $0xffff, v7;
	v8 =	vld [tilespmem:s28+$0xFFFFFFF0];
	_ =	sdelay $0x4  }
0x491: {  	(xrf0) =	vadd.scan.msk.s32 $0xffff, v8  }
0x492: {  	v7, _, _ =	vpop (xrf0)  }
0x493: {  	v9 =	vperm.xlane v7, v2  }
0x494: {  	s30 =	simm.s32 $0x180A0  }
0x495: {  	s0 =	simm.s32 $0x19060;
	[tilespmem:s29+$0xFFFFFFE0] =	vst v6;
	v8 =	vld [tilespmem:s30+$0xFFFFFFE0]  }
0x496: {  	s31 =	simm.s32 $0x1A006;
	[tilespmem:s0+$0xFFFFFFE0] =	vst v7  }
0x497: {  	[tilespmem:s31+$0xFFFFFFFE] =	vst.msk $0x1, v9;
	v9, _, _ =	vpop (xrf0)  }
0x498: {  	[tilespmem:s28+$0xFFFFFFF0] =	vst v6;
	v7 =	vld [tilespmem:s29+$0xFFFFFFF0];
	v10 =	vperm.xlane v9, v2  }
0x499: {  	[tilespmem:s25+$0xFFFFFFF0] =	vst v9  }
0x49a: {  	(xrf0) =	vadd.scan.msk.s32 $0xffff, v8;
	[tilespmem:s26+$0xFFFFFFFF] =	vst.msk $0x1, v10  }
0x49b: {  	v8 =	vld [tilespmem:s28+$0x0];
	_ =	sdelay $0x1  }
0x49c: {  	(xrf0) =	vadd.scan.msk.s32 $0xffff, v7;
	_ =	sdelay $0x2  }
0x49d: {  	s1 =	simm.s32 $0x180E0;
	[tilespmem:s30+$0xFFFFFFE0] =	vst v6;
	v7, _, _ =	vpop (xrf0);
	(xrf0) =	vadd.scan.msk.s32 $0xffff, v8  }
0x49e: {  	s4 =	simm.s32 $0x190A0;
	[tilespmem:s29+$0xFFFFFFF0] =	vst v6;
	v9 =	vld [tilespmem:s1+$0xFFFFFFE0];
	v10 =	vperm.xlane v7, v2  }
0x49f: {  	s2 =	simm.s32 $0x1A00A;
	[tilespmem:s4+$0xFFFFFFE0] =	vst v7  }
0x4a0: {  	v7, _, _ =	vpop (xrf0);
	[tilespmem:s2+$0xFFFFFFFE] =	vst.msk $0x1, v10  }
0x4a1: {  	[tilespmem:s0+$0xFFFFFFF0] =	vst v7;
	v8 =	vperm.xlane v7, v2;
	v7 =	vld [tilespmem:s30+$0xFFFFFFF0];
	_ =	sdelay $0x1  }
0x4a2: {  	(xrf0) =	vadd.scan.msk.s32 $0xffff, v9;
	[tilespmem:s31+$0xFFFFFFFF] =	vst.msk $0x1, v8;
	v9, _, _ =	vpop (xrf0)  }
0x4a3: {  	[tilespmem:s28+$0x0] =	vst v6;
	v8 =	vld [tilespmem:s29+$0x0];
	v10 =	vperm.xlane v9, v2  }
0x4a4: {  	[tilespmem:s25+$0x0] =	vst v9  }
0x4a5: {  	(xrf0) =	vadd.scan.msk.s32 $0xffff, v7;
	[tilespmem:s26+$0x0] =	vst.msk $0x1, v10  }
0x4a6: {  	v10 =	vld [tilespmem:s28+$0x10];
	_ =	sdelay $0x1  }
0x4a7: {  	s5 =	simm.s32 $0xC;
	s6 =	simm.s32 $0x18120;
	s13 =	simm.s32 $0x190A0;
	v7 =	vimm.s32 $0x0;
	v11, _, _ =	vpop (xrf0);
	v9 =	vimm.s32 $0x0;
	(xrf0) =	vadd.scan.msk.s32 $0xffff, v8;
	v8 =	vimm.s32 $0x0  }
.LBB2_42:
0x4a8: {  	v12 =	vld [tilespmem:s6+$0xFFFFFFE0];
	s5 =	sadd.s32 $0x4, s5;
	[tilespmem:s1+$0xFFFFFFE0] =	vst v6;
	v13 =	vperm.xlane v11, v2;
	s4 =	sadd.s32 $0x40, s4;
	s7 =	smov.u32 s31  }
0x4a9: {  	s31 =	smov.u32 s2;
	s2 =	sadd.s32 $0x4, s2;
	p0 =	slt.u32 s5, $0xFC;
	[tilespmem:s4+$0xFFFFFFE0] =	vst v11  }
0x4aa: {  	s8 =	smov.u32 s1;
	s1 =	smov.u32 s6;
	[tilespmem:s2+$0xFFFFFFFE] =	vst.msk $0x1, v13;
	v11, _, _ =	vpop (xrf0);
	(xrf0) =	vadd.scan.msk.s32 $0xffff, v10  }
0x4ab: {  	v10 =	vld [tilespmem:s8+$0xFFFFFFF0];
	[tilespmem:s30+$0xFFFFFFF0] =	vst v7;
	v13 =	vperm.xlane v11, v2  }
0x4ac: {  	[tilespmem:s13+$0xFFFFFFF0] =	vst v11  }
0x4ad: {  	(xrf0) =	vadd.scan.msk.s32 $0xffff, v12;
	[tilespmem:s31+$0xFFFFFFFF] =	vst.msk $0x1, v13;
	v11, _, _ =	vpop (xrf0)  }
0x4ae: {  	v12 =	vld [tilespmem:s30+$0x0];
	[tilespmem:s29+$0x0] =	vst v8;
	v13 =	vperm.xlane v11, v2  }
.Ltmp20:
0x4af: {  	[tilespmem:s0+$0x0] =	vst v11;
	(pc) =	sbr.rel @p0 .LBB2_42-.Ltmp20, $4  }
0x4b0: {  	(xrf0) =	vadd.scan.msk.s32 $0xffff, v10;
	[tilespmem:s7+$0x0] =	vst.msk $0x1, v13;
	v11, _, _ =	vpop (xrf0)  }
0x4b1: {  	v10 =	vld [tilespmem:s29+$0x10];
	[tilespmem:s28+$0x10] =	vst v9;
	v13 =	vperm.xlane v11, v2;
	v9 =	vmovc v8;
	v8 =	vmov v7;
	v7 =	vmov v6;
	s28 =	smov.u32 s29;
	s29 =	smov.u32 s30;
	s30 =	smov.u32 s8  }
0x4b2: {  	[tilespmem:s25+$0x10] =	vst v11;
	s25 =	smov.u32 s0;
	s0 =	smov.u32 s13;
	s13 =	smov.u32 s4  }
0x4b3: {  	s6 =	sadd.s32 $0x40, s6;
	v11, _, _ =	vpop (xrf0);
	(xrf0) =	vadd.scan.msk.s32 $0xffff, v12;
	[tilespmem:s26+$0x1] =	vst.msk $0x1, v13;
	s26 =	smov.u32 s7  }
0x4b4: {  	[tilespmem:s1+$0xFFFFFFE0] =	vst v6;
	v12 =	vperm.xlane v11, v2;
	s4 =	sadd.s32 $0x40, s4  }
0x4b5: {  	s5 =	sadd.s32 $0x4, s2;
	[tilespmem:s4+$0xFFFFFFE0] =	vst v11  }
0x4b6: {  	[tilespmem:s5+$0xFFFFFFFE] =	vst.msk $0x1, v12  }
0x4b7: {  	v11 =	vld [tilespmem:s1+$0xFFFFFFF0];
	_ =	sdelay $0x3  }
0x4b8: {  	(xrf0) =	vadd.scan.msk.s32 $0xffff, v10;
	v10, _, _ =	vpop (xrf0)  }
0x4b9: {  	[tilespmem:s30+$0xFFFFFFF0] =	vst v7;
	(xrf0) =	vadd.scan.msk.s32 $0xffff, v11;
	v11 =	vperm.xlane v10, v2  }
0x4ba: {  	[tilespmem:s13+$0xFFFFFFF0] =	vst v10;
	v10, _, _ =	vpop (xrf0)  }
0x4bb: {  	[tilespmem:s2+$0xFFFFFFFF] =	vst.msk $0x1, v11;
	v11 =	vperm.xlane v10, v2;
	_ =	sdelay $0x1  }
0x4bc: {  	[tilespmem:s29+$0x0] =	vst v8  }
0x4bd: {  	[tilespmem:s0+$0x0] =	vst v10;
	v10, _, _ =	vpop (xrf0);
	v12 =	vld [tilespmem:s30+$0x0]  }
0x4be: {  	[tilespmem:s31+$0x0] =	vst.msk $0x1, v11;
	v11, _, _ =	vpop (xrf0)  }
0x4bf: {  	[tilespmem:s1+$0xFFFFFFF0] =	vst v6;
	v13 =	vperm.xlane v11, v2  }
0x4c0: {  	[tilespmem:s4+$0xFFFFFFF0] =	vst v11  }
0x4c1: {  	v11 =	vld [tilespmem:s29+$0x10];
	[tilespmem:s5+$0xFFFFFFFF] =	vst.msk $0x1, v13  }
0x4c2: {  	(xrf0) =	vadd.scan.msk.s32 $0xffff, v12;
	v13 =	vld [tilespmem:s1+$0x0];
	_ =	sdelay $0x3  }
0x4c3: {  	(xrf0) =	vadd.scan.msk.s32 $0xffff, v11  }
0x4c4: {  	(xrf0) =	vadd.scan.msk.s32 $0xffff, v13  }
0x4c5: {  	v11, _, _ =	vpop (xrf0)  }
0x4c6: {  	[tilespmem:s30+$0x0] =	vst v7;
	v12 =	vperm.xlane v11, v2  }
0x4c7: {  	[tilespmem:s13+$0x0] =	vst v11  }
0x4c8: {  	[tilespmem:s2+$0x0] =	vst.msk $0x1, v12  }
0x4c9: {  	v11, _, _ =	vpop (xrf0);
	v13 =	vld [tilespmem:s30+$0x10]  }
0x4ca: {  	v12, _, _ =	vpop (xrf0)  }
0x4cb: {  	[tilespmem:s1+$0x0] =	vst v6;
	v14 =	vperm.xlane v12, v2  }
0x4cc: {  	[tilespmem:s4+$0x0] =	vst v12  }
0x4cd: {  	[tilespmem:s5+$0x0] =	vst.msk $0x1, v14  }
0x4ce: {  	(xrf0) =	vadd.scan.msk.s32 $0xffff, v13;
	v12 =	vld [tilespmem:s1+$0x10];
	_ =	sdelay $0x1  }
0x4cf: {  	[tilespmem:s29+$0x10] =	vst v8;
	v8 =	vperm.xlane v11, v2;
	_ =	sdelay $0x1  }
0x4d0: {  	[tilespmem:s28+$0x10] =	vst v9  }
0x4d1: {  	[tilespmem:s0+$0x10] =	vst v11;
	(xrf0) =	vadd.scan.msk.s32 $0xffff, v12  }
0x4d2: {  	[tilespmem:s31+$0x1] =	vst.msk $0x1, v8;
	v8, _, _ =	vpop (xrf0)  }
0x4d3: {  	v9 =	vperm.xlane v10, v2;
	[tilespmem:s30+$0x10] =	vst v7;
	v7 =	vperm.xlane v8, v2  }
0x4d4: {  	[tilespmem:s25+$0x10] =	vst v10  }
0x4d5: {  	[tilespmem:s26+$0x1] =	vst.msk $0x1, v9  }
0x4d6: {  	[tilespmem:s13+$0x10] =	vst v8  }
0x4d7: {  	[tilespmem:s2+$0x1] =	vst.msk $0x1, v7;
	v7, _, _ =	vpop (xrf0)  }
0x4d8: {  	[tilespmem:s1+$0x10] =	vst v6;
	v8 =	vperm.xlane v7, v2  }
0x4d9: {  	[tilespmem:s4+$0x10] =	vst v7  }
0x4da: {  	s29 =	simm.s32 $0x0;
	[tilespmem:s5+$0x1] =	vst.msk $0x1, v8  }
0x4db: {  	v7 =	vld [tilespmem:s29+$0x1A000];
	_ =	sdelay $0x4  }
0x4dc: {  	(xrf0) =	vadd.scan.msk.s32 $0xffff, v7  }
0x4dd: {  	s30 =	simm.s32 $0x10  }
0x4de: {  	v7 =	vld [tilespmem:s30+$0x1A000];
	_ =	sdelay $0x3  }
0x4df: {  	v8, _, _ =	vpop (xrf0)  }
0x4e0: {  	s31 =	simm.s32 $0x20;
	(xrf0) =	vadd.scan.msk.s32 $0xffff, v7;
	v8 =	vadd.s32 v6, v8  }
0x4e1: {  	v15 =	vld [tilespmem:s31+$0x1A000];
	v9 =	vand.u32 $0xFFFF, v8;
	v10 =	vshrl.u32 v8, $0x10  }
0x4e2: {  	v11 =	vperm.xlane v8, v2;
	vm0 =	vlt.s32 v9, v4  }
0x4e3: {  	v12 =	vmovc v6;
	vm1 =	vlt.s32 v10, v5;
	v8 =	vmpcnt.ones.xlane vm0;
	v13 =	vnsel vm0, $0x0, v9  }
0x4e4: {  	s0 =	simm.s32 $0x100;
	s1 =	simm.s32 $0xC0;
	v7 =	vmovc v6;
	v9 =	vmpcnt.ones.xlane vm1;
	v14 =	vnsel vm1, $0x0, v10;
	vm0 =	vgt.s32 v6, v13;
	v10 =	vmovc v6  }
.LBB2_44:
0x4e5: {  	p0 =	sne.s32 s0, $0x3C0  }
0x4e6: {  	s2 =	sshra.s32 s1, $0x2;
	(xrf0) =	vadd.scan.msk.s32 $0xffff, v15;
	v16, _, _ =	vpop (xrf0);
	v6 =	vadd.s32 v6, v8;
	v7 =	vadd.s32 v7, v9;
	vm1 =	vgt.s32 v10, v14;
	s1 =	smov.u32 s0;
	s0 =	sadd.s32 $0x40, s0  }
.Ltmp21:
0x4e7: {  	v12 =	vsel vm0, v12, v13;
	v15 =	vld [tilespmem:s2+$0x1A000];
	v8 =	vadd.s32 v11, v16;
	v10 =	vsel vm1, v10, v14;
	(pc) =	sbr.rel @p0 .LBB2_44-.Ltmp21, $4  }
0x4e8: {  	v13 =	vand.u32 $0xFFFF, v8;
	v14 =	vshrl.u32 v8, $0x10;
	v11 =	vperm.xlane v8, v2  }
0x4e9: {  	vm0 =	vlt.s32 v13, v4;
	vm1 =	vlt.s32 v14, v5  }
0x4ea: {  	v8 =	vmpcnt.ones.xlane vm0;
	v9 =	vmpcnt.ones.xlane vm1;
	v13 =	vnsel vm0, $0x0, v13  }
0x4eb: {  	v14 =	vnsel vm1, $0x0, v14;
	vm0 =	vgt.s32 v12, v13  }
0x4ec: {  	s0 =	sshra.s32 s1, $0x2  }
0x4ed: {  	v16 =	vld [tilespmem:s0+$0x1A000];
	_ =	sdelay $0x1  }
0x4ee: {  	(xrf0) =	vadd.scan.msk.s32 $0xffff, v15  }
0x4ef: {  	v15, _, _ =	vpop (xrf0)  }
0x4f0: {  	v11 =	vadd.s32 v11, v15  }
0x4f1: {  	v15 =	vshrl.u32 v11, $0x10;
	(xrf0) =	vadd.scan.msk.s32 $0xffff, v16  }
0x4f2: {  	vm2 =	vgt.s32 v10, v14;
	v12 =	vsel vm0, v12, v13;
	v13 =	vand.u32 $0xFFFF, v11  }
0x4f3: {  	v11 =	vperm.xlane v11, v2;
	vm1 =	vlt.s32 v13, v4;
	vm0 =	vlt.s32 v15, v5  }
0x4f4: {  	v10 =	vsel vm2, v10, v14;
	v13 =	vnsel vm1, $0x0, v13;
	v14 =	vnsel vm0, $0x0, v15;
	v15, _, _ =	vpop (xrf0)  }
0x4f5: {  	vm2 =	vgt.s32 v12, v13;
	vm3 =	vgt.s32 v10, v14;
	v11 =	vadd.s32 v11, v15  }
0x4f6: {  	v12 =	vsel vm2, v12, v13;
	v13 =	vand.u32 $0xFFFF, v11;
	v15 =	vperm.xlane v11, v2  }
0x4f7: {  	v10 =	vsel vm3, v10, v14;
	v11 =	vshrl.u32 v11, $0x10;
	vm2 =	vlt.s32 v13, v4;
	v14, _, _ =	vpop (xrf0)  }
0x4f8: {  	vm3 =	vlt.s32 v11, v5;
	v13 =	vnsel vm2, $0x0, v13;
	v14 =	vadd.s32 v15, v14  }
0x4f9: {  	v11 =	vnsel vm3, $0x0, v11;
	vm4 =	vgt.s32 v12, v13;
	v15 =	vand.u32 $0xFFFF, v14  }
0x4fa: {  	vm5 =	vgt.s32 v10, v11;
	v14 =	vshrl.u32 v14, $0x10;
	vm6 =	vlt.s32 v15, v4  }
0x4fb: {  	v12 =	vsel vm4, v12, v13;
	vm13 =	vlt.s32 v14, v5;
	v13 =	vnsel vm6, $0x0, v15  }
0x4fc: {  	v10 =	vsel vm5, v10, v11;
	v11 =	vnsel vm13, $0x0, v14;
	vm14 =	vgt.s32 v12, v13  }
0x4fd: {  	vm7 =	vgt.s32 v10, v11;
	v12 =	vsel vm14, v12, v13  }
0x4fe: {  	v10 =	vsel vm7, v10, v11;
	v11 =	vor.u32 $0x80000000, v12  }
0x4ff: {  	v10 =	vor.u32 $0x80000000, v10;
	(xrf0) =	vmax.scan.msk.u32 $0xffff, v11  }
0x500: {  	(xrf0) =	vmax.scan.msk.u32 $0xffff, v10;
	_ =	sdelay $0x4  }
0x501: {  	v6 =	vadd.s32 v6, v8;
	v8, _, _ =	vpop (xrf0)  }
0x502: {  	v7 =	vadd.s32 v7, v9;
	v9 =	vmpcnt.ones.xlane vm1;
	(v2sf) =	vpush v8, $0xF;
	v8, _, _ =	vpop (xrf0)  }
0x503: {  	v11 =	vmpcnt.ones.xlane vm2;
	v10 =	vmpcnt.ones.xlane vm0;
	(v2sf) =	vpush v8, $0xF  }
0x504: {  	v6 =	vadd.s32 v6, v9;
	v9 =	vmpcnt.ones.xlane vm6;
	v8 =	vmpcnt.ones.xlane vm3  }
0x505: {  	v6 =	vadd.s32 v6, v11;
	v7 =	vadd.s32 v7, v10;
	v10 =	vmpcnt.ones.xlane vm13  }
0x506: {  	v6 =	vadd.s32 v6, v9;
	v7 =	vadd.s32 v7, v8  }
0x507: {  	v6 =	vshll.u32 v6, $0x4;
	v7 =	vadd.s32 v7, v10  }
0x508: {  	v8 =	vor.u32 v3, v6;
	v7 =	vshll.u32 v7, $0x4  }
0x509: {  	v9 =	vor.u32 v3, v7;
	_ =	sdelay $0x1  }
0x50a: {  	s2 =	simm.s32 $0x10040  }
0x50b: {  	v16 =	vld [tilespmem:s2+$0xFFFFFFF0]  }
0x50c: {  	v8 =	vld.idx.msk [tilespmem:v8+s20+$0x0], $0xffff  }
0x50d: {  	v9 =	vld.idx.msk [tilespmem:v9+s20+$0x0], $0xffff;
	_ =	sdelay $0x1  }
0x50e: {  	v15 =	vld [tilespmem:s2+$0xFFFFFFE0]  }
0x50f: {  	v12 =	vld [tilespmem:s2+$0xFFFFFFD0];
	s30 =	spop (v2sf)  }
0x510: {  	v8 =	vand.u32 $0xFFFF, v8;
	s0 =	sxor.u32 $0x80000000, s30;
	s31 =	spop (v2sf)  }
0x511: {  	v22 =	vshrl.u32 v16, $0x14;
	v13 =	vld [tilespmem:s2+$0x30];
	v10 =	vadd.s32 s0, v8;
	s1 =	sxor.u32 $0x80000000, s31;
	v8 =	vshrl.u32 v9, $0x10  }
0x512: {  	v16 =	vshrl.u32 v16, $0x8;
	vm0 =	vlt.s32 v10, v4;
	v11 =	vadd.s32 s1, v8  }
0x513: {  	v17 =	vld [tilespmem:s2+$0x0];
	v21 =	vshrl.u32 v15, $0x14;
	v9 =	vmpcnt.ones.xlane vm0;
	vm1 =	vlt.s32 v11, v5  }
0x514: {  	v19 =	vld [tilespmem:s2+$0x10];
	v15 =	vshrl.u32 v15, $0x8;
	v18 =	vshrl.u32 v12, $0x14;
	v14 =	vmpcnt.ones.xlane vm1  }
0x515: {  	v20 =	vld [tilespmem:s2+$0x20];
	v12 =	vshrl.u32 v12, $0x8;
	v8 =	vmov s0;
	v6 =	vadd.s32 v6, v9  }
0x516: {  	v9 =	vmov s1;
	v7 =	vadd.s32 v7, v14;
	v14 =	vshrl.u32 v13, $0x8  }
0x517: {  	vm3 =	veq.s32 v18, v6;
	v13 =	vshrl.u32 v13, $0x14;
	vm5 =	veq.s32 v21, v6  }
0x518: {  	vm7 =	veq.s32 v22, v6;
	v29 =	vand.u32 $0xFFF, v14;
	vm2 =	veq.s32 v13, v6  }
0x519: {  	vm15 =	veq.s32 v13, v7;
	v13 =	vshrl.u32 v17, $0x14;
	vm4 =	veq.s32 v18, v7  }
0x51a: {  	v18 =	vshrl.u32 v19, $0x14;
	vm6 =	veq.s32 v21, v7;
	v21 =	vshrl.u32 v20, $0x14  }
0x51b: {  	vm8 =	veq.s32 v22, v7;
	v17 =	vshrl.u32 v17, $0x8;
	v19 =	vshrl.u32 v19, $0x8  }
0x51c: {  	v23 =	vsel vm2, $0x1, v0;
	v24 =	vsel vm15, $0x10000, v0;
	vm11 =	veq.s32 v13, v6  }
0x51d: {  	v14 =	vld [tilespmem:s2+$0xFFFFFFC0];
	vm12 =	veq.s32 v13, v7;
	vm13 =	veq.s32 v18, v6;
	vm14 =	veq.s32 v18, v7  }
0x51e: {  	vm15 =	veq.s32 v21, v6;
	vm2 =	veq.s32 v21, v7;
	v13 =	vshrl.u32 v20, $0x8  }
0x51f: {  	v20 =	vsel vm3, $0x1, v0;
	v22 =	vsel vm4, $0x10000, v0;
	v21 =	vsel vm5, $0x1, v0  }
0x520: {  	v25 =	vsel vm6, $0x10000, v0;
	v28 =	vsel vm8, $0x10000, v0;
	v30 =	vor.u32 v23, v24  }
0x521: {  	v24 =	vsel vm11, $0x1, v0;
	v26 =	vsel vm12, $0x10000, v0;
	v31 =	vsel vm14, $0x10000, v0  }
0x522: {  	v23 =	vshrl.u32 v14, $0x14;
	v14 =	vshrl.u32 v14, $0x8;
	[tilespmem:v29+s19+$0x0] =	vst.idx.add.s32.msk $0xffff, v30;
	v29 =	vsel vm13, $0x1, v0  }
0x523: {  	v30 =	vsel vm15, $0x1, v0;
	vm9 =	veq.s32 v23, v6;
	vm10 =	veq.s32 v23, v7  }
0x524: {  	s0 =	simm.s32 $0x0;
	s1 =	simm.s32 $0x100C0;
	v23 =	vsel vm7, $0x1, v0;
	v18 =	vsel vm9, $0x1, v0;
	v27 =	vsel vm10, $0x10000, v0  }
.LBB2_46:
0x525: {  	v32 =	vld [tilespmem:s1+$0x30];
	s0 =	sadd.s32 $0x8, s0;
	v14 =	vand.u32 $0xFFF, v14;
	v33 =	vand.u32 $0xFFF, v12;
	v12 =	vsel vm2, $0x10000, v0  }
0x526: {  	v15 =	vand.u32 $0xFFF, v15;
	v16 =	vand.u32 $0xFFF, v16;
	v17 =	vand.u32 $0xFFF, v17;
	v34 =	vld [tilespmem:s1+$0xFFFFFFD0];
	p0 =	slt.u32 s0, $0x7F8  }
0x527: {  	v18 =	vor.u32 v18, v27;
	v19 =	vand.u32 $0xFFF, v19;
	v27 =	vand.u32 $0xFFF, v13;
	v35 =	vld [tilespmem:s1+$0xFFFFFFE0]  }
0x528: {  	v20 =	vor.u32 v20, v22;
	v21 =	vor.u32 v21, v25;
	v22 =	vor.u32 v23, v28;
	v13 =	vld [tilespmem:s1+$0xFFFFFFF0]  }
0x529: {  	v24 =	vor.u32 v24, v26;
	v25 =	vor.u32 v29, v31;
	v26 =	vor.u32 v30, v12;
	v23 =	vld [tilespmem:s1+$0x0]  }
0x52a: {  	v28 =	vld [tilespmem:s1+$0x10];
	v29 =	vshrl.u32 v32, $0x8  }
0x52b: {  	v30 =	vshrl.u32 v34, $0x14;
	v12 =	vshrl.u32 v34, $0x8;
	v31 =	vld [tilespmem:s1+$0x20];
	v29 =	vand.u32 $0xFFF, v29  }
0x52c: {  	v32 =	vshrl.u32 v32, $0x14;
	v34 =	vld [tilespmem:s1+$0xFFFFFFC0];
	vm3 =	veq.s32 v30, v6;
	v36 =	vshrl.u32 v35, $0x14  }
0x52d: {  	vm2 =	veq.s32 v32, v6;
	vm4 =	veq.s32 v32, v7;
	v37 =	vshrl.u32 v13, $0x14;
	[tilespmem:v14+s19+$0x0] =	vst.idx.add.s32.msk $0xffff, v18  }
0x52e: {  	v32 =	vsel vm4, $0x10000, v0;
	v18 =	vsel vm2, $0x1, v0;
	v14 =	vshrl.u32 v23, $0x14;
	[tilespmem:v33+s19+$0x0] =	vst.idx.add.s32.msk $0xffff, v20  }
0x52f: {  	s25 =	simm.s32 $0x19020;
	vm4 =	veq.s32 v30, v7;
	v18 =	vor.u32 v18, v32;
	v20 =	vshrl.u32 v28, $0x14;
	[tilespmem:v15+s19+$0x0] =	vst.idx.add.s32.msk $0xffff, v21  }
0x530: {  	s26 =	simm.s32 $0x1A002;
	s28 =	simm.s32 $0x18020;
	vm5 =	veq.s32 v36, v6;
	vm6 =	veq.s32 v36, v7;
	v15 =	vshrl.u32 v31, $0x14;
	[tilespmem:v29+s19+$0x0] =	vst.idx.add.s32.msk $0xffff, v18  }
0x531: {  	vm8 =	veq.s32 v37, v6;
	vm7 =	veq.s32 v37, v7;
	v18 =	vshrl.u32 v34, $0x14;
	[tilespmem:v16+s19+$0x0] =	vst.idx.add.s32.msk $0xffff, v22  }
0x532: {  	vm11 =	veq.s32 v14, v6;
	vm9 =	veq.s32 v18, v6;
	vm10 =	veq.s32 v18, v7  }
0x533: {  	vm12 =	veq.s32 v14, v7;
	vm13 =	veq.s32 v20, v6;
	vm14 =	veq.s32 v20, v7  }
0x534: {  	v14 =	vshrl.u32 v34, $0x8;
	vm15 =	veq.s32 v15, v6;
	vm2 =	veq.s32 v15, v7;
	[tilespmem:v17+s19+$0x0] =	vst.idx.add.s32.msk $0xffff, v24  }
0x535: {  	v15 =	vshrl.u32 v35, $0x8;
	v16 =	vshrl.u32 v13, $0x8;
	v17 =	vshrl.u32 v23, $0x8;
	[tilespmem:v19+s19+$0x0] =	vst.idx.add.s32.msk $0xffff, v25  }
.Ltmp22:
0x536: {  	v13 =	vshrl.u32 v31, $0x8;
	v18 =	vsel vm9, $0x1, v0;
	v19 =	vshrl.u32 v28, $0x8;
	[tilespmem:v27+s19+$0x0] =	vst.idx.add.s32.msk $0xffff, v26;
	(pc) =	sbr.rel @p0 .LBB2_46-.Ltmp22, $4  }
0x537: {  	v20 =	vsel vm3, $0x1, v0;
	v22 =	vsel vm4, $0x10000, v0;
	v27 =	vsel vm10, $0x10000, v0  }
0x538: {  	v21 =	vsel vm5, $0x1, v0;
	v23 =	vsel vm8, $0x1, v0;
	v25 =	vsel vm6, $0x10000, v0  }
0x539: {  	v24 =	vsel vm11, $0x1, v0;
	v28 =	vsel vm7, $0x10000, v0;
	v26 =	vsel vm12, $0x10000, v0  }
0x53a: {  	s1 =	sadd.s32 $0x80, s1;
	v29 =	vsel vm13, $0x1, v0;
	v31 =	vsel vm14, $0x10000, v0;
	v30 =	vsel vm15, $0x1, v0  }
0x53b: {  	v14 =	vand.u32 $0xFFF, v14  }
0x53c: {  	v12 =	vand.u32 $0xFFF, v12  }
0x53d: {  	v15 =	vand.u32 $0xFFF, v15  }
0x53e: {  	v16 =	vand.u32 $0xFFF, v16  }
0x53f: {  	v17 =	vand.u32 $0xFFF, v17;
	v18 =	vor.u32 v18, v27  }
0x540: {  	v19 =	vand.u32 $0xFFF, v19;
	v20 =	vor.u32 v20, v22;
	[tilespmem:v14+s19+$0x0] =	vst.idx.add.s32.msk $0xffff, v18  }
0x541: {  	v13 =	vand.u32 $0xFFF, v13;
	v14 =	vor.u32 v21, v25;
	[tilespmem:v12+s19+$0x0] =	vst.idx.add.s32.msk $0xffff, v20  }
0x542: {  	v12 =	vor.u32 v23, v28;
	[tilespmem:v15+s19+$0x0] =	vst.idx.add.s32.msk $0xffff, v14  }
0x543: {  	v14 =	vor.u32 v24, v26;
	[tilespmem:v16+s19+$0x0] =	vst.idx.add.s32.msk $0xffff, v12  }
0x544: {  	v12 =	vsel vm2, $0x10000, v0;
	v15 =	vor.u32 v29, v31;
	[tilespmem:v17+s19+$0x0] =	vst.idx.add.s32.msk $0xffff, v14  }
0x545: {  	v12 =	vor.u32 v30, v12;
	[tilespmem:v19+s19+$0x0] =	vst.idx.add.s32.msk $0xffff, v15  }
0x546: {  	[tilespmem:v13+s19+$0x0] =	vst.idx.add.s32.msk $0xffff, v12  }
0x547: {  	v12 =	vld [tilespmem:s28+$0xFFFFFFE0];
	_ =	sdelay $0x4  }
0x548: {  	(xrf0) =	vadd.scan.msk.s32 $0xffff, v12;
	_ =	sdelay $0x3  }
0x549: {  	s29 =	simm.s32 $0x18060  }
0x54a: {  	v12 =	vld [tilespmem:s29+$0xFFFFFFE0]  }
0x54b: {  	v13, _, _ =	vpop (xrf0)  }
0x54c: {  	[tilespmem:s28+$0xFFFFFFE0] =	vst v0;
	v14 =	vperm.xlane v13, v2  }
0x54d: {  	[tilespmem:s25+$0xFFFFFFE0] =	vst v13  }
0x54e: {  	[tilespmem:s26+$0xFFFFFFFE] =	vst.msk $0x1, v14  }
0x54f: {  	(xrf0) =	vadd.scan.msk.s32 $0xffff, v12;
	v13 =	vld [tilespmem:s28+$0xFFFFFFF0];
	_ =	sdelay $0x4  }
0x550: {  	(xrf0) =	vadd.scan.msk.s32 $0xffff, v13  }
0x551: {  	v12, _, _ =	vpop (xrf0)  }
0x552: {  	s0 =	simm.s32 $0x19060;
	[tilespmem:s29+$0xFFFFFFE0] =	vst v0;
	v14 =	vperm.xlane v12, v2  }
0x553: {  	s30 =	simm.s32 $0x180A0;
	s31 =	simm.s32 $0x1A006;
	[tilespmem:s0+$0xFFFFFFE0] =	vst v12  }
0x554: {  	v13 =	vld [tilespmem:s30+$0xFFFFFFE0];
	[tilespmem:s31+$0xFFFFFFFE] =	vst.msk $0x1, v14  }
0x555: {  	v12 =	vld [tilespmem:s29+$0xFFFFFFF0]  }
0x556: {  	v14, _, _ =	vpop (xrf0)  }
0x557: {  	[tilespmem:s28+$0xFFFFFFF0] =	vst v0;
	v15 =	vperm.xlane v14, v2  }
0x558: {  	[tilespmem:s25+$0xFFFFFFF0] =	vst v14  }
0x559: {  	(xrf0) =	vadd.scan.msk.s32 $0xffff, v13;
	[tilespmem:s26+$0xFFFFFFFF] =	vst.msk $0x1, v15  }
0x55a: {  	(xrf0) =	vadd.scan.msk.s32 $0xffff, v12;
	v13 =	vld [tilespmem:s28+$0x0];
	_ =	sdelay $0x4  }
0x55b: {  	s1 =	simm.s32 $0x180E0;
	s4 =	simm.s32 $0x190A0;
	[tilespmem:s30+$0xFFFFFFE0] =	vst v0;
	v12, _, _ =	vpop (xrf0);
	(xrf0) =	vadd.scan.msk.s32 $0xffff, v13  }
0x55c: {  	v14 =	vld [tilespmem:s1+$0xFFFFFFE0];
	v15 =	vperm.xlane v12, v2;
	[tilespmem:s4+$0xFFFFFFE0] =	vst v12;
	v12, _, _ =	vpop (xrf0)  }
0x55d: {  	s2 =	simm.s32 $0x1A00A;
	[tilespmem:s29+$0xFFFFFFF0] =	vst v0;
	v13 =	vperm.xlane v12, v2  }
0x55e: {  	[tilespmem:s2+$0xFFFFFFFE] =	vst.msk $0x1, v15  }
0x55f: {  	[tilespmem:s0+$0xFFFFFFF0] =	vst v12;
	v12 =	vld [tilespmem:s30+$0xFFFFFFF0];
	_ =	sdelay $0x1  }
0x560: {  	(xrf0) =	vadd.scan.msk.s32 $0xffff, v14;
	[tilespmem:s31+$0xFFFFFFFF] =	vst.msk $0x1, v13;
	v13, _, _ =	vpop (xrf0)  }
0x561: {  	[tilespmem:s28+$0x0] =	vst v0;
	v14 =	vld [tilespmem:s29+$0x0];
	v15 =	vperm.xlane v13, v2  }
0x562: {  	[tilespmem:s25+$0x0] =	vst v13  }
0x563: {  	(xrf0) =	vadd.scan.msk.s32 $0xffff, v12;
	[tilespmem:s26+$0x0] =	vst.msk $0x1, v15  }
0x564: {  	v12 =	vld [tilespmem:s28+$0x10];
	_ =	sdelay $0x1  }
0x565: {  	s5 =	simm.s32 $0xC;
	s6 =	simm.s32 $0x18120;
	s13 =	simm.s32 $0x190A0;
	v13, _, _ =	vpop (xrf0);
	(xrf0) =	vadd.scan.msk.s32 $0xffff, v14  }
.LBB2_48:
0x566: {  	v14 =	vld [tilespmem:s6+$0xFFFFFFE0];
	s5 =	sadd.s32 $0x4, s5;
	[tilespmem:s1+$0xFFFFFFE0] =	vst v0;
	v15 =	vperm.xlane v13, v2;
	s4 =	sadd.s32 $0x40, s4;
	s7 =	smov.u32 s2  }
0x567: {  	s2 =	sadd.s32 $0x4, s2;
	s8 =	smov.u32 s1;
	p0 =	slt.u32 s5, $0xFC;
	[tilespmem:s4+$0xFFFFFFE0] =	vst v13  }
0x568: {  	s1 =	smov.u32 s6;
	[tilespmem:s2+$0xFFFFFFFE] =	vst.msk $0x1, v15;
	v13, _, _ =	vpop (xrf0);
	(xrf0) =	vadd.scan.msk.s32 $0xffff, v12  }
0x569: {  	v12 =	vld [tilespmem:s8+$0xFFFFFFF0];
	[tilespmem:s30+$0xFFFFFFF0] =	vst v0;
	v15 =	vperm.xlane v13, v2  }
0x56a: {  	[tilespmem:s13+$0xFFFFFFF0] =	vst v13  }
0x56b: {  	(xrf0) =	vadd.scan.msk.s32 $0xffff, v14;
	[tilespmem:s7+$0xFFFFFFFF] =	vst.msk $0x1, v15;
	v13, _, _ =	vpop (xrf0)  }
0x56c: {  	v14 =	vld [tilespmem:s30+$0x0];
	[tilespmem:s29+$0x0] =	vst v0;
	v15 =	vperm.xlane v13, v2  }
.Ltmp23:
0x56d: {  	[tilespmem:s0+$0x0] =	vst v13;
	(pc) =	sbr.rel @p0 .LBB2_48-.Ltmp23, $4  }
0x56e: {  	(xrf0) =	vadd.scan.msk.s32 $0xffff, v12;
	[tilespmem:s31+$0x0] =	vst.msk $0x1, v15;
	v13, _, _ =	vpop (xrf0)  }
0x56f: {  	v12 =	vld [tilespmem:s29+$0x10];
	[tilespmem:s28+$0x10] =	vst v0;
	v15 =	vperm.xlane v13, v2;
	s28 =	smov.u32 s29;
	s29 =	smov.u32 s30;
	s30 =	smov.u32 s8  }
0x570: {  	[tilespmem:s25+$0x10] =	vst v13;
	s25 =	smov.u32 s0;
	s0 =	smov.u32 s13;
	s13 =	smov.u32 s4  }
0x571: {  	s6 =	sadd.s32 $0x40, s6;
	v13, _, _ =	vpop (xrf0);
	(xrf0) =	vadd.scan.msk.s32 $0xffff, v14;
	[tilespmem:s26+$0x1] =	vst.msk $0x1, v15;
	s26 =	smov.u32 s31;
	s31 =	smov.u32 s7  }
0x572: {  	[tilespmem:s1+$0xFFFFFFE0] =	vst v0;
	v14 =	vperm.xlane v13, v2;
	s4 =	sadd.s32 $0x40, s4  }
0x573: {  	s5 =	sadd.s32 $0x4, s2;
	[tilespmem:s4+$0xFFFFFFE0] =	vst v13  }
0x574: {  	[tilespmem:s5+$0xFFFFFFFE] =	vst.msk $0x1, v14  }
0x575: {  	v13 =	vld [tilespmem:s1+$0xFFFFFFF0];
	_ =	sdelay $0x3  }
0x576: {  	(xrf0) =	vadd.scan.msk.s32 $0xffff, v12;
	v12, _, _ =	vpop (xrf0)  }
0x577: {  	[tilespmem:s30+$0xFFFFFFF0] =	vst v0;
	(xrf0) =	vadd.scan.msk.s32 $0xffff, v13;
	v13 =	vperm.xlane v12, v2  }
0x578: {  	[tilespmem:s13+$0xFFFFFFF0] =	vst v12;
	v12, _, _ =	vpop (xrf0)  }
0x579: {  	[tilespmem:s2+$0xFFFFFFFF] =	vst.msk $0x1, v13;
	v13 =	vperm.xlane v12, v2;
	_ =	sdelay $0x1  }
0x57a: {  	[tilespmem:s29+$0x0] =	vst v0  }
0x57b: {  	[tilespmem:s0+$0x0] =	vst v12;
	v12, _, _ =	vpop (xrf0);
	v14 =	vld [tilespmem:s30+$0x0]  }
0x57c: {  	[tilespmem:s31+$0x0] =	vst.msk $0x1, v13;
	v13, _, _ =	vpop (xrf0)  }
0x57d: {  	[tilespmem:s1+$0xFFFFFFF0] =	vst v0;
	v15 =	vperm.xlane v13, v2  }
0x57e: {  	[tilespmem:s4+$0xFFFFFFF0] =	vst v13  }
0x57f: {  	v13 =	vld [tilespmem:s29+$0x10];
	[tilespmem:s5+$0xFFFFFFFF] =	vst.msk $0x1, v15  }
0x580: {  	(xrf0) =	vadd.scan.msk.s32 $0xffff, v14;
	v15 =	vld [tilespmem:s1+$0x0];
	_ =	sdelay $0x3  }
0x581: {  	(xrf0) =	vadd.scan.msk.s32 $0xffff, v13  }
0x582: {  	(xrf0) =	vadd.scan.msk.s32 $0xffff, v15  }
0x583: {  	v13, _, _ =	vpop (xrf0)  }
0x584: {  	v14 =	vperm.xlane v13, v2;
	_ =	sdelay $0x1  }
0x585: {  	[tilespmem:s30+$0x0] =	vst v0  }
0x586: {  	[tilespmem:s13+$0x0] =	vst v13;
	v13, _, _ =	vpop (xrf0)  }
0x587: {  	[tilespmem:s2+$0x0] =	vst.msk $0x1, v14;
	v14, _, _ =	vpop (xrf0)  }
0x588: {  	[tilespmem:s1+$0x0] =	vst v0;
	v15 =	vperm.xlane v14, v2  }
0x589: {  	[tilespmem:s4+$0x0] =	vst v14  }
0x58a: {  	v14 =	vld [tilespmem:s30+$0x10];
	[tilespmem:s5+$0x0] =	vst.msk $0x1, v15  }
0x58b: {  	v15 =	vld [tilespmem:s1+$0x10];
	_ =	sdelay $0x3  }
0x58c: {  	v10 =	vxor.u32 $0x80000000, v10;
	(xrf0) =	vadd.scan.msk.s32 $0xffff, v14  }
0x58d: {  	v11 =	vxor.u32 $0x80000000, v11;
	v10 =	vnsel vm0, $0x80000000, v10;
	(xrf0) =	vadd.scan.msk.s32 $0xffff, v15  }
0x58e: {  	(xrf0) =	vmax.scan.msk.u32 $0xffff, v10;
	v10 =	vnsel vm1, $0x80000000, v11  }
0x58f: {  	(xrf0) =	vmax.scan.msk.u32 $0xffff, v10  }
0x590: {  	v11 =	vperm.xlane v12, v2;
	_ =	sdelay $0x1  }
0x591: {  	[tilespmem:s28+$0x10] =	vst v0;
	v10, _, _ =	vpop (xrf0)  }
0x592: {  	[tilespmem:s25+$0x10] =	vst v12;
	v14, _, _ =	vpop (xrf0)  }
0x593: {  	[tilespmem:s26+$0x1] =	vst.msk $0x1, v11;
	v11, _, _ =	vpop (xrf0)  }
0x594: {  	(v2sf) =	vpush v11, $0xF;
	v11, _, _ =	vpop (xrf0)  }
0x595: {  	(v2sf) =	vpush v11, $0xF  }
0x596: {  	[tilespmem:s29+$0x10] =	vst v0  }
0x597: {  	[tilespmem:s0+$0x10] =	vst v13  }
0x598: {  	[tilespmem:s30+$0x10] =	vst v0;
	v12 =	vperm.xlane v13, v2  }
0x599: {  	[tilespmem:s1+$0x10] =	vst v0  }
0x59a: {  	[tilespmem:s31+$0x1] =	vst.msk $0x1, v12  }
0x59b: {  	[tilespmem:s13+$0x10] =	vst v10;
	v11 =	vperm.xlane v10, v2  }
0x59c: {  	[tilespmem:s4+$0x10] =	vst v14;
	v10 =	vperm.xlane v14, v2  }
0x59d: {  	[tilespmem:s2+$0x1] =	vst.msk $0x1, v11  }
0x59e: {  	s26 =	simm.s32 $0x0;
	[tilespmem:s5+$0x1] =	vst.msk $0x1, v10  }
0x59f: {  	v10 =	vld [tilespmem:s26+$0x1A000];
	_ =	sdelay $0x3  }
0x5a0: {  	s28 =	spop (v2sf)  }
0x5a1: {  	(xrf0) =	vadd.scan.msk.s32 $0xffff, v10;
	s29 =	spop (v2sf)  }
0x5a2: {  	s1 =	sxor.u32 $0x80000000, s29  }
0x5a3: {  	s30 =	simm.s32 $0x10;
	vm1 =	vgt.s32 v9, s1  }
0x5a4: {  	v14 =	vld [tilespmem:s30+$0x1A000];
	s0 =	sxor.u32 $0x80000000, s28;
	v9 =	vnsel vm1, s1, v9  }
0x5a5: {  	vm0 =	vgt.s32 v8, s0  }
0x5a6: {  	v8 =	vnsel vm0, s0, v8  }
0x5a7: {  	v10 =	vimm.s32 $0x0;
	v8 =	vbroadcast v8, $0x0;
	v11 =	vbroadcast v9, $0x0;
	v9, _, _ =	vpop (xrf0)  }
0x5a8: {  	v12 =	vadd.s32 v10, v9  }
0x5a9: {  	s31 =	simm.s32 $0x20;
	(xrf0) =	vadd.scan.msk.s32 $0xffff, v14;
	v9 =	vsub.s32 v4, v8;
	v8 =	vsub.s32 v5, v11;
	v11 =	vand.u32 $0xFFFF, v12  }
0x5aa: {  	v19 =	vld [tilespmem:s31+$0x1A000];
	v14 =	vimm.s32 $0x0;
	v16 =	vshrl.u32 v12, $0x10;
	vm0 =	vlt.s32 v11, v9  }
0x5ab: {  	v15 =	vperm.xlane v12, v2;
	vm1 =	vlt.s32 v16, v8;
	v12 =	vmpcnt.ones.xlane vm0  }
0x5ac: {  	v18 =	vnsel vm0, $0x0, v11;
	v13 =	vmpcnt.ones.xlane vm1;
	v17 =	vnsel vm1, $0x0, v16  }
0x5ad: {  	s0 =	simm.s32 $0x100;
	s1 =	simm.s32 $0xC0;
	v11 =	vimm.s32 $0x0;
	v16 =	vimm.s32 $0x0;
	vm0 =	vgt.s32 v10, v18  }
.LBB2_50:
0x5ae: {  	p0 =	sne.s32 s0, $0x3C0  }
0x5af: {  	s2 =	sshra.s32 s1, $0x2;
	(xrf0) =	vadd.scan.msk.s32 $0xffff, v19;
	v20, _, _ =	vpop (xrf0);
	v10 =	vadd.s32 v10, v12;
	v11 =	vadd.s32 v11, v13;
	vm1 =	vgt.s32 v14, v17;
	s1 =	smov.u32 s0;
	s0 =	sadd.s32 $0x40, s0  }
.Ltmp24:
0x5b0: {  	v16 =	vsel vm0, v16, v18;
	v19 =	vld [tilespmem:s2+$0x1A000];
	v12 =	vadd.s32 v15, v20;
	v14 =	vsel vm1, v14, v17;
	(pc) =	sbr.rel @p0 .LBB2_50-.Ltmp24, $4  }
0x5b1: {  	v17 =	vand.u32 $0xFFFF, v12;
	v20 =	vshrl.u32 v12, $0x10;
	v15 =	vperm.xlane v12, v2  }
0x5b2: {  	vm0 =	vlt.s32 v17, v9;
	vm1 =	vlt.s32 v20, v8  }
0x5b3: {  	v12 =	vmpcnt.ones.xlane vm0;
	v13 =	vmpcnt.ones.xlane vm1;
	v18 =	vnsel vm0, $0x0, v17  }
0x5b4: {  	v17 =	vnsel vm1, $0x0, v20;
	vm0 =	vgt.s32 v16, v18  }
0x5b5: {  	s0 =	sshra.s32 s1, $0x2  }
0x5b6: {  	v20 =	vld [tilespmem:s0+$0x1A000];
	_ =	sdelay $0x1  }
0x5b7: {  	(xrf0) =	vadd.scan.msk.s32 $0xffff, v19  }
0x5b8: {  	v19, _, _ =	vpop (xrf0)  }
0x5b9: {  	v15 =	vadd.s32 v15, v19  }
0x5ba: {  	v19 =	vshrl.u32 v15, $0x10;
	(xrf0) =	vadd.scan.msk.s32 $0xffff, v20  }
0x5bb: {  	vm2 =	vgt.s32 v14, v17;
	v16 =	vsel vm0, v16, v18;
	v18 =	vand.u32 $0xFFFF, v15  }
0x5bc: {  	v15 =	vperm.xlane v15, v2;
	vm1 =	vlt.s32 v18, v9;
	vm0 =	vlt.s32 v19, v8  }
0x5bd: {  	v14 =	vsel vm2, v14, v17;
	v17 =	vnsel vm1, $0x0, v18;
	v18 =	vnsel vm0, $0x0, v19;
	v19, _, _ =	vpop (xrf0)  }
0x5be: {  	vm2 =	vgt.s32 v16, v17;
	vm3 =	vgt.s32 v14, v18;
	v15 =	vadd.s32 v15, v19  }
0x5bf: {  	v16 =	vsel vm2, v16, v17;
	v17 =	vand.u32 $0xFFFF, v15;
	v19 =	vperm.xlane v15, v2  }
0x5c0: {  	v14 =	vsel vm3, v14, v18;
	v15 =	vshrl.u32 v15, $0x10;
	vm2 =	vlt.s32 v17, v9;
	v18, _, _ =	vpop (xrf0)  }
0x5c1: {  	vm3 =	vlt.s32 v15, v8;
	v17 =	vnsel vm2, $0x0, v17;
	v18 =	vadd.s32 v19, v18  }
0x5c2: {  	v15 =	vnsel vm3, $0x0, v15;
	vm4 =	vgt.s32 v16, v17;
	v19 =	vand.u32 $0xFFFF, v18  }
0x5c3: {  	vm5 =	vgt.s32 v14, v15;
	v18 =	vshrl.u32 v18, $0x10;
	vm6 =	vlt.s32 v19, v9  }
0x5c4: {  	v16 =	vsel vm4, v16, v17;
	vm4 =	vlt.s32 v18, v8;
	v17 =	vnsel vm6, $0x0, v19  }
0x5c5: {  	v14 =	vsel vm5, v14, v15;
	v15 =	vnsel vm4, $0x0, v18;
	vm5 =	vgt.s32 v16, v17  }
0x5c6: {  	vm7 =	vgt.s32 v14, v15;
	v16 =	vsel vm5, v16, v17  }
0x5c7: {  	v14 =	vsel vm7, v14, v15;
	v15 =	vor.u32 $0x80000000, v16  }
0x5c8: {  	v14 =	vor.u32 $0x80000000, v14;
	(xrf0) =	vmax.scan.msk.u32 $0xffff, v15  }
0x5c9: {  	(xrf0) =	vmax.scan.msk.u32 $0xffff, v14;
	_ =	sdelay $0x4  }
0x5ca: {  	v10 =	vadd.s32 v10, v12;
	v12, _, _ =	vpop (xrf0)  }
0x5cb: {  	v11 =	vadd.s32 v11, v13;
	v13 =	vmpcnt.ones.xlane vm1;
	(v2sf) =	vpush v12, $0xF;
	v12, _, _ =	vpop (xrf0)  }
0x5cc: {  	v15 =	vmpcnt.ones.xlane vm2;
	v14 =	vmpcnt.ones.xlane vm0;
	(v2sf) =	vpush v12, $0xF  }
0x5cd: {  	v10 =	vadd.s32 v10, v13;
	v13 =	vmpcnt.ones.xlane vm6;
	v12 =	vmpcnt.ones.xlane vm3  }
0x5ce: {  	v10 =	vadd.s32 v10, v15;
	v11 =	vadd.s32 v11, v14;
	v14 =	vmpcnt.ones.xlane vm4  }
0x5cf: {  	v10 =	vadd.s32 v10, v13;
	v11 =	vadd.s32 v11, v12  }
0x5d0: {  	v16 =	vshll.u32 v10, $0x4;
	v11 =	vadd.s32 v11, v14  }
0x5d1: {  	v10 =	vor.u32 v3, v16;
	v17 =	vshll.u32 v11, $0x4  }
0x5d2: {  	v11 =	vor.u32 v3, v17;
	_ =	sdelay $0x3  }
0x5d3: {  	v10 =	vld.idx.msk [tilespmem:v10+s20+$0x0], $0xffff  }
0x5d4: {  	s2 =	simm.s32 $0x10040;
	v11 =	vld.idx.msk [tilespmem:v11+s20+$0x0], $0xffff  }
0x5d5: {  	v20 =	vld [tilespmem:s2+$0x30]  }
0x5d6: {  	v6 =	vshll.u32 v6, $0xC  }
0x5d7: {  	v6 =	vadd.s32 v6, v16;
	v16 =	vld [tilespmem:s2+$0x0];
	s30 =	spop (v2sf)  }
0x5d8: {  	v14 =	vld [tilespmem:s2+$0xFFFFFFE0];
	v10 =	vand.u32 $0xFFFF, v10;
	s0 =	sxor.u32 $0x80000000, s30;
	s31 =	spop (v2sf)  }
0x5d9: {  	v12 =	vadd.s32 s0, v10;
	s1 =	sxor.u32 $0x80000000, s31;
	v10 =	vshrl.u32 v11, $0x10  }
0x5da: {  	v7 =	vshll.u32 v7, $0xC;
	v29 =	vand.u32 $0xFF, v20;
	v18 =	vld [tilespmem:s2+$0xFFFFFFD0];
	v13 =	vadd.s32 s1, v10  }
0x5db: {  	v22 =	vshrl.u32 v20, $0x8;
	vm0 =	vlt.s32 v12, v9;
	vm1 =	vlt.s32 v13, v8  }
0x5dc: {  	v15 =	vld [tilespmem:s2+$0xFFFFFFF0];
	v26 =	vshrl.u32 v16, $0x8;
	v19 =	vmpcnt.ones.xlane vm0;
	v21 =	vmpcnt.ones.xlane vm1  }
0x5dd: {  	v17 =	vadd.s32 v7, v17;
	v23 =	vshrl.u32 v14, $0x8;
	v10 =	vmov s0  }
0x5de: {  	v11 =	vmov s1;
	v7 =	vadd.s32 v19, v6;
	v6 =	vadd.s32 v21, v17  }
0x5df: {  	v21 =	vshrl.u32 v18, $0x8;
	v18 =	vand.u32 $0xFF, v18;
	vm2 =	veq.s32 v22, v7  }
0x5e0: {  	v20 =	vld [tilespmem:s2+$0xFFFFFFC0];
	vm7 =	veq.s32 v23, v7;
	vm11 =	veq.s32 v26, v7;
	vm3 =	veq.s32 v22, v6  }
0x5e1: {  	v19 =	vld [tilespmem:s2+$0x20];
	v22 =	vshrl.u32 v15, $0x8;
	v24 =	vsel vm2, $0x1, v0;
	vm5 =	veq.s32 v21, v7  }
0x5e2: {  	vm6 =	veq.s32 v21, v6;
	vm8 =	veq.s32 v23, v6;
	vm13 =	veq.s32 v26, v6  }
0x5e3: {  	v17 =	vld [tilespmem:s2+$0x10];
	v25 =	vsel vm3, $0x10000, v0;
	vm9 =	veq.s32 v22, v7;
	vm10 =	veq.s32 v22, v6  }
0x5e4: {  	v26 =	vsel vm6, $0x10000, v0;
	v28 =	vsel vm8, $0x10000, v0;
	v31 =	vsel vm13, $0x10000, v0  }
0x5e5: {  	v30 =	vor.u32 v24, v25;
	v24 =	vshrl.u32 v20, $0x8;
	v25 =	vsel vm9, $0x1, v0  }
0x5e6: {  	v27 =	vsel vm10, $0x10000, v0;
	v23 =	vshrl.u32 v19, $0x8;
	vm4 =	veq.s32 v24, v7  }
0x5e7: {  	vm12 =	veq.s32 v24, v6;
	v24 =	vsel vm7, $0x1, v0;
	[tilespmem:v29+s19+$0x0] =	vst.idx.add.s32.msk $0xffff, v30;
	v30 =	vsel vm11, $0x1, v0  }
0x5e8: {  	v21 =	vshrl.u32 v17, $0x8;
	vm2 =	veq.s32 v23, v7;
	v22 =	vsel vm12, $0x10000, v0  }
0x5e9: {  	vm14 =	veq.s32 v21, v7;
	vm3 =	veq.s32 v21, v6;
	v21 =	vsel vm4, $0x1, v0  }
0x5ea: {  	s0 =	simm.s32 $0x0;
	s1 =	simm.s32 $0x100C0;
	vm4 =	veq.s32 v23, v6;
	v23 =	vsel vm5, $0x1, v0;
	v29 =	vsel vm14, $0x1, v0  }
.LBB2_52:
0x5eb: {  	v32 =	vld [tilespmem:s1+$0x30];
	s0 =	sadd.s32 $0x8, s0;
	v33 =	vsel vm3, $0x10000, v0;
	v34 =	vsel vm2, $0x1, v0;
	v35 =	vsel vm4, $0x10000, v0  }
0x5ec: {  	v37 =	vand.u32 $0xFF, v20;
	v38 =	vand.u32 $0xFF, v14;
	v39 =	vand.u32 $0xFF, v15;
	v36 =	vld [tilespmem:s1+$0xFFFFFFD0];
	p0 =	slt.u32 s0, $0x7F8  }
0x5ed: {  	v40 =	vand.u32 $0xFF, v16;
	v41 =	vand.u32 $0xFF, v17;
	v42 =	vand.u32 $0xFF, v19;
	v14 =	vld [tilespmem:s1+$0xFFFFFFE0]  }
0x5ee: {  	v21 =	vor.u32 v21, v22;
	v22 =	vor.u32 v23, v26;
	v23 =	vor.u32 v24, v28;
	v15 =	vld [tilespmem:s1+$0xFFFFFFF0]  }
0x5ef: {  	v24 =	vor.u32 v25, v27;
	v25 =	vor.u32 v30, v31;
	v27 =	vor.u32 v29, v33;
	v16 =	vld [tilespmem:s1+$0x0]  }
0x5f0: {  	v29 =	vor.u32 v34, v35;
	v17 =	vld [tilespmem:s1+$0x10];
	v26 =	vand.u32 $0xFF, v32  }
0x5f1: {  	v31 =	vshrl.u32 v32, $0x8;
	v28 =	vshrl.u32 v36, $0x8;
	v30 =	vand.u32 $0xFF, v36;
	v19 =	vld [tilespmem:s1+$0x20]  }
0x5f2: {  	vm2 =	veq.s32 v31, v7;
	vm3 =	veq.s32 v31, v6;
	v20 =	vld [tilespmem:s1+$0xFFFFFFC0];
	v32 =	vshrl.u32 v14, $0x8  }
0x5f3: {  	v33 =	vsel vm2, $0x1, v0;
	v34 =	vsel vm3, $0x10000, v0;
	v31 =	vshrl.u32 v15, $0x8;
	[tilespmem:v37+s19+$0x0] =	vst.idx.add.s32.msk $0xffff, v21  }
0x5f4: {  	vm5 =	veq.s32 v28, v7;
	v33 =	vor.u32 v33, v34;
	v21 =	vshrl.u32 v16, $0x8;
	[tilespmem:v18+s19+$0x0] =	vst.idx.add.s32.msk $0xffff, v22  }
0x5f5: {  	vm6 =	veq.s32 v28, v6;
	vm7 =	veq.s32 v32, v7;
	v22 =	vshrl.u32 v17, $0x8;
	[tilespmem:v26+s19+$0x0] =	vst.idx.add.s32.msk $0xffff, v33  }
0x5f6: {  	vm8 =	veq.s32 v32, v6;
	vm9 =	veq.s32 v31, v7;
	v26 =	vshrl.u32 v19, $0x8;
	[tilespmem:v38+s19+$0x0] =	vst.idx.add.s32.msk $0xffff, v23  }
0x5f7: {  	vm10 =	veq.s32 v31, v6;
	vm11 =	veq.s32 v21, v7;
	v23 =	vshrl.u32 v20, $0x8;
	[tilespmem:v39+s19+$0x0] =	vst.idx.add.s32.msk $0xffff, v24  }
0x5f8: {  	v18 =	vmovc v30;
	vm13 =	veq.s32 v21, v6;
	vm4 =	veq.s32 v23, v7;
	vm12 =	veq.s32 v23, v6  }
.Ltmp25:
0x5f9: {  	vm14 =	veq.s32 v22, v7;
	vm3 =	veq.s32 v22, v6;
	vm2 =	veq.s32 v26, v7;
	(pc) =	sbr.rel @p0 .LBB2_52-.Ltmp25, $4  }
0x5fa: {  	v21 =	vsel vm4, $0x1, v0;
	v22 =	vsel vm12, $0x10000, v0;
	vm4 =	veq.s32 v26, v6;
	[tilespmem:v40+s19+$0x0] =	vst.idx.add.s32.msk $0xffff, v25  }
0x5fb: {  	v24 =	vsel vm7, $0x1, v0;
	v23 =	vsel vm5, $0x1, v0;
	v26 =	vsel vm6, $0x10000, v0;
	[tilespmem:v41+s19+$0x0] =	vst.idx.add.s32.msk $0xffff, v27  }
0x5fc: {  	v28 =	vsel vm8, $0x10000, v0;
	v25 =	vsel vm9, $0x1, v0;
	v27 =	vsel vm10, $0x10000, v0;
	[tilespmem:v42+s19+$0x0] =	vst.idx.add.s32.msk $0xffff, v29  }
0x5fd: {  	s1 =	sadd.s32 $0x80, s1;
	v30 =	vsel vm11, $0x1, v0;
	v31 =	vsel vm13, $0x10000, v0;
	v29 =	vsel vm14, $0x1, v0  }
0x5fe: {  	v12 =	vxor.u32 $0x80000000, v12  }
0x5ff: {  	v13 =	vxor.u32 $0x80000000, v13;
	v12 =	vnsel vm0, $0x80000000, v12  }
0x600: {  	(xrf0) =	vmax.scan.msk.u32 $0xffff, v12;
	v12 =	vnsel vm1, $0x80000000, v13  }
0x601: {  	(xrf0) =	vmax.scan.msk.u32 $0xffff, v12;
	_ =	sdelay $0x4  }
0x602: {  	v12 =	vand.u32 $0xFF, v20;
	v13, _, _ =	vpop (xrf0)  }
0x603: {  	v14 =	vand.u32 $0xFF, v14;
	(v2sf) =	vpush v13, $0xF;
	v13, _, _ =	vpop (xrf0)  }
0x604: {  	(v2sf) =	vpush v13, $0xF  }
0x605: {  	v17 =	vand.u32 $0xFF, v17  }
0x606: {  	v13 =	vand.u32 $0xFF, v15;
	v15 =	vand.u32 $0xFF, v16;
	v16 =	vor.u32 v21, v22  }
0x607: {  	[tilespmem:v12+s19+$0x0] =	vst.idx.add.s32.msk $0xffff, v16;
	v16 =	vor.u32 v24, v28  }
0x608: {  	v20 =	vor.u32 v23, v26;
	v12 =	vand.u32 $0xFF, v19;
	[tilespmem:v14+s19+$0x0] =	vst.idx.add.s32.msk $0xffff, v16;
	v14 =	vsel vm3, $0x10000, v0  }
0x609: {  	[tilespmem:v18+s19+$0x0] =	vst.idx.add.s32.msk $0xffff, v20;
	v14 =	vor.u32 v29, v14  }
0x60a: {  	v18 =	vor.u32 v25, v27;
	[tilespmem:v17+s19+$0x0] =	vst.idx.add.s32.msk $0xffff, v14  }
0x60b: {  	v16 =	vor.u32 v30, v31;
	[tilespmem:v13+s19+$0x0] =	vst.idx.add.s32.msk $0xffff, v18;
	v13 =	vsel vm2, $0x1, v0;
	v18 =	vsel vm4, $0x10000, v0  }
0x60c: {  	[tilespmem:v15+s19+$0x0] =	vst.idx.add.s32.msk $0xffff, v16;
	v13 =	vor.u32 v13, v18  }
0x60d: {  	s0 =	simm.s32 $0x18020;
	[tilespmem:v12+s19+$0x0] =	vst.idx.add.s32.msk $0xffff, v13  }
0x60e: {  	v12 =	vld [tilespmem:s0+$0xFFFFFFE0];
	_ =	sdelay $0x2  }
0x60f: {  	v13 =	vld [tilespmem:s0+$0xFFFFFFF0]  }
0x610: {  	s1 =	spop (v2sf)  }
0x611: {  	s25 =	simm.s32 $0x18060;
	v15 =	vld [tilespmem:s0+$0x0];
	v14 =	vand.u32 $0xFFFF, v12;
	s2 =	spop (v2sf)  }
0x612: {  	v17 =	vld [tilespmem:s25+$0xFFFFFFE0];
	v12 =	vshrl.u32 v12, $0x10;
	(xrf0) =	vadd.scan.msk.s32 $0xffff, v14;
	s2 =	sxor.u32 $0x80000000, s2  }
0x613: {  	s1 =	sxor.u32 $0x80000000, s1;
	(xrf0) =	vadd.scan.msk.s32 $0xffff, v12;
	vm9 =	vgt.s32 v11, s2  }
0x614: {  	v16 =	vld [tilespmem:s25+$0xFFFFFFF0];
	v12 =	vand.u32 $0xFFFF, v13;
	vm8 =	vgt.s32 v10, s1;
	v11 =	vnsel vm9, s2, v11  }
0x615: {  	v14 =	vld [tilespmem:s0+$0x10];
	v13 =	vshrl.u32 v13, $0x10;
	(xrf0) =	vadd.scan.msk.s32 $0xffff, v12;
	v10 =	vnsel vm8, s1, v10;
	v11 =	vbroadcast v11, $0x0  }
0x616: {  	(xrf0) =	vadd.scan.msk.s32 $0xffff, v13;
	v10 =	vbroadcast v10, $0x0  }
0x617: {  	[tilespmem:s0+$0xFFFFFFF0] =	vst v0;
	v19 =	vand.u32 $0xFFFF, v17;
	v8 =	vsub.s32 v8, v11;
	v11 =	vand.u32 $0xFFFF, v15  }
0x618: {  	v9 =	vsub.s32 v9, v10;
	v10 =	vimm.s32 $0x0;
	v18, _, _ =	vpop (xrf0);
	v15 =	vshrl.u32 v15, $0x10;
	(xrf0) =	vadd.scan.msk.s32 $0xffff, v11  }
0x619: {  	v12 =	vand.u32 $0xFFFF, v16;
	v11 =	vshrl.u32 v16, $0x10;
	v16, _, _ =	vpop (xrf0);
	(xrf0) =	vadd.scan.msk.s32 $0xffff, v15;
	v15 =	vadd.s32 v10, v18  }
0x61a: {  	[tilespmem:s0+$0xFFFFFFE0] =	vst v0;
	v13 =	vand.u32 $0xFFFF, v14;
	v16 =	vadd.s32 v10, v16;
	v18 =	vperm.xlane v15, v2  }
0x61b: {  	v14 =	vshrl.u32 v14, $0x10;
	v20, _, _ =	vpop (xrf0);
	vm10 =	vlt.s32 v16, v8;
	v16 =	vperm.xlane v16, v2;
	(xrf0) =	vadd.scan.msk.s32 $0xffff, v13  }
0x61c: {  	v17 =	vshrl.u32 v17, $0x10;
	vm11 =	vlt.s32 v15, v9;
	v21, _, _ =	vpop (xrf0);
	(xrf0) =	vadd.scan.msk.s32 $0xffff, v14;
	v14 =	vadd.s32 v18, v20  }
0x61d: {  	[tilespmem:s25+$0xFFFFFFF0] =	vst v0;
	v15 =	vmpcnt.ones.xlane vm10;
	v13 =	vmpcnt.ones.xlane vm11;
	v16 =	vadd.s32 v16, v21  }
0x61e: {  	[tilespmem:s25+$0xFFFFFFE0] =	vst v0;
	vm12 =	vlt.s32 v16, v8;
	v18 =	vperm.xlane v14, v2;
	v16 =	vperm.xlane v16, v2;
	v20, _, _ =	vpop (xrf0)  }
0x61f: {  	[tilespmem:s0+$0x0] =	vst v0;
	v21 =	vadd.s32 v10, v15;
	vm13 =	vlt.s32 v14, v9;
	v22 =	vmpcnt.ones.xlane vm12;
	v14, _, _ =	vpop (xrf0)  }
0x620: {  	[tilespmem:s0+$0x10] =	vst v0;
	v15 =	vmpcnt.ones.xlane vm13;
	v20 =	vadd.s32 v18, v20;
	v16 =	vadd.s32 v16, v14  }
0x621: {  	(xrf0) =	vadd.scan.msk.s32 $0xffff, v19;
	v14 =	vld [tilespmem:s25+$0x10];
	v23 =	vperm.xlane v20, v2;
	v63, _, _ =	vpop (xrf0);
	vm15 =	vlt.s32 v20, v9;
	v62 =	vperm.xlane v16, v2  }
0x622: {  	(xrf0) =	vadd.scan.msk.s32 $0xffff, v17;
	v18 =	vadd.s32 v22, v21;
	vm14 =	vlt.s32 v16, v8;
	v21, _, _ =	vpop (xrf0);
	v16 =	vld [tilespmem:s25+$0x0];
	v17 =	vmpcnt.ones.xlane vm15  }
0x623: {  	s0 =	simm.s32 $0x4;
	s1 =	simm.s32 $0x180A0;
	[tilespmem:s25+$0x10] =	vst v0;
	v19 =	vmpcnt.ones.xlane vm14;
	v20 =	vadd.s32 v23, v63;
	v21 =	vadd.s32 v62, v21  }
.LBB2_54:
0x624: {  	v22 =	vld [tilespmem:s1+$0xFFFFFFF0];
	[tilespmem:s1+$0xFFFFFFF0] =	vst v0;
	vm0 =	vlt.s32 v21, v8;
	v23 =	vperm.xlane v20, v2;
	v21 =	vperm.xlane v21, v2  }
0x625: {  	vm1 =	vlt.s32 v20, v9;
	v24 =	vld [tilespmem:s1+$0xFFFFFFE0];
	(xrf0) =	vadd.scan.msk.s32 $0xffff, v12;
	v12 =	vadd.s32 v19, v18;
	v20 =	vmpcnt.ones.xlane vm0  }
0x626: {  	v10 =	vadd.s32 v10, v13;
	v13 =	vmpcnt.ones.xlane vm1;
	v19 =	vand.u32 $0xFFFF, v14;
	(xrf0) =	vadd.scan.msk.s32 $0xffff, v11  }
0x627: {  	v10 =	vadd.s32 v15, v10;
	[tilespmem:s1+$0xFFFFFFE0] =	vst v0;
	v11 =	vand.u32 $0xFFFF, v16;
	v15 =	vadd.s32 v20, v12  }
0x628: {  	v14 =	vshrl.u32 v14, $0x10;
	v10 =	vadd.s32 v17, v10;
	v16 =	vshrl.u32 v16, $0x10;
	v18, _, _ =	vpop (xrf0);
	(xrf0) =	vadd.scan.msk.s32 $0xffff, v11  }
0x629: {  	v10 =	vadd.s32 v13, v10;
	v12 =	vand.u32 $0xFFFF, v22;
	v11 =	vshrl.u32 v22, $0x10;
	v17, _, _ =	vpop (xrf0);
	(xrf0) =	vadd.scan.msk.s32 $0xffff, v16  }
0x62a: {  	s0 =	sadd.s32 $0x4, s0;
	v13 =	vadd.s32 v23, v18;
	v20 =	vand.u32 $0xFFFF, v24;
	v16 =	vadd.s32 v21, v17;
	[tilespmem:s25+$0x0] =	vst v0;
	s25 =	smov.u32 s1  }
0x62b: {  	p0 =	slt.u32 s0, $0xC;
	v17 =	vperm.xlane v13, v2;
	vm0 =	vlt.s32 v16, v8;
	v16 =	vperm.xlane v16, v2;
	v18, _, _ =	vpop (xrf0);
	(xrf0) =	vadd.scan.msk.s32 $0xffff, v19  }
0x62c: {  	v21 =	vshrl.u32 v24, $0x10;
	vm1 =	vlt.s32 v13, v9;
	v19 =	vmpcnt.ones.xlane vm0;
	v22, _, _ =	vpop (xrf0);
	(xrf0) =	vadd.scan.msk.s32 $0xffff, v14  }
0x62d: {  	v13 =	vmpcnt.ones.xlane vm1;
	v23 =	vadd.s32 v17, v18;
	v16 =	vadd.s32 v16, v22  }
0x62e: {  	v17 =	vperm.xlane v23, v2;
	vm0 =	vlt.s32 v16, v8;
	v16 =	vperm.xlane v16, v2;
	v18, _, _ =	vpop (xrf0)  }
.Ltmp26:
0x62f: {  	vm1 =	vlt.s32 v23, v9;
	v19 =	vadd.s32 v15, v19;
	v26 =	vmpcnt.ones.xlane vm0;
	v14, _, _ =	vpop (xrf0);
	(pc) =	sbr.rel @p0 .LBB2_54-.Ltmp26, $4  }
0x630: {  	v15 =	vmpcnt.ones.xlane vm1;
	v17 =	vadd.s32 v17, v18;
	v16 =	vadd.s32 v16, v14  }
0x631: {  	v23 =	vperm.xlane v17, v2;
	v14 =	vld [tilespmem:s1+$0x10];
	[tilespmem:s1+$0x10] =	vst v0;
	vm0 =	vlt.s32 v16, v8;
	v24 =	vperm.xlane v16, v2;
	v25, _, _ =	vpop (xrf0)  }
0x632: {  	vm1 =	vlt.s32 v17, v9;
	v18 =	vadd.s32 v26, v19;
	v16 =	vld [tilespmem:s1+$0x0];
	(xrf0) =	vadd.scan.msk.s32 $0xffff, v20;
	v19 =	vmpcnt.ones.xlane vm0;
	v22, _, _ =	vpop (xrf0)  }
0x633: {  	v17 =	vmpcnt.ones.xlane vm1;
	s1 =	sadd.s32 $0x40, s1;
	v20 =	vadd.s32 v23, v25;
	(xrf0) =	vadd.scan.msk.s32 $0xffff, v21;
	v21 =	vadd.s32 v24, v22  }
0x634: {  	_ = 	snop  }
0x635: {  	vm0 =	vlt.s32 v21, v8;
	(xrf0) =	vadd.scan.msk.s32 $0xffff, v12  }
0x636: {  	v22 =	vperm.xlane v20, v2;
	v51 =	vperm.xlane v21, v2;
	v12 =	vadd.s32 v19, v18;
	(xrf0) =	vadd.scan.msk.s32 $0xffff, v11  }
0x637: {  	vm1 =	vlt.s32 v20, v9;
	v10 =	vadd.s32 v10, v13;
	v13 =	vand.u32 $0xFFFF, v16  }
0x638: {  	v52 =	vmpcnt.ones.xlane vm0;
	v10 =	vadd.s32 v15, v10;
	v15 =	vshrl.u32 v16, $0x10;
	v54, _, _ =	vpop (xrf0);
	(xrf0) =	vadd.scan.msk.s32 $0xffff, v13  }
0x639: {  	v11 =	vand.u32 $0xFFFF, v14;
	v13 =	vshrl.u32 v14, $0x10;
	v14, _, _ =	vpop (xrf0);
	(xrf0) =	vadd.scan.msk.s32 $0xffff, v15;
	v15 =	vadd.s32 v22, v54  }
0x63a: {  	v53 =	vmpcnt.ones.xlane vm1;
	v14 =	vadd.s32 v51, v14;
	v16 =	vperm.xlane v15, v2  }
0x63b: {  	v10 =	vadd.s32 v17, v10;
	v55, _, _ =	vpop (xrf0);
	(xrf0) =	vadd.scan.msk.s32 $0xffff, v11;
	vm0 =	vlt.s32 v14, v8;
	v14 =	vperm.xlane v14, v2  }
0x63c: {  	v12 =	vadd.s32 v52, v12;
	vm1 =	vlt.s32 v15, v9;
	v15, _, _ =	vpop (xrf0);
	(xrf0) =	vadd.scan.msk.s32 $0xffff, v13;
	v13 =	vadd.s32 v16, v55  }
0x63d: {  	v10 =	vadd.s32 v53, v10;
	v14 =	vadd.s32 v14, v15;
	v15 =	vperm.xlane v13, v2  }
0x63e: {  	v11 =	vmpcnt.ones.xlane vm0;
	vm0 =	vlt.s32 v14, v8;
	v14 =	vperm.xlane v14, v2;
	v57, _, _ =	vpop (xrf0)  }
0x63f: {  	v56 =	vmpcnt.ones.xlane vm1;
	vm1 =	vlt.s32 v13, v9;
	v13, _, _ =	vpop (xrf0);
	v15 =	vadd.s32 v15, v57  }
0x640: {  	v11 =	vadd.s32 v12, v11;
	v13 =	vadd.s32 v14, v13;
	v14 =	vperm.xlane v15, v2  }
0x641: {  	v58 =	vmpcnt.ones.xlane vm1;
	v12 =	vmpcnt.ones.xlane vm0;
	v59, _, _ =	vpop (xrf0);
	vm1 =	vlt.s32 v15, v9  }
0x642: {  	[tilespmem:s25+$0x0] =	vst v0;
	s1 =	simm.s32 $0x10040;
	vm0 =	vlt.s32 v13, v8;
	v13 =	vperm.xlane v13, v2;
	v14 =	vadd.s32 v14, v59  }
0x643: {  	s0 =	simm.s32 $0x40;
	v15 =	vmpcnt.ones.xlane vm0;
	v60, _, _ =	vpop (xrf0);
	vm0 =	vlt.s32 v14, v9;
	v9 =	vadd.s32 v10, v56;
	v10 =	vld [tilespmem:s1+$0x30]  }
0x644: {  	v61 =	vmpcnt.ones.xlane vm1;
	v11 =	vadd.s32 v12, v11;
	v13 =	vadd.s32 v13, v60;
	v14 =	vld [tilespmem:s0+$0x30]  }
0x645: {  	vm1 =	vlt.s32 v13, v8;
	v8 =	vmpcnt.ones.xlane vm0;
	v9 =	vadd.s32 v58, v9;
	v13 =	vld [tilespmem:s1+$0xFFFFFFC0]  }
0x646: {  	v11 =	vadd.s32 v15, v11;
	v15 =	vld [tilespmem:s1+$0x10];
	v12 =	vmpcnt.ones.xlane vm1;
	v9 =	vadd.s32 v61, v9  }
0x647: {  	v7 =	vshll.u32 v7, $0x8;
	v8 =	vadd.s32 v8, v9;
	v9 =	vld [tilespmem:s1+$0xFFFFFFD0]  }
0x648: {  	v6 =	vshll.u32 v6, $0x8;
	v11 =	vadd.s32 v12, v11;
	v7 =	vadd.s32 v7, v8;
	v8 =	vld [tilespmem:s1+$0xFFFFFFE0]  }
0x649: {  	v12 =	vld [tilespmem:s1+$0xFFFFFFF0];
	v11 =	vadd.s32 v6, v11;
	v6 =	vxor.u32 $0x80000000, v7  }
0x64a: {  	v62 =	vld [tilespmem:s0+$0xFFFFFFD0];
	v10 =	vxor.u32 $0x80000000, v10;
	v7 =	vxor.u32 $0x80000000, v11;
	v11 =	vxor.u32 $0x80000000, v13  }
0x64b: {  	v13 =	vld [tilespmem:s1+$0x0];
	vm1 =	vgt.s32 v10, v6;
	vm0 =	vgt.s32 v11, v6;
	vm2 =	vlt.s32 v10, v7  }
0x64c: {  	v63 =	vld [tilespmem:s0+$0xFFFFFFE0];
	v10 =	vnsel vm1, $0x0, v14;
	vm1 =	vlt.s32 v11, v7;
	v9 =	vxor.u32 $0x80000000, v9  }
0x64d: {  	v11 =	vld [tilespmem:s1+$0x20];
	v14 =	vnsel vm2, $0x3F800000, v10;
	vm11 =	vlt.s32 v9, v7;
	v8 =	vxor.u32 $0x80000000, v8  }
0x64e: {  	vm6 =	vgt.s32 v9, v6;
	v9 =	vxor.u32 $0x80000000, v12;
	v12 =	vxor.u32 $0x80000000, v15  }
0x64f: {  	vm2 =	vlt.s32 v8, v7;
	vm12 =	vgt.s32 v8, v6;
	v8 =	vld [tilespmem:s0+$0xFFFFFFF0];
	vm3 =	vlt.s32 v9, v7  }
0x650: {  	vm7 =	vgt.s32 v9, v6;
	v9 =	vld [tilespmem:s0+$0x0];
	vm5 =	vlt.s32 v12, v7;
	v10 =	vxor.u32 $0x80000000, v13  }
0x651: {  	vm9 =	vgt.s32 v12, v6;
	vm4 =	vlt.s32 v10, v7;
	vm8 =	vgt.s32 v10, v6;
	v10 =	vld [tilespmem:s0+$0x10]  }
0x652: {  	[tilespmem:s0+$0x30] =	vst v14;
	v15 =	vnsel vm6, $0x0, v62;
	v14 =	vnsel vm12, $0x0, v63;
	v13 =	vxor.u32 $0x80000000, v11;
	v11 =	vld [tilespmem:s0+$0x20]  }
0x653: {  	s2 =	simm.s32 $0x0;
	s4 =	simm.s32 $0x100C0;
	s1 =	simm.s32 $0x40;
	v12 =	vld [tilespmem:s0+$0xFFFFFFC0];
	vm6 =	vlt.s32 v13, v7;
	vm10 =	vgt.s32 v13, v6;
	v13 =	vnsel vm11, $0x3F800000, v15  }
.LBB2_56:
0x654: {  	v15 =	vld [tilespmem:s4+$0x30];
	s2 =	sadd.s32 $0x8, s2;
	[tilespmem:s0+$0xFFFFFFD0] =	vst v13;
	v13 =	vnsel vm2, $0x3F800000, v14;
	v8 =	vnsel vm7, $0x0, v8  }
0x655: {  	s0 =	sadd.s32 $0x80, s0;
	v14 =	vld [tilespmem:s4+$0xFFFFFFC0];
	p0 =	slt.u32 s2, $0x7F8;
	[tilespmem:s1+$0xFFFFFFE0] =	vst v13;
	v8 =	vnsel vm3, $0x3F800000, v8;
	v9 =	vnsel vm8, $0x0, v9  }
0x656: {  	v13 =	vld [tilespmem:s0+$0x30];
	[tilespmem:s1+$0xFFFFFFF0] =	vst v8;
	v8 =	vnsel vm4, $0x3F800000, v9;
	v9 =	vnsel vm9, $0x0, v10  }
0x657: {  	v10 =	vld [tilespmem:s4+$0xFFFFFFD0];
	[tilespmem:s1+$0x0] =	vst v8;
	v8 =	vnsel vm5, $0x3F800000, v9;
	v9 =	vnsel vm10, $0x0, v11  }
0x658: {  	v11 =	vld [tilespmem:s4+$0xFFFFFFE0];
	v12 =	vnsel vm0, $0x0, v12;
	[tilespmem:s1+$0x10] =	vst v8;
	v8 =	vnsel vm6, $0x3F800000, v9  }
0x659: {  	v9 =	vld [tilespmem:s4+$0xFFFFFFF0];
	v15 =	vxor.u32 $0x80000000, v15;
	v12 =	vnsel vm1, $0x3F800000, v12;
	[tilespmem:s1+$0x20] =	vst v8  }
0x65a: {  	v8 =	vxor.u32 $0x80000000, v14;
	v14 =	vld [tilespmem:s4+$0x0];
	vm1 =	vgt.s32 v15, v6;
	[tilespmem:s1+$0xFFFFFFC0] =	vst v12;
	s1 =	smov.u32 s0  }
0x65b: {  	vm2 =	vlt.s32 v15, v7;
	vm0 =	vgt.s32 v8, v6;
	v12 =	vld [tilespmem:s4+$0x10];
	v13 =	vnsel vm1, $0x0, v13  }
0x65c: {  	vm1 =	vlt.s32 v8, v7;
	v8 =	vxor.u32 $0x80000000, v10;
	v15 =	vld [tilespmem:s4+$0x20];
	v10 =	vnsel vm2, $0x3F800000, v13  }
0x65d: {  	v13 =	vld [tilespmem:s0+$0xFFFFFFD0];
	vm11 =	vlt.s32 v8, v7;
	vm6 =	vgt.s32 v8, v6;
	v8 =	vxor.u32 $0x80000000, v11;
	[tilespmem:s0+$0x30] =	vst v10  }
0x65e: {  	v16 =	vld [tilespmem:s0+$0xFFFFFFE0];
	vm2 =	vlt.s32 v8, v7;
	vm12 =	vgt.s32 v8, v6;
	v9 =	vxor.u32 $0x80000000, v9  }
.Ltmp27:
0x65f: {  	v8 =	vld [tilespmem:s0+$0xFFFFFFF0];
	vm3 =	vlt.s32 v9, v7;
	vm7 =	vgt.s32 v9, v6;
	v10 =	vxor.u32 $0x80000000, v14;
	(pc) =	sbr.rel @p0 .LBB2_56-.Ltmp27, $4  }
0x660: {  	v9 =	vld [tilespmem:s0+$0x0];
	vm4 =	vlt.s32 v10, v7;
	vm8 =	vgt.s32 v10, v6;
	v11 =	vxor.u32 $0x80000000, v12  }
0x661: {  	v10 =	vld [tilespmem:s0+$0x10];
	vm5 =	vlt.s32 v11, v7;
	vm9 =	vgt.s32 v11, v6;
	v12 =	vxor.u32 $0x80000000, v15  }
0x662: {  	v13 =	vnsel vm6, $0x0, v13;
	v11 =	vld [tilespmem:s0+$0x20];
	vm6 =	vlt.s32 v12, v7;
	vm10 =	vgt.s32 v12, v6  }
0x663: {  	s4 =	sadd.s32 $0x80, s4;
	v12 =	vld [tilespmem:s0+$0xFFFFFFC0];
	v13 =	vnsel vm11, $0x3F800000, v13;
	v14 =	vnsel vm12, $0x0, v16  }
0x664: {  	[tilespmem:s0+$0xFFFFFFD0] =	vst v13;
	v6 =	vnsel vm2, $0x3F800000, v14;
	v7 =	vnsel vm7, $0x0, v8  }
0x665: {  	[tilespmem:s1+$0xFFFFFFE0] =	vst v6;
	v6 =	vnsel vm3, $0x3F800000, v7;
	v7 =	vnsel vm8, $0x0, v9  }
0x666: {  	[tilespmem:s1+$0xFFFFFFF0] =	vst v6;
	v6 =	vnsel vm4, $0x3F800000, v7;
	v7 =	vnsel vm9, $0x0, v10  }
0x667: {  	[tilespmem:s1+$0x0] =	vst v6;
	v6 =	vnsel vm5, $0x3F800000, v7;
	v7 =	vnsel vm10, $0x0, v11  }
0x668: {  	v8 =	vnsel vm0, $0x0, v12;
	[tilespmem:s1+$0x10] =	vst v6;
	v6 =	vnsel vm6, $0x3F800000, v7  }
0x669: {  	v7 =	vnsel vm1, $0x3F800000, v8;
	[tilespmem:s1+$0x20] =	vst v6  }
0x66a: {  	[tilespmem:s1+$0xFFFFFFC0] =	vst v7  }
0x66b: {  	[hbm4b:s10+s15] =	stream.strided.scatter [tilespmem:s3], [sflag:$0x3], $0x8000, s16, s15, $0x38;
	[tilespmem:$0x1A200] =	vst v63  }
0x66c: {  	_ =	swait.ge [sflag:s21], $0x8000  }
0x66d: {  	[sflag:s21] =	ssyncset.done $0x0  }
0x66e: {  	s2 =	simm.s32 $0x8040;
	[sflag:s21] =	ssyncadd.s32 $0xFFFF8000  }
0x66f: {  	v6 =	vld [tilespmem:s2+$0xFFFFFFE0]  }
0x670: {  	v9 =	vld [tilespmem:s2+$0x20]  }
0x671: {  	v12 =	vld [tilespmem:s2+$0xFFFFFFC0]  }
0x672: {  	v10 =	vld [tilespmem:s2+$0x10]  }
0x673: {  	v14 =	vld [tilespmem:s2+$0x30]  }
0x674: {  	v8 =	vld [tilespmem:s2+$0xFFFFFFF0]  }
0x675: {  	v7 =	vld [tilespmem:s2+$0xFFFFFFD0]  }
0x676: {  	v11 =	vshra.s32 v9, $0x1F  }
0x677: {  	v13 =	vshra.s32 v6, $0x1F;
	v15 =	vshra.s32 v12, $0x1F;
	v20 =	vshra.s32 v10, $0x1F  }
0x678: {  	v17 =	vor.u32 $0x80000000, v11;
	v16 =	vor.u32 $0x80000000, v15;
	v11 =	vor.u32 $0x80000000, v13  }
0x679: {  	v13 =	vshra.s32 v14, $0x1F;
	v15 =	vshra.s32 v8, $0x1F;
	v18 =	vxor.u32 v6, v11  }
0x67a: {  	v19 =	vor.u32 $0x80000000, v13;
	v11 =	vshra.s32 v7, $0x1F;
	v15 =	vor.u32 $0x80000000, v15  }
0x67b: {  	s0 =	simm.s32 $0x10040;
	v16 =	vxor.u32 v12, v16;
	v13 =	vxor.u32 v9, v17;
	v17 =	vor.u32 $0x80000000, v20  }
0x67c: {  	s4 =	simm.s32 $0x10040;
	s1 =	simm.s32 $0x0;
	v12 =	vld [tilespmem:s2+$0x0];
	s2 =	simm.s32 $0x80C0;
	v6 =	vshrl.u32 v18, $0x14;
	v9 =	vshrl.u32 v16, $0x14;
	[tilespmem:s0+$0xFFFFFFE0] =	vst v18;
	v14 =	vxor.u32 v14, v19  }
.LBB2_58:
0x67d: {  	v18 =	vld [tilespmem:s2+$0xFFFFFFE0];
	s1 =	sadd.s32 $0x8, s1;
	[tilespmem:s0+$0xFFFFFFC0] =	vst v16;
	v8 =	vxor.u32 v8, v15;
	v10 =	vxor.u32 v10, v17;
	v15 =	vshrl.u32 v14, $0x14;
	s4 =	sadd.s32 $0x80, s4  }
0x67e: {  	v20 =	vshrl.u32 v13, $0x14;
	v16 =	vld [tilespmem:s2+$0xFFFFFFC0];
	p0 =	slt.u32 s1, $0x7F8;
	[tilespmem:s0+$0xFFFFFFF0] =	vst v8;
	v17 =	vshrl.u32 v8, $0x14;
	v19 =	vshrl.u32 v10, $0x14  }
0x67f: {  	v11 =	vor.u32 $0x80000000, v11;
	v8 =	vld [tilespmem:s2+$0xFFFFFFF0];
	[tilespmem:s0+$0x20] =	vst v13  }
0x680: {  	v11 =	vxor.u32 v7, v11;
	v13 =	vld [tilespmem:s2+$0x20];
	[tilespmem:s0+$0x30] =	vst v14  }
0x681: {  	v14 =	vld [tilespmem:s2+$0x30];
	v7 =	vshra.s32 v12, $0x1F;
	[tilespmem:s0+$0x10] =	vst v10  }
0x682: {  	v21 =	vshrl.u32 v11, $0x14;
	v7 =	vor.u32 $0x80000000, v7;
	[tilespmem:v15+s19+$0x0] =	vst.idx.add.s32.msk $0xffff, v1  }
0x683: {  	v10 =	vxor.u32 v12, v7;
	[tilespmem:v19+s19+$0x0] =	vst.idx.add.s32.msk $0xffff, v1  }
0x684: {  	v7 =	vld [tilespmem:s2+$0xFFFFFFD0];
	[tilespmem:s0+$0x0] =	vst v10;
	v12 =	vshrl.u32 v10, $0x14  }
0x685: {  	[tilespmem:v20+s19+$0x0] =	vst.idx.add.s32.msk $0xffff, v1  }
0x686: {  	v15 =	vshra.s32 v18, $0x1F;
	v19 =	vshra.s32 v13, $0x1F;
	v10 =	vld [tilespmem:s2+$0x10];
	[tilespmem:s0+$0xFFFFFFD0] =	vst v11;
	s0 =	smov.u32 s4  }
0x687: {  	v11 =	vshra.s32 v16, $0x1F;
	v19 =	vor.u32 $0x80000000, v19;
	[tilespmem:v21+s19+$0x0] =	vst.idx.add.s32.msk $0xffff, v1  }
.Ltmp28:
0x688: {  	v20 =	vor.u32 $0x80000000, v11;
	v11 =	vor.u32 $0x80000000, v15;
	v15 =	vshra.s32 v14, $0x1F;
	[tilespmem:v9+s19+$0x0] =	vst.idx.add.s32.msk $0xffff, v1;
	(pc) =	sbr.rel @p0 .LBB2_58-.Ltmp28, $4  }
0x689: {  	v18 =	vxor.u32 v18, v11;
	v9 =	vshra.s32 v8, $0x1F;
	v21 =	vor.u32 $0x80000000, v15;
	[tilespmem:v17+s19+$0x0] =	vst.idx.add.s32.msk $0xffff, v1  }
0x68a: {  	v11 =	vshra.s32 v7, $0x1F;
	v22 =	vshrl.u32 v18, $0x14;
	v15 =	vor.u32 $0x80000000, v9;
	[tilespmem:v12+s19+$0x0] =	vst.idx.add.s32.msk $0xffff, v1  }
0x68b: {  	s25 =	simm.s32 $0x19020;
	v13 =	vxor.u32 v13, v19;
	v16 =	vxor.u32 v16, v20;
	v17 =	vshra.s32 v10, $0x1F;
	[tilespmem:v6+s19+$0x0] =	vst.idx.add.s32.msk $0xffff, v1  }
0x68c: {  	s26 =	simm.s32 $0x1A002;
	s28 =	simm.s32 $0x18020;
	v9 =	vshrl.u32 v16, $0x14;
	v14 =	vxor.u32 v14, v21;
	v6 =	vmovc v22;
	[tilespmem:s4+$0xFFFFFFE0] =	vst v18;
	v12 =	vld [tilespmem:s2+$0x0];
	v17 =	vor.u32 $0x80000000, v17;
	s2 =	sadd.s32 $0x80, s2  }
0x68d: {  	_ = 	snop  }
0x68e: {  	[tilespmem:s0+$0xFFFFFFC0] =	vst v16  }
0x68f: {  	[tilespmem:s0+$0x20] =	vst v13  }
0x690: {  	[tilespmem:s0+$0x30] =	vst v14  }
0x691: {  	v8 =	vxor.u32 v8, v15;
	v61 =	vshrl.u32 v14, $0x14;
	[tilespmem:v6+s19+$0x0] =	vst.idx.add.s32.msk $0xffff, v1  }
0x692: {  	v10 =	vxor.u32 v10, v17;
	[tilespmem:s0+$0xFFFFFFF0] =	vst v8  }
0x693: {  	v63 =	vshrl.u32 v13, $0x14;
	v11 =	vor.u32 $0x80000000, v11;
	[tilespmem:s0+$0x10] =	vst v10  }
0x694: {  	v62 =	vshrl.u32 v10, $0x14;
	v7 =	vxor.u32 v7, v11;
	[tilespmem:v9+s19+$0x0] =	vst.idx.add.s32.msk $0xffff, v1;
	v11 =	vshra.s32 v12, $0x1F  }
0x695: {  	v8 =	vshrl.u32 v8, $0x14;
	[tilespmem:s0+$0xFFFFFFD0] =	vst v7;
	v11 =	vor.u32 $0x80000000, v11  }
0x696: {  	v10 =	vshrl.u32 v7, $0x14;
	[tilespmem:v61+s19+$0x0] =	vst.idx.add.s32.msk $0xffff, v1;
	v11 =	vxor.u32 v12, v11  }
0x697: {  	[tilespmem:s0+$0x0] =	vst v11;
	v11 =	vshrl.u32 v11, $0x14  }
0x698: {  	[tilespmem:v63+s19+$0x0] =	vst.idx.add.s32.msk $0xffff, v1  }
0x699: {  	[tilespmem:v62+s19+$0x0] =	vst.idx.add.s32.msk $0xffff, v1  }
0x69a: {  	[tilespmem:v8+s19+$0x0] =	vst.idx.add.s32.msk $0xffff, v1  }
0x69b: {  	[tilespmem:v10+s19+$0x0] =	vst.idx.add.s32.msk $0xffff, v1  }
0x69c: {  	[tilespmem:v11+s19+$0x0] =	vst.idx.add.s32.msk $0xffff, v1  }
0x69d: {  	v6 =	vld [tilespmem:s28+$0xFFFFFFE0];
	_ =	sdelay $0x4  }
0x69e: {  	(xrf0) =	vadd.scan.msk.s32 $0xffff, v6;
	_ =	sdelay $0x3  }
0x69f: {  	s29 =	simm.s32 $0x18060  }
0x6a0: {  	v7 =	vld [tilespmem:s29+$0xFFFFFFE0]  }
0x6a1: {  	v6 =	vimm.s32 $0x0;
	v8, _, _ =	vpop (xrf0)  }
0x6a2: {  	[tilespmem:s28+$0xFFFFFFE0] =	vst v6;
	v9 =	vperm.xlane v8, v2  }
0x6a3: {  	[tilespmem:s25+$0xFFFFFFE0] =	vst v8  }
0x6a4: {  	[tilespmem:s26+$0xFFFFFFFE] =	vst.msk $0x1, v9  }
0x6a5: {  	(xrf0) =	vadd.scan.msk.s32 $0xffff, v7;
	v8 =	vld [tilespmem:s28+$0xFFFFFFF0];
	_ =	sdelay $0x4  }
0x6a6: {  	(xrf0) =	vadd.scan.msk.s32 $0xffff, v8  }
0x6a7: {  	v7, _, _ =	vpop (xrf0)  }
0x6a8: {  	v9 =	vperm.xlane v7, v2  }
0x6a9: {  	s30 =	simm.s32 $0x180A0  }
0x6aa: {  	s0 =	simm.s32 $0x19060;
	[tilespmem:s29+$0xFFFFFFE0] =	vst v6;
	v8 =	vld [tilespmem:s30+$0xFFFFFFE0]  }
0x6ab: {  	s31 =	simm.s32 $0x1A006;
	[tilespmem:s0+$0xFFFFFFE0] =	vst v7  }
0x6ac: {  	[tilespmem:s31+$0xFFFFFFFE] =	vst.msk $0x1, v9;
	v9, _, _ =	vpop (xrf0)  }
0x6ad: {  	[tilespmem:s28+$0xFFFFFFF0] =	vst v6;
	v7 =	vld [tilespmem:s29+$0xFFFFFFF0];
	v10 =	vperm.xlane v9, v2  }
0x6ae: {  	[tilespmem:s25+$0xFFFFFFF0] =	vst v9  }
0x6af: {  	(xrf0) =	vadd.scan.msk.s32 $0xffff, v8;
	[tilespmem:s26+$0xFFFFFFFF] =	vst.msk $0x1, v10  }
0x6b0: {  	v8 =	vld [tilespmem:s28+$0x0];
	_ =	sdelay $0x1  }
0x6b1: {  	(xrf0) =	vadd.scan.msk.s32 $0xffff, v7;
	_ =	sdelay $0x2  }
0x6b2: {  	s1 =	simm.s32 $0x180E0;
	[tilespmem:s30+$0xFFFFFFE0] =	vst v6;
	v7, _, _ =	vpop (xrf0);
	(xrf0) =	vadd.scan.msk.s32 $0xffff, v8  }
0x6b3: {  	s4 =	simm.s32 $0x190A0;
	[tilespmem:s29+$0xFFFFFFF0] =	vst v6;
	v9 =	vld [tilespmem:s1+$0xFFFFFFE0];
	v10 =	vperm.xlane v7, v2  }
0x6b4: {  	s2 =	simm.s32 $0x1A00A;
	[tilespmem:s4+$0xFFFFFFE0] =	vst v7  }
0x6b5: {  	v7, _, _ =	vpop (xrf0);
	[tilespmem:s2+$0xFFFFFFFE] =	vst.msk $0x1, v10  }
0x6b6: {  	[tilespmem:s0+$0xFFFFFFF0] =	vst v7;
	v8 =	vperm.xlane v7, v2;
	v7 =	vld [tilespmem:s30+$0xFFFFFFF0];
	_ =	sdelay $0x1  }
0x6b7: {  	(xrf0) =	vadd.scan.msk.s32 $0xffff, v9;
	[tilespmem:s31+$0xFFFFFFFF] =	vst.msk $0x1, v8;
	v9, _, _ =	vpop (xrf0)  }
0x6b8: {  	[tilespmem:s28+$0x0] =	vst v6;
	v8 =	vld [tilespmem:s29+$0x0];
	v10 =	vperm.xlane v9, v2  }
0x6b9: {  	[tilespmem:s25+$0x0] =	vst v9  }
0x6ba: {  	(xrf0) =	vadd.scan.msk.s32 $0xffff, v7;
	[tilespmem:s26+$0x0] =	vst.msk $0x1, v10  }
0x6bb: {  	v10 =	vld [tilespmem:s28+$0x10];
	_ =	sdelay $0x1  }
0x6bc: {  	s5 =	simm.s32 $0xC;
	s6 =	simm.s32 $0x18120;
	s13 =	simm.s32 $0x190A0;
	v7 =	vimm.s32 $0x0;
	v11, _, _ =	vpop (xrf0);
	v9 =	vimm.s32 $0x0;
	(xrf0) =	vadd.scan.msk.s32 $0xffff, v8;
	v8 =	vimm.s32 $0x0  }
.LBB2_60:
0x6bd: {  	v12 =	vld [tilespmem:s6+$0xFFFFFFE0];
	s5 =	sadd.s32 $0x4, s5;
	[tilespmem:s1+$0xFFFFFFE0] =	vst v6;
	v13 =	vperm.xlane v11, v2;
	s4 =	sadd.s32 $0x40, s4;
	s7 =	smov.u32 s31  }
0x6be: {  	s31 =	smov.u32 s2;
	s2 =	sadd.s32 $0x4, s2;
	p0 =	slt.u32 s5, $0xFC;
	[tilespmem:s4+$0xFFFFFFE0] =	vst v11  }
0x6bf: {  	s8 =	smov.u32 s1;
	s1 =	smov.u32 s6;
	[tilespmem:s2+$0xFFFFFFFE] =	vst.msk $0x1, v13;
	v11, _, _ =	vpop (xrf0);
	(xrf0) =	vadd.scan.msk.s32 $0xffff, v10  }
0x6c0: {  	v10 =	vld [tilespmem:s8+$0xFFFFFFF0];
	[tilespmem:s30+$0xFFFFFFF0] =	vst v7;
	v13 =	vperm.xlane v11, v2  }
0x6c1: {  	[tilespmem:s13+$0xFFFFFFF0] =	vst v11  }
0x6c2: {  	(xrf0) =	vadd.scan.msk.s32 $0xffff, v12;
	[tilespmem:s31+$0xFFFFFFFF] =	vst.msk $0x1, v13;
	v11, _, _ =	vpop (xrf0)  }
0x6c3: {  	v12 =	vld [tilespmem:s30+$0x0];
	[tilespmem:s29+$0x0] =	vst v8;
	v13 =	vperm.xlane v11, v2  }
.Ltmp29:
0x6c4: {  	[tilespmem:s0+$0x0] =	vst v11;
	(pc) =	sbr.rel @p0 .LBB2_60-.Ltmp29, $4  }
0x6c5: {  	(xrf0) =	vadd.scan.msk.s32 $0xffff, v10;
	[tilespmem:s7+$0x0] =	vst.msk $0x1, v13;
	v11, _, _ =	vpop (xrf0)  }
0x6c6: {  	v10 =	vld [tilespmem:s29+$0x10];
	[tilespmem:s28+$0x10] =	vst v9;
	v13 =	vperm.xlane v11, v2;
	v9 =	vmovc v8;
	v8 =	vmov v7;
	v7 =	vmov v6;
	s28 =	smov.u32 s29;
	s29 =	smov.u32 s30;
	s30 =	smov.u32 s8  }
0x6c7: {  	[tilespmem:s25+$0x10] =	vst v11;
	s25 =	smov.u32 s0;
	s0 =	smov.u32 s13;
	s13 =	smov.u32 s4  }
0x6c8: {  	s6 =	sadd.s32 $0x40, s6;
	v11, _, _ =	vpop (xrf0);
	(xrf0) =	vadd.scan.msk.s32 $0xffff, v12;
	[tilespmem:s26+$0x1] =	vst.msk $0x1, v13;
	s26 =	smov.u32 s7  }
0x6c9: {  	[tilespmem:s1+$0xFFFFFFE0] =	vst v6;
	v12 =	vperm.xlane v11, v2;
	s4 =	sadd.s32 $0x40, s4  }
0x6ca: {  	s5 =	sadd.s32 $0x4, s2;
	[tilespmem:s4+$0xFFFFFFE0] =	vst v11  }
0x6cb: {  	[tilespmem:s5+$0xFFFFFFFE] =	vst.msk $0x1, v12  }
0x6cc: {  	v11 =	vld [tilespmem:s1+$0xFFFFFFF0];
	_ =	sdelay $0x3  }
0x6cd: {  	(xrf0) =	vadd.scan.msk.s32 $0xffff, v10;
	v10, _, _ =	vpop (xrf0)  }
0x6ce: {  	[tilespmem:s30+$0xFFFFFFF0] =	vst v7;
	(xrf0) =	vadd.scan.msk.s32 $0xffff, v11;
	v11 =	vperm.xlane v10, v2  }
0x6cf: {  	[tilespmem:s13+$0xFFFFFFF0] =	vst v10;
	v10, _, _ =	vpop (xrf0)  }
0x6d0: {  	[tilespmem:s2+$0xFFFFFFFF] =	vst.msk $0x1, v11;
	v11 =	vperm.xlane v10, v2;
	_ =	sdelay $0x1  }
0x6d1: {  	[tilespmem:s29+$0x0] =	vst v8  }
0x6d2: {  	[tilespmem:s0+$0x0] =	vst v10;
	v10, _, _ =	vpop (xrf0);
	v12 =	vld [tilespmem:s30+$0x0]  }
0x6d3: {  	[tilespmem:s31+$0x0] =	vst.msk $0x1, v11;
	v11, _, _ =	vpop (xrf0)  }
0x6d4: {  	[tilespmem:s1+$0xFFFFFFF0] =	vst v6;
	v13 =	vperm.xlane v11, v2  }
0x6d5: {  	[tilespmem:s4+$0xFFFFFFF0] =	vst v11  }
0x6d6: {  	v11 =	vld [tilespmem:s29+$0x10];
	[tilespmem:s5+$0xFFFFFFFF] =	vst.msk $0x1, v13  }
0x6d7: {  	(xrf0) =	vadd.scan.msk.s32 $0xffff, v12;
	v13 =	vld [tilespmem:s1+$0x0];
	_ =	sdelay $0x3  }
0x6d8: {  	(xrf0) =	vadd.scan.msk.s32 $0xffff, v11  }
0x6d9: {  	(xrf0) =	vadd.scan.msk.s32 $0xffff, v13  }
0x6da: {  	v11, _, _ =	vpop (xrf0)  }
0x6db: {  	[tilespmem:s30+$0x0] =	vst v7;
	v12 =	vperm.xlane v11, v2  }
0x6dc: {  	[tilespmem:s13+$0x0] =	vst v11  }
0x6dd: {  	[tilespmem:s2+$0x0] =	vst.msk $0x1, v12  }
0x6de: {  	v11, _, _ =	vpop (xrf0);
	v13 =	vld [tilespmem:s30+$0x10]  }
0x6df: {  	v12, _, _ =	vpop (xrf0)  }
0x6e0: {  	[tilespmem:s1+$0x0] =	vst v6;
	v14 =	vperm.xlane v12, v2  }
0x6e1: {  	[tilespmem:s4+$0x0] =	vst v12  }
0x6e2: {  	[tilespmem:s5+$0x0] =	vst.msk $0x1, v14  }
0x6e3: {  	(xrf0) =	vadd.scan.msk.s32 $0xffff, v13;
	v12 =	vld [tilespmem:s1+$0x10];
	_ =	sdelay $0x1  }
0x6e4: {  	[tilespmem:s29+$0x10] =	vst v8;
	v8 =	vperm.xlane v11, v2;
	_ =	sdelay $0x1  }
0x6e5: {  	[tilespmem:s28+$0x10] =	vst v9  }
0x6e6: {  	[tilespmem:s0+$0x10] =	vst v11;
	(xrf0) =	vadd.scan.msk.s32 $0xffff, v12  }
0x6e7: {  	[tilespmem:s31+$0x1] =	vst.msk $0x1, v8;
	v8, _, _ =	vpop (xrf0)  }
0x6e8: {  	v9 =	vperm.xlane v10, v2;
	[tilespmem:s30+$0x10] =	vst v7;
	v7 =	vperm.xlane v8, v2  }
0x6e9: {  	[tilespmem:s25+$0x10] =	vst v10  }
0x6ea: {  	[tilespmem:s26+$0x1] =	vst.msk $0x1, v9  }
0x6eb: {  	[tilespmem:s13+$0x10] =	vst v8  }
0x6ec: {  	[tilespmem:s2+$0x1] =	vst.msk $0x1, v7;
	v7, _, _ =	vpop (xrf0)  }
0x6ed: {  	[tilespmem:s1+$0x10] =	vst v6;
	v8 =	vperm.xlane v7, v2  }
0x6ee: {  	[tilespmem:s4+$0x10] =	vst v7  }
0x6ef: {  	s29 =	simm.s32 $0x0;
	[tilespmem:s5+$0x1] =	vst.msk $0x1, v8  }
0x6f0: {  	v7 =	vld [tilespmem:s29+$0x1A000];
	_ =	sdelay $0x4  }
0x6f1: {  	(xrf0) =	vadd.scan.msk.s32 $0xffff, v7  }
0x6f2: {  	s30 =	simm.s32 $0x10  }
0x6f3: {  	v7 =	vld [tilespmem:s30+$0x1A000];
	_ =	sdelay $0x3  }
0x6f4: {  	v8, _, _ =	vpop (xrf0)  }
0x6f5: {  	s31 =	simm.s32 $0x20;
	(xrf0) =	vadd.scan.msk.s32 $0xffff, v7;
	v8 =	vadd.s32 v6, v8  }
0x6f6: {  	v15 =	vld [tilespmem:s31+$0x1A000];
	v9 =	vand.u32 $0xFFFF, v8;
	v10 =	vshrl.u32 v8, $0x10  }
0x6f7: {  	v11 =	vperm.xlane v8, v2;
	vm0 =	vlt.s32 v9, v4  }
0x6f8: {  	v12 =	vmovc v6;
	vm1 =	vlt.s32 v10, v5;
	v8 =	vmpcnt.ones.xlane vm0;
	v13 =	vnsel vm0, $0x0, v9  }
0x6f9: {  	s0 =	simm.s32 $0x100;
	s1 =	simm.s32 $0xC0;
	v7 =	vmovc v6;
	v9 =	vmpcnt.ones.xlane vm1;
	v14 =	vnsel vm1, $0x0, v10;
	vm0 =	vgt.s32 v6, v13;
	v10 =	vmovc v6  }
.LBB2_62:
0x6fa: {  	p0 =	sne.s32 s0, $0x3C0  }
0x6fb: {  	s2 =	sshra.s32 s1, $0x2;
	(xrf0) =	vadd.scan.msk.s32 $0xffff, v15;
	v16, _, _ =	vpop (xrf0);
	v6 =	vadd.s32 v6, v8;
	v7 =	vadd.s32 v7, v9;
	vm1 =	vgt.s32 v10, v14;
	s1 =	smov.u32 s0;
	s0 =	sadd.s32 $0x40, s0  }
.Ltmp30:
0x6fc: {  	v12 =	vsel vm0, v12, v13;
	v15 =	vld [tilespmem:s2+$0x1A000];
	v8 =	vadd.s32 v11, v16;
	v10 =	vsel vm1, v10, v14;
	(pc) =	sbr.rel @p0 .LBB2_62-.Ltmp30, $4  }
0x6fd: {  	v13 =	vand.u32 $0xFFFF, v8;
	v14 =	vshrl.u32 v8, $0x10;
	v11 =	vperm.xlane v8, v2  }
0x6fe: {  	vm0 =	vlt.s32 v13, v4;
	vm1 =	vlt.s32 v14, v5  }
0x6ff: {  	v8 =	vmpcnt.ones.xlane vm0;
	v9 =	vmpcnt.ones.xlane vm1;
	v13 =	vnsel vm0, $0x0, v13  }
0x700: {  	v14 =	vnsel vm1, $0x0, v14;
	vm0 =	vgt.s32 v12, v13  }
0x701: {  	s0 =	sshra.s32 s1, $0x2  }
0x702: {  	v16 =	vld [tilespmem:s0+$0x1A000];
	_ =	sdelay $0x1  }
0x703: {  	(xrf0) =	vadd.scan.msk.s32 $0xffff, v15  }
0x704: {  	v15, _, _ =	vpop (xrf0)  }
0x705: {  	v11 =	vadd.s32 v11, v15  }
0x706: {  	v15 =	vshrl.u32 v11, $0x10;
	(xrf0) =	vadd.scan.msk.s32 $0xffff, v16  }
0x707: {  	vm2 =	vgt.s32 v10, v14;
	v12 =	vsel vm0, v12, v13;
	v13 =	vand.u32 $0xFFFF, v11  }
0x708: {  	v11 =	vperm.xlane v11, v2;
	vm1 =	vlt.s32 v13, v4;
	vm0 =	vlt.s32 v15, v5  }
0x709: {  	v10 =	vsel vm2, v10, v14;
	v13 =	vnsel vm1, $0x0, v13;
	v14 =	vnsel vm0, $0x0, v15;
	v15, _, _ =	vpop (xrf0)  }
0x70a: {  	vm2 =	vgt.s32 v12, v13;
	vm3 =	vgt.s32 v10, v14;
	v11 =	vadd.s32 v11, v15  }
0x70b: {  	v12 =	vsel vm2, v12, v13;
	v13 =	vand.u32 $0xFFFF, v11;
	v15 =	vperm.xlane v11, v2  }
0x70c: {  	v10 =	vsel vm3, v10, v14;
	v11 =	vshrl.u32 v11, $0x10;
	vm2 =	vlt.s32 v13, v4;
	v14, _, _ =	vpop (xrf0)  }
0x70d: {  	vm3 =	vlt.s32 v11, v5;
	v13 =	vnsel vm2, $0x0, v13;
	v14 =	vadd.s32 v15, v14  }
0x70e: {  	v11 =	vnsel vm3, $0x0, v11;
	vm4 =	vgt.s32 v12, v13;
	v15 =	vand.u32 $0xFFFF, v14  }
0x70f: {  	vm5 =	vgt.s32 v10, v11;
	v14 =	vshrl.u32 v14, $0x10;
	vm6 =	vlt.s32 v15, v4  }
0x710: {  	v12 =	vsel vm4, v12, v13;
	vm13 =	vlt.s32 v14, v5;
	v13 =	vnsel vm6, $0x0, v15  }
0x711: {  	v10 =	vsel vm5, v10, v11;
	v11 =	vnsel vm13, $0x0, v14;
	vm14 =	vgt.s32 v12, v13  }
0x712: {  	vm7 =	vgt.s32 v10, v11;
	v12 =	vsel vm14, v12, v13  }
0x713: {  	v10 =	vsel vm7, v10, v11;
	v11 =	vor.u32 $0x80000000, v12  }
0x714: {  	v10 =	vor.u32 $0x80000000, v10;
	(xrf0) =	vmax.scan.msk.u32 $0xffff, v11  }
0x715: {  	(xrf0) =	vmax.scan.msk.u32 $0xffff, v10;
	_ =	sdelay $0x4  }
0x716: {  	v6 =	vadd.s32 v6, v8;
	v8, _, _ =	vpop (xrf0)  }
0x717: {  	v7 =	vadd.s32 v7, v9;
	v9 =	vmpcnt.ones.xlane vm1;
	(v2sf) =	vpush v8, $0xF;
	v8, _, _ =	vpop (xrf0)  }
0x718: {  	v11 =	vmpcnt.ones.xlane vm2;
	v10 =	vmpcnt.ones.xlane vm0;
	(v2sf) =	vpush v8, $0xF  }
0x719: {  	v6 =	vadd.s32 v6, v9;
	v9 =	vmpcnt.ones.xlane vm6;
	v8 =	vmpcnt.ones.xlane vm3  }
0x71a: {  	v6 =	vadd.s32 v6, v11;
	v7 =	vadd.s32 v7, v10;
	v10 =	vmpcnt.ones.xlane vm13  }
0x71b: {  	v6 =	vadd.s32 v6, v9;
	v7 =	vadd.s32 v7, v8  }
0x71c: {  	v6 =	vshll.u32 v6, $0x4;
	v7 =	vadd.s32 v7, v10  }
0x71d: {  	v8 =	vor.u32 v3, v6;
	v7 =	vshll.u32 v7, $0x4  }
0x71e: {  	v9 =	vor.u32 v3, v7;
	_ =	sdelay $0x1  }
0x71f: {  	s2 =	simm.s32 $0x10040  }
0x720: {  	v16 =	vld [tilespmem:s2+$0xFFFFFFF0]  }
0x721: {  	v8 =	vld.idx.msk [tilespmem:v8+s20+$0x0], $0xffff  }
0x722: {  	v9 =	vld.idx.msk [tilespmem:v9+s20+$0x0], $0xffff;
	_ =	sdelay $0x1  }
0x723: {  	v15 =	vld [tilespmem:s2+$0xFFFFFFE0]  }
0x724: {  	v12 =	vld [tilespmem:s2+$0xFFFFFFD0];
	s30 =	spop (v2sf)  }
0x725: {  	v8 =	vand.u32 $0xFFFF, v8;
	s0 =	sxor.u32 $0x80000000, s30;
	s31 =	spop (v2sf)  }
0x726: {  	v22 =	vshrl.u32 v16, $0x14;
	v13 =	vld [tilespmem:s2+$0x30];
	v10 =	vadd.s32 s0, v8;
	s1 =	sxor.u32 $0x80000000, s31;
	v8 =	vshrl.u32 v9, $0x10  }
0x727: {  	v16 =	vshrl.u32 v16, $0x8;
	vm0 =	vlt.s32 v10, v4;
	v11 =	vadd.s32 s1, v8  }
0x728: {  	v17 =	vld [tilespmem:s2+$0x0];
	v21 =	vshrl.u32 v15, $0x14;
	v9 =	vmpcnt.ones.xlane vm0;
	vm1 =	vlt.s32 v11, v5  }
0x729: {  	v19 =	vld [tilespmem:s2+$0x10];
	v15 =	vshrl.u32 v15, $0x8;
	v18 =	vshrl.u32 v12, $0x14;
	v14 =	vmpcnt.ones.xlane vm1  }
0x72a: {  	v20 =	vld [tilespmem:s2+$0x20];
	v12 =	vshrl.u32 v12, $0x8;
	v8 =	vmov s0;
	v6 =	vadd.s32 v6, v9  }
0x72b: {  	v9 =	vmov s1;
	v7 =	vadd.s32 v7, v14;
	v14 =	vshrl.u32 v13, $0x8  }
0x72c: {  	vm3 =	veq.s32 v18, v6;
	v13 =	vshrl.u32 v13, $0x14;
	vm5 =	veq.s32 v21, v6  }
0x72d: {  	vm7 =	veq.s32 v22, v6;
	v29 =	vand.u32 $0xFFF, v14;
	vm2 =	veq.s32 v13, v6  }
0x72e: {  	vm15 =	veq.s32 v13, v7;
	v13 =	vshrl.u32 v17, $0x14;
	vm4 =	veq.s32 v18, v7  }
0x72f: {  	v18 =	vshrl.u32 v19, $0x14;
	vm6 =	veq.s32 v21, v7;
	v21 =	vshrl.u32 v20, $0x14  }
0x730: {  	vm8 =	veq.s32 v22, v7;
	v17 =	vshrl.u32 v17, $0x8;
	v19 =	vshrl.u32 v19, $0x8  }
0x731: {  	v23 =	vsel vm2, $0x1, v0;
	v24 =	vsel vm15, $0x10000, v0;
	vm11 =	veq.s32 v13, v6  }
0x732: {  	v14 =	vld [tilespmem:s2+$0xFFFFFFC0];
	vm12 =	veq.s32 v13, v7;
	vm13 =	veq.s32 v18, v6;
	vm14 =	veq.s32 v18, v7  }
0x733: {  	vm15 =	veq.s32 v21, v6;
	vm2 =	veq.s32 v21, v7;
	v13 =	vshrl.u32 v20, $0x8  }
0x734: {  	v20 =	vsel vm3, $0x1, v0;
	v22 =	vsel vm4, $0x10000, v0;
	v21 =	vsel vm5, $0x1, v0  }
0x735: {  	v25 =	vsel vm6, $0x10000, v0;
	v28 =	vsel vm8, $0x10000, v0;
	v30 =	vor.u32 v23, v24  }
0x736: {  	v24 =	vsel vm11, $0x1, v0;
	v26 =	vsel vm12, $0x10000, v0;
	v31 =	vsel vm14, $0x10000, v0  }
0x737: {  	v23 =	vshrl.u32 v14, $0x14;
	v14 =	vshrl.u32 v14, $0x8;
	[tilespmem:v29+s19+$0x0] =	vst.idx.add.s32.msk $0xffff, v30;
	v29 =	vsel vm13, $0x1, v0  }
0x738: {  	v30 =	vsel vm15, $0x1, v0;
	vm9 =	veq.s32 v23, v6;
	vm10 =	veq.s32 v23, v7  }
0x739: {  	s0 =	simm.s32 $0x0;
	s1 =	simm.s32 $0x100C0;
	v23 =	vsel vm7, $0x1, v0;
	v18 =	vsel vm9, $0x1, v0;
	v27 =	vsel vm10, $0x10000, v0  }
.LBB2_64:
0x73a: {  	v32 =	vld [tilespmem:s1+$0x30];
	s0 =	sadd.s32 $0x8, s0;
	v14 =	vand.u32 $0xFFF, v14;
	v33 =	vand.u32 $0xFFF, v12;
	v12 =	vsel vm2, $0x10000, v0  }
0x73b: {  	v15 =	vand.u32 $0xFFF, v15;
	v16 =	vand.u32 $0xFFF, v16;
	v17 =	vand.u32 $0xFFF, v17;
	v34 =	vld [tilespmem:s1+$0xFFFFFFD0];
	p0 =	slt.u32 s0, $0x7F8  }
0x73c: {  	v18 =	vor.u32 v18, v27;
	v19 =	vand.u32 $0xFFF, v19;
	v27 =	vand.u32 $0xFFF, v13;
	v35 =	vld [tilespmem:s1+$0xFFFFFFE0]  }
0x73d: {  	v20 =	vor.u32 v20, v22;
	v21 =	vor.u32 v21, v25;
	v22 =	vor.u32 v23, v28;
	v13 =	vld [tilespmem:s1+$0xFFFFFFF0]  }
0x73e: {  	v24 =	vor.u32 v24, v26;
	v25 =	vor.u32 v29, v31;
	v26 =	vor.u32 v30, v12;
	v23 =	vld [tilespmem:s1+$0x0]  }
0x73f: {  	v28 =	vld [tilespmem:s1+$0x10];
	v29 =	vshrl.u32 v32, $0x8  }
0x740: {  	v30 =	vshrl.u32 v34, $0x14;
	v12 =	vshrl.u32 v34, $0x8;
	v31 =	vld [tilespmem:s1+$0x20];
	v29 =	vand.u32 $0xFFF, v29  }
0x741: {  	v32 =	vshrl.u32 v32, $0x14;
	v34 =	vld [tilespmem:s1+$0xFFFFFFC0];
	vm3 =	veq.s32 v30, v6;
	v36 =	vshrl.u32 v35, $0x14  }
0x742: {  	vm2 =	veq.s32 v32, v6;
	vm4 =	veq.s32 v32, v7;
	v37 =	vshrl.u32 v13, $0x14;
	[tilespmem:v14+s19+$0x0] =	vst.idx.add.s32.msk $0xffff, v18  }
0x743: {  	v32 =	vsel vm4, $0x10000, v0;
	v18 =	vsel vm2, $0x1, v0;
	v14 =	vshrl.u32 v23, $0x14;
	[tilespmem:v33+s19+$0x0] =	vst.idx.add.s32.msk $0xffff, v20  }
0x744: {  	s25 =	simm.s32 $0x19020;
	vm4 =	veq.s32 v30, v7;
	v18 =	vor.u32 v18, v32;
	v20 =	vshrl.u32 v28, $0x14;
	[tilespmem:v15+s19+$0x0] =	vst.idx.add.s32.msk $0xffff, v21  }
0x745: {  	s26 =	simm.s32 $0x1A002;
	s28 =	simm.s32 $0x18020;
	vm5 =	veq.s32 v36, v6;
	vm6 =	veq.s32 v36, v7;
	v15 =	vshrl.u32 v31, $0x14;
	[tilespmem:v29+s19+$0x0] =	vst.idx.add.s32.msk $0xffff, v18  }
0x746: {  	vm8 =	veq.s32 v37, v6;
	vm7 =	veq.s32 v37, v7;
	v18 =	vshrl.u32 v34, $0x14;
	[tilespmem:v16+s19+$0x0] =	vst.idx.add.s32.msk $0xffff, v22  }
0x747: {  	vm11 =	veq.s32 v14, v6;
	vm9 =	veq.s32 v18, v6;
	vm10 =	veq.s32 v18, v7  }
0x748: {  	vm12 =	veq.s32 v14, v7;
	vm13 =	veq.s32 v20, v6;
	vm14 =	veq.s32 v20, v7  }
0x749: {  	v14 =	vshrl.u32 v34, $0x8;
	vm15 =	veq.s32 v15, v6;
	vm2 =	veq.s32 v15, v7;
	[tilespmem:v17+s19+$0x0] =	vst.idx.add.s32.msk $0xffff, v24  }
0x74a: {  	v15 =	vshrl.u32 v35, $0x8;
	v16 =	vshrl.u32 v13, $0x8;
	v17 =	vshrl.u32 v23, $0x8;
	[tilespmem:v19+s19+$0x0] =	vst.idx.add.s32.msk $0xffff, v25  }
.Ltmp31:
0x74b: {  	v13 =	vshrl.u32 v31, $0x8;
	v18 =	vsel vm9, $0x1, v0;
	v19 =	vshrl.u32 v28, $0x8;
	[tilespmem:v27+s19+$0x0] =	vst.idx.add.s32.msk $0xffff, v26;
	(pc) =	sbr.rel @p0 .LBB2_64-.Ltmp31, $4  }
0x74c: {  	v20 =	vsel vm3, $0x1, v0;
	v22 =	vsel vm4, $0x10000, v0;
	v27 =	vsel vm10, $0x10000, v0  }
0x74d: {  	v21 =	vsel vm5, $0x1, v0;
	v23 =	vsel vm8, $0x1, v0;
	v25 =	vsel vm6, $0x10000, v0  }
0x74e: {  	v24 =	vsel vm11, $0x1, v0;
	v28 =	vsel vm7, $0x10000, v0;
	v26 =	vsel vm12, $0x10000, v0  }
0x74f: {  	s1 =	sadd.s32 $0x80, s1;
	v29 =	vsel vm13, $0x1, v0;
	v31 =	vsel vm14, $0x10000, v0;
	v30 =	vsel vm15, $0x1, v0  }
0x750: {  	v14 =	vand.u32 $0xFFF, v14  }
0x751: {  	v12 =	vand.u32 $0xFFF, v12  }
0x752: {  	v15 =	vand.u32 $0xFFF, v15  }
0x753: {  	v16 =	vand.u32 $0xFFF, v16  }
0x754: {  	v17 =	vand.u32 $0xFFF, v17;
	v18 =	vor.u32 v18, v27  }
0x755: {  	v19 =	vand.u32 $0xFFF, v19;
	v20 =	vor.u32 v20, v22;
	[tilespmem:v14+s19+$0x0] =	vst.idx.add.s32.msk $0xffff, v18  }
0x756: {  	v13 =	vand.u32 $0xFFF, v13;
	v14 =	vor.u32 v21, v25;
	[tilespmem:v12+s19+$0x0] =	vst.idx.add.s32.msk $0xffff, v20  }
0x757: {  	v12 =	vor.u32 v23, v28;
	[tilespmem:v15+s19+$0x0] =	vst.idx.add.s32.msk $0xffff, v14  }
0x758: {  	v14 =	vor.u32 v24, v26;
	[tilespmem:v16+s19+$0x0] =	vst.idx.add.s32.msk $0xffff, v12  }
0x759: {  	v12 =	vsel vm2, $0x10000, v0;
	v15 =	vor.u32 v29, v31;
	[tilespmem:v17+s19+$0x0] =	vst.idx.add.s32.msk $0xffff, v14  }
0x75a: {  	v12 =	vor.u32 v30, v12;
	[tilespmem:v19+s19+$0x0] =	vst.idx.add.s32.msk $0xffff, v15  }
0x75b: {  	[tilespmem:v13+s19+$0x0] =	vst.idx.add.s32.msk $0xffff, v12  }
0x75c: {  	v12 =	vld [tilespmem:s28+$0xFFFFFFE0];
	_ =	sdelay $0x4  }
0x75d: {  	(xrf0) =	vadd.scan.msk.s32 $0xffff, v12;
	_ =	sdelay $0x3  }
0x75e: {  	s29 =	simm.s32 $0x18060  }
0x75f: {  	v12 =	vld [tilespmem:s29+$0xFFFFFFE0]  }
0x760: {  	v13, _, _ =	vpop (xrf0)  }
0x761: {  	[tilespmem:s28+$0xFFFFFFE0] =	vst v0;
	v14 =	vperm.xlane v13, v2  }
0x762: {  	[tilespmem:s25+$0xFFFFFFE0] =	vst v13  }
0x763: {  	[tilespmem:s26+$0xFFFFFFFE] =	vst.msk $0x1, v14  }
0x764: {  	(xrf0) =	vadd.scan.msk.s32 $0xffff, v12;
	v13 =	vld [tilespmem:s28+$0xFFFFFFF0];
	_ =	sdelay $0x4  }
0x765: {  	(xrf0) =	vadd.scan.msk.s32 $0xffff, v13  }
0x766: {  	v12, _, _ =	vpop (xrf0)  }
0x767: {  	s0 =	simm.s32 $0x19060;
	[tilespmem:s29+$0xFFFFFFE0] =	vst v0;
	v14 =	vperm.xlane v12, v2  }
0x768: {  	s30 =	simm.s32 $0x180A0;
	s31 =	simm.s32 $0x1A006;
	[tilespmem:s0+$0xFFFFFFE0] =	vst v12  }
0x769: {  	v13 =	vld [tilespmem:s30+$0xFFFFFFE0];
	[tilespmem:s31+$0xFFFFFFFE] =	vst.msk $0x1, v14  }
0x76a: {  	v12 =	vld [tilespmem:s29+$0xFFFFFFF0]  }
0x76b: {  	v14, _, _ =	vpop (xrf0)  }
0x76c: {  	[tilespmem:s28+$0xFFFFFFF0] =	vst v0;
	v15 =	vperm.xlane v14, v2  }
0x76d: {  	[tilespmem:s25+$0xFFFFFFF0] =	vst v14  }
0x76e: {  	(xrf0) =	vadd.scan.msk.s32 $0xffff, v13;
	[tilespmem:s26+$0xFFFFFFFF] =	vst.msk $0x1, v15  }
0x76f: {  	(xrf0) =	vadd.scan.msk.s32 $0xffff, v12;
	v13 =	vld [tilespmem:s28+$0x0];
	_ =	sdelay $0x4  }
0x770: {  	s1 =	simm.s32 $0x180E0;
	s4 =	simm.s32 $0x190A0;
	[tilespmem:s30+$0xFFFFFFE0] =	vst v0;
	v12, _, _ =	vpop (xrf0);
	(xrf0) =	vadd.scan.msk.s32 $0xffff, v13  }
0x771: {  	v14 =	vld [tilespmem:s1+$0xFFFFFFE0];
	v15 =	vperm.xlane v12, v2;
	[tilespmem:s4+$0xFFFFFFE0] =	vst v12;
	v12, _, _ =	vpop (xrf0)  }
0x772: {  	s2 =	simm.s32 $0x1A00A;
	[tilespmem:s29+$0xFFFFFFF0] =	vst v0;
	v13 =	vperm.xlane v12, v2  }
0x773: {  	[tilespmem:s2+$0xFFFFFFFE] =	vst.msk $0x1, v15  }
0x774: {  	[tilespmem:s0+$0xFFFFFFF0] =	vst v12;
	v12 =	vld [tilespmem:s30+$0xFFFFFFF0];
	_ =	sdelay $0x1  }
0x775: {  	(xrf0) =	vadd.scan.msk.s32 $0xffff, v14;
	[tilespmem:s31+$0xFFFFFFFF] =	vst.msk $0x1, v13;
	v13, _, _ =	vpop (xrf0)  }
0x776: {  	[tilespmem:s28+$0x0] =	vst v0;
	v14 =	vld [tilespmem:s29+$0x0];
	v15 =	vperm.xlane v13, v2  }
0x777: {  	[tilespmem:s25+$0x0] =	vst v13  }
0x778: {  	(xrf0) =	vadd.scan.msk.s32 $0xffff, v12;
	[tilespmem:s26+$0x0] =	vst.msk $0x1, v15  }
0x779: {  	v12 =	vld [tilespmem:s28+$0x10];
	_ =	sdelay $0x1  }
0x77a: {  	s5 =	simm.s32 $0xC;
	s6 =	simm.s32 $0x18120;
	s13 =	simm.s32 $0x190A0;
	v13, _, _ =	vpop (xrf0);
	(xrf0) =	vadd.scan.msk.s32 $0xffff, v14  }
.LBB2_66:
0x77b: {  	v14 =	vld [tilespmem:s6+$0xFFFFFFE0];
	s5 =	sadd.s32 $0x4, s5;
	[tilespmem:s1+$0xFFFFFFE0] =	vst v0;
	v15 =	vperm.xlane v13, v2;
	s4 =	sadd.s32 $0x40, s4;
	s7 =	smov.u32 s2  }
0x77c: {  	s2 =	sadd.s32 $0x4, s2;
	s8 =	smov.u32 s1;
	p0 =	slt.u32 s5, $0xFC;
	[tilespmem:s4+$0xFFFFFFE0] =	vst v13  }
0x77d: {  	s1 =	smov.u32 s6;
	[tilespmem:s2+$0xFFFFFFFE] =	vst.msk $0x1, v15;
	v13, _, _ =	vpop (xrf0);
	(xrf0) =	vadd.scan.msk.s32 $0xffff, v12  }
0x77e: {  	v12 =	vld [tilespmem:s8+$0xFFFFFFF0];
	[tilespmem:s30+$0xFFFFFFF0] =	vst v0;
	v15 =	vperm.xlane v13, v2  }
0x77f: {  	[tilespmem:s13+$0xFFFFFFF0] =	vst v13  }
0x780: {  	(xrf0) =	vadd.scan.msk.s32 $0xffff, v14;
	[tilespmem:s7+$0xFFFFFFFF] =	vst.msk $0x1, v15;
	v13, _, _ =	vpop (xrf0)  }
0x781: {  	v14 =	vld [tilespmem:s30+$0x0];
	[tilespmem:s29+$0x0] =	vst v0;
	v15 =	vperm.xlane v13, v2  }
.Ltmp32:
0x782: {  	[tilespmem:s0+$0x0] =	vst v13;
	(pc) =	sbr.rel @p0 .LBB2_66-.Ltmp32, $4  }
0x783: {  	(xrf0) =	vadd.scan.msk.s32 $0xffff, v12;
	[tilespmem:s31+$0x0] =	vst.msk $0x1, v15;
	v13, _, _ =	vpop (xrf0)  }
0x784: {  	v12 =	vld [tilespmem:s29+$0x10];
	[tilespmem:s28+$0x10] =	vst v0;
	v15 =	vperm.xlane v13, v2;
	s28 =	smov.u32 s29;
	s29 =	smov.u32 s30;
	s30 =	smov.u32 s8  }
0x785: {  	[tilespmem:s25+$0x10] =	vst v13;
	s25 =	smov.u32 s0;
	s0 =	smov.u32 s13;
	s13 =	smov.u32 s4  }
0x786: {  	s6 =	sadd.s32 $0x40, s6;
	v13, _, _ =	vpop (xrf0);
	(xrf0) =	vadd.scan.msk.s32 $0xffff, v14;
	[tilespmem:s26+$0x1] =	vst.msk $0x1, v15;
	s26 =	smov.u32 s31;
	s31 =	smov.u32 s7  }
0x787: {  	[tilespmem:s1+$0xFFFFFFE0] =	vst v0;
	v14 =	vperm.xlane v13, v2;
	s4 =	sadd.s32 $0x40, s4  }
0x788: {  	s5 =	sadd.s32 $0x4, s2;
	[tilespmem:s4+$0xFFFFFFE0] =	vst v13  }
0x789: {  	[tilespmem:s5+$0xFFFFFFFE] =	vst.msk $0x1, v14  }
0x78a: {  	v13 =	vld [tilespmem:s1+$0xFFFFFFF0];
	_ =	sdelay $0x3  }
0x78b: {  	(xrf0) =	vadd.scan.msk.s32 $0xffff, v12;
	v12, _, _ =	vpop (xrf0)  }
0x78c: {  	[tilespmem:s30+$0xFFFFFFF0] =	vst v0;
	(xrf0) =	vadd.scan.msk.s32 $0xffff, v13;
	v13 =	vperm.xlane v12, v2  }
0x78d: {  	[tilespmem:s13+$0xFFFFFFF0] =	vst v12;
	v12, _, _ =	vpop (xrf0)  }
0x78e: {  	[tilespmem:s2+$0xFFFFFFFF] =	vst.msk $0x1, v13;
	v13 =	vperm.xlane v12, v2;
	_ =	sdelay $0x1  }
0x78f: {  	[tilespmem:s29+$0x0] =	vst v0  }
0x790: {  	[tilespmem:s0+$0x0] =	vst v12;
	v12, _, _ =	vpop (xrf0);
	v14 =	vld [tilespmem:s30+$0x0]  }
0x791: {  	[tilespmem:s31+$0x0] =	vst.msk $0x1, v13;
	v13, _, _ =	vpop (xrf0)  }
0x792: {  	[tilespmem:s1+$0xFFFFFFF0] =	vst v0;
	v15 =	vperm.xlane v13, v2  }
0x793: {  	[tilespmem:s4+$0xFFFFFFF0] =	vst v13  }
0x794: {  	v13 =	vld [tilespmem:s29+$0x10];
	[tilespmem:s5+$0xFFFFFFFF] =	vst.msk $0x1, v15  }
0x795: {  	(xrf0) =	vadd.scan.msk.s32 $0xffff, v14;
	v15 =	vld [tilespmem:s1+$0x0];
	_ =	sdelay $0x3  }
0x796: {  	(xrf0) =	vadd.scan.msk.s32 $0xffff, v13  }
0x797: {  	(xrf0) =	vadd.scan.msk.s32 $0xffff, v15  }
0x798: {  	v13, _, _ =	vpop (xrf0)  }
0x799: {  	v14 =	vperm.xlane v13, v2;
	_ =	sdelay $0x1  }
0x79a: {  	[tilespmem:s30+$0x0] =	vst v0  }
0x79b: {  	[tilespmem:s13+$0x0] =	vst v13;
	v13, _, _ =	vpop (xrf0)  }
0x79c: {  	[tilespmem:s2+$0x0] =	vst.msk $0x1, v14;
	v14, _, _ =	vpop (xrf0)  }
0x79d: {  	[tilespmem:s1+$0x0] =	vst v0;
	v15 =	vperm.xlane v14, v2  }
0x79e: {  	[tilespmem:s4+$0x0] =	vst v14  }
0x79f: {  	v14 =	vld [tilespmem:s30+$0x10];
	[tilespmem:s5+$0x0] =	vst.msk $0x1, v15  }
0x7a0: {  	v15 =	vld [tilespmem:s1+$0x10];
	_ =	sdelay $0x3  }
0x7a1: {  	v10 =	vxor.u32 $0x80000000, v10;
	(xrf0) =	vadd.scan.msk.s32 $0xffff, v14  }
0x7a2: {  	v11 =	vxor.u32 $0x80000000, v11;
	v10 =	vnsel vm0, $0x80000000, v10;
	(xrf0) =	vadd.scan.msk.s32 $0xffff, v15  }
0x7a3: {  	(xrf0) =	vmax.scan.msk.u32 $0xffff, v10;
	v10 =	vnsel vm1, $0x80000000, v11  }
0x7a4: {  	(xrf0) =	vmax.scan.msk.u32 $0xffff, v10  }
0x7a5: {  	v11 =	vperm.xlane v12, v2;
	_ =	sdelay $0x1  }
0x7a6: {  	[tilespmem:s28+$0x10] =	vst v0;
	v10, _, _ =	vpop (xrf0)  }
0x7a7: {  	[tilespmem:s25+$0x10] =	vst v12;
	v14, _, _ =	vpop (xrf0)  }
0x7a8: {  	[tilespmem:s26+$0x1] =	vst.msk $0x1, v11;
	v11, _, _ =	vpop (xrf0)  }
0x7a9: {  	(v2sf) =	vpush v11, $0xF;
	v11, _, _ =	vpop (xrf0)  }
0x7aa: {  	(v2sf) =	vpush v11, $0xF  }
0x7ab: {  	[tilespmem:s29+$0x10] =	vst v0  }
0x7ac: {  	[tilespmem:s0+$0x10] =	vst v13  }
0x7ad: {  	[tilespmem:s30+$0x10] =	vst v0;
	v12 =	vperm.xlane v13, v2  }
0x7ae: {  	[tilespmem:s1+$0x10] =	vst v0  }
0x7af: {  	[tilespmem:s31+$0x1] =	vst.msk $0x1, v12  }
0x7b0: {  	[tilespmem:s13+$0x10] =	vst v10;
	v11 =	vperm.xlane v10, v2  }
0x7b1: {  	[tilespmem:s4+$0x10] =	vst v14;
	v10 =	vperm.xlane v14, v2  }
0x7b2: {  	[tilespmem:s2+$0x1] =	vst.msk $0x1, v11  }
0x7b3: {  	s26 =	simm.s32 $0x0;
	[tilespmem:s5+$0x1] =	vst.msk $0x1, v10  }
0x7b4: {  	v10 =	vld [tilespmem:s26+$0x1A000];
	_ =	sdelay $0x3  }
0x7b5: {  	s28 =	spop (v2sf)  }
0x7b6: {  	(xrf0) =	vadd.scan.msk.s32 $0xffff, v10;
	s29 =	spop (v2sf)  }
0x7b7: {  	s1 =	sxor.u32 $0x80000000, s29  }
0x7b8: {  	s30 =	simm.s32 $0x10;
	vm1 =	vgt.s32 v9, s1  }
0x7b9: {  	v12 =	vld [tilespmem:s30+$0x1A000];
	s0 =	sxor.u32 $0x80000000, s28;
	v9 =	vnsel vm1, s1, v9  }
0x7ba: {  	vm0 =	vgt.s32 v8, s0  }
0x7bb: {  	v8 =	vnsel vm0, s0, v8  }
0x7bc: {  	v10 =	vimm.s32 $0x0;
	v8 =	vbroadcast v8, $0x0;
	v11 =	vbroadcast v9, $0x0;
	v9, _, _ =	vpop (xrf0)  }
0x7bd: {  	v13 =	vadd.s32 v10, v9  }
0x7be: {  	s31 =	simm.s32 $0x20;
	(xrf0) =	vadd.scan.msk.s32 $0xffff, v12;
	v12 =	vimm.s32 $0x0;
	v9 =	vsub.s32 v4, v8;
	v4 =	vand.u32 $0xFFFF, v13  }
0x7bf: {  	v17 =	vld [tilespmem:s31+$0x1A000];
	v8 =	vsub.s32 v5, v11;
	v14 =	vshrl.u32 v13, $0x10;
	vm0 =	vlt.s32 v4, v9  }
0x7c0: {  	v13 =	vperm.xlane v13, v2;
	vm1 =	vlt.s32 v14, v8;
	v5 =	vmpcnt.ones.xlane vm0  }
0x7c1: {  	v16 =	vnsel vm0, $0x0, v4;
	v11 =	vmpcnt.ones.xlane vm1;
	v15 =	vnsel vm1, $0x0, v14  }
0x7c2: {  	s0 =	simm.s32 $0x100;
	s1 =	simm.s32 $0xC0;
	v4 =	vimm.s32 $0x0;
	v14 =	vimm.s32 $0x0;
	vm0 =	vgt.s32 v10, v16  }
.LBB2_68:
0x7c3: {  	p0 =	sne.s32 s0, $0x3C0  }
0x7c4: {  	s2 =	sshra.s32 s1, $0x2;
	(xrf0) =	vadd.scan.msk.s32 $0xffff, v17;
	v18, _, _ =	vpop (xrf0);
	v10 =	vadd.s32 v10, v5;
	v4 =	vadd.s32 v4, v11;
	vm1 =	vgt.s32 v12, v15;
	s1 =	smov.u32 s0;
	s0 =	sadd.s32 $0x40, s0  }
.Ltmp33:
0x7c5: {  	v14 =	vsel vm0, v14, v16;
	v17 =	vld [tilespmem:s2+$0x1A000];
	v5 =	vadd.s32 v13, v18;
	v12 =	vsel vm1, v12, v15;
	(pc) =	sbr.rel @p0 .LBB2_68-.Ltmp33, $4  }
0x7c6: {  	v15 =	vand.u32 $0xFFFF, v5;
	v18 =	vshrl.u32 v5, $0x10;
	v13 =	vperm.xlane v5, v2  }
0x7c7: {  	vm0 =	vlt.s32 v15, v9;
	vm1 =	vlt.s32 v18, v8  }
0x7c8: {  	v5 =	vmpcnt.ones.xlane vm0;
	v11 =	vmpcnt.ones.xlane vm1;
	v16 =	vnsel vm0, $0x0, v15  }
0x7c9: {  	v15 =	vnsel vm1, $0x0, v18;
	vm0 =	vgt.s32 v14, v16  }
0x7ca: {  	s0 =	sshra.s32 s1, $0x2  }
0x7cb: {  	v18 =	vld [tilespmem:s0+$0x1A000];
	_ =	sdelay $0x1  }
0x7cc: {  	(xrf0) =	vadd.scan.msk.s32 $0xffff, v17  }
0x7cd: {  	v17, _, _ =	vpop (xrf0)  }
0x7ce: {  	v13 =	vadd.s32 v13, v17  }
0x7cf: {  	v17 =	vshrl.u32 v13, $0x10;
	(xrf0) =	vadd.scan.msk.s32 $0xffff, v18  }
0x7d0: {  	vm2 =	vgt.s32 v12, v15;
	v14 =	vsel vm0, v14, v16;
	v16 =	vand.u32 $0xFFFF, v13  }
0x7d1: {  	v13 =	vperm.xlane v13, v2;
	vm1 =	vlt.s32 v16, v9;
	vm0 =	vlt.s32 v17, v8  }
0x7d2: {  	v12 =	vsel vm2, v12, v15;
	v15 =	vnsel vm1, $0x0, v16;
	v16 =	vnsel vm0, $0x0, v17;
	v17, _, _ =	vpop (xrf0)  }
0x7d3: {  	vm2 =	vgt.s32 v14, v15;
	vm3 =	vgt.s32 v12, v16;
	v13 =	vadd.s32 v13, v17  }
0x7d4: {  	v14 =	vsel vm2, v14, v15;
	v15 =	vand.u32 $0xFFFF, v13;
	v17 =	vperm.xlane v13, v2  }
0x7d5: {  	v12 =	vsel vm3, v12, v16;
	v13 =	vshrl.u32 v13, $0x10;
	vm2 =	vlt.s32 v15, v9;
	v16, _, _ =	vpop (xrf0)  }
0x7d6: {  	vm3 =	vlt.s32 v13, v8;
	v15 =	vnsel vm2, $0x0, v15;
	v16 =	vadd.s32 v17, v16  }
0x7d7: {  	v13 =	vnsel vm3, $0x0, v13;
	vm4 =	vgt.s32 v14, v15;
	v17 =	vand.u32 $0xFFFF, v16  }
0x7d8: {  	vm5 =	vgt.s32 v12, v13;
	v16 =	vshrl.u32 v16, $0x10;
	vm6 =	vlt.s32 v17, v9  }
0x7d9: {  	v14 =	vsel vm4, v14, v15;
	vm4 =	vlt.s32 v16, v8;
	v15 =	vnsel vm6, $0x0, v17  }
0x7da: {  	v12 =	vsel vm5, v12, v13;
	v13 =	vnsel vm4, $0x0, v16;
	vm5 =	vgt.s32 v14, v15  }
0x7db: {  	vm7 =	vgt.s32 v12, v13;
	v14 =	vsel vm5, v14, v15  }
0x7dc: {  	v12 =	vsel vm7, v12, v13;
	v13 =	vor.u32 $0x80000000, v14  }
0x7dd: {  	v12 =	vor.u32 $0x80000000, v12;
	(xrf0) =	vmax.scan.msk.u32 $0xffff, v13  }
0x7de: {  	(xrf0) =	vmax.scan.msk.u32 $0xffff, v12;
	_ =	sdelay $0x4  }
0x7df: {  	v5 =	vadd.s32 v10, v5;
	v10, _, _ =	vpop (xrf0)  }
0x7e0: {  	v4 =	vadd.s32 v4, v11;
	v11 =	vmpcnt.ones.xlane vm1;
	(v2sf) =	vpush v10, $0xF;
	v10, _, _ =	vpop (xrf0)  }
0x7e1: {  	v13 =	vmpcnt.ones.xlane vm2;
	v12 =	vmpcnt.ones.xlane vm0;
	(v2sf) =	vpush v10, $0xF  }
0x7e2: {  	v5 =	vadd.s32 v5, v11;
	v11 =	vmpcnt.ones.xlane vm6;
	v10 =	vmpcnt.ones.xlane vm3  }
0x7e3: {  	v5 =	vadd.s32 v5, v13;
	v4 =	vadd.s32 v4, v12;
	v12 =	vmpcnt.ones.xlane vm4  }
0x7e4: {  	v5 =	vadd.s32 v5, v11;
	v4 =	vadd.s32 v4, v10  }
0x7e5: {  	v5 =	vshll.u32 v5, $0x4;
	v4 =	vadd.s32 v4, v12  }
0x7e6: {  	v10 =	vor.u32 v3, v5;
	v4 =	vshll.u32 v4, $0x4  }
0x7e7: {  	v11 =	vor.u32 v3, v4;
	_ =	sdelay $0x1  }
0x7e8: {  	s2 =	simm.s32 $0x10040  }
0x7e9: {  	v18 =	vld [tilespmem:s2+$0x30]  }
0x7ea: {  	v10 =	vld.idx.msk [tilespmem:v10+s20+$0x0], $0xffff  }
0x7eb: {  	v12 =	vld.idx.msk [tilespmem:v11+s20+$0x0], $0xffff  }
0x7ec: {  	v13 =	vld [tilespmem:s2+$0xFFFFFFE0];
	_ =	sdelay $0x1  }
0x7ed: {  	v19 =	vshll.u32 v7, $0xC;
	v16 =	vld [tilespmem:s2+$0xFFFFFFD0];
	v14 =	vshll.u32 v6, $0xC;
	s30 =	spop (v2sf)  }
0x7ee: {  	v27 =	vand.u32 $0xFF, v18;
	v5 =	vadd.s32 v14, v5;
	v14 =	vld [tilespmem:s2+$0x0];
	v10 =	vand.u32 $0xFFFF, v10;
	s0 =	sxor.u32 $0x80000000, s30;
	s31 =	spop (v2sf)  }
0x7ef: {  	v20 =	vshrl.u32 v18, $0x8;
	v11 =	vadd.s32 s0, v10;
	s1 =	sxor.u32 $0x80000000, s31;
	v10 =	vshrl.u32 v12, $0x10  }
0x7f0: {  	v21 =	vshrl.u32 v13, $0x8;
	vm0 =	vlt.s32 v11, v9;
	v12 =	vadd.s32 s1, v10  }
0x7f1: {  	v7 =	vld [tilespmem:s2+$0xFFFFFFF0];
	v4 =	vadd.s32 v19, v4;
	v15 =	vmpcnt.ones.xlane vm0;
	vm1 =	vlt.s32 v12, v8  }
0x7f2: {  	v19 =	vshrl.u32 v16, $0x8;
	v16 =	vand.u32 $0xFF, v16;
	v17 =	vmpcnt.ones.xlane vm1  }
0x7f3: {  	v24 =	vshrl.u32 v14, $0x8;
	v10 =	vmov s0;
	v5 =	vadd.s32 v15, v5  }
0x7f4: {  	v6 =	vmov s1;
	v4 =	vadd.s32 v17, v4;
	vm2 =	veq.s32 v20, v5  }
0x7f5: {  	v18 =	vld [tilespmem:s2+$0xFFFFFFC0];
	vm5 =	veq.s32 v19, v5;
	vm7 =	veq.s32 v21, v5;
	vm11 =	veq.s32 v24, v5  }
0x7f6: {  	v15 =	vld [tilespmem:s2+$0x10];
	vm3 =	veq.s32 v20, v4;
	v20 =	vshrl.u32 v7, $0x8;
	v22 =	vsel vm2, $0x1, v0  }
0x7f7: {  	vm6 =	veq.s32 v19, v4;
	vm8 =	veq.s32 v21, v4;
	vm13 =	veq.s32 v24, v4  }
0x7f8: {  	v17 =	vld [tilespmem:s2+$0x20];
	v23 =	vsel vm3, $0x10000, v0;
	vm9 =	veq.s32 v20, v5;
	vm10 =	veq.s32 v20, v4  }
0x7f9: {  	v24 =	vsel vm6, $0x10000, v0;
	v26 =	vsel vm8, $0x10000, v0;
	v29 =	vsel vm13, $0x10000, v0  }
0x7fa: {  	v28 =	vor.u32 v22, v23;
	v22 =	vshrl.u32 v18, $0x8;
	v23 =	vsel vm9, $0x1, v0  }
0x7fb: {  	v25 =	vsel vm10, $0x10000, v0;
	v19 =	vshrl.u32 v15, $0x8;
	vm4 =	veq.s32 v22, v5  }
0x7fc: {  	vm12 =	veq.s32 v22, v4;
	v22 =	vsel vm7, $0x1, v0;
	[tilespmem:v27+s19+$0x0] =	vst.idx.add.s32.msk $0xffff, v28;
	v28 =	vsel vm11, $0x1, v0  }
0x7fd: {  	v21 =	vshrl.u32 v17, $0x8;
	vm14 =	veq.s32 v19, v5;
	vm3 =	veq.s32 v19, v4  }
0x7fe: {  	v19 =	vsel vm4, $0x1, v0;
	v20 =	vsel vm12, $0x10000, v0;
	vm2 =	veq.s32 v21, v5  }
0x7ff: {  	s0 =	simm.s32 $0x0;
	s1 =	simm.s32 $0x100C0;
	vm4 =	veq.s32 v21, v4;
	v21 =	vsel vm5, $0x1, v0;
	v27 =	vsel vm14, $0x1, v0  }
.LBB2_70:
0x800: {  	v30 =	vld [tilespmem:s1+$0x30];
	s0 =	sadd.s32 $0x8, s0;
	v31 =	vsel vm3, $0x10000, v0;
	v32 =	vsel vm2, $0x1, v0;
	v33 =	vsel vm4, $0x10000, v0  }
0x801: {  	v35 =	vand.u32 $0xFF, v18;
	v36 =	vand.u32 $0xFF, v13;
	v37 =	vand.u32 $0xFF, v7;
	v34 =	vld [tilespmem:s1+$0xFFFFFFD0];
	p0 =	slt.u32 s0, $0x7F8  }
0x802: {  	v38 =	vand.u32 $0xFF, v14;
	v39 =	vand.u32 $0xFF, v15;
	v40 =	vand.u32 $0xFF, v17;
	v13 =	vld [tilespmem:s1+$0xFFFFFFE0]  }
0x803: {  	v19 =	vor.u32 v19, v20;
	v20 =	vor.u32 v21, v24;
	v21 =	vor.u32 v22, v26;
	v7 =	vld [tilespmem:s1+$0xFFFFFFF0]  }
0x804: {  	v22 =	vor.u32 v23, v25;
	v23 =	vor.u32 v28, v29;
	v25 =	vor.u32 v27, v31;
	v14 =	vld [tilespmem:s1+$0x0]  }
0x805: {  	v27 =	vor.u32 v32, v33;
	v15 =	vld [tilespmem:s1+$0x10];
	v24 =	vand.u32 $0xFF, v30  }
0x806: {  	v29 =	vshrl.u32 v30, $0x8;
	v26 =	vshrl.u32 v34, $0x8;
	v28 =	vand.u32 $0xFF, v34;
	v17 =	vld [tilespmem:s1+$0x20]  }
0x807: {  	vm2 =	veq.s32 v29, v5;
	vm3 =	veq.s32 v29, v4;
	v18 =	vld [tilespmem:s1+$0xFFFFFFC0];
	v30 =	vshrl.u32 v13, $0x8  }
0x808: {  	v31 =	vsel vm2, $0x1, v0;
	v32 =	vsel vm3, $0x10000, v0;
	v29 =	vshrl.u32 v7, $0x8;
	[tilespmem:v35+s19+$0x0] =	vst.idx.add.s32.msk $0xffff, v19  }
0x809: {  	vm5 =	veq.s32 v26, v5;
	v31 =	vor.u32 v31, v32;
	v19 =	vshrl.u32 v14, $0x8;
	[tilespmem:v16+s19+$0x0] =	vst.idx.add.s32.msk $0xffff, v20  }
0x80a: {  	vm6 =	veq.s32 v26, v4;
	vm7 =	veq.s32 v30, v5;
	v20 =	vshrl.u32 v15, $0x8;
	[tilespmem:v24+s19+$0x0] =	vst.idx.add.s32.msk $0xffff, v31  }
0x80b: {  	vm8 =	veq.s32 v30, v4;
	vm9 =	veq.s32 v29, v5;
	v24 =	vshrl.u32 v17, $0x8;
	[tilespmem:v36+s19+$0x0] =	vst.idx.add.s32.msk $0xffff, v21  }
0x80c: {  	vm10 =	veq.s32 v29, v4;
	vm11 =	veq.s32 v19, v5;
	v21 =	vshrl.u32 v18, $0x8;
	[tilespmem:v37+s19+$0x0] =	vst.idx.add.s32.msk $0xffff, v22  }
0x80d: {  	v16 =	vmovc v28;
	vm13 =	veq.s32 v19, v4;
	vm4 =	veq.s32 v21, v5;
	vm12 =	veq.s32 v21, v4  }
.Ltmp34:
0x80e: {  	vm14 =	veq.s32 v20, v5;
	vm3 =	veq.s32 v20, v4;
	vm2 =	veq.s32 v24, v5;
	(pc) =	sbr.rel @p0 .LBB2_70-.Ltmp34, $4  }
0x80f: {  	v19 =	vsel vm4, $0x1, v0;
	v20 =	vsel vm12, $0x10000, v0;
	vm4 =	veq.s32 v24, v4;
	[tilespmem:v38+s19+$0x0] =	vst.idx.add.s32.msk $0xffff, v23  }
0x810: {  	v22 =	vsel vm7, $0x1, v0;
	v21 =	vsel vm5, $0x1, v0;
	v24 =	vsel vm6, $0x10000, v0;
	[tilespmem:v39+s19+$0x0] =	vst.idx.add.s32.msk $0xffff, v25  }
0x811: {  	v26 =	vsel vm8, $0x10000, v0;
	v23 =	vsel vm9, $0x1, v0;
	v25 =	vsel vm10, $0x10000, v0;
	[tilespmem:v40+s19+$0x0] =	vst.idx.add.s32.msk $0xffff, v27  }
0x812: {  	s1 =	sadd.s32 $0x80, s1;
	v28 =	vsel vm11, $0x1, v0;
	v29 =	vsel vm13, $0x10000, v0;
	v27 =	vsel vm14, $0x1, v0  }
0x813: {  	v11 =	vxor.u32 $0x80000000, v11  }
0x814: {  	v11 =	vnsel vm0, $0x80000000, v11  }
0x815: {  	v12 =	vxor.u32 $0x80000000, v12;
	(xrf0) =	vmax.scan.msk.u32 $0xffff, v11  }
0x816: {  	v11 =	vnsel vm1, $0x80000000, v12  }
0x817: {  	(xrf0) =	vmax.scan.msk.u32 $0xffff, v11;
	_ =	sdelay $0x3  }
0x818: {  	v12, _, _ =	vpop (xrf0)  }
0x819: {  	v11 =	vand.u32 $0xFF, v18;
	(v2sf) =	vpush v12, $0xF  }
0x81a: {  	v13 =	vand.u32 $0xFF, v13;
	v12, _, _ =	vpop (xrf0)  }
0x81b: {  	v7 =	vand.u32 $0xFF, v7;
	(v2sf) =	vpush v12, $0xF  }
0x81c: {  	v15 =	vand.u32 $0xFF, v15;
	v18 =	vor.u32 v21, v24  }
0x81d: {  	[tilespmem:v16+s19+$0x0] =	vst.idx.add.s32.msk $0xffff, v18;
	v12 =	vand.u32 $0xFF, v14;
	v14 =	vor.u32 v19, v20  }
0x81e: {  	[tilespmem:v11+s19+$0x0] =	vst.idx.add.s32.msk $0xffff, v14;
	v11 =	vand.u32 $0xFF, v17;
	v14 =	vor.u32 v22, v26  }
0x81f: {  	v16 =	vor.u32 v23, v25;
	[tilespmem:v13+s19+$0x0] =	vst.idx.add.s32.msk $0xffff, v14;
	v13 =	vsel vm3, $0x10000, v0  }
0x820: {  	[tilespmem:v7+s19+$0x0] =	vst.idx.add.s32.msk $0xffff, v16;
	v13 =	vor.u32 v27, v13  }
0x821: {  	v7 =	vsel vm2, $0x1, v0;
	v16 =	vsel vm4, $0x10000, v0;
	v14 =	vor.u32 v28, v29;
	[tilespmem:v15+s19+$0x0] =	vst.idx.add.s32.msk $0xffff, v13  }
0x822: {  	v7 =	vor.u32 v7, v16;
	[tilespmem:v12+s19+$0x0] =	vst.idx.add.s32.msk $0xffff, v14  }
0x823: {  	s0 =	simm.s32 $0x18020;
	[tilespmem:v11+s19+$0x0] =	vst.idx.add.s32.msk $0xffff, v7  }
0x824: {  	v7 =	vld [tilespmem:s0+$0xFFFFFFE0];
	_ =	sdelay $0x2  }
0x825: {  	v11 =	vld [tilespmem:s0+$0xFFFFFFF0]  }
0x826: {  	s1 =	spop (v2sf)  }
0x827: {  	s25 =	simm.s32 $0x18060;
	v13 =	vld [tilespmem:s0+$0x0];
	v12 =	vand.u32 $0xFFFF, v7;
	s1 =	sxor.u32 $0x80000000, s1  }
0x828: {  	v15 =	vld [tilespmem:s25+$0xFFFFFFE0];
	v7 =	vshrl.u32 v7, $0x10;
	(xrf0) =	vadd.scan.msk.s32 $0xffff, v12;
	s2 =	spop (v2sf);
	vm8 =	vgt.s32 v10, s1  }
0x829: {  	(xrf0) =	vadd.scan.msk.s32 $0xffff, v7;
	s2 =	sxor.u32 $0x80000000, s2;
	v10 =	vnsel vm8, s1, v10  }
0x82a: {  	v14 =	vld [tilespmem:s25+$0xFFFFFFF0];
	vm9 =	vgt.s32 v6, s2;
	v7 =	vbroadcast v10, $0x0;
	v10 =	vand.u32 $0xFFFF, v11  }
0x82b: {  	v12 =	vld [tilespmem:s0+$0x10];
	v6 =	vnsel vm9, s2, v6;
	v11 =	vshrl.u32 v11, $0x10;
	(xrf0) =	vadd.scan.msk.s32 $0xffff, v10  }
0x82c: {  	v6 =	vbroadcast v6, $0x0;
	(xrf0) =	vadd.scan.msk.s32 $0xffff, v11  }
0x82d: {  	[tilespmem:s0+$0xFFFFFFF0] =	vst v0;
	v17 =	vand.u32 $0xFFFF, v15;
	v7 =	vsub.s32 v9, v7;
	v9 =	vand.u32 $0xFFFF, v13  }
0x82e: {  	v16, _, _ =	vpop (xrf0);
	v13 =	vshrl.u32 v13, $0x10;
	v6 =	vsub.s32 v8, v6;
	v8 =	vimm.s32 $0x0;
	(xrf0) =	vadd.scan.msk.s32 $0xffff, v9  }
0x82f: {  	v10 =	vand.u32 $0xFFFF, v14;
	v9 =	vshrl.u32 v14, $0x10;
	v14, _, _ =	vpop (xrf0);
	(xrf0) =	vadd.scan.msk.s32 $0xffff, v13;
	v13 =	vadd.s32 v8, v16  }
0x830: {  	[tilespmem:s0+$0xFFFFFFE0] =	vst v0;
	v11 =	vand.u32 $0xFFFF, v12;
	v14 =	vadd.s32 v8, v14;
	v16 =	vperm.xlane v13, v2  }
0x831: {  	v12 =	vshrl.u32 v12, $0x10;
	vm10 =	vlt.s32 v14, v6;
	v14 =	vperm.xlane v14, v2;
	v18, _, _ =	vpop (xrf0);
	(xrf0) =	vadd.scan.msk.s32 $0xffff, v11  }
0x832: {  	v15 =	vshrl.u32 v15, $0x10;
	vm11 =	vlt.s32 v13, v7;
	v19, _, _ =	vpop (xrf0);
	(xrf0) =	vadd.scan.msk.s32 $0xffff, v12;
	v12 =	vadd.s32 v16, v18  }
0x833: {  	[tilespmem:s25+$0xFFFFFFF0] =	vst v0;
	v13 =	vmpcnt.ones.xlane vm10;
	v14 =	vadd.s32 v14, v19;
	v16 =	vperm.xlane v12, v2  }
0x834: {  	[tilespmem:s25+$0xFFFFFFE0] =	vst v0;
	v18, _, _ =	vpop (xrf0);
	vm13 =	vlt.s32 v12, v7;
	vm12 =	vlt.s32 v14, v6;
	v14 =	vperm.xlane v14, v2  }
0x835: {  	[tilespmem:s0+$0x0] =	vst v0;
	v11 =	vmpcnt.ones.xlane vm11;
	v19 =	vadd.s32 v8, v13;
	v13 =	vmpcnt.ones.xlane vm13;
	v12, _, _ =	vpop (xrf0)  }
0x836: {  	[tilespmem:s0+$0x10] =	vst v0;
	v20 =	vmpcnt.ones.xlane vm12;
	v18 =	vadd.s32 v16, v18;
	v14 =	vadd.s32 v14, v12  }
0x837: {  	(xrf0) =	vadd.scan.msk.s32 $0xffff, v17;
	v12 =	vld [tilespmem:s25+$0x10];
	v61 =	vperm.xlane v18, v2;
	vm15 =	vlt.s32 v18, v7;
	v62 =	vperm.xlane v14, v2;
	v63, _, _ =	vpop (xrf0)  }
0x838: {  	(xrf0) =	vadd.scan.msk.s32 $0xffff, v15;
	vm14 =	vlt.s32 v14, v6;
	v16 =	vadd.s32 v20, v19;
	v14 =	vld [tilespmem:s25+$0x0];
	v15 =	vmpcnt.ones.xlane vm15;
	v19, _, _ =	vpop (xrf0)  }
0x839: {  	s0 =	simm.s32 $0x4;
	s1 =	simm.s32 $0x180A0;
	[tilespmem:s25+$0x10] =	vst v0;
	v17 =	vmpcnt.ones.xlane vm14;
	v18 =	vadd.s32 v61, v63;
	v19 =	vadd.s32 v62, v19  }
.LBB2_72:
0x83a: {  	v20 =	vld [tilespmem:s1+$0xFFFFFFF0];
	[tilespmem:s1+$0xFFFFFFF0] =	vst v0;
	vm0 =	vlt.s32 v19, v6;
	v21 =	vperm.xlane v18, v2;
	v19 =	vperm.xlane v19, v2  }
0x83b: {  	vm1 =	vlt.s32 v18, v7;
	v22 =	vld [tilespmem:s1+$0xFFFFFFE0];
	(xrf0) =	vadd.scan.msk.s32 $0xffff, v10;
	v10 =	vadd.s32 v17, v16;
	v18 =	vmpcnt.ones.xlane vm0  }
0x83c: {  	v8 =	vadd.s32 v8, v11;
	v11 =	vmpcnt.ones.xlane vm1;
	v17 =	vand.u32 $0xFFFF, v12;
	(xrf0) =	vadd.scan.msk.s32 $0xffff, v9  }
0x83d: {  	v8 =	vadd.s32 v13, v8;
	[tilespmem:s1+$0xFFFFFFE0] =	vst v0;
	v9 =	vand.u32 $0xFFFF, v14;
	v13 =	vadd.s32 v18, v10  }
0x83e: {  	v12 =	vshrl.u32 v12, $0x10;
	v8 =	vadd.s32 v15, v8;
	v14 =	vshrl.u32 v14, $0x10;
	v16, _, _ =	vpop (xrf0);
	(xrf0) =	vadd.scan.msk.s32 $0xffff, v9  }
0x83f: {  	v8 =	vadd.s32 v11, v8;
	v10 =	vand.u32 $0xFFFF, v20;
	v9 =	vshrl.u32 v20, $0x10;
	v15, _, _ =	vpop (xrf0);
	(xrf0) =	vadd.scan.msk.s32 $0xffff, v14  }
0x840: {  	s0 =	sadd.s32 $0x4, s0;
	v11 =	vadd.s32 v21, v16;
	v18 =	vand.u32 $0xFFFF, v22;
	v14 =	vadd.s32 v19, v15;
	[tilespmem:s25+$0x0] =	vst v0;
	s25 =	smov.u32 s1  }
0x841: {  	p0 =	slt.u32 s0, $0xC;
	v15 =	vperm.xlane v11, v2;
	vm0 =	vlt.s32 v14, v6;
	v14 =	vperm.xlane v14, v2;
	v16, _, _ =	vpop (xrf0);
	(xrf0) =	vadd.scan.msk.s32 $0xffff, v17  }
0x842: {  	v19 =	vshrl.u32 v22, $0x10;
	vm1 =	vlt.s32 v11, v7;
	v17 =	vmpcnt.ones.xlane vm0;
	v20, _, _ =	vpop (xrf0);
	(xrf0) =	vadd.scan.msk.s32 $0xffff, v12  }
0x843: {  	v11 =	vmpcnt.ones.xlane vm1;
	v21 =	vadd.s32 v15, v16;
	v14 =	vadd.s32 v14, v20  }
0x844: {  	v15 =	vperm.xlane v21, v2;
	vm0 =	vlt.s32 v14, v6;
	v14 =	vperm.xlane v14, v2;
	v16, _, _ =	vpop (xrf0)  }
.Ltmp35:
0x845: {  	vm1 =	vlt.s32 v21, v7;
	v17 =	vadd.s32 v13, v17;
	v24 =	vmpcnt.ones.xlane vm0;
	v12, _, _ =	vpop (xrf0);
	(pc) =	sbr.rel @p0 .LBB2_72-.Ltmp35, $4  }
0x846: {  	v13 =	vmpcnt.ones.xlane vm1;
	v15 =	vadd.s32 v15, v16;
	v14 =	vadd.s32 v14, v12  }
0x847: {  	v21 =	vperm.xlane v15, v2;
	v12 =	vld [tilespmem:s1+$0x10];
	[tilespmem:s1+$0x10] =	vst v0;
	vm0 =	vlt.s32 v14, v6;
	v22 =	vperm.xlane v14, v2;
	v23, _, _ =	vpop (xrf0)  }
0x848: {  	vm1 =	vlt.s32 v15, v7;
	v16 =	vadd.s32 v24, v17;
	v14 =	vld [tilespmem:s1+$0x0];
	(xrf0) =	vadd.scan.msk.s32 $0xffff, v18;
	v17 =	vmpcnt.ones.xlane vm0;
	v20, _, _ =	vpop (xrf0)  }
0x849: {  	v15 =	vmpcnt.ones.xlane vm1;
	s1 =	sadd.s32 $0x40, s1;
	v18 =	vadd.s32 v21, v23;
	(xrf0) =	vadd.scan.msk.s32 $0xffff, v19;
	v19 =	vadd.s32 v22, v20  }
0x84a: {  	_ = 	snop  }
0x84b: {  	vm0 =	vlt.s32 v19, v6;
	(xrf0) =	vadd.scan.msk.s32 $0xffff, v10  }
0x84c: {  	v20 =	vperm.xlane v18, v2;
	v58 =	vperm.xlane v19, v2;
	v10 =	vadd.s32 v17, v16;
	(xrf0) =	vadd.scan.msk.s32 $0xffff, v9  }
0x84d: {  	vm1 =	vlt.s32 v18, v7;
	v8 =	vadd.s32 v8, v11;
	v11 =	vand.u32 $0xFFFF, v14  }
0x84e: {  	v59 =	vmpcnt.ones.xlane vm0;
	v8 =	vadd.s32 v13, v8;
	v13 =	vshrl.u32 v14, $0x10;
	v14, _, _ =	vpop (xrf0);
	(xrf0) =	vadd.scan.msk.s32 $0xffff, v11  }
0x84f: {  	v9 =	vand.u32 $0xFFFF, v12;
	v11 =	vshrl.u32 v12, $0x10;
	v12, _, _ =	vpop (xrf0);
	(xrf0) =	vadd.scan.msk.s32 $0xffff, v13;
	v13 =	vadd.s32 v20, v14  }
0x850: {  	v60 =	vmpcnt.ones.xlane vm1;
	v12 =	vadd.s32 v58, v12;
	v14 =	vperm.xlane v13, v2  }
0x851: {  	v8 =	vadd.s32 v15, v8;
	v15, _, _ =	vpop (xrf0);
	(xrf0) =	vadd.scan.msk.s32 $0xffff, v9;
	vm0 =	vlt.s32 v12, v6;
	v12 =	vperm.xlane v12, v2  }
0x852: {  	v10 =	vadd.s32 v59, v10;
	vm1 =	vlt.s32 v13, v7;
	v13, _, _ =	vpop (xrf0);
	(xrf0) =	vadd.scan.msk.s32 $0xffff, v11;
	v11 =	vadd.s32 v14, v15  }
0x853: {  	v8 =	vadd.s32 v60, v8;
	v12 =	vadd.s32 v12, v13;
	v13 =	vperm.xlane v11, v2  }
0x854: {  	v9 =	vmpcnt.ones.xlane vm0;
	vm0 =	vlt.s32 v12, v6;
	v12 =	vperm.xlane v12, v2;
	v15, _, _ =	vpop (xrf0)  }
0x855: {  	v14 =	vmpcnt.ones.xlane vm1;
	vm1 =	vlt.s32 v11, v7;
	v11, _, _ =	vpop (xrf0);
	v13 =	vadd.s32 v13, v15  }
0x856: {  	v9 =	vadd.s32 v10, v9;
	v11 =	vadd.s32 v12, v11;
	v12 =	vperm.xlane v13, v2  }
0x857: {  	v10 =	vmpcnt.ones.xlane vm0;
	v15 =	vmpcnt.ones.xlane vm1;
	v61, _, _ =	vpop (xrf0);
	vm1 =	vlt.s32 v13, v7  }
0x858: {  	[tilespmem:s25+$0x0] =	vst v0;
	s1 =	simm.s32 $0x10040;
	vm0 =	vlt.s32 v11, v6;
	v11 =	vperm.xlane v11, v2;
	v12 =	vadd.s32 v12, v61  }
0x859: {  	s0 =	simm.s32 $0x8040;
	v13 =	vmpcnt.ones.xlane vm0;
	v62, _, _ =	vpop (xrf0);
	vm0 =	vlt.s32 v12, v7;
	v7 =	vadd.s32 v8, v14;
	v8 =	vld [tilespmem:s1+$0x30]  }
0x85a: {  	v63 =	vmpcnt.ones.xlane vm1;
	v9 =	vadd.s32 v10, v9;
	v11 =	vadd.s32 v11, v62;
	v12 =	vld [tilespmem:s0+$0x30]  }
0x85b: {  	vm1 =	vlt.s32 v11, v6;
	v6 =	vmpcnt.ones.xlane vm0;
	v7 =	vadd.s32 v15, v7;
	v11 =	vld [tilespmem:s1+$0xFFFFFFC0]  }
0x85c: {  	v9 =	vadd.s32 v13, v9;
	v13 =	vld [tilespmem:s1+$0x10];
	v10 =	vmpcnt.ones.xlane vm1;
	v7 =	vadd.s32 v63, v7  }
0x85d: {  	v5 =	vshll.u32 v5, $0x8;
	v6 =	vadd.s32 v6, v7;
	v7 =	vld [tilespmem:s1+$0xFFFFFFD0]  }
0x85e: {  	v4 =	vshll.u32 v4, $0x8;
	v9 =	vadd.s32 v10, v9;
	v5 =	vadd.s32 v5, v6;
	v6 =	vld [tilespmem:s1+$0xFFFFFFE0]  }
0x85f: {  	v10 =	vld [tilespmem:s1+$0xFFFFFFF0];
	v9 =	vadd.s32 v4, v9;
	v4 =	vxor.u32 $0x80000000, v5  }
0x860: {  	v14 =	vld [tilespmem:s0+$0xFFFFFFD0];
	v8 =	vxor.u32 $0x80000000, v8;
	v5 =	vxor.u32 $0x80000000, v9;
	v9 =	vxor.u32 $0x80000000, v11  }
0x861: {  	v11 =	vld [tilespmem:s1+$0x0];
	vm1 =	vgt.s32 v8, v4;
	vm0 =	vgt.s32 v9, v4;
	vm2 =	vlt.s32 v8, v5  }
0x862: {  	v15 =	vld [tilespmem:s0+$0xFFFFFFE0];
	v8 =	vnsel vm1, $0x0, v12;
	vm1 =	vlt.s32 v9, v5;
	v7 =	vxor.u32 $0x80000000, v7  }
0x863: {  	v9 =	vld [tilespmem:s1+$0x20];
	v12 =	vnsel vm2, $0x3F800000, v8;
	vm11 =	vlt.s32 v7, v5;
	v6 =	vxor.u32 $0x80000000, v6  }
0x864: {  	vm6 =	vgt.s32 v7, v4;
	v7 =	vxor.u32 $0x80000000, v10;
	v10 =	vxor.u32 $0x80000000, v13  }
0x865: {  	vm2 =	vlt.s32 v6, v5;
	vm12 =	vgt.s32 v6, v4;
	v6 =	vld [tilespmem:s0+$0xFFFFFFF0];
	vm3 =	vlt.s32 v7, v5  }
0x866: {  	vm7 =	vgt.s32 v7, v4;
	v7 =	vld [tilespmem:s0+$0x0];
	vm5 =	vlt.s32 v10, v5;
	v8 =	vxor.u32 $0x80000000, v11  }
0x867: {  	vm9 =	vgt.s32 v10, v4;
	vm4 =	vlt.s32 v8, v5;
	vm8 =	vgt.s32 v8, v4;
	v8 =	vld [tilespmem:s0+$0x10]  }
0x868: {  	[tilespmem:s0+$0x30] =	vst v12;
	v13 =	vnsel vm6, $0x0, v14;
	v12 =	vnsel vm12, $0x0, v15;
	v11 =	vxor.u32 $0x80000000, v9;
	v9 =	vld [tilespmem:s0+$0x20]  }
0x869: {  	s2 =	simm.s32 $0x0;
	s4 =	simm.s32 $0x100C0;
	s1 =	simm.s32 $0x8040;
	v10 =	vld [tilespmem:s0+$0xFFFFFFC0];
	vm6 =	vlt.s32 v11, v5;
	vm10 =	vgt.s32 v11, v4;
	v11 =	vnsel vm11, $0x3F800000, v13  }
.LBB2_74:
0x86a: {  	v13 =	vld [tilespmem:s4+$0x30];
	s2 =	sadd.s32 $0x8, s2;
	[tilespmem:s0+$0xFFFFFFD0] =	vst v11;
	v11 =	vnsel vm2, $0x3F800000, v12;
	v6 =	vnsel vm7, $0x0, v6  }
0x86b: {  	s0 =	sadd.s32 $0x80, s0;
	v12 =	vld [tilespmem:s4+$0xFFFFFFC0];
	p0 =	slt.u32 s2, $0x7F8;
	[tilespmem:s1+$0xFFFFFFE0] =	vst v11;
	v6 =	vnsel vm3, $0x3F800000, v6;
	v7 =	vnsel vm8, $0x0, v7  }
0x86c: {  	v11 =	vld [tilespmem:s0+$0x30];
	[tilespmem:s1+$0xFFFFFFF0] =	vst v6;
	v6 =	vnsel vm4, $0x3F800000, v7;
	v7 =	vnsel vm9, $0x0, v8  }
0x86d: {  	v8 =	vld [tilespmem:s4+$0xFFFFFFD0];
	[tilespmem:s1+$0x0] =	vst v6;
	v6 =	vnsel vm5, $0x3F800000, v7;
	v7 =	vnsel vm10, $0x0, v9  }
0x86e: {  	v9 =	vld [tilespmem:s4+$0xFFFFFFE0];
	v10 =	vnsel vm0, $0x0, v10;
	[tilespmem:s1+$0x10] =	vst v6;
	v6 =	vnsel vm6, $0x3F800000, v7  }
0x86f: {  	v7 =	vld [tilespmem:s4+$0xFFFFFFF0];
	v13 =	vxor.u32 $0x80000000, v13;
	v10 =	vnsel vm1, $0x3F800000, v10;
	[tilespmem:s1+$0x20] =	vst v6  }
0x870: {  	v6 =	vxor.u32 $0x80000000, v12;
	v12 =	vld [tilespmem:s4+$0x0];
	vm1 =	vgt.s32 v13, v4;
	[tilespmem:s1+$0xFFFFFFC0] =	vst v10;
	s1 =	smov.u32 s0  }
0x871: {  	vm2 =	vlt.s32 v13, v5;
	vm0 =	vgt.s32 v6, v4;
	v10 =	vld [tilespmem:s4+$0x10];
	v11 =	vnsel vm1, $0x0, v11  }
0x872: {  	vm1 =	vlt.s32 v6, v5;
	v6 =	vxor.u32 $0x80000000, v8;
	v13 =	vld [tilespmem:s4+$0x20];
	v8 =	vnsel vm2, $0x3F800000, v11  }
0x873: {  	v11 =	vld [tilespmem:s0+$0xFFFFFFD0];
	vm11 =	vlt.s32 v6, v5;
	vm6 =	vgt.s32 v6, v4;
	v6 =	vxor.u32 $0x80000000, v9;
	[tilespmem:s0+$0x30] =	vst v8  }
0x874: {  	v14 =	vld [tilespmem:s0+$0xFFFFFFE0];
	vm2 =	vlt.s32 v6, v5;
	vm12 =	vgt.s32 v6, v4;
	v7 =	vxor.u32 $0x80000000, v7  }
.Ltmp36:
0x875: {  	v6 =	vld [tilespmem:s0+$0xFFFFFFF0];
	vm3 =	vlt.s32 v7, v5;
	vm7 =	vgt.s32 v7, v4;
	v8 =	vxor.u32 $0x80000000, v12;
	(pc) =	sbr.rel @p0 .LBB2_74-.Ltmp36, $4  }
0x876: {  	v7 =	vld [tilespmem:s0+$0x0];
	vm4 =	vlt.s32 v8, v5;
	vm8 =	vgt.s32 v8, v4;
	v9 =	vxor.u32 $0x80000000, v10  }
0x877: {  	v8 =	vld [tilespmem:s0+$0x10];
	vm5 =	vlt.s32 v9, v5;
	vm9 =	vgt.s32 v9, v4;
	v10 =	vxor.u32 $0x80000000, v13  }
0x878: {  	v11 =	vnsel vm6, $0x0, v11;
	v9 =	vld [tilespmem:s0+$0x20];
	vm6 =	vlt.s32 v10, v5;
	vm10 =	vgt.s32 v10, v4  }
0x879: {  	s4 =	sadd.s32 $0x80, s4;
	v10 =	vld [tilespmem:s0+$0xFFFFFFC0];
	v11 =	vnsel vm11, $0x3F800000, v11;
	v12 =	vnsel vm12, $0x0, v14  }
0x87a: {  	[tilespmem:s0+$0xFFFFFFD0] =	vst v11;
	v4 =	vnsel vm2, $0x3F800000, v12;
	v5 =	vnsel vm7, $0x0, v6  }
0x87b: {  	[tilespmem:s1+$0xFFFFFFE0] =	vst v4;
	v4 =	vnsel vm3, $0x3F800000, v5;
	v5 =	vnsel vm8, $0x0, v7  }
0x87c: {  	[tilespmem:s1+$0xFFFFFFF0] =	vst v4;
	v4 =	vnsel vm4, $0x3F800000, v5;
	v5 =	vnsel vm9, $0x0, v8  }
0x87d: {  	[tilespmem:s1+$0x0] =	vst v4;
	v4 =	vnsel vm5, $0x3F800000, v5;
	v5 =	vnsel vm10, $0x0, v9  }
0x87e: {  	v63 =	vnsel vm0, $0x0, v10;
	[tilespmem:s1+$0x10] =	vst v4;
	v4 =	vnsel vm6, $0x3F800000, v5  }
0x87f: {  	v5 =	vnsel vm1, $0x3F800000, v63;
	[tilespmem:s1+$0x20] =	vst v4  }
0x880: {  	s24 =	sadd.s32 $0x1, s24;
	[tilespmem:s1+$0xFFFFFFC0] =	vst v5  }
0x881: {  	[hbm4b:s11+s15] =	stream.strided.scatter [tilespmem:s18], [sflag:$0x4], $0x8000, s16, s15, $0x38;
	[tilespmem:$0x1A200] =	vst v63  }
0x882: {  	p0 =	sne.s32 s24, s12;
	_ =	swait.ge [sflag:s22], $0x8000  }
.Ltmp37:
0x883: {  	[sflag:s22] =	ssyncset.done $0x0;
	(pc) =	sbr.rel @p0 .LBB2_1-.Ltmp37, $4  }
0x884: {  	[sflag:s22] =	ssyncadd.s32 $0xFFFF8000  }
0x885: {  	_ =	swait.ge [sflag:s23], $0x8000  }
0x886: {  	[sflag:s23] =	ssyncset.done $0x0  }
0x887: {  	[sflag:s23] =	ssyncadd.s32 $0xFFFF8000  }
0x888: {  	_ =	sfence.sel $0x180000  }
0x889: {  	[bflag:$0x0] =	sbarrier.arrive $0xFFFF  }
0x88a: {  	_ =	strace $0x90000047  }
0x88b: {  	s0 =	stileid.u32;
	[bflag:$0x2] =	sbarrier.arrive $0xFFFF  }
0x88c: {  	p0 =	sne.s32 s0, $0x0;
	s0 =	rddreg [dreg:$0x3]  }
0x88d: {  	s0 =	sadd.s32 @!p0 $0x100000, s0  }
0x88e: {  	[sflag:s0] =	ssyncadd.tile.s32 @!p0 $0x1;
	_ =	shalt  }
.Lfunc_end2:
_tile_overlayer_lowered:
.L_overlay_start_2:
0x88f: {  	(tag) =	ssettag $0x2  }
0x890: {  	s0 =	rddreg [dreg:$0x0];
	s2 =	stileid.u32  }
0x891: {  	s1 =	rddreg [dreg:$0x1];
	p0 =	sne.s32 s2, $0x0  }
0x892: {  	s3 =	rddreg [dreg:$0x2];
	[bflag:$0x3] =	sbarrier.arrive $0xFFFF;
	s2 =	simm.s32 @!p0 $0x1C05  }
0x893: {  	[timem:s3], [sflag:s2] =	dma.local @!p0 [hbm:s0], s1  }
0x894: {  	s0 =	simm.s32 @!p0 $0x5  }
0x895: {  	_ =	swait.ge @!p0 [sflag:s0], s1  }
0x896: {  	s1 =	ssub.s32 @!p0 $0x0, s1;
	[sflag:s0] =	ssyncset.done @!p0 $0x0  }
0x897: {  	[sflag:s0] =	ssyncadd.s32 @!p0 s1  }
0x898: {  	[bflag:$0x3] =	sbarrier.arrive $0xFFFF  }
0x899: {  	_ =	shalt  }

</sc_bundles>
